<compile_context>
chip_gen: v7x
topology: tpu7x:2x2x1
jax: 0.10.2.dev20260603
libtpu: 0.0.44.dev20260713+nightly
codegen_flags: <defaults>
</compile_context>

<pallas_src>
import functools

import jax
import jax.numpy as jnp
from jax import lax
from jax.experimental import pallas as pl
from jax.experimental.pallas import tpu as pltpu
from jax.experimental.pallas import tpu_sc as plsc

N = 10000
E = 160000
DL = 128
D_EDGE = 16

BE = 2000
GE = E // BE
BN = 2000
GN = N // BN

NC = 2
NS = 16
NW = NC * NS
LANES = 16
CH = 128
EW = E // NW
ET = E // NS
NT = 640
NPAD = NT * NS


def _ln(y, scale, offset):
    mu = jnp.mean(y, axis=-1, keepdims=True)
    var = jnp.mean(jnp.square(y - mu), axis=-1, keepdims=True)
    return (y - mu) * lax.rsqrt(var + 1e-5) * scale + offset


def _dot(a, b):
    return jnp.dot(a, b, preferred_element_type=jnp.float32)



def _embed_edge_body(x_ref, w_ref, b_ref, o_ref):
    o_ref[...] = _dot(x_ref[...], w_ref[...]) + b_ref[...]


def _embed_edges(edges, w, b):
    return pl.pallas_call(
        _embed_edge_body,
        grid=(GE,),
        in_specs=[
            pl.BlockSpec((BE, D_EDGE), lambda i: (i, 0)),
            pl.BlockSpec((D_EDGE, DL), lambda i: (0, 0)),
            pl.BlockSpec((1, DL), lambda i: (0, 0)),
        ],
        out_specs=pl.BlockSpec((BE, DL), lambda i: (i, 0)),
        out_shape=jax.ShapeDtypeStruct((E, DL), jnp.float32),
    )(edges, w, b.reshape(1, DL))


def _embed_node_body(x_ref, wen, ben, ws, wr, gf, weg, beg, wge, bge,
                     n0, ns, nr, g0, gb):
    n0v = _dot(x_ref[...], wen[...]) + ben[...]
    n0[...] = n0v
    ns[...] = _dot(n0v, ws[...])
    nr[...] = _dot(n0v, wr[...])
    g0v = _dot(gf[...], weg[...]) + beg[...]
    g0[...] = g0v
    gb[...] = _dot(g0v, wge[...]) + bge[...]


def _embed_nodes(nodes, wen, ben, ws1, wr1, gf, weg, beg, wge1, bge1):
    full = lambda i: (0, 0)
    return pl.pallas_call(
        _embed_node_body,
        grid=(GN,),
        in_specs=[
            pl.BlockSpec((BN, DL), lambda i: (i, 0)),
            pl.BlockSpec((DL, DL), full),
            pl.BlockSpec((1, DL), full),
            pl.BlockSpec((DL, DL), full),
            pl.BlockSpec((DL, DL), full),
            pl.BlockSpec((1, DL), full),
            pl.BlockSpec((DL, DL), full),
            pl.BlockSpec((1, DL), full),
            pl.BlockSpec((DL, DL), full),
            pl.BlockSpec((1, DL), full),
        ],
        out_specs=[
            pl.BlockSpec((BN, DL), lambda i: (i, 0)),
            pl.BlockSpec((BN, DL), lambda i: (i, 0)),
            pl.BlockSpec((BN, DL), lambda i: (i, 0)),
            pl.BlockSpec((1, DL), full),
            pl.BlockSpec((1, DL), full),
        ],
        out_shape=[
            jax.ShapeDtypeStruct((N, DL), jnp.float32),
            jax.ShapeDtypeStruct((N, DL), jnp.float32),
            jax.ShapeDtypeStruct((N, DL), jnp.float32),
            jax.ShapeDtypeStruct((1, DL), jnp.float32),
            jax.ShapeDtypeStruct((1, DL), jnp.float32),
        ],
    )(nodes, wen, ben.reshape(1, DL), ws1, wr1, gf, weg, beg.reshape(1, DL),
      wge1, bge1.reshape(1, DL))


def _edge_body(e_ref, gs_ref, we, geb, lns, lno, new_e, e2, eagg):
    i = pl.program_id(0)
    ev = e_ref[...].astype(jnp.float32)
    x = _dot(ev, we[...]) + gs_ref[...] + geb[...]
    _edge_common(i, ev, x, lns, lno, new_e, e2, eagg)


def _edge_common(i, ev, x, lns, lno, new_e, e2, eagg):
    ne = jnp.maximum(x, 0.0)
    new_e[...] = ne
    e2[...] = _ln(ne + ev, lns[...], lno[...]).astype(e2.dtype)
    part = jnp.sum(ne.reshape(BE // 8, 8, DL), axis=0)

    @pl.when(i == 0)
    def _():
        eagg[...] = part

    @pl.when(i > 0)
    def _():
        eagg[...] = eagg[...] + part


def _edge_embed_body(x_ref, gs_ref, wemb, bemb, we, geb, lns, lno,
                     new_e, e2, eagg):
    i = pl.program_id(0)
    ev = _dot(x_ref[...], wemb[...]) + bemb[...]
    x = _dot(ev, we[...]) + gs_ref[...] + geb[...]
    _edge_common(i, ev, x, lns, lno, new_e, e2, eagg)


def _tc_edge_embed(edges, gsum, wemb, bemb, we_e, geb, ln_scale, ln_offset):
    full = lambda i: (0, 0)
    return pl.pallas_call(
        _edge_embed_body,
        grid=(GE,),
        in_specs=[
            pl.BlockSpec((BE, D_EDGE), lambda i: (i, 0)),
            pl.BlockSpec((BE, DL), lambda i: (i, 0)),
            pl.BlockSpec((D_EDGE, DL), full),
            pl.BlockSpec((1, DL), full),
            pl.BlockSpec((DL, DL), full),
            pl.BlockSpec((1, DL), full),
            pl.BlockSpec((1, DL), full),
            pl.BlockSpec((1, DL), full),
        ],
        out_specs=[
            pl.BlockSpec((BE, DL), lambda i: (i, 0)),
            pl.BlockSpec((BE, DL), lambda i: (i, 0)),
            pl.BlockSpec((8, DL), full),
        ],
        out_shape=[
            jax.ShapeDtypeStruct((E, DL), jnp.float32),
            jax.ShapeDtypeStruct((E, DL), jnp.bfloat16),
            jax.ShapeDtypeStruct((8, DL), jnp.float32),
        ],
    )(edges, gsum, wemb, bemb.reshape(1, DL), we_e, geb,
      ln_scale.reshape(1, DL), ln_offset.reshape(1, DL))


def _tc_edge(e, gsum, we_e, geb, ln_scale, ln_offset):
    full = lambda i: (0, 0)
    return pl.pallas_call(
        _edge_body,
        grid=(GE,),
        in_specs=[
            pl.BlockSpec((BE, DL), lambda i: (i, 0)),
            pl.BlockSpec((BE, DL), lambda i: (i, 0)),
            pl.BlockSpec((DL, DL), full),
            pl.BlockSpec((1, DL), full),
            pl.BlockSpec((1, DL), full),
            pl.BlockSpec((1, DL), full),
        ],
        out_specs=[
            pl.BlockSpec((BE, DL), lambda i: (i, 0)),
            pl.BlockSpec((BE, DL), lambda i: (i, 0)),
            pl.BlockSpec((8, DL), full),
        ],
        out_shape=[
            jax.ShapeDtypeStruct((E, DL), jnp.float32),
            jax.ShapeDtypeStruct((E, DL), jnp.float32),
            jax.ShapeDtypeStruct((8, DL), jnp.float32),
        ],
    )(e, gsum, we_e, geb, ln_scale.reshape(1, DL), ln_offset.reshape(1, DL))


def _make_node_body(last):
    def body(n_ref, sa_ref, ra_ref, g_ref, eagg_ref,
             wn_n, wn_s, wn_r, wn_g, bn, wg_n, wg_e, wg_g, bg,
             lnn_s, lnn_o, lng_s, lng_o, xa, xb, xc, xd,
             n2, o1, o2, o3, o4, nacc):
        i = pl.program_id(0)
        nv = n_ref[...]
        gv = g_ref[...]
        gn = _dot(gv, wn_g[...]) + bn[...]
        x = _dot(nv, wn_n[...]) + _dot(sa_ref[...], wn_s[...]) \
            + _dot(ra_ref[...], wn_r[...]) + gn
        nn = jnp.maximum(x, 0.0)
        n2v = _ln(nn + nv, lnn_s[...], lnn_o[...])
        n2[...] = n2v
        part = jnp.sum(nn.reshape(BN // 8, 8, DL), axis=0)

        @pl.when(i == 0)
        def _():
            nacc[...] = part

        @pl.when(i > 0)
        def _():
            nacc[...] = nacc[...] + part

        if not last:
            o1[...] = _dot(n2v, xa[...])
            o2[...] = _dot(n2v, xb[...])

        @pl.when(i == GN - 1)
        def _():
            nagg = jnp.sum(nacc[...], axis=0, keepdims=True)
            eagg = jnp.sum(eagg_ref[...], axis=0, keepdims=True)
            ng = jnp.maximum(
                _dot(nagg, wg_n[...]) + _dot(eagg, wg_e[...])
                + _dot(gv, wg_g[...]) + bg[...], 0.0)
            g2v = _ln(ng + gv, lng_s[...], lng_o[...])
            if last:
                o1[...] = _dot(g2v, xa[...]) + xb[...]
            else:
                o3[...] = g2v
                o4[...] = _dot(g2v, xc[...]) + xd[...]

    return body


def _tc_node(n, sa, ra, g, eagg8, sp, last, xa, xb, xc=None, xd=None):
    wn = sp["node_mlp"]["w"]
    wg = sp["global_mlp"]["w"]
    full = lambda i: (0, 0)
    blk = lambda i: (i, 0)
    row = pl.BlockSpec((1, DL), full)
    mat = pl.BlockSpec((DL, DL), full)
    nblk = pl.BlockSpec((BN, DL), blk)
    in_specs = [nblk, nblk, nblk, row, pl.BlockSpec((8, DL), full),
                mat, mat, mat, mat, row, mat, mat, mat, row,
                row, row, row, row]
    args = [n, sa, ra, g, eagg8,
            wn[:DL], wn[DL:2 * DL], wn[2 * DL:3 * DL], wn[3 * DL:],
            sp["node_mlp"]["b"].reshape(1, DL),
            wg[:DL], wg[DL:2 * DL], wg[2 * DL:],
            sp["global_mlp"]["b"].reshape(1, DL),
            sp["ln_nodes"]["scale"].reshape(1, DL),
            sp["ln_nodes"]["offset"].reshape(1, DL),
            sp["ln_globals"]["scale"].reshape(1, DL),
            sp["ln_globals"]["offset"].reshape(1, DL)]
    if last:
        in_specs += [mat, row]
        args += [xa, xb.reshape(1, DL)]
        out_specs = [nblk, row]
        out_shape = [jax.ShapeDtypeStruct((N, DL), jnp.float32),
                     jax.ShapeDtypeStruct((1, DL), jnp.float32)]
    else:
        in_specs += [mat, mat, mat, row]
        args += [xa, xb, xc, xd.reshape(1, DL)]
        out_specs = [nblk, nblk, nblk, row, row]
        out_shape = [jax.ShapeDtypeStruct((N, DL), jnp.float32),
                     jax.ShapeDtypeStruct((N, DL), jnp.float32),
                     jax.ShapeDtypeStruct((N, DL), jnp.float32),
                     jax.ShapeDtypeStruct((1, DL), jnp.float32),
                     jax.ShapeDtypeStruct((1, DL), jnp.float32)]
    body = _make_node_body(last)
    if last:
        def wrapped(*refs):
            ins = refs[:20]
            n2, o1 = refs[20:22]
            nacc = refs[22]
            body(*ins[:18], ins[18], ins[19], None, None,
                 n2, o1, None, None, None, nacc)
    else:
        def wrapped(*refs):
            ins = refs[:22]
            n2, o1, o2, o3, o4 = refs[22:27]
            nacc = refs[27]
            body(*ins[:18], ins[18], ins[19], ins[20], ins[21],
                 n2, o1, o2, o3, o4, nacc)
    return pl.pallas_call(
        wrapped,
        grid=(GN,),
        in_specs=in_specs,
        out_specs=out_specs,
        out_shape=out_shape,
        scratch_shapes=[pltpu.VMEM((8, DL), jnp.float32)],
    )(*args)



def _sc_gather(ns, nr, senders, receivers):
    mesh = plsc.VectorSubcoreMesh(core_axis_name="c", subcore_axis_name="s")
    nchunk = EW // CH + 1

    @functools.partial(
        pl.kernel,
        mesh=mesh,
        out_type=jax.ShapeDtypeStruct((E, DL), jnp.float32),
        scratch_types=[
            pltpu.VMEM((EW,), jnp.int32),
            pltpu.VMEM((EW,), jnp.int32),
            pltpu.VMEM((2, CH, DL), jnp.float32),
            pltpu.VMEM((2, CH, DL), jnp.float32),
            pltpu.VMEM((2, CH, DL), jnp.float32),
            pltpu.SemaphoreType.DMA,
            pltpu.SemaphoreType.DMA,
        ],
    )
    def k(ns_h, nr_h, s_h, r_h, out_h, idx_s, idx_r, rows_a, rows_b,
          rows_o, sem0, sem1):
        wid = lax.axis_index("s") * NC + lax.axis_index("c")
        base = wid * EW
        sems = (sem0, sem1)

        pltpu.sync_copy(s_h.at[pl.ds(base, EW)], idx_s)
        pltpu.sync_copy(r_h.at[pl.ds(base, EW)], idx_r)

        def loff(c):
            return jnp.minimum(c * CH, EW - CH)

        def issue(c, b):
            o = loff(c)
            pltpu.async_copy(ns_h.at[idx_s.at[pl.ds(o, CH)]],
                             rows_a.at[b], sems[b])
            pltpu.async_copy(nr_h.at[idx_r.at[pl.ds(o, CH)]],
                             rows_b.at[b], sems[b])

        def drain(c, b):
            o = loff(c)
            pltpu.make_async_copy(ns_h.at[idx_s.at[pl.ds(o, CH)]],
                                  rows_a.at[b], sems[b]).wait()
            pltpu.make_async_copy(nr_h.at[idx_r.at[pl.ds(o, CH)]],
                                  rows_b.at[b], sems[b]).wait()

        def process(c, b):
            def add_row(i, carry):
                for v in range(DL // LANES):
                    sl = pl.ds(v * LANES, LANES)
                    rows_o[b, i, sl] = rows_a[b, i, sl] + rows_b[b, i, sl]
                return carry

            lax.fori_loop(0, CH, add_row, 0)
            pltpu.sync_copy(rows_o.at[b], out_h.at[pl.ds(base + loff(c), CH)])

        issue(0, 0)

        def body(j2, _):
            c0 = j2 * 2
            issue(c0 + 1, 1)
            drain(c0, 0)
            process(c0, 0)
            issue(c0 + 2, 0)
            drain(c0 + 1, 1)
            process(c0 + 1, 1)
            return 0

        lax.fori_loop(0, nchunk // 2, body, 0)
        drain(nchunk, 0)

    return k(ns, nr, senders, receivers)


def _sc_scatter(new_e, sr_flat, zrows):
    mesh = plsc.VectorSubcoreMesh(core_axis_name="c", subcore_axis_name="s")

    nchunk = ET // CH

    @functools.partial(
        pl.kernel,
        mesh=mesh,
        out_type=jax.ShapeDtypeStruct((2 * N, DL), jnp.float32),
        scratch_types=[
            pltpu.VMEM((nchunk, CH), jnp.int32),
            pltpu.VMEM((LANES,), jnp.int32),
            pltpu.VMEM((2, CH, DL), jnp.float32),
            pltpu.VMEM_SHARED((NPAD, DL), jnp.float32),
            pltpu.SemaphoreType.DMA,
            pltpu.SemaphoreType.DMA,
        ],
    )
    def k(ne_h, sr_h, z_h, out_h, idx2d, idx_t, rows, acc, sem0, sem1):
        c = lax.axis_index("c")
        s = lax.axis_index("s")
        base = s * ET
        sems = (sem0, sem1)
        pltpu.sync_copy(z_h, acc.at[pl.ds(s * NT, NT)])
        plsc.subcore_barrier()

        def issue(j, b):
            jc = jnp.minimum(j, nchunk - 1)
            pltpu.async_copy(sr_h.at[pl.ds(c * E + base + jc * CH, CH)],
                             idx2d.at[jc], sems[b])
            pltpu.async_copy(ne_h.at[pl.ds(base + jc * CH, CH)],
                             rows.at[b], sems[b])

        def drain(j, b):
            jc = jnp.minimum(j, nchunk - 1)
            pltpu.make_async_copy(sr_h.at[pl.ds(c * E + base + jc * CH, CH)],
                                  idx2d.at[jc], sems[b]).wait()
            pltpu.make_async_copy(ne_h.at[pl.ds(base + jc * CH, CH)],
                                  rows.at[b], sems[b]).wait()

        def scat(j, b):
            pltpu.sync_copy(rows.at[b], acc.at[idx2d.at[jnp.minimum(j, nchunk - 1)]],
                            add=True)

        issue(0, 0)

        def body(j2, _):
            c0 = j2 * 2
            issue(c0 + 1, 1)
            drain(c0, 0)
            scat(c0, 0)
            issue(c0 + 2, 0)
            drain(c0 + 1, 1)
            scat(c0 + 1, 1)
            return 0

        lax.fori_loop(0, nchunk // 2, body, 0)
        drain(nchunk, 0)
        off = base + nchunk * CH
        pltpu.sync_copy(sr_h.at[pl.ds(c * E + off, LANES)], idx_t)
        pltpu.sync_copy(ne_h.at[pl.ds(off, LANES)],
                        rows.at[0, pl.ds(0, LANES)])
        pltpu.sync_copy(rows.at[0, pl.ds(0, LANES)], acc.at[idx_t], add=True)
        plsc.subcore_barrier()

        @pl.when(s < NS - 1)
        def _():
            pltpu.sync_copy(acc.at[pl.ds(s * NT, NT)],
                            out_h.at[pl.ds(c * N + s * NT, NT)])

        @pl.when(s == NS - 1)
        def _():
            pltpu.sync_copy(acc.at[pl.ds((NS - 1) * NT, N - (NS - 1) * NT)],
                            out_h.at[pl.ds(c * N + (NS - 1) * NT,
                                           N - (NS - 1) * NT)])

    return k(new_e, sr_flat, zrows)



def kernel(nodes, edges, senders, receivers, global_feats, params):
    p = params
    st = p["steps"]

    def edge_w(s):
        w = st[s]["edge_mlp"]["w"]
        return w[:DL], w[DL:2 * DL], w[2 * DL:3 * DL], w[3 * DL:]

    sr_flat = jnp.concatenate([senders, receivers])
    zrows = jnp.zeros((NT, DL), jnp.float32)

    we_e0, we_s0, we_r0, we_g0 = edge_w(0)
    n, ns, nr, g, gb = _embed_nodes(
        nodes, p["embed_node"]["w"], p["embed_node"]["b"], we_s0, we_r0,
        global_feats, p["embed_global"]["w"], p["embed_global"]["b"],
        we_g0, st[0]["edge_mlp"]["b"])

    gdec = None
    for s in range(len(st)):
        last = s == len(st) - 1
        gsum = _sc_gather(ns, nr, senders, receivers)
        if s == 0:
            new_e, e, eagg8 = _tc_edge_embed(
                edges, gsum, p["embed_edge"]["w"], p["embed_edge"]["b"],
                we_e0, gb,
                st[s]["ln_edges"]["scale"], st[s]["ln_edges"]["offset"])
        else:
            new_e, e, eagg8 = _tc_edge(
                e, gsum, edge_w(s)[0], gb,
                st[s]["ln_edges"]["scale"], st[s]["ln_edges"]["offset"])
        aggs = _sc_scatter(new_e, sr_flat, zrows)
        sa, ra = aggs[:N], aggs[N:]
        if last:
            n, gdec = _tc_node(n, sa, ra, g, eagg8, st[s], True,
                               p["decoder"]["w"], p["decoder"]["b"])
        else:
            _, we_s1, we_r1, we_g1 = edge_w(s + 1)
            n, ns, nr, g, gb = _tc_node(n, sa, ra, g, eagg8, st[s], False,
                                        we_s1, we_r1, we_g1,
                                        st[s + 1]["edge_mlp"]["b"])
    return (n, e, gdec)

# --- scband reference (transcript-rebuilt; emitter-appended) ---
"""Pipeline reference for scband-graph-net-87136296501508 (READ-ONLY COPY).

The authoritative reference and input builder live on the scoring server;
editing this copy changes nothing except your own understanding.
"""

import jax, jax.numpy as jnp
import numpy as np

N = 10000
E = 160000
D_FEAT = 128
D_EDGE = 16
LATENT = 128
STEPS = 2
OUT_G = 128


def _lin_params(key, din, dout):
    return {
        "w": jax.random.normal(key, (din, dout), jnp.float32) * (1.0 / np.sqrt(din)),
        "b": jnp.zeros((dout,), jnp.float32),
    }


def _ln_params(dim):
    return {"scale": jnp.ones((dim,), jnp.float32), "offset": jnp.zeros((dim,), jnp.float32)}


def setup_inputs(seed: int = 0) -> dict:
    key = jax.random.key(seed)
    ks = jax.random.split(key, 16)
    nodes = jax.random.normal(ks[0], (N, D_FEAT), jnp.float32)
    edges = jax.random.normal(ks[1], (E, D_EDGE), jnp.float32)
    senders = jax.random.randint(ks[2], (E,), 0, N, dtype=jnp.int32)
    receivers = jax.random.randint(ks[3], (E,), 0, N, dtype=jnp.int32)
    global_feats = jax.random.normal(ks[4], (1, LATENT), jnp.float32)

    params = {
        "embed_node": _lin_params(ks[5], D_FEAT, LATENT),
        "embed_edge": _lin_params(ks[6], D_EDGE, LATENT),
        "embed_global": _lin_params(ks[7], LATENT, LATENT),
        "decoder": _lin_params(ks[8], LATENT, OUT_G),
        "steps": [],
    }
    for s in range(STEPS):
        sk = jax.random.split(ks[9 + s], 3)
        params["steps"].append({
            "edge_mlp": _lin_params(sk[0], 4 * LATENT, LATENT),
            "node_mlp": _lin_params(sk[1], 4 * LATENT, LATENT),
            "global_mlp": _lin_params(sk[2], 3 * LATENT, LATENT),
            "ln_nodes": _ln_params(LATENT),
            "ln_edges": _ln_params(LATENT),
            "ln_globals": _ln_params(LATENT),
        })
    return {
        "nodes": nodes,
        "edges": edges,
        "senders": senders,
        "receivers": receivers,
        "global_feats": global_feats,
        "params": params,
    }


def _apply_lin(p, x):
    return x @ p["w"] + p["b"]


def _mlp(p, x):
    # MLP with feature_sizes=[latent] (num_mlp_layers=1): Linear -> relu; dropout_rate=0 is identity.
    return jax.nn.relu(_apply_lin(p, x))


def _layer_norm(p, x, eps=1e-5):
    mu = jnp.mean(x, axis=-1, keepdims=True)
    var = jnp.mean(jnp.square(x - mu), axis=-1, keepdims=True)
    return (x - mu) / jnp.sqrt(var + eps) * p["scale"] + p["offset"]


def reference(nodes, edges, senders, receivers, global_feats, params):
    # GraphMapFeatures embedder
    n = _apply_lin(params["embed_node"], nodes)
    e = _apply_lin(params["embed_edge"], edges)
    g = _apply_lin(params["embed_global"], global_feats)
    num_nodes = n.shape[0]
    num_edges = e.shape[0]
    for sp in params["steps"]:
        # --- jraph.GraphNetwork step (single graph) ---
        sent_n = jnp.take(n, senders, axis=0)
        recv_n = jnp.take(n, receivers, axis=0)
        g_e = jnp.broadcast_to(g, (num_edges, g.shape[-1]))
        new_e = _mlp(sp["edge_mlp"], jnp.concatenate([e, sent_n, recv_n, g_e], axis=-1))
        sent_agg = jax.ops.segment_sum(new_e, senders, num_segments=num_nodes)
        recv_agg = jax.ops.segment_sum(new_e, receivers, num_segments=num_nodes)
        g_n = jnp.broadcast_to(g, (num_nodes, g.shape[-1]))
        new_n = _mlp(sp["node_mlp"], jnp.concatenate([n, sent_agg, recv_agg, g_n], axis=-1))
        n_agg = jnp.sum(new_n, axis=0, keepdims=True)
        e_agg = jnp.sum(new_e, axis=0, keepdims=True)
        new_g = _mlp(sp["global_mlp"], jnp.concatenate([n_agg, e_agg, g], axis=-1))
        # skip connections (add_graphs_tuples)
        n = new_n + n
        e = new_e + e
        g = new_g + g
        # layer norm
        n = _layer_norm(sp["ln_nodes"], n)
        e = _layer_norm(sp["ln_edges"], e)
        g = _layer_norm(sp["ln_globals"], g)
    # decoder: maps globals only
    g = _apply_lin(params["decoder"], g)
    return (n, e, g)

if __name__ == "__main__":
    import jax
    _d = setup_inputs()
    print(jax.jit(kernel)(*tuple(_d.values())))

</pallas_src>

<mosaic_0001>
#map = affine_map<(d0, d1) -> (0, 0)>
#map1 = affine_map<(d0, d1) -> (0)>
module attributes {stable_mosaic.version = 14 : i64} {
  func.func @k(%arg0: i32, %arg1: i32, %arg2: memref<160000x128xf32, #tpu.memory_space<hbm>>, %arg3: memref<320000xi32, #tpu.memory_space<hbm>>, %arg4: memref<640x128xf32, #tpu.memory_space<hbm>>, %arg5: memref<20000x128xf32, #tpu.memory_space<hbm>>, %arg6: memref<78x128xi32, #tpu.memory_space<vmem>>, %arg7: memref<16xi32, #tpu.memory_space<vmem>>, %arg8: memref<2x128x128xf32, #tpu.memory_space<vmem>>, %arg9: memref<10240x128xf32, #tpu.memory_space<vmem_shared>>, %arg10: memref<!tpu.dma_semaphore, #tpu.memory_space<semaphore_mem>>, %arg11: memref<!tpu.dma_semaphore, #tpu.memory_space<semaphore_mem>>) attributes {dimension_semantics = [#tpu.dimension_semantics<core_parallel>, #tpu.dimension_semantics<subcore_parallel>], iteration_bounds = array<i64: 2, 16>, scalar_prefetch = 0 : i64, scratch_operands = 6 : i64, tpu.core_type = #tpu.core_type<sc_vector_subcore>, window_params = [{transform_indices = #map}, {transform_indices = #map1}, {transform_indices = #map}, {transform_indices = #map}]} {
    %mul3A = arith.constant 10000 : i32
    %mul3A_0 = arith.muli %arg1, %mul3A : i32
    %mul3A_1 = arith.constant 640 : i32
    %mul3A_2 = arith.muli %arg1, %mul3A_1 : i32
    "tpu.region"() ({
      %run_scoped3A_84 = tpu.sem_alloc : memref<!tpu.dma_semaphore, #tpu.memory_space<semaphore_mem>>
      %dma_start3A_85 = arith.constant 0 : i32
      %dma_start3A_86 = tpu.memref_slice %arg9[%mul3A_2, %dma_start3A_85] : memref<10240x128xf32, #tpu.memory_space<vmem_shared>> -> memref<640x128xf32, #tpu.memory_space<vmem_shared>>
      tpu.enqueue_dma source(%arg4 : memref<640x128xf32, #tpu.memory_space<hbm>>) target(%dma_start3A_86 : memref<640x128xf32, #tpu.memory_space<vmem_shared>>) target_semaphore(%run_scoped3A_84 : memref<!tpu.dma_semaphore, #tpu.memory_space<semaphore_mem>>)
      %dma_wait3A_87 = arith.constant 0 : i32
      %dma_wait3A_88 = tpu.memref_slice %arg9[%mul3A_2, %dma_wait3A_87] : memref<10240x128xf32, #tpu.memory_space<vmem_shared>> -> memref<640x128xf32, #tpu.memory_space<vmem_shared>>
      tpu.wait_dma2 semaphore(%run_scoped3A_84 : memref<!tpu.dma_semaphore, #tpu.memory_space<semaphore_mem>>) src(%arg4 : memref<640x128xf32, #tpu.memory_space<hbm>>) dst(%dma_wait3A_88 : memref<640x128xf32, #tpu.memory_space<vmem_shared>>)
      tpu.yield
    }) : () -> ()
    %barrier3A = arith.constant 0 : index
    tpu.barrier barrier_id(%barrier3A)
    %min3A = arith.constant 0 : i32
    %min3A_3 = arith.constant 77 : i32
    %min3A_4 = arith.minsi %min3A, %min3A_3 : i32
    %mul3A_5 = arith.constant 160000 : i32
    %mul3A_6 = arith.muli %arg0, %mul3A_5 : i32
    %add3A = arith.addi %mul3A_6, %mul3A_0 : i32
    %mul3A_7 = arith.constant 128 : i32
    %mul3A_8 = arith.muli %min3A_4, %mul3A_7 : i32
    %add3A_9 = arith.addi %add3A, %mul3A_8 : i32
    %dma_start3A = arith.constant 0 : i32
    %dma_start3A_10 = tpu.memref_slice %arg6[%min3A_4, %dma_start3A] : memref<78x128xi32, #tpu.memory_space<vmem>> -> memref<1x128xi32, #tpu.memory_space<vmem>>
    %dma_start3A_11 = tpu.memref_squeeze %dma_start3A_10 : memref<1x128xi32, #tpu.memory_space<vmem>> -> memref<128xi32, #tpu.memory_space<vmem>>
    %dma_start3A_12 = tpu.memref_slice %arg3[%add3A_9] : memref<320000xi32, #tpu.memory_space<hbm>> -> memref<128xi32, #tpu.memory_space<hbm>>
    %dma_start3A_13 = arith.constant 0 : i32
    %dma_start3A_14 = tpu.memref_slice %arg6[%min3A_4, %dma_start3A_13] : memref<78x128xi32, #tpu.memory_space<vmem>> -> memref<1x128xi32, #tpu.memory_space<vmem>>
    %dma_start3A_15 = tpu.memref_squeeze %dma_start3A_14 : memref<1x128xi32, #tpu.memory_space<vmem>> -> memref<128xi32, #tpu.memory_space<vmem>>
    %dma_start3A_16 = tpu.memref_slice %arg3[%add3A_9] : memref<320000xi32, #tpu.memory_space<hbm>> -> memref<128xi32, #tpu.memory_space<hbm>>
    tpu.enqueue_dma source(%dma_start3A_16 : memref<128xi32, #tpu.memory_space<hbm>>) target(%dma_start3A_15 : memref<128xi32, #tpu.memory_space<vmem>>) target_semaphore(%arg10 : memref<!tpu.dma_semaphore, #tpu.memory_space<semaphore_mem>>)
    %mul3A_17 = arith.constant 128 : i32
    %mul3A_18 = arith.muli %min3A_4, %mul3A_17 : i32
    %add3A_19 = arith.addi %mul3A_0, %mul3A_18 : i32
    %dma_start3A_20 = arith.constant 0 : i32
    %dma_start3A_21 = arith.constant 0 : i32
    %dma_start3A_22 = arith.constant 0 : i32
    %dma_start3A_23 = tpu.memref_slice %arg8[%dma_start3A_20, %dma_start3A_21, %dma_start3A_22] : memref<2x128x128xf32, #tpu.memory_space<vmem>> -> memref<1x128x128xf32, #tpu.memory_space<vmem>>
    %dma_start3A_24 = tpu.memref_squeeze %dma_start3A_23 : memref<1x128x128xf32, #tpu.memory_space<vmem>> -> memref<128x128xf32, #tpu.memory_space<vmem>>
    %dma_start3A_25 = arith.constant 0 : i32
    %dma_start3A_26 = tpu.memref_slice %arg2[%add3A_19, %dma_start3A_25] : memref<160000x128xf32, #tpu.memory_space<hbm>> -> memref<128x128xf32, #tpu.memory_space<hbm>>
    %dma_start3A_27 = arith.constant 0 : i32
    %dma_start3A_28 = arith.constant 0 : i32
    %dma_start3A_29 = tpu.memref_slice %arg8[%dma_start3A_20, %dma_start3A_27, %dma_start3A_28] : memref<2x128x128xf32, #tpu.memory_space<vmem>> -> memref<1x128x128xf32, #tpu.memory_space<vmem>>
    %dma_start3A_30 = tpu.memref_squeeze %dma_start3A_29 : memref<1x128x128xf32, #tpu.memory_space<vmem>> -> memref<128x128xf32, #tpu.memory_space<vmem>>
    %dma_start3A_31 = arith.constant 0 : i32
    %dma_start3A_32 = tpu.memref_slice %arg2[%add3A_19, %dma_start3A_31] : memref<160000x128xf32, #tpu.memory_space<hbm>> -> memref<128x128xf32, #tpu.memory_space<hbm>>
    tpu.enqueue_dma source(%dma_start3A_32 : memref<128x128xf32, #tpu.memory_space<hbm>>) target(%dma_start3A_30 : memref<128x128xf32, #tpu.memory_space<vmem>>) target_semaphore(%arg10 : memref<!tpu.dma_semaphore, #tpu.memory_space<semaphore_mem>>)
    %scan3A = arith.constant 0 : i32
    %scan3A_33 = arith.constant 0 : i32
    %scan3A_34 = arith.constant 39 : i32
    %scan3A_35 = arith.addi %scan3A_33, %scan3A_34 : i32
    %scan3A_36 = arith.constant 1 : i32
    %scan3A_37 = scf.for %scan3A_84 = %scan3A_33 to %scan3A_35 step %scan3A_36 iter_args(%scan3A_85 = %scan3A) -> (i32)  : i32 {
      %mul3A_86 = arith.constant 2 : i32
      %mul3A_87 = arith.muli %scan3A_84, %mul3A_86 : i32
      %add3A_88 = arith.constant 1 : i32
      %add3A_89 = arith.addi %mul3A_87, %add3A_88 : i32
      %min3A_90 = arith.constant 77 : i32
      %min3A_91 = arith.minsi %add3A_89, %min3A_90 : i32
      %mul3A_92 = arith.constant 160000 : i32
      %mul3A_93 = arith.muli %arg0, %mul3A_92 : i32
      %add3A_94 = arith.addi %mul3A_93, %mul3A_0 : i32
      %mul3A_95 = arith.constant 128 : i32
      %mul3A_96 = arith.muli %min3A_91, %mul3A_95 : i32
      %add3A_97 = arith.addi %add3A_94, %mul3A_96 : i32
      %dma_start3A_98 = arith.constant 0 : i32
      %dma_start3A_99 = tpu.memref_slice %arg6[%min3A_91, %dma_start3A_98] : memref<78x128xi32, #tpu.memory_space<vmem>> -> memref<1x128xi32, #tpu.memory_space<vmem>>
      %dma_start3A_100 = tpu.memref_squeeze %dma_start3A_99 : memref<1x128xi32, #tpu.memory_space<vmem>> -> memref<128xi32, #tpu.memory_space<vmem>>
      %dma_start3A_101 = tpu.memref_slice %arg3[%add3A_97] : memref<320000xi32, #tpu.memory_space<hbm>> -> memref<128xi32, #tpu.memory_space<hbm>>
      %dma_start3A_102 = arith.constant 0 : i32
      %dma_start3A_103 = tpu.memref_slice %arg6[%min3A_91, %dma_start3A_102] : memref<78x128xi32, #tpu.memory_space<vmem>> -> memref<1x128xi32, #tpu.memory_space<vmem>>
      %dma_start3A_104 = tpu.memref_squeeze %dma_start3A_103 : memref<1x128xi32, #tpu.memory_space<vmem>> -> memref<128xi32, #tpu.memory_space<vmem>>
      %dma_start3A_105 = tpu.memref_slice %arg3[%add3A_97] : memref<320000xi32, #tpu.memory_space<hbm>> -> memref<128xi32, #tpu.memory_space<hbm>>
      tpu.enqueue_dma source(%dma_start3A_105 : memref<128xi32, #tpu.memory_space<hbm>>) target(%dma_start3A_104 : memref<128xi32, #tpu.memory_space<vmem>>) target_semaphore(%arg11 : memref<!tpu.dma_semaphore, #tpu.memory_space<semaphore_mem>>)
      %mul3A_106 = arith.constant 128 : i32
      %mul3A_107 = arith.muli %min3A_91, %mul3A_106 : i32
      %add3A_108 = arith.addi %mul3A_0, %mul3A_107 : i32
      %dma_start3A_109 = arith.constant 1 : i32
      %dma_start3A_110 = arith.constant 0 : i32
      %dma_start3A_111 = arith.constant 0 : i32
      %dma_start3A_112 = tpu.memref_slice %arg8[%dma_start3A_109, %dma_start3A_110, %dma_start3A_111] : memref<2x128x128xf32, #tpu.memory_space<vmem>> -> memref<1x128x128xf32, #tpu.memory_space<vmem>>
      %dma_start3A_113 = tpu.memref_squeeze %dma_start3A_112 : memref<1x128x128xf32, #tpu.memory_space<vmem>> -> memref<128x128xf32, #tpu.memory_space<vmem>>
      %dma_start3A_114 = arith.constant 0 : i32
      %dma_start3A_115 = tpu.memref_slice %arg2[%add3A_108, %dma_start3A_114] : memref<160000x128xf32, #tpu.memory_space<hbm>> -> memref<128x128xf32, #tpu.memory_space<hbm>>
      %dma_start3A_116 = arith.constant 0 : i32
      %dma_start3A_117 = arith.constant 0 : i32
      %dma_start3A_118 = tpu.memref_slice %arg8[%dma_start3A_109, %dma_start3A_116, %dma_start3A_117] : memref<2x128x128xf32, #tpu.memory_space<vmem>> -> memref<1x128x128xf32, #tpu.memory_space<vmem>>
      %dma_start3A_119 = tpu.memref_squeeze %dma_start3A_118 : memref<1x128x128xf32, #tpu.memory_space<vmem>> -> memref<128x128xf32, #tpu.memory_space<vmem>>
      %dma_start3A_120 = arith.constant 0 : i32
      %dma_start3A_121 = tpu.memref_slice %arg2[%add3A_108, %dma_start3A_120] : memref<160000x128xf32, #tpu.memory_space<hbm>> -> memref<128x128xf32, #tpu.memory_space<hbm>>
      tpu.enqueue_dma source(%dma_start3A_121 : memref<128x128xf32, #tpu.memory_space<hbm>>) target(%dma_start3A_119 : memref<128x128xf32, #tpu.memory_space<vmem>>) target_semaphore(%arg11 : memref<!tpu.dma_semaphore, #tpu.memory_space<semaphore_mem>>)
      %min3A_122 = arith.constant 77 : i32
      %min3A_123 = arith.minsi %mul3A_87, %min3A_122 : i32
      %mul3A_124 = arith.constant 160000 : i32
      %mul3A_125 = arith.muli %arg0, %mul3A_124 : i32
      %add3A_126 = arith.addi %mul3A_125, %mul3A_0 : i32
      %mul3A_127 = arith.constant 128 : i32
      %mul3A_128 = arith.muli %min3A_123, %mul3A_127 : i32
      %add3A_129 = arith.addi %add3A_126, %mul3A_128 : i32
      %dma_wait3A_130 = arith.constant 0 : i32
      %dma_wait3A_131 = tpu.memref_slice %arg6[%min3A_123, %dma_wait3A_130] : memref<78x128xi32, #tpu.memory_space<vmem>> -> memref<1x128xi32, #tpu.memory_space<vmem>>
      %dma_wait3A_132 = tpu.memref_squeeze %dma_wait3A_131 : memref<1x128xi32, #tpu.memory_space<vmem>> -> memref<128xi32, #tpu.memory_space<vmem>>
      %dma_wait3A_133 = tpu.memref_slice %arg3[%add3A_129] : memref<320000xi32, #tpu.memory_space<hbm>> -> memref<128xi32, #tpu.memory_space<hbm>>
      %dma_wait3A_134 = arith.constant 0 : i32
      %dma_wait3A_135 = tpu.memref_slice %arg6[%min3A_123, %dma_wait3A_134] : memref<78x128xi32, #tpu.memory_space<vmem>> -> memref<1x128xi32, #tpu.memory_space<vmem>>
      %dma_wait3A_136 = tpu.memref_squeeze %dma_wait3A_135 : memref<1x128xi32, #tpu.memory_space<vmem>> -> memref<128xi32, #tpu.memory_space<vmem>>
      %dma_wait3A_137 = tpu.memref_slice %arg3[%add3A_129] : memref<320000xi32, #tpu.memory_space<hbm>> -> memref<128xi32, #tpu.memory_space<hbm>>
      tpu.wait_dma2 semaphore(%arg10 : memref<!tpu.dma_semaphore, #tpu.memory_space<semaphore_mem>>) src(%dma_wait3A_137 : memref<128xi32, #tpu.memory_space<hbm>>) dst(%dma_wait3A_136 : memref<128xi32, #tpu.memory_space<vmem>>)
      %mul3A_138 = arith.constant 128 : i32
      %mul3A_139 = arith.muli %min3A_123, %mul3A_138 : i32
      %add3A_140 = arith.addi %mul3A_0, %mul3A_139 : i32
      %dma_wait3A_141 = arith.constant 0 : i32
      %dma_wait3A_142 = arith.constant 0 : i32
      %dma_wait3A_143 = arith.constant 0 : i32
      %dma_wait3A_144 = tpu.memref_slice %arg8[%dma_wait3A_141, %dma_wait3A_142, %dma_wait3A_143] : memref<2x128x128xf32, #tpu.memory_space<vmem>> -> memref<1x128x128xf32, #tpu.memory_space<vmem>>
      %dma_wait3A_145 = tpu.memref_squeeze %dma_wait3A_144 : memref<1x128x128xf32, #tpu.memory_space<vmem>> -> memref<128x128xf32, #tpu.memory_space<vmem>>
      %dma_wait3A_146 = arith.constant 0 : i32
      %dma_wait3A_147 = tpu.memref_slice %arg2[%add3A_140, %dma_wait3A_146] : memref<160000x128xf32, #tpu.memory_space<hbm>> -> memref<128x128xf32, #tpu.memory_space<hbm>>
      %dma_wait3A_148 = arith.constant 0 : i32
      %dma_wait3A_149 = arith.constant 0 : i32
      %dma_wait3A_150 = tpu.memref_slice %arg8[%dma_wait3A_141, %dma_wait3A_148, %dma_wait3A_149] : memref<2x128x128xf32, #tpu.memory_space<vmem>> -> memref<1x128x128xf32, #tpu.memory_space<vmem>>
      %dma_wait3A_151 = tpu.memref_squeeze %dma_wait3A_150 : memref<1x128x128xf32, #tpu.memory_space<vmem>> -> memref<128x128xf32, #tpu.memory_space<vmem>>
      %dma_wait3A_152 = arith.constant 0 : i32
      %dma_wait3A_153 = tpu.memref_slice %arg2[%add3A_140, %dma_wait3A_152] : memref<160000x128xf32, #tpu.memory_space<hbm>> -> memref<128x128xf32, #tpu.memory_space<hbm>>
      tpu.wait_dma2 semaphore(%arg10 : memref<!tpu.dma_semaphore, #tpu.memory_space<semaphore_mem>>) src(%dma_wait3A_153 : memref<128x128xf32, #tpu.memory_space<hbm>>) dst(%dma_wait3A_151 : memref<128x128xf32, #tpu.memory_space<vmem>>)
      %min3A_154 = arith.constant 77 : i32
      %min3A_155 = arith.minsi %mul3A_87, %min3A_154 : i32
      %run_scoped3A_156 = arith.constant 0 : i32
      "tpu.region"() ({
        %run_scoped3A_231 = tpu.sem_alloc : memref<!tpu.dma_semaphore, #tpu.memory_space<semaphore_mem>>
        %dma_start3A_232 = arith.constant 0 : i32
        %dma_start3A_233 = arith.constant 0 : i32
        %dma_start3A_234 = tpu.memref_slice %arg8[%run_scoped3A_156, %dma_start3A_232, %dma_start3A_233] : memref<2x128x128xf32, #tpu.memory_space<vmem>> -> memref<1x128x128xf32, #tpu.memory_space<vmem>>
        %dma_start3A_235 = tpu.memref_squeeze %dma_start3A_234 : memref<1x128x128xf32, #tpu.memory_space<vmem>> -> memref<128x128xf32, #tpu.memory_space<vmem>>
        %dma_start3A_236 = arith.constant 0 : i32
        %dma_start3A_237 = tpu.memref_slice %arg6[%min3A_155, %dma_start3A_236] : memref<78x128xi32, #tpu.memory_space<vmem>> -> memref<1x128xi32, #tpu.memory_space<vmem>>
        %dma_start3A_238 = tpu.memref_squeeze %dma_start3A_237 : memref<1x128xi32, #tpu.memory_space<vmem>> -> memref<128xi32, #tpu.memory_space<vmem>>
        %dma_start3A_239 = arith.constant 0 : i32
        %dma_start3A_240 = arith.constant 0 : i32
        %dma_start3A_241 = tpu.memref_slice %arg9[%dma_start3A_239, %dma_start3A_240] : memref<10240x128xf32, #tpu.memory_space<vmem_shared>> -> memref<10240x128xf32, #tpu.memory_space<vmem_shared>>
        tpu.enqueue_indirect_dma source(%dma_start3A_235 : memref<128x128xf32, #tpu.memory_space<vmem>>) target(%dma_start3A_241 : memref<10240x128xf32, #tpu.memory_space<vmem_shared>>) offsets(%dma_start3A_238 : memref<128xi32, #tpu.memory_space<vmem>>) semaphore(%run_scoped3A_231 : memref<!tpu.dma_semaphore, #tpu.memory_space<semaphore_mem>>) {add = true}
        %dma_wait3A_242 = arith.constant 0 : i32
        %dma_wait3A_243 = arith.constant 0 : i32
        %dma_wait3A_244 = tpu.memref_slice %arg8[%run_scoped3A_156, %dma_wait3A_242, %dma_wait3A_243] : memref<2x128x128xf32, #tpu.memory_space<vmem>> -> memref<1x128x128xf32, #tpu.memory_space<vmem>>
        %dma_wait3A_245 = tpu.memref_squeeze %dma_wait3A_244 : memref<1x128x128xf32, #tpu.memory_space<vmem>> -> memref<128x128xf32, #tpu.memory_space<vmem>>
        %dma_wait3A_246 = arith.constant 0 : i32
        %dma_wait3A_247 = tpu.memref_slice %arg6[%min3A_155, %dma_wait3A_246] : memref<78x128xi32, #tpu.memory_space<vmem>> -> memref<1x128xi32, #tpu.memory_space<vmem>>
        %dma_wait3A_248 = tpu.memref_squeeze %dma_wait3A_247 : memref<1x128xi32, #tpu.memory_space<vmem>> -> memref<128xi32, #tpu.memory_space<vmem>>
        %dma_wait3A_249 = arith.constant 0 : i32
        %dma_wait3A_250 = arith.constant 0 : i32
        %dma_wait3A_251 = tpu.memref_slice %arg9[%dma_wait3A_249, %dma_wait3A_250] : memref<10240x128xf32, #tpu.memory_space<vmem_shared>> -> memref<10240x128xf32, #tpu.memory_space<vmem_shared>>
        tpu.wait_indirect_dma semaphore(%run_scoped3A_231 : memref<!tpu.dma_semaphore, #tpu.memory_space<semaphore_mem>>) src(%dma_wait3A_245 : memref<128x128xf32, #tpu.memory_space<vmem>>) dst(%dma_wait3A_251 : memref<10240x128xf32, #tpu.memory_space<vmem_shared>>)
        tpu.yield
      }) : () -> ()
      %add3A_157 = arith.constant 2 : i32
      %add3A_158 = arith.addi %mul3A_87, %add3A_157 : i32
      %min3A_159 = arith.constant 77 : i32
      %min3A_160 = arith.minsi %add3A_158, %min3A_159 : i32
      %mul3A_161 = arith.constant 160000 : i32
      %mul3A_162 = arith.muli %arg0, %mul3A_161 : i32
      %add3A_163 = arith.addi %mul3A_162, %mul3A_0 : i32
      %mul3A_164 = arith.constant 128 : i32
      %mul3A_165 = arith.muli %min3A_160, %mul3A_164 : i32
      %add3A_166 = arith.addi %add3A_163, %mul3A_165 : i32
      %dma_start3A_167 = arith.constant 0 : i32
      %dma_start3A_168 = tpu.memref_slice %arg6[%min3A_160, %dma_start3A_167] : memref<78x128xi32, #tpu.memory_space<vmem>> -> memref<1x128xi32, #tpu.memory_space<vmem>>
      %dma_start3A_169 = tpu.memref_squeeze %dma_start3A_168 : memref<1x128xi32, #tpu.memory_space<vmem>> -> memref<128xi32, #tpu.memory_space<vmem>>
      %dma_start3A_170 = tpu.memref_slice %arg3[%add3A_166] : memref<320000xi32, #tpu.memory_space<hbm>> -> memref<128xi32, #tpu.memory_space<hbm>>
      %dma_start3A_171 = arith.constant 0 : i32
      %dma_start3A_172 = tpu.memref_slice %arg6[%min3A_160, %dma_start3A_171] : memref<78x128xi32, #tpu.memory_space<vmem>> -> memref<1x128xi32, #tpu.memory_space<vmem>>
      %dma_start3A_173 = tpu.memref_squeeze %dma_start3A_172 : memref<1x128xi32, #tpu.memory_space<vmem>> -> memref<128xi32, #tpu.memory_space<vmem>>
      %dma_start3A_174 = tpu.memref_slice %arg3[%add3A_166] : memref<320000xi32, #tpu.memory_space<hbm>> -> memref<128xi32, #tpu.memory_space<hbm>>
      tpu.enqueue_dma source(%dma_start3A_174 : memref<128xi32, #tpu.memory_space<hbm>>) target(%dma_start3A_173 : memref<128xi32, #tpu.memory_space<vmem>>) target_semaphore(%arg10 : memref<!tpu.dma_semaphore, #tpu.memory_space<semaphore_mem>>)
      %mul3A_175 = arith.constant 128 : i32
      %mul3A_176 = arith.muli %min3A_160, %mul3A_175 : i32
      %add3A_177 = arith.addi %mul3A_0, %mul3A_176 : i32
      %dma_start3A_178 = arith.constant 0 : i32
      %dma_start3A_179 = arith.constant 0 : i32
      %dma_start3A_180 = arith.constant 0 : i32
      %dma_start3A_181 = tpu.memref_slice %arg8[%dma_start3A_178, %dma_start3A_179, %dma_start3A_180] : memref<2x128x128xf32, #tpu.memory_space<vmem>> -> memref<1x128x128xf32, #tpu.memory_space<vmem>>
      %dma_start3A_182 = tpu.memref_squeeze %dma_start3A_181 : memref<1x128x128xf32, #tpu.memory_space<vmem>> -> memref<128x128xf32, #tpu.memory_space<vmem>>
      %dma_start3A_183 = arith.constant 0 : i32
      %dma_start3A_184 = tpu.memref_slice %arg2[%add3A_177, %dma_start3A_183] : memref<160000x128xf32, #tpu.memory_space<hbm>> -> memref<128x128xf32, #tpu.memory_space<hbm>>
      %dma_start3A_185 = arith.constant 0 : i32
      %dma_start3A_186 = arith.constant 0 : i32
      %dma_start3A_187 = tpu.memref_slice %arg8[%dma_start3A_178, %dma_start3A_185, %dma_start3A_186] : memref<2x128x128xf32, #tpu.memory_space<vmem>> -> memref<1x128x128xf32, #tpu.memory_space<vmem>>
      %dma_start3A_188 = tpu.memref_squeeze %dma_start3A_187 : memref<1x128x128xf32, #tpu.memory_space<vmem>> -> memref<128x128xf32, #tpu.memory_space<vmem>>
      %dma_start3A_189 = arith.constant 0 : i32
      %dma_start3A_190 = tpu.memref_slice %arg2[%add3A_177, %dma_start3A_189] : memref<160000x128xf32, #tpu.memory_space<hbm>> -> memref<128x128xf32, #tpu.memory_space<hbm>>
      tpu.enqueue_dma source(%dma_start3A_190 : memref<128x128xf32, #tpu.memory_space<hbm>>) target(%dma_start3A_188 : memref<128x128xf32, #tpu.memory_space<vmem>>) target_semaphore(%arg10 : memref<!tpu.dma_semaphore, #tpu.memory_space<semaphore_mem>>)
      %add3A_191 = arith.constant 1 : i32
      %add3A_192 = arith.addi %mul3A_87, %add3A_191 : i32
      %min3A_193 = arith.constant 77 : i32
      %min3A_194 = arith.minsi %add3A_192, %min3A_193 : i32
      %mul3A_195 = arith.constant 160000 : i32
      %mul3A_196 = arith.muli %arg0, %mul3A_195 : i32
      %add3A_197 = arith.addi %mul3A_196, %mul3A_0 : i32
      %mul3A_198 = arith.constant 128 : i32
      %mul3A_199 = arith.muli %min3A_194, %mul3A_198 : i32
      %add3A_200 = arith.addi %add3A_197, %mul3A_199 : i32
      %dma_wait3A_201 = arith.constant 0 : i32
      %dma_wait3A_202 = tpu.memref_slice %arg6[%min3A_194, %dma_wait3A_201] : memref<78x128xi32, #tpu.memory_space<vmem>> -> memref<1x128xi32, #tpu.memory_space<vmem>>
      %dma_wait3A_203 = tpu.memref_squeeze %dma_wait3A_202 : memref<1x128xi32, #tpu.memory_space<vmem>> -> memref<128xi32, #tpu.memory_space<vmem>>
      %dma_wait3A_204 = tpu.memref_slice %arg3[%add3A_200] : memref<320000xi32, #tpu.memory_space<hbm>> -> memref<128xi32, #tpu.memory_space<hbm>>
      %dma_wait3A_205 = arith.constant 0 : i32
      %dma_wait3A_206 = tpu.memref_slice %arg6[%min3A_194, %dma_wait3A_205] : memref<78x128xi32, #tpu.memory_space<vmem>> -> memref<1x128xi32, #tpu.memory_space<vmem>>
      %dma_wait3A_207 = tpu.memref_squeeze %dma_wait3A_206 : memref<1x128xi32, #tpu.memory_space<vmem>> -> memref<128xi32, #tpu.memory_space<vmem>>
      %dma_wait3A_208 = tpu.memref_slice %arg3[%add3A_200] : memref<320000xi32, #tpu.memory_space<hbm>> -> memref<128xi32, #tpu.memory_space<hbm>>
      tpu.wait_dma2 semaphore(%arg11 : memref<!tpu.dma_semaphore, #tpu.memory_space<semaphore_mem>>) src(%dma_wait3A_208 : memref<128xi32, #tpu.memory_space<hbm>>) dst(%dma_wait3A_207 : memref<128xi32, #tpu.memory_space<vmem>>)
      %mul3A_209 = arith.constant 128 : i32
      %mul3A_210 = arith.muli %min3A_194, %mul3A_209 : i32
      %add3A_211 = arith.addi %mul3A_0, %mul3A_210 : i32
      %dma_wait3A_212 = arith.constant 1 : i32
      %dma_wait3A_213 = arith.constant 0 : i32
      %dma_wait3A_214 = arith.constant 0 : i32
      %dma_wait3A_215 = tpu.memref_slice %arg8[%dma_wait3A_212, %dma_wait3A_213, %dma_wait3A_214] : memref<2x128x128xf32, #tpu.memory_space<vmem>> -> memref<1x128x128xf32, #tpu.memory_space<vmem>>
      %dma_wait3A_216 = tpu.memref_squeeze %dma_wait3A_215 : memref<1x128x128xf32, #tpu.memory_space<vmem>> -> memref<128x128xf32, #tpu.memory_space<vmem>>
      %dma_wait3A_217 = arith.constant 0 : i32
      %dma_wait3A_218 = tpu.memref_slice %arg2[%add3A_211, %dma_wait3A_217] : memref<160000x128xf32, #tpu.memory_space<hbm>> -> memref<128x128xf32, #tpu.memory_space<hbm>>
      %dma_wait3A_219 = arith.constant 0 : i32
      %dma_wait3A_220 = arith.constant 0 : i32
      %dma_wait3A_221 = tpu.memref_slice %arg8[%dma_wait3A_212, %dma_wait3A_219, %dma_wait3A_220] : memref<2x128x128xf32, #tpu.memory_space<vmem>> -> memref<1x128x128xf32, #tpu.memory_space<vmem>>
      %dma_wait3A_222 = tpu.memref_squeeze %dma_wait3A_221 : memref<1x128x128xf32, #tpu.memory_space<vmem>> -> memref<128x128xf32, #tpu.memory_space<vmem>>
      %dma_wait3A_223 = arith.constant 0 : i32
      %dma_wait3A_224 = tpu.memref_slice %arg2[%add3A_211, %dma_wait3A_223] : memref<160000x128xf32, #tpu.memory_space<hbm>> -> memref<128x128xf32, #tpu.memory_space<hbm>>
      tpu.wait_dma2 semaphore(%arg11 : memref<!tpu.dma_semaphore, #tpu.memory_space<semaphore_mem>>) src(%dma_wait3A_224 : memref<128x128xf32, #tpu.memory_space<hbm>>) dst(%dma_wait3A_222 : memref<128x128xf32, #tpu.memory_space<vmem>>)
      %add3A_225 = arith.constant 1 : i32
      %add3A_226 = arith.addi %mul3A_87, %add3A_225 : i32
      %min3A_227 = arith.constant 77 : i32
      %min3A_228 = arith.minsi %add3A_226, %min3A_227 : i32
      %run_scoped3A_229 = arith.constant 1 : i32
      "tpu.region"() ({
        %run_scoped3A_231 = tpu.sem_alloc : memref<!tpu.dma_semaphore, #tpu.memory_space<semaphore_mem>>
        %dma_start3A_232 = arith.constant 0 : i32
        %dma_start3A_233 = arith.constant 0 : i32
        %dma_start3A_234 = tpu.memref_slice %arg8[%run_scoped3A_229, %dma_start3A_232, %dma_start3A_233] : memref<2x128x128xf32, #tpu.memory_space<vmem>> -> memref<1x128x128xf32, #tpu.memory_space<vmem>>
        %dma_start3A_235 = tpu.memref_squeeze %dma_start3A_234 : memref<1x128x128xf32, #tpu.memory_space<vmem>> -> memref<128x128xf32, #tpu.memory_space<vmem>>
        %dma_start3A_236 = arith.constant 0 : i32
        %dma_start3A_237 = tpu.memref_slice %arg6[%min3A_228, %dma_start3A_236] : memref<78x128xi32, #tpu.memory_space<vmem>> -> memref<1x128xi32, #tpu.memory_space<vmem>>
        %dma_start3A_238 = tpu.memref_squeeze %dma_start3A_237 : memref<1x128xi32, #tpu.memory_space<vmem>> -> memref<128xi32, #tpu.memory_space<vmem>>
        %dma_start3A_239 = arith.constant 0 : i32
        %dma_start3A_240 = arith.constant 0 : i32
        %dma_start3A_241 = tpu.memref_slice %arg9[%dma_start3A_239, %dma_start3A_240] : memref<10240x128xf32, #tpu.memory_space<vmem_shared>> -> memref<10240x128xf32, #tpu.memory_space<vmem_shared>>
        tpu.enqueue_indirect_dma source(%dma_start3A_235 : memref<128x128xf32, #tpu.memory_space<vmem>>) target(%dma_start3A_241 : memref<10240x128xf32, #tpu.memory_space<vmem_shared>>) offsets(%dma_start3A_238 : memref<128xi32, #tpu.memory_space<vmem>>) semaphore(%run_scoped3A_231 : memref<!tpu.dma_semaphore, #tpu.memory_space<semaphore_mem>>) {add = true}
        %dma_wait3A_242 = arith.constant 0 : i32
        %dma_wait3A_243 = arith.constant 0 : i32
        %dma_wait3A_244 = tpu.memref_slice %arg8[%run_scoped3A_229, %dma_wait3A_242, %dma_wait3A_243] : memref<2x128x128xf32, #tpu.memory_space<vmem>> -> memref<1x128x128xf32, #tpu.memory_space<vmem>>
        %dma_wait3A_245 = tpu.memref_squeeze %dma_wait3A_244 : memref<1x128x128xf32, #tpu.memory_space<vmem>> -> memref<128x128xf32, #tpu.memory_space<vmem>>
        %dma_wait3A_246 = arith.constant 0 : i32
        %dma_wait3A_247 = tpu.memref_slice %arg6[%min3A_228, %dma_wait3A_246] : memref<78x128xi32, #tpu.memory_space<vmem>> -> memref<1x128xi32, #tpu.memory_space<vmem>>
        %dma_wait3A_248 = tpu.memref_squeeze %dma_wait3A_247 : memref<1x128xi32, #tpu.memory_space<vmem>> -> memref<128xi32, #tpu.memory_space<vmem>>
        %dma_wait3A_249 = arith.constant 0 : i32
        %dma_wait3A_250 = arith.constant 0 : i32
        %dma_wait3A_251 = tpu.memref_slice %arg9[%dma_wait3A_249, %dma_wait3A_250] : memref<10240x128xf32, #tpu.memory_space<vmem_shared>> -> memref<10240x128xf32, #tpu.memory_space<vmem_shared>>
        tpu.wait_indirect_dma semaphore(%run_scoped3A_231 : memref<!tpu.dma_semaphore, #tpu.memory_space<semaphore_mem>>) src(%dma_wait3A_245 : memref<128x128xf32, #tpu.memory_space<vmem>>) dst(%dma_wait3A_251 : memref<10240x128xf32, #tpu.memory_space<vmem_shared>>)
        tpu.yield
      }) : () -> ()
      %scan3A_230 = arith.constant 0 : i32
      scf.yield %scan3A_230 : i32
    }
    %scan3A_38 = arith.constant 39 : i32
    %min3A_39 = arith.constant 78 : i32
    %min3A_40 = arith.constant 77 : i32
    %min3A_41 = arith.minsi %min3A_39, %min3A_40 : i32
    %mul3A_42 = arith.constant 160000 : i32
    %mul3A_43 = arith.muli %arg0, %mul3A_42 : i32
    %add3A_44 = arith.addi %mul3A_43, %mul3A_0 : i32
    %mul3A_45 = arith.constant 128 : i32
    %mul3A_46 = arith.muli %min3A_41, %mul3A_45 : i32
    %add3A_47 = arith.addi %add3A_44, %mul3A_46 : i32
    %dma_wait3A = arith.constant 0 : i32
    %dma_wait3A_48 = tpu.memref_slice %arg6[%min3A_41, %dma_wait3A] : memref<78x128xi32, #tpu.memory_space<vmem>> -> memref<1x128xi32, #tpu.memory_space<vmem>>
    %dma_wait3A_49 = tpu.memref_squeeze %dma_wait3A_48 : memref<1x128xi32, #tpu.memory_space<vmem>> -> memref<128xi32, #tpu.memory_space<vmem>>
    %dma_wait3A_50 = tpu.memref_slice %arg3[%add3A_47] : memref<320000xi32, #tpu.memory_space<hbm>> -> memref<128xi32, #tpu.memory_space<hbm>>
    %dma_wait3A_51 = arith.constant 0 : i32
    %dma_wait3A_52 = tpu.memref_slice %arg6[%min3A_41, %dma_wait3A_51] : memref<78x128xi32, #tpu.memory_space<vmem>> -> memref<1x128xi32, #tpu.memory_space<vmem>>
    %dma_wait3A_53 = tpu.memref_squeeze %dma_wait3A_52 : memref<1x128xi32, #tpu.memory_space<vmem>> -> memref<128xi32, #tpu.memory_space<vmem>>
    %dma_wait3A_54 = tpu.memref_slice %arg3[%add3A_47] : memref<320000xi32, #tpu.memory_space<hbm>> -> memref<128xi32, #tpu.memory_space<hbm>>
    tpu.wait_dma2 semaphore(%arg10 : memref<!tpu.dma_semaphore, #tpu.memory_space<semaphore_mem>>) src(%dma_wait3A_54 : memref<128xi32, #tpu.memory_space<hbm>>) dst(%dma_wait3A_53 : memref<128xi32, #tpu.memory_space<vmem>>)
    %mul3A_55 = arith.constant 128 : i32
    %mul3A_56 = arith.muli %min3A_41, %mul3A_55 : i32
    %add3A_57 = arith.addi %mul3A_0, %mul3A_56 : i32
    %dma_wait3A_58 = arith.constant 0 : i32
    %dma_wait3A_59 = arith.constant 0 : i32
    %dma_wait3A_60 = arith.constant 0 : i32
    %dma_wait3A_61 = tpu.memref_slice %arg8[%dma_wait3A_58, %dma_wait3A_59, %dma_wait3A_60] : memref<2x128x128xf32, #tpu.memory_space<vmem>> -> memref<1x128x128xf32, #tpu.memory_space<vmem>>
    %dma_wait3A_62 = tpu.memref_squeeze %dma_wait3A_61 : memref<1x128x128xf32, #tpu.memory_space<vmem>> -> memref<128x128xf32, #tpu.memory_space<vmem>>
    %dma_wait3A_63 = arith.constant 0 : i32
    %dma_wait3A_64 = tpu.memref_slice %arg2[%add3A_57, %dma_wait3A_63] : memref<160000x128xf32, #tpu.memory_space<hbm>> -> memref<128x128xf32, #tpu.memory_space<hbm>>
    %dma_wait3A_65 = arith.constant 0 : i32
    %dma_wait3A_66 = arith.constant 0 : i32
    %dma_wait3A_67 = tpu.memref_slice %arg8[%dma_wait3A_58, %dma_wait3A_65, %dma_wait3A_66] : memref<2x128x128xf32, #tpu.memory_space<vmem>> -> memref<1x128x128xf32, #tpu.memory_space<vmem>>
    %dma_wait3A_68 = tpu.memref_squeeze %dma_wait3A_67 : memref<1x128x128xf32, #tpu.memory_space<vmem>> -> memref<128x128xf32, #tpu.memory_space<vmem>>
    %dma_wait3A_69 = arith.constant 0 : i32
    %dma_wait3A_70 = tpu.memref_slice %arg2[%add3A_57, %dma_wait3A_69] : memref<160000x128xf32, #tpu.memory_space<hbm>> -> memref<128x128xf32, #tpu.memory_space<hbm>>
    tpu.wait_dma2 semaphore(%arg10 : memref<!tpu.dma_semaphore, #tpu.memory_space<semaphore_mem>>) src(%dma_wait3A_70 : memref<128x128xf32, #tpu.memory_space<hbm>>) dst(%dma_wait3A_68 : memref<128x128xf32, #tpu.memory_space<vmem>>)
    %add3A_71 = arith.constant 9984 : i32
    %add3A_72 = arith.addi %mul3A_0, %add3A_71 : i32
    %mul3A_73 = arith.constant 160000 : i32
    %mul3A_74 = arith.muli %arg0, %mul3A_73 : i32
    %add3A_75 = arith.addi %mul3A_74, %add3A_72 : i32
    "tpu.region"() ({
      %run_scoped3A_84 = tpu.sem_alloc : memref<!tpu.dma_semaphore, #tpu.memory_space<semaphore_mem>>
      %dma_start3A_85 = tpu.memref_slice %arg3[%add3A_75] : memref<320000xi32, #tpu.memory_space<hbm>> -> memref<16xi32, #tpu.memory_space<hbm>>
      %dma_start3A_86 = tpu.memref_slice %arg3[%add3A_75] : memref<320000xi32, #tpu.memory_space<hbm>> -> memref<16xi32, #tpu.memory_space<hbm>>
      tpu.enqueue_dma source(%dma_start3A_86 : memref<16xi32, #tpu.memory_space<hbm>>) target(%arg7 : memref<16xi32, #tpu.memory_space<vmem>>) target_semaphore(%run_scoped3A_84 : memref<!tpu.dma_semaphore, #tpu.memory_space<semaphore_mem>>)
      %dma_wait3A_87 = tpu.memref_slice %arg3[%add3A_75] : memref<320000xi32, #tpu.memory_space<hbm>> -> memref<16xi32, #tpu.memory_space<hbm>>
      %dma_wait3A_88 = tpu.memref_slice %arg3[%add3A_75] : memref<320000xi32, #tpu.memory_space<hbm>> -> memref<16xi32, #tpu.memory_space<hbm>>
      tpu.wait_dma2 semaphore(%run_scoped3A_84 : memref<!tpu.dma_semaphore, #tpu.memory_space<semaphore_mem>>) src(%dma_wait3A_88 : memref<16xi32, #tpu.memory_space<hbm>>) dst(%arg7 : memref<16xi32, #tpu.memory_space<vmem>>)
      tpu.yield
    }) : () -> ()
    %run_scoped3A = arith.constant 0 : i32
    "tpu.region"() ({
      %run_scoped3A_84 = tpu.sem_alloc : memref<!tpu.dma_semaphore, #tpu.memory_space<semaphore_mem>>
      %dma_start3A_85 = arith.constant 0 : i32
      %dma_start3A_86 = arith.constant 0 : i32
      %dma_start3A_87 = tpu.memref_slice %arg8[%run_scoped3A, %dma_start3A_85, %dma_start3A_86] : memref<2x128x128xf32, #tpu.memory_space<vmem>> -> memref<1x16x128xf32, #tpu.memory_space<vmem>>
      %dma_start3A_88 = tpu.memref_squeeze %dma_start3A_87 : memref<1x16x128xf32, #tpu.memory_space<vmem>> -> memref<16x128xf32, #tpu.memory_space<vmem>>
      %dma_start3A_89 = arith.constant 0 : i32
      %dma_start3A_90 = tpu.memref_slice %arg2[%add3A_72, %dma_start3A_89] : memref<160000x128xf32, #tpu.memory_space<hbm>> -> memref<16x128xf32, #tpu.memory_space<hbm>>
      %dma_start3A_91 = arith.constant 0 : i32
      %dma_start3A_92 = arith.constant 0 : i32
      %dma_start3A_93 = tpu.memref_slice %arg8[%run_scoped3A, %dma_start3A_91, %dma_start3A_92] : memref<2x128x128xf32, #tpu.memory_space<vmem>> -> memref<1x16x128xf32, #tpu.memory_space<vmem>>
      %dma_start3A_94 = tpu.memref_squeeze %dma_start3A_93 : memref<1x16x128xf32, #tpu.memory_space<vmem>> -> memref<16x128xf32, #tpu.memory_space<vmem>>
      %dma_start3A_95 = arith.constant 0 : i32
      %dma_start3A_96 = tpu.memref_slice %arg2[%add3A_72, %dma_start3A_95] : memref<160000x128xf32, #tpu.memory_space<hbm>> -> memref<16x128xf32, #tpu.memory_space<hbm>>
      tpu.enqueue_dma source(%dma_start3A_96 : memref<16x128xf32, #tpu.memory_space<hbm>>) target(%dma_start3A_94 : memref<16x128xf32, #tpu.memory_space<vmem>>) target_semaphore(%run_scoped3A_84 : memref<!tpu.dma_semaphore, #tpu.memory_space<semaphore_mem>>)
      %dma_wait3A_97 = arith.constant 0 : i32
      %dma_wait3A_98 = arith.constant 0 : i32
      %dma_wait3A_99 = tpu.memref_slice %arg8[%run_scoped3A, %dma_wait3A_97, %dma_wait3A_98] : memref<2x128x128xf32, #tpu.memory_space<vmem>> -> memref<1x16x128xf32, #tpu.memory_space<vmem>>
      %dma_wait3A_100 = tpu.memref_squeeze %dma_wait3A_99 : memref<1x16x128xf32, #tpu.memory_space<vmem>> -> memref<16x128xf32, #tpu.memory_space<vmem>>
      %dma_wait3A_101 = arith.constant 0 : i32
      %dma_wait3A_102 = tpu.memref_slice %arg2[%add3A_72, %dma_wait3A_101] : memref<160000x128xf32, #tpu.memory_space<hbm>> -> memref<16x128xf32, #tpu.memory_space<hbm>>
      %dma_wait3A_103 = arith.constant 0 : i32
      %dma_wait3A_104 = arith.constant 0 : i32
      %dma_wait3A_105 = tpu.memref_slice %arg8[%run_scoped3A, %dma_wait3A_103, %dma_wait3A_104] : memref<2x128x128xf32, #tpu.memory_space<vmem>> -> memref<1x16x128xf32, #tpu.memory_space<vmem>>
      %dma_wait3A_106 = tpu.memref_squeeze %dma_wait3A_105 : memref<1x16x128xf32, #tpu.memory_space<vmem>> -> memref<16x128xf32, #tpu.memory_space<vmem>>
      %dma_wait3A_107 = arith.constant 0 : i32
      %dma_wait3A_108 = tpu.memref_slice %arg2[%add3A_72, %dma_wait3A_107] : memref<160000x128xf32, #tpu.memory_space<hbm>> -> memref<16x128xf32, #tpu.memory_space<hbm>>
      tpu.wait_dma2 semaphore(%run_scoped3A_84 : memref<!tpu.dma_semaphore, #tpu.memory_space<semaphore_mem>>) src(%dma_wait3A_108 : memref<16x128xf32, #tpu.memory_space<hbm>>) dst(%dma_wait3A_106 : memref<16x128xf32, #tpu.memory_space<vmem>>)
      tpu.yield
    }) : () -> ()
    %run_scoped3A_76 = arith.constant 0 : i32
    "tpu.region"() ({
      %run_scoped3A_84 = tpu.sem_alloc : memref<!tpu.dma_semaphore, #tpu.memory_space<semaphore_mem>>
      %dma_start3A_85 = arith.constant 0 : i32
      %dma_start3A_86 = arith.constant 0 : i32
      %dma_start3A_87 = tpu.memref_slice %arg8[%run_scoped3A_76, %dma_start3A_85, %dma_start3A_86] : memref<2x128x128xf32, #tpu.memory_space<vmem>> -> memref<1x16x128xf32, #tpu.memory_space<vmem>>
      %dma_start3A_88 = tpu.memref_squeeze %dma_start3A_87 : memref<1x16x128xf32, #tpu.memory_space<vmem>> -> memref<16x128xf32, #tpu.memory_space<vmem>>
      %dma_start3A_89 = arith.constant 0 : i32
      %dma_start3A_90 = arith.constant 0 : i32
      %dma_start3A_91 = tpu.memref_slice %arg9[%dma_start3A_89, %dma_start3A_90] : memref<10240x128xf32, #tpu.memory_space<vmem_shared>> -> memref<10240x128xf32, #tpu.memory_space<vmem_shared>>
      tpu.enqueue_indirect_dma source(%dma_start3A_88 : memref<16x128xf32, #tpu.memory_space<vmem>>) target(%dma_start3A_91 : memref<10240x128xf32, #tpu.memory_space<vmem_shared>>) offsets(%arg7 : memref<16xi32, #tpu.memory_space<vmem>>) semaphore(%run_scoped3A_84 : memref<!tpu.dma_semaphore, #tpu.memory_space<semaphore_mem>>) {add = true}
      %dma_wait3A_92 = arith.constant 0 : i32
      %dma_wait3A_93 = arith.constant 0 : i32
      %dma_wait3A_94 = tpu.memref_slice %arg8[%run_scoped3A_76, %dma_wait3A_92, %dma_wait3A_93] : memref<2x128x128xf32, #tpu.memory_space<vmem>> -> memref<1x16x128xf32, #tpu.memory_space<vmem>>
      %dma_wait3A_95 = tpu.memref_squeeze %dma_wait3A_94 : memref<1x16x128xf32, #tpu.memory_space<vmem>> -> memref<16x128xf32, #tpu.memory_space<vmem>>
      %dma_wait3A_96 = arith.constant 0 : i32
      %dma_wait3A_97 = arith.constant 0 : i32
      %dma_wait3A_98 = tpu.memref_slice %arg9[%dma_wait3A_96, %dma_wait3A_97] : memref<10240x128xf32, #tpu.memory_space<vmem_shared>> -> memref<10240x128xf32, #tpu.memory_space<vmem_shared>>
      tpu.wait_indirect_dma semaphore(%run_scoped3A_84 : memref<!tpu.dma_semaphore, #tpu.memory_space<semaphore_mem>>) src(%dma_wait3A_95 : memref<16x128xf32, #tpu.memory_space<vmem>>) dst(%dma_wait3A_98 : memref<10240x128xf32, #tpu.memory_space<vmem_shared>>)
      tpu.yield
    }) : () -> ()
    %barrier3A_77 = arith.constant 0 : index
    tpu.barrier barrier_id(%barrier3A_77)
    %lt3A = arith.constant 15 : i32
    %lt3A_78 = arith.cmpi slt, %arg1, %lt3A : i32
    %convert_element_type3A = arith.extui %lt3A_78 : i1 to i32
    %cond3A = arith.constant 0 : i32
    %cond3A_79 = arith.cmpi ne, %convert_element_type3A, %cond3A : i32
    scf.if %cond3A_79 {
      %mul3A_84 = arith.constant 640 : i32
      %mul3A_85 = arith.muli %arg1, %mul3A_84 : i32
      %mul3A_86 = arith.constant 10000 : i32
      %mul3A_87 = arith.muli %arg0, %mul3A_86 : i32
      %mul3A_88 = arith.constant 640 : i32
      %mul3A_89 = arith.muli %arg1, %mul3A_88 : i32
      %add3A_90 = arith.addi %mul3A_87, %mul3A_89 : i32
      "tpu.region"() ({
        %run_scoped3A_91 = tpu.sem_alloc : memref<!tpu.dma_semaphore, #tpu.memory_space<semaphore_mem>>
        %dma_start3A_92 = arith.constant 0 : i32
        %dma_start3A_93 = tpu.memref_slice %arg5[%add3A_90, %dma_start3A_92] : memref<20000x128xf32, #tpu.memory_space<hbm>> -> memref<640x128xf32, #tpu.memory_space<hbm>>
        %dma_start3A_94 = arith.constant 0 : i32
        %dma_start3A_95 = tpu.memref_slice %arg9[%mul3A_85, %dma_start3A_94] : memref<10240x128xf32, #tpu.memory_space<vmem_shared>> -> memref<640x128xf32, #tpu.memory_space<vmem_shared>>
        tpu.enqueue_dma source(%dma_start3A_95 : memref<640x128xf32, #tpu.memory_space<vmem_shared>>) target(%dma_start3A_93 : memref<640x128xf32, #tpu.memory_space<hbm>>) target_semaphore(%run_scoped3A_91 : memref<!tpu.dma_semaphore, #tpu.memory_space<semaphore_mem>>)
        %dma_wait3A_96 = arith.constant 0 : i32
        %dma_wait3A_97 = tpu.memref_slice %arg5[%add3A_90, %dma_wait3A_96] : memref<20000x128xf32, #tpu.memory_space<hbm>> -> memref<640x128xf32, #tpu.memory_space<hbm>>
        %dma_wait3A_98 = arith.constant 0 : i32
        %dma_wait3A_99 = tpu.memref_slice %arg9[%mul3A_85, %dma_wait3A_98] : memref<10240x128xf32, #tpu.memory_space<vmem_shared>> -> memref<640x128xf32, #tpu.memory_space<vmem_shared>>
        tpu.wait_dma2 semaphore(%run_scoped3A_91 : memref<!tpu.dma_semaphore, #tpu.memory_space<semaphore_mem>>) src(%dma_wait3A_99 : memref<640x128xf32, #tpu.memory_space<vmem_shared>>) dst(%dma_wait3A_97 : memref<640x128xf32, #tpu.memory_space<hbm>>)
        tpu.yield
      }) : () -> ()
    } else {
    }
    %eq3A = arith.constant 15 : i32
    %eq3A_80 = arith.cmpi eq, %arg1, %eq3A : i32
    %convert_element_type3A_81 = arith.extui %eq3A_80 : i1 to i32
    %cond3A_82 = arith.constant 0 : i32
    %cond3A_83 = arith.cmpi ne, %convert_element_type3A_81, %cond3A_82 : i32
    scf.if %cond3A_83 {
      %mul3A_84 = arith.constant 10000 : i32
      %mul3A_85 = arith.muli %arg0, %mul3A_84 : i32
      %add3A_86 = arith.constant 9600 : i32
      %add3A_87 = arith.addi %mul3A_85, %add3A_86 : i32
      "tpu.region"() ({
        %run_scoped3A_88 = tpu.sem_alloc : memref<!tpu.dma_semaphore, #tpu.memory_space<semaphore_mem>>
        %dma_start3A_89 = arith.constant 0 : i32
        %dma_start3A_90 = tpu.memref_slice %arg5[%add3A_87, %dma_start3A_89] : memref<20000x128xf32, #tpu.memory_space<hbm>> -> memref<400x128xf32, #tpu.memory_space<hbm>>
        %dma_start3A_91 = arith.constant 9600 : i32
        %dma_start3A_92 = arith.constant 0 : i32
        %dma_start3A_93 = tpu.memref_slice %arg9[%dma_start3A_91, %dma_start3A_92] : memref<10240x128xf32, #tpu.memory_space<vmem_shared>> -> memref<400x128xf32, #tpu.memory_space<vmem_shared>>
        tpu.enqueue_dma source(%dma_start3A_93 : memref<400x128xf32, #tpu.memory_space<vmem_shared>>) target(%dma_start3A_90 : memref<400x128xf32, #tpu.memory_space<hbm>>) target_semaphore(%run_scoped3A_88 : memref<!tpu.dma_semaphore, #tpu.memory_space<semaphore_mem>>)
        %dma_wait3A_94 = arith.constant 0 : i32
        %dma_wait3A_95 = tpu.memref_slice %arg5[%add3A_87, %dma_wait3A_94] : memref<20000x128xf32, #tpu.memory_space<hbm>> -> memref<400x128xf32, #tpu.memory_space<hbm>>
        %dma_wait3A_96 = arith.constant 9600 : i32
        %dma_wait3A_97 = arith.constant 0 : i32
        %dma_wait3A_98 = tpu.memref_slice %arg9[%dma_wait3A_96, %dma_wait3A_97] : memref<10240x128xf32, #tpu.memory_space<vmem_shared>> -> memref<400x128xf32, #tpu.memory_space<vmem_shared>>
        tpu.wait_dma2 semaphore(%run_scoped3A_88 : memref<!tpu.dma_semaphore, #tpu.memory_space<semaphore_mem>>) src(%dma_wait3A_98 : memref<400x128xf32, #tpu.memory_space<vmem_shared>>) dst(%dma_wait3A_95 : memref<400x128xf32, #tpu.memory_space<hbm>>)
        tpu.yield
      }) : () -> ()
    } else {
    }
    return
  }
}

#map = affine_map<(d0, d1) -> (0, 0)>
#map1 = affine_map<(d0, d1) -> (0)>
module attributes {stable_mosaic.version = 14 : i64} {
  func.func @k(%arg0: i32, %arg1: i32, %arg2: memref<10000x128xf32, #tpu.memory_space<hbm>>, %arg3: memref<10000x128xf32, #tpu.memory_space<hbm>>, %arg4: memref<160000xi32, #tpu.memory_space<hbm>>, %arg5: memref<160000xi32, #tpu.memory_space<hbm>>, %arg6: memref<160000x128xf32, #tpu.memory_space<hbm>>, %arg7: memref<5000xi32, #tpu.memory_space<vmem>>, %arg8: memref<5000xi32, #tpu.memory_space<vmem>>, %arg9: memref<2x128x128xf32, #tpu.memory_space<vmem>>, %arg10: memref<2x128x128xf32, #tpu.memory_space<vmem>>, %arg11: memref<2x128x128xf32, #tpu.memory_space<vmem>>, %arg12: memref<!tpu.dma_semaphore, #tpu.memory_space<semaphore_mem>>, %arg13: memref<!tpu.dma_semaphore, #tpu.memory_space<semaphore_mem>>) attributes {dimension_semantics = [#tpu.dimension_semantics<core_parallel>, #tpu.dimension_semantics<subcore_parallel>], iteration_bounds = array<i64: 2, 16>, scalar_prefetch = 0 : i64, scratch_operands = 7 : i64, tpu.core_type = #tpu.core_type<sc_vector_subcore>, window_params = [{transform_indices = #map}, {transform_indices = #map}, {transform_indices = #map1}, {transform_indices = #map1}, {transform_indices = #map}]} {
    %mul3A = arith.constant 2 : i32
    %mul3A_0 = arith.muli %arg1, %mul3A : i32
    %add3A = arith.addi %mul3A_0, %arg0 : i32
    %mul3A_1 = arith.constant 5000 : i32
    %mul3A_2 = arith.muli %add3A, %mul3A_1 : i32
    "tpu.region"() ({
      %run_scoped3A = tpu.sem_alloc : memref<!tpu.dma_semaphore, #tpu.memory_space<semaphore_mem>>
      %dma_start3A_48 = tpu.memref_slice %arg4[%mul3A_2] : memref<160000xi32, #tpu.memory_space<hbm>> -> memref<5000xi32, #tpu.memory_space<hbm>>
      %dma_start3A_49 = tpu.memref_slice %arg4[%mul3A_2] : memref<160000xi32, #tpu.memory_space<hbm>> -> memref<5000xi32, #tpu.memory_space<hbm>>
      tpu.enqueue_dma source(%dma_start3A_49 : memref<5000xi32, #tpu.memory_space<hbm>>) target(%arg7 : memref<5000xi32, #tpu.memory_space<vmem>>) target_semaphore(%run_scoped3A : memref<!tpu.dma_semaphore, #tpu.memory_space<semaphore_mem>>)
      %dma_wait3A_50 = tpu.memref_slice %arg4[%mul3A_2] : memref<160000xi32, #tpu.memory_space<hbm>> -> memref<5000xi32, #tpu.memory_space<hbm>>
      %dma_wait3A_51 = tpu.memref_slice %arg4[%mul3A_2] : memref<160000xi32, #tpu.memory_space<hbm>> -> memref<5000xi32, #tpu.memory_space<hbm>>
      tpu.wait_dma2 semaphore(%run_scoped3A : memref<!tpu.dma_semaphore, #tpu.memory_space<semaphore_mem>>) src(%dma_wait3A_51 : memref<5000xi32, #tpu.memory_space<hbm>>) dst(%arg7 : memref<5000xi32, #tpu.memory_space<vmem>>)
      tpu.yield
    }) : () -> ()
    "tpu.region"() ({
      %run_scoped3A = tpu.sem_alloc : memref<!tpu.dma_semaphore, #tpu.memory_space<semaphore_mem>>
      %dma_start3A_48 = tpu.memref_slice %arg5[%mul3A_2] : memref<160000xi32, #tpu.memory_space<hbm>> -> memref<5000xi32, #tpu.memory_space<hbm>>
      %dma_start3A_49 = tpu.memref_slice %arg5[%mul3A_2] : memref<160000xi32, #tpu.memory_space<hbm>> -> memref<5000xi32, #tpu.memory_space<hbm>>
      tpu.enqueue_dma source(%dma_start3A_49 : memref<5000xi32, #tpu.memory_space<hbm>>) target(%arg8 : memref<5000xi32, #tpu.memory_space<vmem>>) target_semaphore(%run_scoped3A : memref<!tpu.dma_semaphore, #tpu.memory_space<semaphore_mem>>)
      %dma_wait3A_50 = tpu.memref_slice %arg5[%mul3A_2] : memref<160000xi32, #tpu.memory_space<hbm>> -> memref<5000xi32, #tpu.memory_space<hbm>>
      %dma_wait3A_51 = tpu.memref_slice %arg5[%mul3A_2] : memref<160000xi32, #tpu.memory_space<hbm>> -> memref<5000xi32, #tpu.memory_space<hbm>>
      tpu.wait_dma2 semaphore(%run_scoped3A : memref<!tpu.dma_semaphore, #tpu.memory_space<semaphore_mem>>) src(%dma_wait3A_51 : memref<5000xi32, #tpu.memory_space<hbm>>) dst(%arg8 : memref<5000xi32, #tpu.memory_space<vmem>>)
      tpu.yield
    }) : () -> ()
    %min3A = arith.constant 0 : i32
    %min3A_3 = arith.constant 4872 : i32
    %min3A_4 = arith.minsi %min3A, %min3A_3 : i32
    %dma_start3A = arith.constant 0 : i32
    %dma_start3A_5 = arith.constant 0 : i32
    %dma_start3A_6 = arith.constant 0 : i32
    %dma_start3A_7 = tpu.memref_slice %arg9[%dma_start3A, %dma_start3A_5, %dma_start3A_6] : memref<2x128x128xf32, #tpu.memory_space<vmem>> -> memref<1x128x128xf32, #tpu.memory_space<vmem>>
    %dma_start3A_8 = tpu.memref_squeeze %dma_start3A_7 : memref<1x128x128xf32, #tpu.memory_space<vmem>> -> memref<128x128xf32, #tpu.memory_space<vmem>>
    %dma_start3A_9 = tpu.memref_slice %arg7[%min3A_4] : memref<5000xi32, #tpu.memory_space<vmem>> -> memref<128xi32, #tpu.memory_space<vmem>>
    %dma_start3A_10 = arith.constant 0 : i32
    %dma_start3A_11 = arith.constant 0 : i32
    %dma_start3A_12 = tpu.memref_slice %arg2[%dma_start3A_10, %dma_start3A_11] : memref<10000x128xf32, #tpu.memory_space<hbm>> -> memref<10000x128xf32, #tpu.memory_space<hbm>>
    tpu.enqueue_indirect_dma source(%dma_start3A_12 : memref<10000x128xf32, #tpu.memory_space<hbm>>) target(%dma_start3A_8 : memref<128x128xf32, #tpu.memory_space<vmem>>) offsets(%dma_start3A_9 : memref<128xi32, #tpu.memory_space<vmem>>) semaphore(%arg12 : memref<!tpu.dma_semaphore, #tpu.memory_space<semaphore_mem>>)
    %dma_start3A_13 = arith.constant 0 : i32
    %dma_start3A_14 = arith.constant 0 : i32
    %dma_start3A_15 = arith.constant 0 : i32
    %dma_start3A_16 = tpu.memref_slice %arg10[%dma_start3A_13, %dma_start3A_14, %dma_start3A_15] : memref<2x128x128xf32, #tpu.memory_space<vmem>> -> memref<1x128x128xf32, #tpu.memory_space<vmem>>
    %dma_start3A_17 = tpu.memref_squeeze %dma_start3A_16 : memref<1x128x128xf32, #tpu.memory_space<vmem>> -> memref<128x128xf32, #tpu.memory_space<vmem>>
    %dma_start3A_18 = tpu.memref_slice %arg8[%min3A_4] : memref<5000xi32, #tpu.memory_space<vmem>> -> memref<128xi32, #tpu.memory_space<vmem>>
    %dma_start3A_19 = arith.constant 0 : i32
    %dma_start3A_20 = arith.constant 0 : i32
    %dma_start3A_21 = tpu.memref_slice %arg3[%dma_start3A_19, %dma_start3A_20] : memref<10000x128xf32, #tpu.memory_space<hbm>> -> memref<10000x128xf32, #tpu.memory_space<hbm>>
    tpu.enqueue_indirect_dma source(%dma_start3A_21 : memref<10000x128xf32, #tpu.memory_space<hbm>>) target(%dma_start3A_17 : memref<128x128xf32, #tpu.memory_space<vmem>>) offsets(%dma_start3A_18 : memref<128xi32, #tpu.memory_space<vmem>>) semaphore(%arg12 : memref<!tpu.dma_semaphore, #tpu.memory_space<semaphore_mem>>)
    %scan3A = arith.constant 0 : i32
    %scan3A_22 = arith.constant 0 : i32
    %scan3A_23 = arith.constant 20 : i32
    %scan3A_24 = arith.addi %scan3A_22, %scan3A_23 : i32
    %scan3A_25 = arith.constant 1 : i32
    %scan3A_26 = scf.for %scan3A_48 = %scan3A_22 to %scan3A_24 step %scan3A_25 iter_args(%scan3A_49 = %scan3A) -> (i32)  : i32 {
      %mul3A_50 = arith.constant 2 : i32
      %mul3A_51 = arith.muli %scan3A_48, %mul3A_50 : i32
      %add3A_52 = arith.constant 1 : i32
      %add3A_53 = arith.addi %mul3A_51, %add3A_52 : i32
      %mul3A_54 = arith.constant 128 : i32
      %mul3A_55 = arith.muli %add3A_53, %mul3A_54 : i32
      %min3A_56 = arith.constant 4872 : i32
      %min3A_57 = arith.minsi %mul3A_55, %min3A_56 : i32
      %dma_start3A_58 = arith.constant 1 : i32
      %dma_start3A_59 = arith.constant 0 : i32
      %dma_start3A_60 = arith.constant 0 : i32
      %dma_start3A_61 = tpu.memref_slice %arg9[%dma_start3A_58, %dma_start3A_59, %dma_start3A_60] : memref<2x128x128xf32, #tpu.memory_space<vmem>> -> memref<1x128x128xf32, #tpu.memory_space<vmem>>
      %dma_start3A_62 = tpu.memref_squeeze %dma_start3A_61 : memref<1x128x128xf32, #tpu.memory_space<vmem>> -> memref<128x128xf32, #tpu.memory_space<vmem>>
      %dma_start3A_63 = tpu.memref_slice %arg7[%min3A_57] : memref<5000xi32, #tpu.memory_space<vmem>> -> memref<128xi32, #tpu.memory_space<vmem>>
      %dma_start3A_64 = arith.constant 0 : i32
      %dma_start3A_65 = arith.constant 0 : i32
      %dma_start3A_66 = tpu.memref_slice %arg2[%dma_start3A_64, %dma_start3A_65] : memref<10000x128xf32, #tpu.memory_space<hbm>> -> memref<10000x128xf32, #tpu.memory_space<hbm>>
      tpu.enqueue_indirect_dma source(%dma_start3A_66 : memref<10000x128xf32, #tpu.memory_space<hbm>>) target(%dma_start3A_62 : memref<128x128xf32, #tpu.memory_space<vmem>>) offsets(%dma_start3A_63 : memref<128xi32, #tpu.memory_space<vmem>>) semaphore(%arg13 : memref<!tpu.dma_semaphore, #tpu.memory_space<semaphore_mem>>)
      %dma_start3A_67 = arith.constant 1 : i32
      %dma_start3A_68 = arith.constant 0 : i32
      %dma_start3A_69 = arith.constant 0 : i32
      %dma_start3A_70 = tpu.memref_slice %arg10[%dma_start3A_67, %dma_start3A_68, %dma_start3A_69] : memref<2x128x128xf32, #tpu.memory_space<vmem>> -> memref<1x128x128xf32, #tpu.memory_space<vmem>>
      %dma_start3A_71 = tpu.memref_squeeze %dma_start3A_70 : memref<1x128x128xf32, #tpu.memory_space<vmem>> -> memref<128x128xf32, #tpu.memory_space<vmem>>
      %dma_start3A_72 = tpu.memref_slice %arg8[%min3A_57] : memref<5000xi32, #tpu.memory_space<vmem>> -> memref<128xi32, #tpu.memory_space<vmem>>
      %dma_start3A_73 = arith.constant 0 : i32
      %dma_start3A_74 = arith.constant 0 : i32
      %dma_start3A_75 = tpu.memref_slice %arg3[%dma_start3A_73, %dma_start3A_74] : memref<10000x128xf32, #tpu.memory_space<hbm>> -> memref<10000x128xf32, #tpu.memory_space<hbm>>
      tpu.enqueue_indirect_dma source(%dma_start3A_75 : memref<10000x128xf32, #tpu.memory_space<hbm>>) target(%dma_start3A_71 : memref<128x128xf32, #tpu.memory_space<vmem>>) offsets(%dma_start3A_72 : memref<128xi32, #tpu.memory_space<vmem>>) semaphore(%arg13 : memref<!tpu.dma_semaphore, #tpu.memory_space<semaphore_mem>>)
      %mul3A_76 = arith.constant 128 : i32
      %mul3A_77 = arith.muli %mul3A_51, %mul3A_76 : i32
      %min3A_78 = arith.constant 4872 : i32
      %min3A_79 = arith.minsi %mul3A_77, %min3A_78 : i32
      %dma_wait3A_80 = arith.constant 0 : i32
      %dma_wait3A_81 = arith.constant 0 : i32
      %dma_wait3A_82 = arith.constant 0 : i32
      %dma_wait3A_83 = tpu.memref_slice %arg9[%dma_wait3A_80, %dma_wait3A_81, %dma_wait3A_82] : memref<2x128x128xf32, #tpu.memory_space<vmem>> -> memref<1x128x128xf32, #tpu.memory_space<vmem>>
      %dma_wait3A_84 = tpu.memref_squeeze %dma_wait3A_83 : memref<1x128x128xf32, #tpu.memory_space<vmem>> -> memref<128x128xf32, #tpu.memory_space<vmem>>
      %dma_wait3A_85 = tpu.memref_slice %arg7[%min3A_79] : memref<5000xi32, #tpu.memory_space<vmem>> -> memref<128xi32, #tpu.memory_space<vmem>>
      %dma_wait3A_86 = arith.constant 0 : i32
      %dma_wait3A_87 = arith.constant 0 : i32
      %dma_wait3A_88 = tpu.memref_slice %arg2[%dma_wait3A_86, %dma_wait3A_87] : memref<10000x128xf32, #tpu.memory_space<hbm>> -> memref<10000x128xf32, #tpu.memory_space<hbm>>
      tpu.wait_indirect_dma semaphore(%arg12 : memref<!tpu.dma_semaphore, #tpu.memory_space<semaphore_mem>>) src(%dma_wait3A_88 : memref<10000x128xf32, #tpu.memory_space<hbm>>) dst(%dma_wait3A_84 : memref<128x128xf32, #tpu.memory_space<vmem>>)
      %dma_wait3A_89 = arith.constant 0 : i32
      %dma_wait3A_90 = arith.constant 0 : i32
      %dma_wait3A_91 = arith.constant 0 : i32
      %dma_wait3A_92 = tpu.memref_slice %arg10[%dma_wait3A_89, %dma_wait3A_90, %dma_wait3A_91] : memref<2x128x128xf32, #tpu.memory_space<vmem>> -> memref<1x128x128xf32, #tpu.memory_space<vmem>>
      %dma_wait3A_93 = tpu.memref_squeeze %dma_wait3A_92 : memref<1x128x128xf32, #tpu.memory_space<vmem>> -> memref<128x128xf32, #tpu.memory_space<vmem>>
      %dma_wait3A_94 = tpu.memref_slice %arg8[%min3A_79] : memref<5000xi32, #tpu.memory_space<vmem>> -> memref<128xi32, #tpu.memory_space<vmem>>
      %dma_wait3A_95 = arith.constant 0 : i32
      %dma_wait3A_96 = arith.constant 0 : i32
      %dma_wait3A_97 = tpu.memref_slice %arg3[%dma_wait3A_95, %dma_wait3A_96] : memref<10000x128xf32, #tpu.memory_space<hbm>> -> memref<10000x128xf32, #tpu.memory_space<hbm>>
      tpu.wait_indirect_dma semaphore(%arg12 : memref<!tpu.dma_semaphore, #tpu.memory_space<semaphore_mem>>) src(%dma_wait3A_97 : memref<10000x128xf32, #tpu.memory_space<hbm>>) dst(%dma_wait3A_93 : memref<128x128xf32, #tpu.memory_space<vmem>>)
      %scan3A_98 = arith.constant 0 : i32
      %scan3A_99 = arith.constant 0 : i32
      %scan3A_100 = arith.constant 128 : i32
      %scan3A_101 = arith.addi %scan3A_99, %scan3A_100 : i32
      %scan3A_102 = arith.constant 1 : i32
      scf.for %scan3A_172 = %scan3A_99 to %scan3A_101 step %scan3A_102  : i32 {
        %get3A = arith.constant 0 : i32
        %get3A_173 = arith.index_cast %get3A : i32 to index
        %get3A_174 = arith.index_cast %scan3A_172 : i32 to index
        %get3A_175 = arith.constant 0 : index
        %get3A_176 = tpu.vector_load %arg9[%get3A_173, %get3A_174, %get3A_175] {strides = array<i32>} : memref<2x128x128xf32, #tpu.memory_space<vmem>>, vector<1x1x16xf32>,
        %get3A_177 = vector.shape_cast %get3A_176 : vector<1x1x16xf32> to vector<16xf32>
        %get3A_178 = arith.constant 0 : i32
        %get3A_179 = arith.index_cast %get3A_178 : i32 to index
        %get3A_180 = arith.index_cast %scan3A_172 : i32 to index
        %get3A_181 = arith.constant 0 : index
        %get3A_182 = tpu.vector_load %arg10[%get3A_179, %get3A_180, %get3A_181] {strides = array<i32>} : memref<2x128x128xf32, #tpu.memory_space<vmem>>, vector<1x1x16xf32>,
        %get3A_183 = vector.shape_cast %get3A_182 : vector<1x1x16xf32> to vector<16xf32>
        %add3A_184 = arith.addf %get3A_177, %get3A_183 : vector<16xf32>
        %swap3A = arith.constant 0 : i32
        %swap3A_185 = arith.index_cast %swap3A : i32 to index
        %swap3A_186 = arith.index_cast %scan3A_172 : i32 to index
        %swap3A_187 = arith.constant 0 : index
        %swap3A_188 = tpu.vector_load %arg11[%swap3A_185, %swap3A_186, %swap3A_187] {strides = array<i32>} : memref<2x128x128xf32, #tpu.memory_space<vmem>>, vector<1x1x16xf32>,
        %swap3A_189 = vector.shape_cast %swap3A_188 : vector<1x1x16xf32> to vector<16xf32>
        %swap3A_190 = vector.shape_cast %add3A_184 : vector<16xf32> to vector<1x1x16xf32>
        tpu.vector_store %arg11[%swap3A_185, %swap3A_186, %swap3A_187], %swap3A_190 {strides = array<i32>} : memref<2x128x128xf32, #tpu.memory_space<vmem>>, vector<1x1x16xf32>,
        %get3A_191 = arith.constant 0 : i32
        %get3A_192 = arith.index_cast %get3A_191 : i32 to index
        %get3A_193 = arith.index_cast %scan3A_172 : i32 to index
        %get3A_194 = arith.constant 16 : index
        %get3A_195 = tpu.vector_load %arg9[%get3A_192, %get3A_193, %get3A_194] {strides = array<i32>} : memref<2x128x128xf32, #tpu.memory_space<vmem>>, vector<1x1x16xf32>,
        %get3A_196 = vector.shape_cast %get3A_195 : vector<1x1x16xf32> to vector<16xf32>
        %get3A_197 = arith.constant 0 : i32
        %get3A_198 = arith.index_cast %get3A_197 : i32 to index
        %get3A_199 = arith.index_cast %scan3A_172 : i32 to index
        %get3A_200 = arith.constant 16 : index
        %get3A_201 = tpu.vector_load %arg10[%get3A_198, %get3A_199, %get3A_200] {strides = array<i32>} : memref<2x128x128xf32, #tpu.memory_space<vmem>>, vector<1x1x16xf32>,
        %get3A_202 = vector.shape_cast %get3A_201 : vector<1x1x16xf32> to vector<16xf32>
        %add3A_203 = arith.addf %get3A_196, %get3A_202 : vector<16xf32>
        %swap3A_204 = arith.constant 0 : i32
        %swap3A_205 = arith.index_cast %swap3A_204 : i32 to index
        %swap3A_206 = arith.index_cast %scan3A_172 : i32 to index
        %swap3A_207 = arith.constant 16 : index
        %swap3A_208 = tpu.vector_load %arg11[%swap3A_205, %swap3A_206, %swap3A_207] {strides = array<i32>} : memref<2x128x128xf32, #tpu.memory_space<vmem>>, vector<1x1x16xf32>,
        %swap3A_209 = vector.shape_cast %swap3A_208 : vector<1x1x16xf32> to vector<16xf32>
        %swap3A_210 = vector.shape_cast %add3A_203 : vector<16xf32> to vector<1x1x16xf32>
        tpu.vector_store %arg11[%swap3A_205, %swap3A_206, %swap3A_207], %swap3A_210 {strides = array<i32>} : memref<2x128x128xf32, #tpu.memory_space<vmem>>, vector<1x1x16xf32>,
        %get3A_211 = arith.constant 0 : i32
        %get3A_212 = arith.index_cast %get3A_211 : i32 to index
        %get3A_213 = arith.index_cast %scan3A_172 : i32 to index
        %get3A_214 = arith.constant 32 : index
        %get3A_215 = tpu.vector_load %arg9[%get3A_212, %get3A_213, %get3A_214] {strides = array<i32>} : memref<2x128x128xf32, #tpu.memory_space<vmem>>, vector<1x1x16xf32>,
        %get3A_216 = vector.shape_cast %get3A_215 : vector<1x1x16xf32> to vector<16xf32>
        %get3A_217 = arith.constant 0 : i32
        %get3A_218 = arith.index_cast %get3A_217 : i32 to index
        %get3A_219 = arith.index_cast %scan3A_172 : i32 to index
        %get3A_220 = arith.constant 32 : index
        %get3A_221 = tpu.vector_load %arg10[%get3A_218, %get3A_219, %get3A_220] {strides = array<i32>} : memref<2x128x128xf32, #tpu.memory_space<vmem>>, vector<1x1x16xf32>,
        %get3A_222 = vector.shape_cast %get3A_221 : vector<1x1x16xf32> to vector<16xf32>
        %add3A_223 = arith.addf %get3A_216, %get3A_222 : vector<16xf32>
        %swap3A_224 = arith.constant 0 : i32
        %swap3A_225 = arith.index_cast %swap3A_224 : i32 to index
        %swap3A_226 = arith.index_cast %scan3A_172 : i32 to index
        %swap3A_227 = arith.constant 32 : index
        %swap3A_228 = tpu.vector_load %arg11[%swap3A_225, %swap3A_226, %swap3A_227] {strides = array<i32>} : memref<2x128x128xf32, #tpu.memory_space<vmem>>, vector<1x1x16xf32>,
        %swap3A_229 = vector.shape_cast %swap3A_228 : vector<1x1x16xf32> to vector<16xf32>
        %swap3A_230 = vector.shape_cast %add3A_223 : vector<16xf32> to vector<1x1x16xf32>
        tpu.vector_store %arg11[%swap3A_225, %swap3A_226, %swap3A_227], %swap3A_230 {strides = array<i32>} : memref<2x128x128xf32, #tpu.memory_space<vmem>>, vector<1x1x16xf32>,
        %get3A_231 = arith.constant 0 : i32
        %get3A_232 = arith.index_cast %get3A_231 : i32 to index
        %get3A_233 = arith.index_cast %scan3A_172 : i32 to index
        %get3A_234 = arith.constant 48 : index
        %get3A_235 = tpu.vector_load %arg9[%get3A_232, %get3A_233, %get3A_234] {strides = array<i32>} : memref<2x128x128xf32, #tpu.memory_space<vmem>>, vector<1x1x16xf32>,
        %get3A_236 = vector.shape_cast %get3A_235 : vector<1x1x16xf32> to vector<16xf32>
        %get3A_237 = arith.constant 0 : i32
        %get3A_238 = arith.index_cast %get3A_237 : i32 to index
        %get3A_239 = arith.index_cast %scan3A_172 : i32 to index
        %get3A_240 = arith.constant 48 : index
        %get3A_241 = tpu.vector_load %arg10[%get3A_238, %get3A_239, %get3A_240] {strides = array<i32>} : memref<2x128x128xf32, #tpu.memory_space<vmem>>, vector<1x1x16xf32>,
        %get3A_242 = vector.shape_cast %get3A_241 : vector<1x1x16xf32> to vector<16xf32>
        %add3A_243 = arith.addf %get3A_236, %get3A_242 : vector<16xf32>
        %swap3A_244 = arith.constant 0 : i32
        %swap3A_245 = arith.index_cast %swap3A_244 : i32 to index
        %swap3A_246 = arith.index_cast %scan3A_172 : i32 to index
        %swap3A_247 = arith.constant 48 : index
        %swap3A_248 = tpu.vector_load %arg11[%swap3A_245, %swap3A_246, %swap3A_247] {strides = array<i32>} : memref<2x128x128xf32, #tpu.memory_space<vmem>>, vector<1x1x16xf32>,
        %swap3A_249 = vector.shape_cast %swap3A_248 : vector<1x1x16xf32> to vector<16xf32>
        %swap3A_250 = vector.shape_cast %add3A_243 : vector<16xf32> to vector<1x1x16xf32>
        tpu.vector_store %arg11[%swap3A_245, %swap3A_246, %swap3A_247], %swap3A_250 {strides = array<i32>} : memref<2x128x128xf32, #tpu.memory_space<vmem>>, vector<1x1x16xf32>,
        %get3A_251 = arith.constant 0 : i32
        %get3A_252 = arith.index_cast %get3A_251 : i32 to index
        %get3A_253 = arith.index_cast %scan3A_172 : i32 to index
        %get3A_254 = arith.constant 64 : index
        %get3A_255 = tpu.vector_load %arg9[%get3A_252, %get3A_253, %get3A_254] {strides = array<i32>} : memref<2x128x128xf32, #tpu.memory_space<vmem>>, vector<1x1x16xf32>,
        %get3A_256 = vector.shape_cast %get3A_255 : vector<1x1x16xf32> to vector<16xf32>
        %get3A_257 = arith.constant 0 : i32
        %get3A_258 = arith.index_cast %get3A_257 : i32 to index
        %get3A_259 = arith.index_cast %scan3A_172 : i32 to index
        %get3A_260 = arith.constant 64 : index
        %get3A_261 = tpu.vector_load %arg10[%get3A_258, %get3A_259, %get3A_260] {strides = array<i32>} : memref<2x128x128xf32, #tpu.memory_space<vmem>>, vector<1x1x16xf32>,
        %get3A_262 = vector.shape_cast %get3A_261 : vector<1x1x16xf32> to vector<16xf32>
        %add3A_263 = arith.addf %get3A_256, %get3A_262 : vector<16xf32>
        %swap3A_264 = arith.constant 0 : i32
        %swap3A_265 = arith.index_cast %swap3A_264 : i32 to index
        %swap3A_266 = arith.index_cast %scan3A_172 : i32 to index
        %swap3A_267 = arith.constant 64 : index
        %swap3A_268 = tpu.vector_load %arg11[%swap3A_265, %swap3A_266, %swap3A_267] {strides = array<i32>} : memref<2x128x128xf32, #tpu.memory_space<vmem>>, vector<1x1x16xf32>,
        %swap3A_269 = vector.shape_cast %swap3A_268 : vector<1x1x16xf32> to vector<16xf32>
        %swap3A_270 = vector.shape_cast %add3A_263 : vector<16xf32> to vector<1x1x16xf32>
        tpu.vector_store %arg11[%swap3A_265, %swap3A_266, %swap3A_267], %swap3A_270 {strides = array<i32>} : memref<2x128x128xf32, #tpu.memory_space<vmem>>, vector<1x1x16xf32>,
        %get3A_271 = arith.constant 0 : i32
        %get3A_272 = arith.index_cast %get3A_271 : i32 to index
        %get3A_273 = arith.index_cast %scan3A_172 : i32 to index
        %get3A_274 = arith.constant 80 : index
        %get3A_275 = tpu.vector_load %arg9[%get3A_272, %get3A_273, %get3A_274] {strides = array<i32>} : memref<2x128x128xf32, #tpu.memory_space<vmem>>, vector<1x1x16xf32>,
        %get3A_276 = vector.shape_cast %get3A_275 : vector<1x1x16xf32> to vector<16xf32>
        %get3A_277 = arith.constant 0 : i32
        %get3A_278 = arith.index_cast %get3A_277 : i32 to index
        %get3A_279 = arith.index_cast %scan3A_172 : i32 to index
        %get3A_280 = arith.constant 80 : index
        %get3A_281 = tpu.vector_load %arg10[%get3A_278, %get3A_279, %get3A_280] {strides = array<i32>} : memref<2x128x128xf32, #tpu.memory_space<vmem>>, vector<1x1x16xf32>,
        %get3A_282 = vector.shape_cast %get3A_281 : vector<1x1x16xf32> to vector<16xf32>
        %add3A_283 = arith.addf %get3A_276, %get3A_282 : vector<16xf32>
        %swap3A_284 = arith.constant 0 : i32
        %swap3A_285 = arith.index_cast %swap3A_284 : i32 to index
        %swap3A_286 = arith.index_cast %scan3A_172 : i32 to index
        %swap3A_287 = arith.constant 80 : index
        %swap3A_288 = tpu.vector_load %arg11[%swap3A_285, %swap3A_286, %swap3A_287] {strides = array<i32>} : memref<2x128x128xf32, #tpu.memory_space<vmem>>, vector<1x1x16xf32>,
        %swap3A_289 = vector.shape_cast %swap3A_288 : vector<1x1x16xf32> to vector<16xf32>
        %swap3A_290 = vector.shape_cast %add3A_283 : vector<16xf32> to vector<1x1x16xf32>
        tpu.vector_store %arg11[%swap3A_285, %swap3A_286, %swap3A_287], %swap3A_290 {strides = array<i32>} : memref<2x128x128xf32, #tpu.memory_space<vmem>>, vector<1x1x16xf32>,
        %get3A_291 = arith.constant 0 : i32
        %get3A_292 = arith.index_cast %get3A_291 : i32 to index
        %get3A_293 = arith.index_cast %scan3A_172 : i32 to index
        %get3A_294 = arith.constant 96 : index
        %get3A_295 = tpu.vector_load %arg9[%get3A_292, %get3A_293, %get3A_294] {strides = array<i32>} : memref<2x128x128xf32, #tpu.memory_space<vmem>>, vector<1x1x16xf32>,
        %get3A_296 = vector.shape_cast %get3A_295 : vector<1x1x16xf32> to vector<16xf32>
        %get3A_297 = arith.constant 0 : i32
        %get3A_298 = arith.index_cast %get3A_297 : i32 to index
        %get3A_299 = arith.index_cast %scan3A_172 : i32 to index
        %get3A_300 = arith.constant 96 : index
        %get3A_301 = tpu.vector_load %arg10[%get3A_298, %get3A_299, %get3A_300] {strides = array<i32>} : memref<2x128x128xf32, #tpu.memory_space<vmem>>, vector<1x1x16xf32>,
        %get3A_302 = vector.shape_cast %get3A_301 : vector<1x1x16xf32> to vector<16xf32>
        %add3A_303 = arith.addf %get3A_296, %get3A_302 : vector<16xf32>
        %swap3A_304 = arith.constant 0 : i32
        %swap3A_305 = arith.index_cast %swap3A_304 : i32 to index
        %swap3A_306 = arith.index_cast %scan3A_172 : i32 to index
        %swap3A_307 = arith.constant 96 : index
        %swap3A_308 = tpu.vector_load %arg11[%swap3A_305, %swap3A_306, %swap3A_307] {strides = array<i32>} : memref<2x128x128xf32, #tpu.memory_space<vmem>>, vector<1x1x16xf32>,
        %swap3A_309 = vector.shape_cast %swap3A_308 : vector<1x1x16xf32> to vector<16xf32>
        %swap3A_310 = vector.shape_cast %add3A_303 : vector<16xf32> to vector<1x1x16xf32>
        tpu.vector_store %arg11[%swap3A_305, %swap3A_306, %swap3A_307], %swap3A_310 {strides = array<i32>} : memref<2x128x128xf32, #tpu.memory_space<vmem>>, vector<1x1x16xf32>,
        %get3A_311 = arith.constant 0 : i32
        %get3A_312 = arith.index_cast %get3A_311 : i32 to index
        %get3A_313 = arith.index_cast %scan3A_172 : i32 to index
        %get3A_314 = arith.constant 112 : index
        %get3A_315 = tpu.vector_load %arg9[%get3A_312, %get3A_313, %get3A_314] {strides = array<i32>} : memref<2x128x128xf32, #tpu.memory_space<vmem>>, vector<1x1x16xf32>,
        %get3A_316 = vector.shape_cast %get3A_315 : vector<1x1x16xf32> to vector<16xf32>
        %get3A_317 = arith.constant 0 : i32
        %get3A_318 = arith.index_cast %get3A_317 : i32 to index
        %get3A_319 = arith.index_cast %scan3A_172 : i32 to index
        %get3A_320 = arith.constant 112 : index
        %get3A_321 = tpu.vector_load %arg10[%get3A_318, %get3A_319, %get3A_320] {strides = array<i32>} : memref<2x128x128xf32, #tpu.memory_space<vmem>>, vector<1x1x16xf32>,
        %get3A_322 = vector.shape_cast %get3A_321 : vector<1x1x16xf32> to vector<16xf32>
        %add3A_323 = arith.addf %get3A_316, %get3A_322 : vector<16xf32>
        %swap3A_324 = arith.constant 0 : i32
        %swap3A_325 = arith.index_cast %swap3A_324 : i32 to index
        %swap3A_326 = arith.index_cast %scan3A_172 : i32 to index
        %swap3A_327 = arith.constant 112 : index
        %swap3A_328 = tpu.vector_load %arg11[%swap3A_325, %swap3A_326, %swap3A_327] {strides = array<i32>} : memref<2x128x128xf32, #tpu.memory_space<vmem>>, vector<1x1x16xf32>,
        %swap3A_329 = vector.shape_cast %swap3A_328 : vector<1x1x16xf32> to vector<16xf32>
        %swap3A_330 = vector.shape_cast %add3A_323 : vector<16xf32> to vector<1x1x16xf32>
        tpu.vector_store %arg11[%swap3A_325, %swap3A_326, %swap3A_327], %swap3A_330 {strides = array<i32>} : memref<2x128x128xf32, #tpu.memory_space<vmem>>, vector<1x1x16xf32>,
      }
      %scan3A_103 = arith.constant 128 : i32
      %mul3A_104 = arith.constant 128 : i32
      %mul3A_105 = arith.muli %mul3A_51, %mul3A_104 : i32
      %min3A_106 = arith.constant 4872 : i32
      %min3A_107 = arith.minsi %mul3A_105, %min3A_106 : i32
      %add3A_108 = arith.addi %mul3A_2, %min3A_107 : i32
      %run_scoped3A = arith.constant 0 : i32
      "tpu.region"() ({
        %run_scoped3A_172 = tpu.sem_alloc : memref<!tpu.dma_semaphore, #tpu.memory_space<semaphore_mem>>
        %dma_start3A_173 = arith.constant 0 : i32
        %dma_start3A_174 = arith.constant 0 : i32
        %dma_start3A_175 = tpu.memref_slice %arg11[%run_scoped3A, %dma_start3A_173, %dma_start3A_174] : memref<2x128x128xf32, #tpu.memory_space<vmem>> -> memref<1x128x128xf32, #tpu.memory_space<vmem>>
        %dma_start3A_176 = tpu.memref_squeeze %dma_start3A_175 : memref<1x128x128xf32, #tpu.memory_space<vmem>> -> memref<128x128xf32, #tpu.memory_space<vmem>>
        %dma_start3A_177 = arith.constant 0 : i32
        %dma_start3A_178 = tpu.memref_slice %arg6[%add3A_108, %dma_start3A_177] : memref<160000x128xf32, #tpu.memory_space<hbm>> -> memref<128x128xf32, #tpu.memory_space<hbm>>
        %dma_start3A_179 = arith.constant 0 : i32
        %dma_start3A_180 = tpu.memref_slice %arg6[%add3A_108, %dma_start3A_179] : memref<160000x128xf32, #tpu.memory_space<hbm>> -> memref<128x128xf32, #tpu.memory_space<hbm>>
        %dma_start3A_181 = arith.constant 0 : i32
        %dma_start3A_182 = arith.constant 0 : i32
        %dma_start3A_183 = tpu.memref_slice %arg11[%run_scoped3A, %dma_start3A_181, %dma_start3A_182] : memref<2x128x128xf32, #tpu.memory_space<vmem>> -> memref<1x128x128xf32, #tpu.memory_space<vmem>>
        %dma_start3A_184 = tpu.memref_squeeze %dma_start3A_183 : memref<1x128x128xf32, #tpu.memory_space<vmem>> -> memref<128x128xf32, #tpu.memory_space<vmem>>
        tpu.enqueue_dma source(%dma_start3A_184 : memref<128x128xf32, #tpu.memory_space<vmem>>) target(%dma_start3A_180 : memref<128x128xf32, #tpu.memory_space<hbm>>) target_semaphore(%run_scoped3A_172 : memref<!tpu.dma_semaphore, #tpu.memory_space<semaphore_mem>>)
        %dma_wait3A_185 = arith.constant 0 : i32
        %dma_wait3A_186 = arith.constant 0 : i32
        %dma_wait3A_187 = tpu.memref_slice %arg11[%run_scoped3A, %dma_wait3A_185, %dma_wait3A_186] : memref<2x128x128xf32, #tpu.memory_space<vmem>> -> memref<1x128x128xf32, #tpu.memory_space<vmem>>
        %dma_wait3A_188 = tpu.memref_squeeze %dma_wait3A_187 : memref<1x128x128xf32, #tpu.memory_space<vmem>> -> memref<128x128xf32, #tpu.memory_space<vmem>>
        %dma_wait3A_189 = arith.constant 0 : i32
        %dma_wait3A_190 = tpu.memref_slice %arg6[%add3A_108, %dma_wait3A_189] : memref<160000x128xf32, #tpu.memory_space<hbm>> -> memref<128x128xf32, #tpu.memory_space<hbm>>
        %dma_wait3A_191 = arith.constant 0 : i32
        %dma_wait3A_192 = tpu.memref_slice %arg6[%add3A_108, %dma_wait3A_191] : memref<160000x128xf32, #tpu.memory_space<hbm>> -> memref<128x128xf32, #tpu.memory_space<hbm>>
        %dma_wait3A_193 = arith.constant 0 : i32
        %dma_wait3A_194 = arith.constant 0 : i32
        %dma_wait3A_195 = tpu.memref_slice %arg11[%run_scoped3A, %dma_wait3A_193, %dma_wait3A_194] : memref<2x128x128xf32, #tpu.memory_space<vmem>> -> memref<1x128x128xf32, #tpu.memory_space<vmem>>
        %dma_wait3A_196 = tpu.memref_squeeze %dma_wait3A_195 : memref<1x128x128xf32, #tpu.memory_space<vmem>> -> memref<128x128xf32, #tpu.memory_space<vmem>>
        tpu.wait_dma2 semaphore(%run_scoped3A_172 : memref<!tpu.dma_semaphore, #tpu.memory_space<semaphore_mem>>) src(%dma_wait3A_196 : memref<128x128xf32, #tpu.memory_space<vmem>>) dst(%dma_wait3A_192 : memref<128x128xf32, #tpu.memory_space<hbm>>)
        tpu.yield
      }) : () -> ()
      %add3A_109 = arith.constant 2 : i32
      %add3A_110 = arith.addi %mul3A_51, %add3A_109 : i32
      %mul3A_111 = arith.constant 128 : i32
      %mul3A_112 = arith.muli %add3A_110, %mul3A_111 : i32
      %min3A_113 = arith.constant 4872 : i32
      %min3A_114 = arith.minsi %mul3A_112, %min3A_113 : i32
      %dma_start3A_115 = arith.constant 0 : i32
      %dma_start3A_116 = arith.constant 0 : i32
      %dma_start3A_117 = arith.constant 0 : i32
      %dma_start3A_118 = tpu.memref_slice %arg9[%dma_start3A_115, %dma_start3A_116, %dma_start3A_117] : memref<2x128x128xf32, #tpu.memory_space<vmem>> -> memref<1x128x128xf32, #tpu.memory_space<vmem>>
      %dma_start3A_119 = tpu.memref_squeeze %dma_start3A_118 : memref<1x128x128xf32, #tpu.memory_space<vmem>> -> memref<128x128xf32, #tpu.memory_space<vmem>>
      %dma_start3A_120 = tpu.memref_slice %arg7[%min3A_114] : memref<5000xi32, #tpu.memory_space<vmem>> -> memref<128xi32, #tpu.memory_space<vmem>>
      %dma_start3A_121 = arith.constant 0 : i32
      %dma_start3A_122 = arith.constant 0 : i32
      %dma_start3A_123 = tpu.memref_slice %arg2[%dma_start3A_121, %dma_start3A_122] : memref<10000x128xf32, #tpu.memory_space<hbm>> -> memref<10000x128xf32, #tpu.memory_space<hbm>>
      tpu.enqueue_indirect_dma source(%dma_start3A_123 : memref<10000x128xf32, #tpu.memory_space<hbm>>) target(%dma_start3A_119 : memref<128x128xf32, #tpu.memory_space<vmem>>) offsets(%dma_start3A_120 : memref<128xi32, #tpu.memory_space<vmem>>) semaphore(%arg12 : memref<!tpu.dma_semaphore, #tpu.memory_space<semaphore_mem>>)
      %dma_start3A_124 = arith.constant 0 : i32
      %dma_start3A_125 = arith.constant 0 : i32
      %dma_start3A_126 = arith.constant 0 : i32
      %dma_start3A_127 = tpu.memref_slice %arg10[%dma_start3A_124, %dma_start3A_125, %dma_start3A_126] : memref<2x128x128xf32, #tpu.memory_space<vmem>> -> memref<1x128x128xf32, #tpu.memory_space<vmem>>
      %dma_start3A_128 = tpu.memref_squeeze %dma_start3A_127 : memref<1x128x128xf32, #tpu.memory_space<vmem>> -> memref<128x128xf32, #tpu.memory_space<vmem>>
      %dma_start3A_129 = tpu.memref_slice %arg8[%min3A_114] : memref<5000xi32, #tpu.memory_space<vmem>> -> memref<128xi32, #tpu.memory_space<vmem>>
      %dma_start3A_130 = arith.constant 0 : i32
      %dma_start3A_131 = arith.constant 0 : i32
      %dma_start3A_132 = tpu.memref_slice %arg3[%dma_start3A_130, %dma_start3A_131] : memref<10000x128xf32, #tpu.memory_space<hbm>> -> memref<10000x128xf32, #tpu.memory_space<hbm>>
      tpu.enqueue_indirect_dma source(%dma_start3A_132 : memref<10000x128xf32, #tpu.memory_space<hbm>>) target(%dma_start3A_128 : memref<128x128xf32, #tpu.memory_space<vmem>>) offsets(%dma_start3A_129 : memref<128xi32, #tpu.memory_space<vmem>>) semaphore(%arg12 : memref<!tpu.dma_semaphore, #tpu.memory_space<semaphore_mem>>)
      %add3A_133 = arith.constant 1 : i32
      %add3A_134 = arith.addi %mul3A_51, %add3A_133 : i32
      %mul3A_135 = arith.constant 128 : i32
      %mul3A_136 = arith.muli %add3A_134, %mul3A_135 : i32
      %min3A_137 = arith.constant 4872 : i32
      %min3A_138 = arith.minsi %mul3A_136, %min3A_137 : i32
      %dma_wait3A_139 = arith.constant 1 : i32
      %dma_wait3A_140 = arith.constant 0 : i32
      %dma_wait3A_141 = arith.constant 0 : i32
      %dma_wait3A_142 = tpu.memref_slice %arg9[%dma_wait3A_139, %dma_wait3A_140, %dma_wait3A_141] : memref<2x128x128xf32, #tpu.memory_space<vmem>> -> memref<1x128x128xf32, #tpu.memory_space<vmem>>
      %dma_wait3A_143 = tpu.memref_squeeze %dma_wait3A_142 : memref<1x128x128xf32, #tpu.memory_space<vmem>> -> memref<128x128xf32, #tpu.memory_space<vmem>>
      %dma_wait3A_144 = tpu.memref_slice %arg7[%min3A_138] : memref<5000xi32, #tpu.memory_space<vmem>> -> memref<128xi32, #tpu.memory_space<vmem>>
      %dma_wait3A_145 = arith.constant 0 : i32
      %dma_wait3A_146 = arith.constant 0 : i32
      %dma_wait3A_147 = tpu.memref_slice %arg2[%dma_wait3A_145, %dma_wait3A_146] : memref<10000x128xf32, #tpu.memory_space<hbm>> -> memref<10000x128xf32, #tpu.memory_space<hbm>>
      tpu.wait_indirect_dma semaphore(%arg13 : memref<!tpu.dma_semaphore, #tpu.memory_space<semaphore_mem>>) src(%dma_wait3A_147 : memref<10000x128xf32, #tpu.memory_space<hbm>>) dst(%dma_wait3A_143 : memref<128x128xf32, #tpu.memory_space<vmem>>)
      %dma_wait3A_148 = arith.constant 1 : i32
      %dma_wait3A_149 = arith.constant 0 : i32
      %dma_wait3A_150 = arith.constant 0 : i32
      %dma_wait3A_151 = tpu.memref_slice %arg10[%dma_wait3A_148, %dma_wait3A_149, %dma_wait3A_150] : memref<2x128x128xf32, #tpu.memory_space<vmem>> -> memref<1x128x128xf32, #tpu.memory_space<vmem>>
      %dma_wait3A_152 = tpu.memref_squeeze %dma_wait3A_151 : memref<1x128x128xf32, #tpu.memory_space<vmem>> -> memref<128x128xf32, #tpu.memory_space<vmem>>
      %dma_wait3A_153 = tpu.memref_slice %arg8[%min3A_138] : memref<5000xi32, #tpu.memory_space<vmem>> -> memref<128xi32, #tpu.memory_space<vmem>>
      %dma_wait3A_154 = arith.constant 0 : i32
      %dma_wait3A_155 = arith.constant 0 : i32
      %dma_wait3A_156 = tpu.memref_slice %arg3[%dma_wait3A_154, %dma_wait3A_155] : memref<10000x128xf32, #tpu.memory_space<hbm>> -> memref<10000x128xf32, #tpu.memory_space<hbm>>
      tpu.wait_indirect_dma semaphore(%arg13 : memref<!tpu.dma_semaphore, #tpu.memory_space<semaphore_mem>>) src(%dma_wait3A_156 : memref<10000x128xf32, #tpu.memory_space<hbm>>) dst(%dma_wait3A_152 : memref<128x128xf32, #tpu.memory_space<vmem>>)
      %add3A_157 = arith.constant 1 : i32
      %add3A_158 = arith.addi %mul3A_51, %add3A_157 : i32
      %scan3A_159 = arith.constant 0 : i32
      %scan3A_160 = arith.constant 0 : i32
      %scan3A_161 = arith.constant 128 : i32
      %scan3A_162 = arith.addi %scan3A_160, %scan3A_161 : i32
      %scan3A_163 = arith.constant 1 : i32
      scf.for %scan3A_172 = %scan3A_160 to %scan3A_162 step %scan3A_163  : i32 {
        %get3A = arith.constant 1 : i32
        %get3A_173 = arith.index_cast %get3A : i32 to index
        %get3A_174 = arith.index_cast %scan3A_172 : i32 to index
        %get3A_175 = arith.constant 0 : index
        %get3A_176 = tpu.vector_load %arg9[%get3A_173, %get3A_174, %get3A_175] {strides = array<i32>} : memref<2x128x128xf32, #tpu.memory_space<vmem>>, vector<1x1x16xf32>,
        %get3A_177 = vector.shape_cast %get3A_176 : vector<1x1x16xf32> to vector<16xf32>
        %get3A_178 = arith.constant 1 : i32
        %get3A_179 = arith.index_cast %get3A_178 : i32 to index
        %get3A_180 = arith.index_cast %scan3A_172 : i32 to index
        %get3A_181 = arith.constant 0 : index
        %get3A_182 = tpu.vector_load %arg10[%get3A_179, %get3A_180, %get3A_181] {strides = array<i32>} : memref<2x128x128xf32, #tpu.memory_space<vmem>>, vector<1x1x16xf32>,
        %get3A_183 = vector.shape_cast %get3A_182 : vector<1x1x16xf32> to vector<16xf32>
        %add3A_184 = arith.addf %get3A_177, %get3A_183 : vector<16xf32>
        %swap3A = arith.constant 1 : i32
        %swap3A_185 = arith.index_cast %swap3A : i32 to index
        %swap3A_186 = arith.index_cast %scan3A_172 : i32 to index
        %swap3A_187 = arith.constant 0 : index
        %swap3A_188 = tpu.vector_load %arg11[%swap3A_185, %swap3A_186, %swap3A_187] {strides = array<i32>} : memref<2x128x128xf32, #tpu.memory_space<vmem>>, vector<1x1x16xf32>,
        %swap3A_189 = vector.shape_cast %swap3A_188 : vector<1x1x16xf32> to vector<16xf32>
        %swap3A_190 = vector.shape_cast %add3A_184 : vector<16xf32> to vector<1x1x16xf32>
        tpu.vector_store %arg11[%swap3A_185, %swap3A_186, %swap3A_187], %swap3A_190 {strides = array<i32>} : memref<2x128x128xf32, #tpu.memory_space<vmem>>, vector<1x1x16xf32>,
        %get3A_191 = arith.constant 1 : i32
        %get3A_192 = arith.index_cast %get3A_191 : i32 to index
        %get3A_193 = arith.index_cast %scan3A_172 : i32 to index
        %get3A_194 = arith.constant 16 : index
        %get3A_195 = tpu.vector_load %arg9[%get3A_192, %get3A_193, %get3A_194] {strides = array<i32>} : memref<2x128x128xf32, #tpu.memory_space<vmem>>, vector<1x1x16xf32>,
        %get3A_196 = vector.shape_cast %get3A_195 : vector<1x1x16xf32> to vector<16xf32>
        %get3A_197 = arith.constant 1 : i32
        %get3A_198 = arith.index_cast %get3A_197 : i32 to index
        %get3A_199 = arith.index_cast %scan3A_172 : i32 to index
        %get3A_200 = arith.constant 16 : index
        %get3A_201 = tpu.vector_load %arg10[%get3A_198, %get3A_199, %get3A_200] {strides = array<i32>} : memref<2x128x128xf32, #tpu.memory_space<vmem>>, vector<1x1x16xf32>,
        %get3A_202 = vector.shape_cast %get3A_201 : vector<1x1x16xf32> to vector<16xf32>
        %add3A_203 = arith.addf %get3A_196, %get3A_202 : vector<16xf32>
        %swap3A_204 = arith.constant 1 : i32
        %swap3A_205 = arith.index_cast %swap3A_204 : i32 to index
        %swap3A_206 = arith.index_cast %scan3A_172 : i32 to index
        %swap3A_207 = arith.constant 16 : index
        %swap3A_208 = tpu.vector_load %arg11[%swap3A_205, %swap3A_206, %swap3A_207] {strides = array<i32>} : memref<2x128x128xf32, #tpu.memory_space<vmem>>, vector<1x1x16xf32>,
        %swap3A_209 = vector.shape_cast %swap3A_208 : vector<1x1x16xf32> to vector<16xf32>
        %swap3A_210 = vector.shape_cast %add3A_203 : vector<16xf32> to vector<1x1x16xf32>
        tpu.vector_store %arg11[%swap3A_205, %swap3A_206, %swap3A_207], %swap3A_210 {strides = array<i32>} : memref<2x128x128xf32, #tpu.memory_space<vmem>>, vector<1x1x16xf32>,
        %get3A_211 = arith.constant 1 : i32
        %get3A_212 = arith.index_cast %get3A_211 : i32 to index
        %get3A_213 = arith.index_cast %scan3A_172 : i32 to index
        %get3A_214 = arith.constant 32 : index
        %get3A_215 = tpu.vector_load %arg9[%get3A_212, %get3A_213, %get3A_214] {strides = array<i32>} : memref<2x128x128xf32, #tpu.memory_space<vmem>>, vector<1x1x16xf32>,
        %get3A_216 = vector.shape_cast %get3A_215 : vector<1x1x16xf32> to vector<16xf32>
        %get3A_217 = arith.constant 1 : i32
        %get3A_218 = arith.index_cast %get3A_217 : i32 to index
        %get3A_219 = arith.index_cast %scan3A_172 : i32 to index
        %get3A_220 = arith.constant 32 : index
        %get3A_221 = tpu.vector_load %arg10[%get3A_218, %get3A_219, %get3A_220] {strides = array<i32>} : memref<2x128x128xf32, #tpu.memory_space<vmem>>, vector<1x1x16xf32>,
        %get3A_222 = vector.shape_cast %get3A_221 : vector<1x1x16xf32> to vector<16xf32>
        %add3A_223 = arith.addf %get3A_216, %get3A_222 : vector<16xf32>
        %swap3A_224 = arith.constant 1 : i32
        %swap3A_225 = arith.index_cast %swap3A_224 : i32 to index
        %swap3A_226 = arith.index_cast %scan3A_172 : i32 to index
        %swap3A_227 = arith.constant 32 : index
        %swap3A_228 = tpu.vector_load %arg11[%swap3A_225, %swap3A_226, %swap3A_227] {strides = array<i32>} : memref<2x128x128xf32, #tpu.memory_space<vmem>>, vector<1x1x16xf32>,
        %swap3A_229 = vector.shape_cast %swap3A_228 : vector<1x1x16xf32> to vector<16xf32>
        %swap3A_230 = vector.shape_cast %add3A_223 : vector<16xf32> to vector<1x1x16xf32>
        tpu.vector_store %arg11[%swap3A_225, %swap3A_226, %swap3A_227], %swap3A_230 {strides = array<i32>} : memref<2x128x128xf32, #tpu.memory_space<vmem>>, vector<1x1x16xf32>,
        %get3A_231 = arith.constant 1 : i32
        %get3A_232 = arith.index_cast %get3A_231 : i32 to index
        %get3A_233 = arith.index_cast %scan3A_172 : i32 to index
        %get3A_234 = arith.constant 48 : index
        %get3A_235 = tpu.vector_load %arg9[%get3A_232, %get3A_233, %get3A_234] {strides = array<i32>} : memref<2x128x128xf32, #tpu.memory_space<vmem>>, vector<1x1x16xf32>,
        %get3A_236 = vector.shape_cast %get3A_235 : vector<1x1x16xf32> to vector<16xf32>
        %get3A_237 = arith.constant 1 : i32
        %get3A_238 = arith.index_cast %get3A_237 : i32 to index
        %get3A_239 = arith.index_cast %scan3A_172 : i32 to index
        %get3A_240 = arith.constant 48 : index
        %get3A_241 = tpu.vector_load %arg10[%get3A_238, %get3A_239, %get3A_240] {strides = array<i32>} : memref<2x128x128xf32, #tpu.memory_space<vmem>>, vector<1x1x16xf32>,
        %get3A_242 = vector.shape_cast %get3A_241 : vector<1x1x16xf32> to vector<16xf32>
        %add3A_243 = arith.addf %get3A_236, %get3A_242 : vector<16xf32>
        %swap3A_244 = arith.constant 1 : i32
        %swap3A_245 = arith.index_cast %swap3A_244 : i32 to index
        %swap3A_246 = arith.index_cast %scan3A_172 : i32 to index
        %swap3A_247 = arith.constant 48 : index
        %swap3A_248 = tpu.vector_load %arg11[%swap3A_245, %swap3A_246, %swap3A_247] {strides = array<i32>} : memref<2x128x128xf32, #tpu.memory_space<vmem>>, vector<1x1x16xf32>,
        %swap3A_249 = vector.shape_cast %swap3A_248 : vector<1x1x16xf32> to vector<16xf32>
        %swap3A_250 = vector.shape_cast %add3A_243 : vector<16xf32> to vector<1x1x16xf32>
        tpu.vector_store %arg11[%swap3A_245, %swap3A_246, %swap3A_247], %swap3A_250 {strides = array<i32>} : memref<2x128x128xf32, #tpu.memory_space<vmem>>, vector<1x1x16xf32>,
        %get3A_251 = arith.constant 1 : i32
        %get3A_252 = arith.index_cast %get3A_251 : i32 to index
        %get3A_253 = arith.index_cast %scan3A_172 : i32 to index
        %get3A_254 = arith.constant 64 : index
        %get3A_255 = tpu.vector_load %arg9[%get3A_252, %get3A_253, %get3A_254] {strides = array<i32>} : memref<2x128x128xf32, #tpu.memory_space<vmem>>, vector<1x1x16xf32>,
        %get3A_256 = vector.shape_cast %get3A_255 : vector<1x1x16xf32> to vector<16xf32>
        %get3A_257 = arith.constant 1 : i32
        %get3A_258 = arith.index_cast %get3A_257 : i32 to index
        %get3A_259 = arith.index_cast %scan3A_172 : i32 to index
        %get3A_260 = arith.constant 64 : index
        %get3A_261 = tpu.vector_load %arg10[%get3A_258, %get3A_259, %get3A_260] {strides = array<i32>} : memref<2x128x128xf32, #tpu.memory_space<vmem>>, vector<1x1x16xf32>,
        %get3A_262 = vector.shape_cast %get3A_261 : vector<1x1x16xf32> to vector<16xf32>
        %add3A_263 = arith.addf %get3A_256, %get3A_262 : vector<16xf32>
        %swap3A_264 = arith.constant 1 : i32
        %swap3A_265 = arith.index_cast %swap3A_264 : i32 to index
        %swap3A_266 = arith.index_cast %scan3A_172 : i32 to index
        %swap3A_267 = arith.constant 64 : index
        %swap3A_268 = tpu.vector_load %arg11[%swap3A_265, %swap3A_266, %swap3A_267] {strides = array<i32>} : memref<2x128x128xf32, #tpu.memory_space<vmem>>, vector<1x1x16xf32>,
        %swap3A_269 = vector.shape_cast %swap3A_268 : vector<1x1x16xf32> to vector<16xf32>
        %swap3A_270 = vector.shape_cast %add3A_263 : vector<16xf32> to vector<1x1x16xf32>
        tpu.vector_store %arg11[%swap3A_265, %swap3A_266, %swap3A_267], %swap3A_270 {strides = array<i32>} : memref<2x128x128xf32, #tpu.memory_space<vmem>>, vector<1x1x16xf32>,
        %get3A_271 = arith.constant 1 : i32
        %get3A_272 = arith.index_cast %get3A_271 : i32 to index
        %get3A_273 = arith.index_cast %scan3A_172 : i32 to index
        %get3A_274 = arith.constant 80 : index
        %get3A_275 = tpu.vector_load %arg9[%get3A_272, %get3A_273, %get3A_274] {strides = array<i32>} : memref<2x128x128xf32, #tpu.memory_space<vmem>>, vector<1x1x16xf32>,
        %get3A_276 = vector.shape_cast %get3A_275 : vector<1x1x16xf32> to vector<16xf32>
        %get3A_277 = arith.constant 1 : i32
        %get3A_278 = arith.index_cast %get3A_277 : i32 to index
        %get3A_279 = arith.index_cast %scan3A_172 : i32 to index
        %get3A_280 = arith.constant 80 : index
        %get3A_281 = tpu.vector_load %arg10[%get3A_278, %get3A_279, %get3A_280] {strides = array<i32>} : memref<2x128x128xf32, #tpu.memory_space<vmem>>, vector<1x1x16xf32>,
        %get3A_282 = vector.shape_cast %get3A_281 : vector<1x1x16xf32> to vector<16xf32>
        %add3A_283 = arith.addf %get3A_276, %get3A_282 : vector<16xf32>
        %swap3A_284 = arith.constant 1 : i32
        %swap3A_285 = arith.index_cast %swap3A_284 : i32 to index
        %swap3A_286 = arith.index_cast %scan3A_172 : i32 to index
        %swap3A_287 = arith.constant 80 : index
        %swap3A_288 = tpu.vector_load %arg11[%swap3A_285, %swap3A_286, %swap3A_287] {strides = array<i32>} : memref<2x128x128xf32, #tpu.memory_space<vmem>>, vector<1x1x16xf32>,
        %swap3A_289 = vector.shape_cast %swap3A_288 : vector<1x1x16xf32> to vector<16xf32>
        %swap3A_290 = vector.shape_cast %add3A_283 : vector<16xf32> to vector<1x1x16xf32>
        tpu.vector_store %arg11[%swap3A_285, %swap3A_286, %swap3A_287], %swap3A_290 {strides = array<i32>} : memref<2x128x128xf32, #tpu.memory_space<vmem>>, vector<1x1x16xf32>,
        %get3A_291 = arith.constant 1 : i32
        %get3A_292 = arith.index_cast %get3A_291 : i32 to index
        %get3A_293 = arith.index_cast %scan3A_172 : i32 to index
        %get3A_294 = arith.constant 96 : index
        %get3A_295 = tpu.vector_load %arg9[%get3A_292, %get3A_293, %get3A_294] {strides = array<i32>} : memref<2x128x128xf32, #tpu.memory_space<vmem>>, vector<1x1x16xf32>,
        %get3A_296 = vector.shape_cast %get3A_295 : vector<1x1x16xf32> to vector<16xf32>
        %get3A_297 = arith.constant 1 : i32
        %get3A_298 = arith.index_cast %get3A_297 : i32 to index
        %get3A_299 = arith.index_cast %scan3A_172 : i32 to index
        %get3A_300 = arith.constant 96 : index
        %get3A_301 = tpu.vector_load %arg10[%get3A_298, %get3A_299, %get3A_300] {strides = array<i32>} : memref<2x128x128xf32, #tpu.memory_space<vmem>>, vector<1x1x16xf32>,
        %get3A_302 = vector.shape_cast %get3A_301 : vector<1x1x16xf32> to vector<16xf32>
        %add3A_303 = arith.addf %get3A_296, %get3A_302 : vector<16xf32>
        %swap3A_304 = arith.constant 1 : i32
        %swap3A_305 = arith.index_cast %swap3A_304 : i32 to index
        %swap3A_306 = arith.index_cast %scan3A_172 : i32 to index
        %swap3A_307 = arith.constant 96 : index
        %swap3A_308 = tpu.vector_load %arg11[%swap3A_305, %swap3A_306, %swap3A_307] {strides = array<i32>} : memref<2x128x128xf32, #tpu.memory_space<vmem>>, vector<1x1x16xf32>,
        %swap3A_309 = vector.shape_cast %swap3A_308 : vector<1x1x16xf32> to vector<16xf32>
        %swap3A_310 = vector.shape_cast %add3A_303 : vector<16xf32> to vector<1x1x16xf32>
        tpu.vector_store %arg11[%swap3A_305, %swap3A_306, %swap3A_307], %swap3A_310 {strides = array<i32>} : memref<2x128x128xf32, #tpu.memory_space<vmem>>, vector<1x1x16xf32>,
        %get3A_311 = arith.constant 1 : i32
        %get3A_312 = arith.index_cast %get3A_311 : i32 to index
        %get3A_313 = arith.index_cast %scan3A_172 : i32 to index
        %get3A_314 = arith.constant 112 : index
        %get3A_315 = tpu.vector_load %arg9[%get3A_312, %get3A_313, %get3A_314] {strides = array<i32>} : memref<2x128x128xf32, #tpu.memory_space<vmem>>, vector<1x1x16xf32>,
        %get3A_316 = vector.shape_cast %get3A_315 : vector<1x1x16xf32> to vector<16xf32>
        %get3A_317 = arith.constant 1 : i32
        %get3A_318 = arith.index_cast %get3A_317 : i32 to index
        %get3A_319 = arith.index_cast %scan3A_172 : i32 to index
        %get3A_320 = arith.constant 112 : index
        %get3A_321 = tpu.vector_load %arg10[%get3A_318, %get3A_319, %get3A_320] {strides = array<i32>} : memref<2x128x128xf32, #tpu.memory_space<vmem>>, vector<1x1x16xf32>,
        %get3A_322 = vector.shape_cast %get3A_321 : vector<1x1x16xf32> to vector<16xf32>
        %add3A_323 = arith.addf %get3A_316, %get3A_322 : vector<16xf32>
        %swap3A_324 = arith.constant 1 : i32
        %swap3A_325 = arith.index_cast %swap3A_324 : i32 to index
        %swap3A_326 = arith.index_cast %scan3A_172 : i32 to index
        %swap3A_327 = arith.constant 112 : index
        %swap3A_328 = tpu.vector_load %arg11[%swap3A_325, %swap3A_326, %swap3A_327] {strides = array<i32>} : memref<2x128x128xf32, #tpu.memory_space<vmem>>, vector<1x1x16xf32>,
        %swap3A_329 = vector.shape_cast %swap3A_328 : vector<1x1x16xf32> to vector<16xf32>
        %swap3A_330 = vector.shape_cast %add3A_323 : vector<16xf32> to vector<1x1x16xf32>
        tpu.vector_store %arg11[%swap3A_325, %swap3A_326, %swap3A_327], %swap3A_330 {strides = array<i32>} : memref<2x128x128xf32, #tpu.memory_space<vmem>>, vector<1x1x16xf32>,
      }
      %scan3A_164 = arith.constant 128 : i32
      %mul3A_165 = arith.constant 128 : i32
      %mul3A_166 = arith.muli %add3A_158, %mul3A_165 : i32
      %min3A_167 = arith.constant 4872 : i32
      %min3A_168 = arith.minsi %mul3A_166, %min3A_167 : i32
      %add3A_169 = arith.addi %mul3A_2, %min3A_168 : i32
      %run_scoped3A_170 = arith.constant 1 : i32
      "tpu.region"() ({
        %run_scoped3A_172 = tpu.sem_alloc : memref<!tpu.dma_semaphore, #tpu.memory_space<semaphore_mem>>
        %dma_start3A_173 = arith.constant 0 : i32
        %dma_start3A_174 = arith.constant 0 : i32
        %dma_start3A_175 = tpu.memref_slice %arg11[%run_scoped3A_170, %dma_start3A_173, %dma_start3A_174] : memref<2x128x128xf32, #tpu.memory_space<vmem>> -> memref<1x128x128xf32, #tpu.memory_space<vmem>>
        %dma_start3A_176 = tpu.memref_squeeze %dma_start3A_175 : memref<1x128x128xf32, #tpu.memory_space<vmem>> -> memref<128x128xf32, #tpu.memory_space<vmem>>
        %dma_start3A_177 = arith.constant 0 : i32
        %dma_start3A_178 = tpu.memref_slice %arg6[%add3A_169, %dma_start3A_177] : memref<160000x128xf32, #tpu.memory_space<hbm>> -> memref<128x128xf32, #tpu.memory_space<hbm>>
        %dma_start3A_179 = arith.constant 0 : i32
        %dma_start3A_180 = tpu.memref_slice %arg6[%add3A_169, %dma_start3A_179] : memref<160000x128xf32, #tpu.memory_space<hbm>> -> memref<128x128xf32, #tpu.memory_space<hbm>>
        %dma_start3A_181 = arith.constant 0 : i32
        %dma_start3A_182 = arith.constant 0 : i32
        %dma_start3A_183 = tpu.memref_slice %arg11[%run_scoped3A_170, %dma_start3A_181, %dma_start3A_182] : memref<2x128x128xf32, #tpu.memory_space<vmem>> -> memref<1x128x128xf32, #tpu.memory_space<vmem>>
        %dma_start3A_184 = tpu.memref_squeeze %dma_start3A_183 : memref<1x128x128xf32, #tpu.memory_space<vmem>> -> memref<128x128xf32, #tpu.memory_space<vmem>>
        tpu.enqueue_dma source(%dma_start3A_184 : memref<128x128xf32, #tpu.memory_space<vmem>>) target(%dma_start3A_180 : memref<128x128xf32, #tpu.memory_space<hbm>>) target_semaphore(%run_scoped3A_172 : memref<!tpu.dma_semaphore, #tpu.memory_space<semaphore_mem>>)
        %dma_wait3A_185 = arith.constant 0 : i32
        %dma_wait3A_186 = arith.constant 0 : i32
        %dma_wait3A_187 = tpu.memref_slice %arg11[%run_scoped3A_170, %dma_wait3A_185, %dma_wait3A_186] : memref<2x128x128xf32, #tpu.memory_space<vmem>> -> memref<1x128x128xf32, #tpu.memory_space<vmem>>
        %dma_wait3A_188 = tpu.memref_squeeze %dma_wait3A_187 : memref<1x128x128xf32, #tpu.memory_space<vmem>> -> memref<128x128xf32, #tpu.memory_space<vmem>>
        %dma_wait3A_189 = arith.constant 0 : i32
        %dma_wait3A_190 = tpu.memref_slice %arg6[%add3A_169, %dma_wait3A_189] : memref<160000x128xf32, #tpu.memory_space<hbm>> -> memref<128x128xf32, #tpu.memory_space<hbm>>
        %dma_wait3A_191 = arith.constant 0 : i32
        %dma_wait3A_192 = tpu.memref_slice %arg6[%add3A_169, %dma_wait3A_191] : memref<160000x128xf32, #tpu.memory_space<hbm>> -> memref<128x128xf32, #tpu.memory_space<hbm>>
        %dma_wait3A_193 = arith.constant 0 : i32
        %dma_wait3A_194 = arith.constant 0 : i32
        %dma_wait3A_195 = tpu.memref_slice %arg11[%run_scoped3A_170, %dma_wait3A_193, %dma_wait3A_194] : memref<2x128x128xf32, #tpu.memory_space<vmem>> -> memref<1x128x128xf32, #tpu.memory_space<vmem>>
        %dma_wait3A_196 = tpu.memref_squeeze %dma_wait3A_195 : memref<1x128x128xf32, #tpu.memory_space<vmem>> -> memref<128x128xf32, #tpu.memory_space<vmem>>
        tpu.wait_dma2 semaphore(%run_scoped3A_172 : memref<!tpu.dma_semaphore, #tpu.memory_space<semaphore_mem>>) src(%dma_wait3A_196 : memref<128x128xf32, #tpu.memory_space<vmem>>) dst(%dma_wait3A_192 : memref<128x128xf32, #tpu.memory_space<hbm>>)
        tpu.yield
      }) : () -> ()
      %scan3A_171 = arith.constant 0 : i32
      scf.yield %scan3A_171 : i32
    }
    %scan3A_27 = arith.constant 20 : i32
    %min3A_28 = arith.constant 5120 : i32
    %min3A_29 = arith.constant 4872 : i32
    %min3A_30 = arith.minsi %min3A_28, %min3A_29 : i32
    %dma_wait3A = arith.constant 0 : i32
    %dma_wait3A_31 = arith.constant 0 : i32
    %dma_wait3A_32 = arith.constant 0 : i32
    %dma_wait3A_33 = tpu.memref_slice %arg9[%dma_wait3A, %dma_wait3A_31, %dma_wait3A_32] : memref<2x128x128xf32, #tpu.memory_space<vmem>> -> memref<1x128x128xf32, #tpu.memory_space<vmem>>
    %dma_wait3A_34 = tpu.memref_squeeze %dma_wait3A_33 : memref<1x128x128xf32, #tpu.memory_space<vmem>> -> memref<128x128xf32, #tpu.memory_space<vmem>>
    %dma_wait3A_35 = tpu.memref_slice %arg7[%min3A_30] : memref<5000xi32, #tpu.memory_space<vmem>> -> memref<128xi32, #tpu.memory_space<vmem>>
    %dma_wait3A_36 = arith.constant 0 : i32
    %dma_wait3A_37 = arith.constant 0 : i32
    %dma_wait3A_38 = tpu.memref_slice %arg2[%dma_wait3A_36, %dma_wait3A_37] : memref<10000x128xf32, #tpu.memory_space<hbm>> -> memref<10000x128xf32, #tpu.memory_space<hbm>>
    tpu.wait_indirect_dma semaphore(%arg12 : memref<!tpu.dma_semaphore, #tpu.memory_space<semaphore_mem>>) src(%dma_wait3A_38 : memref<10000x128xf32, #tpu.memory_space<hbm>>) dst(%dma_wait3A_34 : memref<128x128xf32, #tpu.memory_space<vmem>>)
    %dma_wait3A_39 = arith.constant 0 : i32
    %dma_wait3A_40 = arith.constant 0 : i32
    %dma_wait3A_41 = arith.constant 0 : i32
    %dma_wait3A_42 = tpu.memref_slice %arg10[%dma_wait3A_39, %dma_wait3A_40, %dma_wait3A_41] : memref<2x128x128xf32, #tpu.memory_space<vmem>> -> memref<1x128x128xf32, #tpu.memory_space<vmem>>
    %dma_wait3A_43 = tpu.memref_squeeze %dma_wait3A_42 : memref<1x128x128xf32, #tpu.memory_space<vmem>> -> memref<128x128xf32, #tpu.memory_space<vmem>>
    %dma_wait3A_44 = tpu.memref_slice %arg8[%min3A_30] : memref<5000xi32, #tpu.memory_space<vmem>> -> memref<128xi32, #tpu.memory_space<vmem>>
    %dma_wait3A_45 = arith.constant 0 : i32
    %dma_wait3A_46 = arith.constant 0 : i32
    %dma_wait3A_47 = tpu.memref_slice %arg3[%dma_wait3A_45, %dma_wait3A_46] : memref<10000x128xf32, #tpu.memory_space<hbm>> -> memref<10000x128xf32, #tpu.memory_space<hbm>>
    tpu.wait_indirect_dma semaphore(%arg12 : memref<!tpu.dma_semaphore, #tpu.memory_space<semaphore_mem>>) src(%dma_wait3A_47 : memref<10000x128xf32, #tpu.memory_space<hbm>>) dst(%dma_wait3A_43 : memref<128x128xf32, #tpu.memory_space<vmem>>)
    return
  }
}

#map = affine_map<(d0, d1) -> (0, 0)>
#map1 = affine_map<(d0, d1) -> (0)>
module attributes {stable_mosaic.version = 14 : i64} {
  func.func @k(%arg0: i32, %arg1: i32, %arg2: memref<10000x128xf32, #tpu.memory_space<hbm>>, %arg3: memref<10000x128xf32, #tpu.memory_space<hbm>>, %arg4: memref<160000xi32, #tpu.memory_space<hbm>>, %arg5: memref<160000xi32, #tpu.memory_space<hbm>>, %arg6: memref<160000x128xf32, #tpu.memory_space<hbm>>, %arg7: memref<5000xi32, #tpu.memory_space<vmem>>, %arg8: memref<5000xi32, #tpu.memory_space<vmem>>, %arg9: memref<2x128x128xf32, #tpu.memory_space<vmem>>, %arg10: memref<2x128x128xf32, #tpu.memory_space<vmem>>, %arg11: memref<2x128x128xf32, #tpu.memory_space<vmem>>, %arg12: memref<!tpu.dma_semaphore, #tpu.memory_space<semaphore_mem>>, %arg13: memref<!tpu.dma_semaphore, #tpu.memory_space<semaphore_mem>>) attributes {dimension_semantics = [#tpu.dimension_semantics<core_parallel>, #tpu.dimension_semantics<subcore_parallel>], iteration_bounds = array<i64: 2, 16>, scalar_prefetch = 0 : i64, scratch_operands = 7 : i64, tpu.core_type = #tpu.core_type<sc_vector_subcore>, window_params = [{transform_indices = #map}, {transform_indices = #map}, {transform_indices = #map1}, {transform_indices = #map1}, {transform_indices = #map}]} {
    %mul3A = arith.constant 2 : i32
    %mul3A_0 = arith.muli %arg1, %mul3A : i32
    %add3A = arith.addi %mul3A_0, %arg0 : i32
    %mul3A_1 = arith.constant 5000 : i32
    %mul3A_2 = arith.muli %add3A, %mul3A_1 : i32
    "tpu.region"() ({
      %run_scoped3A = tpu.sem_alloc : memref<!tpu.dma_semaphore, #tpu.memory_space<semaphore_mem>>
      %dma_start3A_48 = tpu.memref_slice %arg4[%mul3A_2] : memref<160000xi32, #tpu.memory_space<hbm>> -> memref<5000xi32, #tpu.memory_space<hbm>>
      %dma_start3A_49 = tpu.memref_slice %arg4[%mul3A_2] : memref<160000xi32, #tpu.memory_space<hbm>> -> memref<5000xi32, #tpu.memory_space<hbm>>
      tpu.enqueue_dma source(%dma_start3A_49 : memref<5000xi32, #tpu.memory_space<hbm>>) target(%arg7 : memref<5000xi32, #tpu.memory_space<vmem>>) target_semaphore(%run_scoped3A : memref<!tpu.dma_semaphore, #tpu.memory_space<semaphore_mem>>)
      %dma_wait3A_50 = tpu.memref_slice %arg4[%mul3A_2] : memref<160000xi32, #tpu.memory_space<hbm>> -> memref<5000xi32, #tpu.memory_space<hbm>>
      %dma_wait3A_51 = tpu.memref_slice %arg4[%mul3A_2] : memref<160000xi32, #tpu.memory_space<hbm>> -> memref<5000xi32, #tpu.memory_space<hbm>>
      tpu.wait_dma2 semaphore(%run_scoped3A : memref<!tpu.dma_semaphore, #tpu.memory_space<semaphore_mem>>) src(%dma_wait3A_51 : memref<5000xi32, #tpu.memory_space<hbm>>) dst(%arg7 : memref<5000xi32, #tpu.memory_space<vmem>>)
      tpu.yield
    }) : () -> ()
    "tpu.region"() ({
      %run_scoped3A = tpu.sem_alloc : memref<!tpu.dma_semaphore, #tpu.memory_space<semaphore_mem>>
      %dma_start3A_48 = tpu.memref_slice %arg5[%mul3A_2] : memref<160000xi32, #tpu.memory_space<hbm>> -> memref<5000xi32, #tpu.memory_space<hbm>>
      %dma_start3A_49 = tpu.memref_slice %arg5[%mul3A_2] : memref<160000xi32, #tpu.memory_space<hbm>> -> memref<5000xi32, #tpu.memory_space<hbm>>
      tpu.enqueue_dma source(%dma_start3A_49 : memref<5000xi32, #tpu.memory_space<hbm>>) target(%arg8 : memref<5000xi32, #tpu.memory_space<vmem>>) target_semaphore(%run_scoped3A : memref<!tpu.dma_semaphore, #tpu.memory_space<semaphore_mem>>)
      %dma_wait3A_50 = tpu.memref_slice %arg5[%mul3A_2] : memref<160000xi32, #tpu.memory_space<hbm>> -> memref<5000xi32, #tpu.memory_space<hbm>>
      %dma_wait3A_51 = tpu.memref_slice %arg5[%mul3A_2] : memref<160000xi32, #tpu.memory_space<hbm>> -> memref<5000xi32, #tpu.memory_space<hbm>>
      tpu.wait_dma2 semaphore(%run_scoped3A : memref<!tpu.dma_semaphore, #tpu.memory_space<semaphore_mem>>) src(%dma_wait3A_51 : memref<5000xi32, #tpu.memory_space<hbm>>) dst(%arg8 : memref<5000xi32, #tpu.memory_space<vmem>>)
      tpu.yield
    }) : () -> ()
    %min3A = arith.constant 0 : i32
    %min3A_3 = arith.constant 4872 : i32
    %min3A_4 = arith.minsi %min3A, %min3A_3 : i32
    %dma_start3A = arith.constant 0 : i32
    %dma_start3A_5 = arith.constant 0 : i32
    %dma_start3A_6 = arith.constant 0 : i32
    %dma_start3A_7 = tpu.memref_slice %arg9[%dma_start3A, %dma_start3A_5, %dma_start3A_6] : memref<2x128x128xf32, #tpu.memory_space<vmem>> -> memref<1x128x128xf32, #tpu.memory_space<vmem>>
    %dma_start3A_8 = tpu.memref_squeeze %dma_start3A_7 : memref<1x128x128xf32, #tpu.memory_space<vmem>> -> memref<128x128xf32, #tpu.memory_space<vmem>>
    %dma_start3A_9 = tpu.memref_slice %arg7[%min3A_4] : memref<5000xi32, #tpu.memory_space<vmem>> -> memref<128xi32, #tpu.memory_space<vmem>>
    %dma_start3A_10 = arith.constant 0 : i32
    %dma_start3A_11 = arith.constant 0 : i32
    %dma_start3A_12 = tpu.memref_slice %arg2[%dma_start3A_10, %dma_start3A_11] : memref<10000x128xf32, #tpu.memory_space<hbm>> -> memref<10000x128xf32, #tpu.memory_space<hbm>>
    tpu.enqueue_indirect_dma source(%dma_start3A_12 : memref<10000x128xf32, #tpu.memory_space<hbm>>) target(%dma_start3A_8 : memref<128x128xf32, #tpu.memory_space<vmem>>) offsets(%dma_start3A_9 : memref<128xi32, #tpu.memory_space<vmem>>) semaphore(%arg12 : memref<!tpu.dma_semaphore, #tpu.memory_space<semaphore_mem>>)
    %dma_start3A_13 = arith.constant 0 : i32
    %dma_start3A_14 = arith.constant 0 : i32
    %dma_start3A_15 = arith.constant 0 : i32
    %dma_start3A_16 = tpu.memref_slice %arg10[%dma_start3A_13, %dma_start3A_14, %dma_start3A_15] : memref<2x128x128xf32, #tpu.memory_space<vmem>> -> memref<1x128x128xf32, #tpu.memory_space<vmem>>
    %dma_start3A_17 = tpu.memref_squeeze %dma_start3A_16 : memref<1x128x128xf32, #tpu.memory_space<vmem>> -> memref<128x128xf32, #tpu.memory_space<vmem>>
    %dma_start3A_18 = tpu.memref_slice %arg8[%min3A_4] : memref<5000xi32, #tpu.memory_space<vmem>> -> memref<128xi32, #tpu.memory_space<vmem>>
    %dma_start3A_19 = arith.constant 0 : i32
    %dma_start3A_20 = arith.constant 0 : i32
    %dma_start3A_21 = tpu.memref_slice %arg3[%dma_start3A_19, %dma_start3A_20] : memref<10000x128xf32, #tpu.memory_space<hbm>> -> memref<10000x128xf32, #tpu.memory_space<hbm>>
    tpu.enqueue_indirect_dma source(%dma_start3A_21 : memref<10000x128xf32, #tpu.memory_space<hbm>>) target(%dma_start3A_17 : memref<128x128xf32, #tpu.memory_space<vmem>>) offsets(%dma_start3A_18 : memref<128xi32, #tpu.memory_space<vmem>>) semaphore(%arg12 : memref<!tpu.dma_semaphore, #tpu.memory_space<semaphore_mem>>)
    %scan3A = arith.constant 0 : i32
    %scan3A_22 = arith.constant 0 : i32
    %scan3A_23 = arith.constant 20 : i32
    %scan3A_24 = arith.addi %scan3A_22, %scan3A_23 : i32
    %scan3A_25 = arith.constant 1 : i32
    %scan3A_26 = scf.for %scan3A_48 = %scan3A_22 to %scan3A_24 step %scan3A_25 iter_args(%scan3A_49 = %scan3A) -> (i32)  : i32 {
      %mul3A_50 = arith.constant 2 : i32
      %mul3A_51 = arith.muli %scan3A_48, %mul3A_50 : i32
      %add3A_52 = arith.constant 1 : i32
      %add3A_53 = arith.addi %mul3A_51, %add3A_52 : i32
      %mul3A_54 = arith.constant 128 : i32
      %mul3A_55 = arith.muli %add3A_53, %mul3A_54 : i32
      %min3A_56 = arith.constant 4872 : i32
      %min3A_57 = arith.minsi %mul3A_55, %min3A_56 : i32
      %dma_start3A_58 = arith.constant 1 : i32
      %dma_start3A_59 = arith.constant 0 : i32
      %dma_start3A_60 = arith.constant 0 : i32
      %dma_start3A_61 = tpu.memref_slice %arg9[%dma_start3A_58, %dma_start3A_59, %dma_start3A_60] : memref<2x128x128xf32, #tpu.memory_space<vmem>> -> memref<1x128x128xf32, #tpu.memory_space<vmem>>
      %dma_start3A_62 = tpu.memref_squeeze %dma_start3A_61 : memref<1x128x128xf32, #tpu.memory_space<vmem>> -> memref<128x128xf32, #tpu.memory_space<vmem>>
      %dma_start3A_63 = tpu.memref_slice %arg7[%min3A_57] : memref<5000xi32, #tpu.memory_space<vmem>> -> memref<128xi32, #tpu.memory_space<vmem>>
      %dma_start3A_64 = arith.constant 0 : i32
      %dma_start3A_65 = arith.constant 0 : i32
      %dma_start3A_66 = tpu.memref_slice %arg2[%dma_start3A_64, %dma_start3A_65] : memref<10000x128xf32, #tpu.memory_space<hbm>> -> memref<10000x128xf32, #tpu.memory_space<hbm>>
      tpu.enqueue_indirect_dma source(%dma_start3A_66 : memref<10000x128xf32, #tpu.memory_space<hbm>>) target(%dma_start3A_62 : memref<128x128xf32, #tpu.memory_space<vmem>>) offsets(%dma_start3A_63 : memref<128xi32, #tpu.memory_space<vmem>>) semaphore(%arg13 : memref<!tpu.dma_semaphore, #tpu.memory_space<semaphore_mem>>)
      %dma_start3A_67 = arith.constant 1 : i32
      %dma_start3A_68 = arith.constant 0 : i32
      %dma_start3A_69 = arith.constant 0 : i32
      %dma_start3A_70 = tpu.memref_slice %arg10[%dma_start3A_67, %dma_start3A_68, %dma_start3A_69] : memref<2x128x128xf32, #tpu.memory_space<vmem>> -> memref<1x128x128xf32, #tpu.memory_space<vmem>>
      %dma_start3A_71 = tpu.memref_squeeze %dma_start3A_70 : memref<1x128x128xf32, #tpu.memory_space<vmem>> -> memref<128x128xf32, #tpu.memory_space<vmem>>
      %dma_start3A_72 = tpu.memref_slice %arg8[%min3A_57] : memref<5000xi32, #tpu.memory_space<vmem>> -> memref<128xi32, #tpu.memory_space<vmem>>
      %dma_start3A_73 = arith.constant 0 : i32
      %dma_start3A_74 = arith.constant 0 : i32
      %dma_start3A_75 = tpu.memref_slice %arg3[%dma_start3A_73, %dma_start3A_74] : memref<10000x128xf32, #tpu.memory_space<hbm>> -> memref<10000x128xf32, #tpu.memory_space<hbm>>
      tpu.enqueue_indirect_dma source(%dma_start3A_75 : memref<10000x128xf32, #tpu.memory_space<hbm>>) target(%dma_start3A_71 : memref<128x128xf32, #tpu.memory_space<vmem>>) offsets(%dma_start3A_72 : memref<128xi32, #tpu.memory_space<vmem>>) semaphore(%arg13 : memref<!tpu.dma_semaphore, #tpu.memory_space<semaphore_mem>>)
      %mul3A_76 = arith.constant 128 : i32
      %mul3A_77 = arith.muli %mul3A_51, %mul3A_76 : i32
      %min3A_78 = arith.constant 4872 : i32
      %min3A_79 = arith.minsi %mul3A_77, %min3A_78 : i32
      %dma_wait3A_80 = arith.constant 0 : i32
      %dma_wait3A_81 = arith.constant 0 : i32
      %dma_wait3A_82 = arith.constant 0 : i32
      %dma_wait3A_83 = tpu.memref_slice %arg9[%dma_wait3A_80, %dma_wait3A_81, %dma_wait3A_82] : memref<2x128x128xf32, #tpu.memory_space<vmem>> -> memref<1x128x128xf32, #tpu.memory_space<vmem>>
      %dma_wait3A_84 = tpu.memref_squeeze %dma_wait3A_83 : memref<1x128x128xf32, #tpu.memory_space<vmem>> -> memref<128x128xf32, #tpu.memory_space<vmem>>
      %dma_wait3A_85 = tpu.memref_slice %arg7[%min3A_79] : memref<5000xi32, #tpu.memory_space<vmem>> -> memref<128xi32, #tpu.memory_space<vmem>>
      %dma_wait3A_86 = arith.constant 0 : i32
      %dma_wait3A_87 = arith.constant 0 : i32
      %dma_wait3A_88 = tpu.memref_slice %arg2[%dma_wait3A_86, %dma_wait3A_87] : memref<10000x128xf32, #tpu.memory_space<hbm>> -> memref<10000x128xf32, #tpu.memory_space<hbm>>
      tpu.wait_indirect_dma semaphore(%arg12 : memref<!tpu.dma_semaphore, #tpu.memory_space<semaphore_mem>>) src(%dma_wait3A_88 : memref<10000x128xf32, #tpu.memory_space<hbm>>) dst(%dma_wait3A_84 : memref<128x128xf32, #tpu.memory_space<vmem>>)
      %dma_wait3A_89 = arith.constant 0 : i32
      %dma_wait3A_90 = arith.constant 0 : i32
      %dma_wait3A_91 = arith.constant 0 : i32
      %dma_wait3A_92 = tpu.memref_slice %arg10[%dma_wait3A_89, %dma_wait3A_90, %dma_wait3A_91] : memref<2x128x128xf32, #tpu.memory_space<vmem>> -> memref<1x128x128xf32, #tpu.memory_space<vmem>>
      %dma_wait3A_93 = tpu.memref_squeeze %dma_wait3A_92 : memref<1x128x128xf32, #tpu.memory_space<vmem>> -> memref<128x128xf32, #tpu.memory_space<vmem>>
      %dma_wait3A_94 = tpu.memref_slice %arg8[%min3A_79] : memref<5000xi32, #tpu.memory_space<vmem>> -> memref<128xi32, #tpu.memory_space<vmem>>
      %dma_wait3A_95 = arith.constant 0 : i32
      %dma_wait3A_96 = arith.constant 0 : i32
      %dma_wait3A_97 = tpu.memref_slice %arg3[%dma_wait3A_95, %dma_wait3A_96] : memref<10000x128xf32, #tpu.memory_space<hbm>> -> memref<10000x128xf32, #tpu.memory_space<hbm>>
      tpu.wait_indirect_dma semaphore(%arg12 : memref<!tpu.dma_semaphore, #tpu.memory_space<semaphore_mem>>) src(%dma_wait3A_97 : memref<10000x128xf32, #tpu.memory_space<hbm>>) dst(%dma_wait3A_93 : memref<128x128xf32, #tpu.memory_space<vmem>>)
      %scan3A_98 = arith.constant 0 : i32
      %scan3A_99 = arith.constant 0 : i32
      %scan3A_100 = arith.constant 128 : i32
      %scan3A_101 = arith.addi %scan3A_99, %scan3A_100 : i32
      %scan3A_102 = arith.constant 1 : i32
      scf.for %scan3A_172 = %scan3A_99 to %scan3A_101 step %scan3A_102  : i32 {
        %get3A = arith.constant 0 : i32
        %get3A_173 = arith.index_cast %get3A : i32 to index
        %get3A_174 = arith.index_cast %scan3A_172 : i32 to index
        %get3A_175 = arith.constant 0 : index
        %get3A_176 = tpu.vector_load %arg9[%get3A_173, %get3A_174, %get3A_175] {strides = array<i32>} : memref<2x128x128xf32, #tpu.memory_space<vmem>>, vector<1x1x16xf32>,
        %get3A_177 = vector.shape_cast %get3A_176 : vector<1x1x16xf32> to vector<16xf32>
        %get3A_178 = arith.constant 0 : i32
        %get3A_179 = arith.index_cast %get3A_178 : i32 to index
        %get3A_180 = arith.index_cast %scan3A_172 : i32 to index
        %get3A_181 = arith.constant 0 : index
        %get3A_182 = tpu.vector_load %arg10[%get3A_179, %get3A_180, %get3A_181] {strides = array<i32>} : memref<2x128x128xf32, #tpu.memory_space<vmem>>, vector<1x1x16xf32>,
        %get3A_183 = vector.shape_cast %get3A_182 : vector<1x1x16xf32> to vector<16xf32>
        %add3A_184 = arith.addf %get3A_177, %get3A_183 : vector<16xf32>
        %swap3A = arith.constant 0 : i32
        %swap3A_185 = arith.index_cast %swap3A : i32 to index
        %swap3A_186 = arith.index_cast %scan3A_172 : i32 to index
        %swap3A_187 = arith.constant 0 : index
        %swap3A_188 = tpu.vector_load %arg11[%swap3A_185, %swap3A_186, %swap3A_187] {strides = array<i32>} : memref<2x128x128xf32, #tpu.memory_space<vmem>>, vector<1x1x16xf32>,
        %swap3A_189 = vector.shape_cast %swap3A_188 : vector<1x1x16xf32> to vector<16xf32>
        %swap3A_190 = vector.shape_cast %add3A_184 : vector<16xf32> to vector<1x1x16xf32>
        tpu.vector_store %arg11[%swap3A_185, %swap3A_186, %swap3A_187], %swap3A_190 {strides = array<i32>} : memref<2x128x128xf32, #tpu.memory_space<vmem>>, vector<1x1x16xf32>,
        %get3A_191 = arith.constant 0 : i32
        %get3A_192 = arith.index_cast %get3A_191 : i32 to index
        %get3A_193 = arith.index_cast %scan3A_172 : i32 to index
        %get3A_194 = arith.constant 16 : index
        %get3A_195 = tpu.vector_load %arg9[%get3A_192, %get3A_193, %get3A_194] {strides = array<i32>} : memref<2x128x128xf32, #tpu.memory_space<vmem>>, vector<1x1x16xf32>,
        %get3A_196 = vector.shape_cast %get3A_195 : vector<1x1x16xf32> to vector<16xf32>
        %get3A_197 = arith.constant 0 : i32
        %get3A_198 = arith.index_cast %get3A_197 : i32 to index
        %get3A_199 = arith.index_cast %scan3A_172 : i32 to index
        %get3A_200 = arith.constant 16 : index
        %get3A_201 = tpu.vector_load %arg10[%get3A_198, %get3A_199, %get3A_200] {strides = array<i32>} : memref<2x128x128xf32, #tpu.memory_space<vmem>>, vector<1x1x16xf32>,
        %get3A_202 = vector.shape_cast %get3A_201 : vector<1x1x16xf32> to vector<16xf32>
        %add3A_203 = arith.addf %get3A_196, %get3A_202 : vector<16xf32>
        %swap3A_204 = arith.constant 0 : i32
        %swap3A_205 = arith.index_cast %swap3A_204 : i32 to index
        %swap3A_206 = arith.index_cast %scan3A_172 : i32 to index
        %swap3A_207 = arith.constant 16 : index
        %swap3A_208 = tpu.vector_load %arg11[%swap3A_205, %swap3A_206, %swap3A_207] {strides = array<i32>} : memref<2x128x128xf32, #tpu.memory_space<vmem>>, vector<1x1x16xf32>,
        %swap3A_209 = vector.shape_cast %swap3A_208 : vector<1x1x16xf32> to vector<16xf32>
        %swap3A_210 = vector.shape_cast %add3A_203 : vector<16xf32> to vector<1x1x16xf32>
        tpu.vector_store %arg11[%swap3A_205, %swap3A_206, %swap3A_207], %swap3A_210 {strides = array<i32>} : memref<2x128x128xf32, #tpu.memory_space<vmem>>, vector<1x1x16xf32>,
        %get3A_211 = arith.constant 0 : i32
        %get3A_212 = arith.index_cast %get3A_211 : i32 to index
        %get3A_213 = arith.index_cast %scan3A_172 : i32 to index
        %get3A_214 = arith.constant 32 : index
        %get3A_215 = tpu.vector_load %arg9[%get3A_212, %get3A_213, %get3A_214] {strides = array<i32>} : memref<2x128x128xf32, #tpu.memory_space<vmem>>, vector<1x1x16xf32>,
        %get3A_216 = vector.shape_cast %get3A_215 : vector<1x1x16xf32> to vector<16xf32>
        %get3A_217 = arith.constant 0 : i32
        %get3A_218 = arith.index_cast %get3A_217 : i32 to index
        %get3A_219 = arith.index_cast %scan3A_172 : i32 to index
        %get3A_220 = arith.constant 32 : index
        %get3A_221 = tpu.vector_load %arg10[%get3A_218, %get3A_219, %get3A_220] {strides = array<i32>} : memref<2x128x128xf32, #tpu.memory_space<vmem>>, vector<1x1x16xf32>,
        %get3A_222 = vector.shape_cast %get3A_221 : vector<1x1x16xf32> to vector<16xf32>
        %add3A_223 = arith.addf %get3A_216, %get3A_222 : vector<16xf32>
        %swap3A_224 = arith.constant 0 : i32
        %swap3A_225 = arith.index_cast %swap3A_224 : i32 to index
        %swap3A_226 = arith.index_cast %scan3A_172 : i32 to index
        %swap3A_227 = arith.constant 32 : index
        %swap3A_228 = tpu.vector_load %arg11[%swap3A_225, %swap3A_226, %swap3A_227] {strides = array<i32>} : memref<2x128x128xf32, #tpu.memory_space<vmem>>, vector<1x1x16xf32>,
        %swap3A_229 = vector.shape_cast %swap3A_228 : vector<1x1x16xf32> to vector<16xf32>
        %swap3A_230 = vector.shape_cast %add3A_223 : vector<16xf32> to vector<1x1x16xf32>
        tpu.vector_store %arg11[%swap3A_225, %swap3A_226, %swap3A_227], %swap3A_230 {strides = array<i32>} : memref<2x128x128xf32, #tpu.memory_space<vmem>>, vector<1x1x16xf32>,
        %get3A_231 = arith.constant 0 : i32
        %get3A_232 = arith.index_cast %get3A_231 : i32 to index
        %get3A_233 = arith.index_cast %scan3A_172 : i32 to index
        %get3A_234 = arith.constant 48 : index
        %get3A_235 = tpu.vector_load %arg9[%get3A_232, %get3A_233, %get3A_234] {strides = array<i32>} : memref<2x128x128xf32, #tpu.memory_space<vmem>>, vector<1x1x16xf32>,
        %get3A_236 = vector.shape_cast %get3A_235 : vector<1x1x16xf32> to vector<16xf32>
        %get3A_237 = arith.constant 0 : i32
        %get3A_238 = arith.index_cast %get3A_237 : i32 to index
        %get3A_239 = arith.index_cast %scan3A_172 : i32 to index
        %get3A_240 = arith.constant 48 : index
        %get3A_241 = tpu.vector_load %arg10[%get3A_238, %get3A_239, %get3A_240] {strides = array<i32>} : memref<2x128x128xf32, #tpu.memory_space<vmem>>, vector<1x1x16xf32>,
        %get3A_242 = vector.shape_cast %get3A_241 : vector<1x1x16xf32> to vector<16xf32>
        %add3A_243 = arith.addf %get3A_236, %get3A_242 : vector<16xf32>
        %swap3A_244 = arith.constant 0 : i32
        %swap3A_245 = arith.index_cast %swap3A_244 : i32 to index
        %swap3A_246 = arith.index_cast %scan3A_172 : i32 to index
        %swap3A_247 = arith.constant 48 : index
        %swap3A_248 = tpu.vector_load %arg11[%swap3A_245, %swap3A_246, %swap3A_247] {strides = array<i32>} : memref<2x128x128xf32, #tpu.memory_space<vmem>>, vector<1x1x16xf32>,
        %swap3A_249 = vector.shape_cast %swap3A_248 : vector<1x1x16xf32> to vector<16xf32>
        %swap3A_250 = vector.shape_cast %add3A_243 : vector<16xf32> to vector<1x1x16xf32>
        tpu.vector_store %arg11[%swap3A_245, %swap3A_246, %swap3A_247], %swap3A_250 {strides = array<i32>} : memref<2x128x128xf32, #tpu.memory_space<vmem>>, vector<1x1x16xf32>,
        %get3A_251 = arith.constant 0 : i32
        %get3A_252 = arith.index_cast %get3A_251 : i32 to index
        %get3A_253 = arith.index_cast %scan3A_172 : i32 to index
        %get3A_254 = arith.constant 64 : index
        %get3A_255 = tpu.vector_load %arg9[%get3A_252, %get3A_253, %get3A_254] {strides = array<i32>} : memref<2x128x128xf32, #tpu.memory_space<vmem>>, vector<1x1x16xf32>,
        %get3A_256 = vector.shape_cast %get3A_255 : vector<1x1x16xf32> to vector<16xf32>
        %get3A_257 = arith.constant 0 : i32
        %get3A_258 = arith.index_cast %get3A_257 : i32 to index
        %get3A_259 = arith.index_cast %scan3A_172 : i32 to index
        %get3A_260 = arith.constant 64 : index
        %get3A_261 = tpu.vector_load %arg10[%get3A_258, %get3A_259, %get3A_260] {strides = array<i32>} : memref<2x128x128xf32, #tpu.memory_space<vmem>>, vector<1x1x16xf32>,
        %get3A_262 = vector.shape_cast %get3A_261 : vector<1x1x16xf32> to vector<16xf32>
        %add3A_263 = arith.addf %get3A_256, %get3A_262 : vector<16xf32>
        %swap3A_264 = arith.constant 0 : i32
        %swap3A_265 = arith.index_cast %swap3A_264 : i32 to index
        %swap3A_266 = arith.index_cast %scan3A_172 : i32 to index
        %swap3A_267 = arith.constant 64 : index
        %swap3A_268 = tpu.vector_load %arg11[%swap3A_265, %swap3A_266, %swap3A_267] {strides = array<i32>} : memref<2x128x128xf32, #tpu.memory_space<vmem>>, vector<1x1x16xf32>,
        %swap3A_269 = vector.shape_cast %swap3A_268 : vector<1x1x16xf32> to vector<16xf32>
        %swap3A_270 = vector.shape_cast %add3A_263 : vector<16xf32> to vector<1x1x16xf32>
        tpu.vector_store %arg11[%swap3A_265, %swap3A_266, %swap3A_267], %swap3A_270 {strides = array<i32>} : memref<2x128x128xf32, #tpu.memory_space<vmem>>, vector<1x1x16xf32>,
        %get3A_271 = arith.constant 0 : i32
        %get3A_272 = arith.index_cast %get3A_271 : i32 to index
        %get3A_273 = arith.index_cast %scan3A_172 : i32 to index
        %get3A_274 = arith.constant 80 : index
        %get3A_275 = tpu.vector_load %arg9[%get3A_272, %get3A_273, %get3A_274] {strides = array<i32>} : memref<2x128x128xf32, #tpu.memory_space<vmem>>, vector<1x1x16xf32>,
        %get3A_276 = vector.shape_cast %get3A_275 : vector<1x1x16xf32> to vector<16xf32>
        %get3A_277 = arith.constant 0 : i32
        %get3A_278 = arith.index_cast %get3A_277 : i32 to index
        %get3A_279 = arith.index_cast %scan3A_172 : i32 to index
        %get3A_280 = arith.constant 80 : index
        %get3A_281 = tpu.vector_load %arg10[%get3A_278, %get3A_279, %get3A_280] {strides = array<i32>} : memref<2x128x128xf32, #tpu.memory_space<vmem>>, vector<1x1x16xf32>,
        %get3A_282 = vector.shape_cast %get3A_281 : vector<1x1x16xf32> to vector<16xf32>
        %add3A_283 = arith.addf %get3A_276, %get3A_282 : vector<16xf32>
        %swap3A_284 = arith.constant 0 : i32
        %swap3A_285 = arith.index_cast %swap3A_284 : i32 to index
        %swap3A_286 = arith.index_cast %scan3A_172 : i32 to index
        %swap3A_287 = arith.constant 80 : index
        %swap3A_288 = tpu.vector_load %arg11[%swap3A_285, %swap3A_286, %swap3A_287] {strides = array<i32>} : memref<2x128x128xf32, #tpu.memory_space<vmem>>, vector<1x1x16xf32>,
        %swap3A_289 = vector.shape_cast %swap3A_288 : vector<1x1x16xf32> to vector<16xf32>
        %swap3A_290 = vector.shape_cast %add3A_283 : vector<16xf32> to vector<1x1x16xf32>
        tpu.vector_store %arg11[%swap3A_285, %swap3A_286, %swap3A_287], %swap3A_290 {strides = array<i32>} : memref<2x128x128xf32, #tpu.memory_space<vmem>>, vector<1x1x16xf32>,
        %get3A_291 = arith.constant 0 : i32
        %get3A_292 = arith.index_cast %get3A_291 : i32 to index
        %get3A_293 = arith.index_cast %scan3A_172 : i32 to index
        %get3A_294 = arith.constant 96 : index
        %get3A_295 = tpu.vector_load %arg9[%get3A_292, %get3A_293, %get3A_294] {strides = array<i32>} : memref<2x128x128xf32, #tpu.memory_space<vmem>>, vector<1x1x16xf32>,
        %get3A_296 = vector.shape_cast %get3A_295 : vector<1x1x16xf32> to vector<16xf32>
        %get3A_297 = arith.constant 0 : i32
        %get3A_298 = arith.index_cast %get3A_297 : i32 to index
        %get3A_299 = arith.index_cast %scan3A_172 : i32 to index
        %get3A_300 = arith.constant 96 : index
        %get3A_301 = tpu.vector_load %arg10[%get3A_298, %get3A_299, %get3A_300] {strides = array<i32>} : memref<2x128x128xf32, #tpu.memory_space<vmem>>, vector<1x1x16xf32>,
        %get3A_302 = vector.shape_cast %get3A_301 : vector<1x1x16xf32> to vector<16xf32>
        %add3A_303 = arith.addf %get3A_296, %get3A_302 : vector<16xf32>
        %swap3A_304 = arith.constant 0 : i32
        %swap3A_305 = arith.index_cast %swap3A_304 : i32 to index
        %swap3A_306 = arith.index_cast %scan3A_172 : i32 to index
        %swap3A_307 = arith.constant 96 : index
        %swap3A_308 = tpu.vector_load %arg11[%swap3A_305, %swap3A_306, %swap3A_307] {strides = array<i32>} : memref<2x128x128xf32, #tpu.memory_space<vmem>>, vector<1x1x16xf32>,
        %swap3A_309 = vector.shape_cast %swap3A_308 : vector<1x1x16xf32> to vector<16xf32>
        %swap3A_310 = vector.shape_cast %add3A_303 : vector<16xf32> to vector<1x1x16xf32>
        tpu.vector_store %arg11[%swap3A_305, %swap3A_306, %swap3A_307], %swap3A_310 {strides = array<i32>} : memref<2x128x128xf32, #tpu.memory_space<vmem>>, vector<1x1x16xf32>,
        %get3A_311 = arith.constant 0 : i32
        %get3A_312 = arith.index_cast %get3A_311 : i32 to index
        %get3A_313 = arith.index_cast %scan3A_172 : i32 to index
        %get3A_314 = arith.constant 112 : index
        %get3A_315 = tpu.vector_load %arg9[%get3A_312, %get3A_313, %get3A_314] {strides = array<i32>} : memref<2x128x128xf32, #tpu.memory_space<vmem>>, vector<1x1x16xf32>,
        %get3A_316 = vector.shape_cast %get3A_315 : vector<1x1x16xf32> to vector<16xf32>
        %get3A_317 = arith.constant 0 : i32
        %get3A_318 = arith.index_cast %get3A_317 : i32 to index
        %get3A_319 = arith.index_cast %scan3A_172 : i32 to index
        %get3A_320 = arith.constant 112 : index
        %get3A_321 = tpu.vector_load %arg10[%get3A_318, %get3A_319, %get3A_320] {strides = array<i32>} : memref<2x128x128xf32, #tpu.memory_space<vmem>>, vector<1x1x16xf32>,
        %get3A_322 = vector.shape_cast %get3A_321 : vector<1x1x16xf32> to vector<16xf32>
        %add3A_323 = arith.addf %get3A_316, %get3A_322 : vector<16xf32>
        %swap3A_324 = arith.constant 0 : i32
        %swap3A_325 = arith.index_cast %swap3A_324 : i32 to index
        %swap3A_326 = arith.index_cast %scan3A_172 : i32 to index
        %swap3A_327 = arith.constant 112 : index
        %swap3A_328 = tpu.vector_load %arg11[%swap3A_325, %swap3A_326, %swap3A_327] {strides = array<i32>} : memref<2x128x128xf32, #tpu.memory_space<vmem>>, vector<1x1x16xf32>,
        %swap3A_329 = vector.shape_cast %swap3A_328 : vector<1x1x16xf32> to vector<16xf32>
        %swap3A_330 = vector.shape_cast %add3A_323 : vector<16xf32> to vector<1x1x16xf32>
        tpu.vector_store %arg11[%swap3A_325, %swap3A_326, %swap3A_327], %swap3A_330 {strides = array<i32>} : memref<2x128x128xf32, #tpu.memory_space<vmem>>, vector<1x1x16xf32>,
      }
      %scan3A_103 = arith.constant 128 : i32
      %mul3A_104 = arith.constant 128 : i32
      %mul3A_105 = arith.muli %mul3A_51, %mul3A_104 : i32
      %min3A_106 = arith.constant 4872 : i32
      %min3A_107 = arith.minsi %mul3A_105, %min3A_106 : i32
      %add3A_108 = arith.addi %mul3A_2, %min3A_107 : i32
      %run_scoped3A = arith.constant 0 : i32
      "tpu.region"() ({
        %run_scoped3A_172 = tpu.sem_alloc : memref<!tpu.dma_semaphore, #tpu.memory_space<semaphore_mem>>
        %dma_start3A_173 = arith.constant 0 : i32
        %dma_start3A_174 = arith.constant 0 : i32
        %dma_start3A_175 = tpu.memref_slice %arg11[%run_scoped3A, %dma_start3A_173, %dma_start3A_174] : memref<2x128x128xf32, #tpu.memory_space<vmem>> -> memref<1x128x128xf32, #tpu.memory_space<vmem>>
        %dma_start3A_176 = tpu.memref_squeeze %dma_start3A_175 : memref<1x128x128xf32, #tpu.memory_space<vmem>> -> memref<128x128xf32, #tpu.memory_space<vmem>>
        %dma_start3A_177 = arith.constant 0 : i32
        %dma_start3A_178 = tpu.memref_slice %arg6[%add3A_108, %dma_start3A_177] : memref<160000x128xf32, #tpu.memory_space<hbm>> -> memref<128x128xf32, #tpu.memory_space<hbm>>
        %dma_start3A_179 = arith.constant 0 : i32
        %dma_start3A_180 = tpu.memref_slice %arg6[%add3A_108, %dma_start3A_179] : memref<160000x128xf32, #tpu.memory_space<hbm>> -> memref<128x128xf32, #tpu.memory_space<hbm>>
        %dma_start3A_181 = arith.constant 0 : i32
        %dma_start3A_182 = arith.constant 0 : i32
        %dma_start3A_183 = tpu.memref_slice %arg11[%run_scoped3A, %dma_start3A_181, %dma_start3A_182] : memref<2x128x128xf32, #tpu.memory_space<vmem>> -> memref<1x128x128xf32, #tpu.memory_space<vmem>>
        %dma_start3A_184 = tpu.memref_squeeze %dma_start3A_183 : memref<1x128x128xf32, #tpu.memory_space<vmem>> -> memref<128x128xf32, #tpu.memory_space<vmem>>
        tpu.enqueue_dma source(%dma_start3A_184 : memref<128x128xf32, #tpu.memory_space<vmem>>) target(%dma_start3A_180 : memref<128x128xf32, #tpu.memory_space<hbm>>) target_semaphore(%run_scoped3A_172 : memref<!tpu.dma_semaphore, #tpu.memory_space<semaphore_mem>>)
        %dma_wait3A_185 = arith.constant 0 : i32
        %dma_wait3A_186 = arith.constant 0 : i32
        %dma_wait3A_187 = tpu.memref_slice %arg11[%run_scoped3A, %dma_wait3A_185, %dma_wait3A_186] : memref<2x128x128xf32, #tpu.memory_space<vmem>> -> memref<1x128x128xf32, #tpu.memory_space<vmem>>
        %dma_wait3A_188 = tpu.memref_squeeze %dma_wait3A_187 : memref<1x128x128xf32, #tpu.memory_space<vmem>> -> memref<128x128xf32, #tpu.memory_space<vmem>>
        %dma_wait3A_189 = arith.constant 0 : i32
        %dma_wait3A_190 = tpu.memref_slice %arg6[%add3A_108, %dma_wait3A_189] : memref<160000x128xf32, #tpu.memory_space<hbm>> -> memref<128x128xf32, #tpu.memory_space<hbm>>
        %dma_wait3A_191 = arith.constant 0 : i32
        %dma_wait3A_192 = tpu.memref_slice %arg6[%add3A_108, %dma_wait3A_191] : memref<160000x128xf32, #tpu.memory_space<hbm>> -> memref<128x128xf32, #tpu.memory_space<hbm>>
        %dma_wait3A_193 = arith.constant 0 : i32
        %dma_wait3A_194 = arith.constant 0 : i32
        %dma_wait3A_195 = tpu.memref_slice %arg11[%run_scoped3A, %dma_wait3A_193, %dma_wait3A_194] : memref<2x128x128xf32, #tpu.memory_space<vmem>> -> memref<1x128x128xf32, #tpu.memory_space<vmem>>
        %dma_wait3A_196 = tpu.memref_squeeze %dma_wait3A_195 : memref<1x128x128xf32, #tpu.memory_space<vmem>> -> memref<128x128xf32, #tpu.memory_space<vmem>>
        tpu.wait_dma2 semaphore(%run_scoped3A_172 : memref<!tpu.dma_semaphore, #tpu.memory_space<semaphore_mem>>) src(%dma_wait3A_196 : memref<128x128xf32, #tpu.memory_space<vmem>>) dst(%dma_wait3A_192 : memref<128x128xf32, #tpu.memory_space<hbm>>)
        tpu.yield
      }) : () -> ()
      %add3A_109 = arith.constant 2 : i32
      %add3A_110 = arith.addi %mul3A_51, %add3A_109 : i32
      %mul3A_111 = arith.constant 128 : i32
      %mul3A_112 = arith.muli %add3A_110, %mul3A_111 : i32
      %min3A_113 = arith.constant 4872 : i32
      %min3A_114 = arith.minsi %mul3A_112, %min3A_113 : i32
      %dma_start3A_115 = arith.constant 0 : i32
      %dma_start3A_116 = arith.constant 0 : i32
      %dma_start3A_117 = arith.constant 0 : i32
      %dma_start3A_118 = tpu.memref_slice %arg9[%dma_start3A_115, %dma_start3A_116, %dma_start3A_117] : memref<2x128x128xf32, #tpu.memory_space<vmem>> -> memref<1x128x128xf32, #tpu.memory_space<vmem>>
      %dma_start3A_119 = tpu.memref_squeeze %dma_start3A_118 : memref<1x128x128xf32, #tpu.memory_space<vmem>> -> memref<128x128xf32, #tpu.memory_space<vmem>>
      %dma_start3A_120 = tpu.memref_slice %arg7[%min3A_114] : memref<5000xi32, #tpu.memory_space<vmem>> -> memref<128xi32, #tpu.memory_space<vmem>>
      %dma_start3A_121 = arith.constant 0 : i32
      %dma_start3A_122 = arith.constant 0 : i32
      %dma_start3A_123 = tpu.memref_slice %arg2[%dma_start3A_121, %dma_start3A_122] : memref<10000x128xf32, #tpu.memory_space<hbm>> -> memref<10000x128xf32, #tpu.memory_space<hbm>>
      tpu.enqueue_indirect_dma source(%dma_start3A_123 : memref<10000x128xf32, #tpu.memory_space<hbm>>) target(%dma_start3A_119 : memref<128x128xf32, #tpu.memory_space<vmem>>) offsets(%dma_start3A_120 : memref<128xi32, #tpu.memory_space<vmem>>) semaphore(%arg12 : memref<!tpu.dma_semaphore, #tpu.memory_space<semaphore_mem>>)
      %dma_start3A_124 = arith.constant 0 : i32
      %dma_start3A_125 = arith.constant 0 : i32
      %dma_start3A_126 = arith.constant 0 : i32
      %dma_start3A_127 = tpu.memref_slice %arg10[%dma_start3A_124, %dma_start3A_125, %dma_start3A_126] : memref<2x128x128xf32, #tpu.memory_space<vmem>> -> memref<1x128x128xf32, #tpu.memory_space<vmem>>
      %dma_start3A_128 = tpu.memref_squeeze %dma_start3A_127 : memref<1x128x128xf32, #tpu.memory_space<vmem>> -> memref<128x128xf32, #tpu.memory_space<vmem>>
      %dma_start3A_129 = tpu.memref_slice %arg8[%min3A_114] : memref<5000xi32, #tpu.memory_space<vmem>> -> memref<128xi32, #tpu.memory_space<vmem>>
      %dma_start3A_130 = arith.constant 0 : i32
      %dma_start3A_131 = arith.constant 0 : i32
      %dma_start3A_132 = tpu.memref_slice %arg3[%dma_start3A_130, %dma_start3A_131] : memref<10000x128xf32, #tpu.memory_space<hbm>> -> memref<10000x128xf32, #tpu.memory_space<hbm>>
      tpu.enqueue_indirect_dma source(%dma_start3A_132 : memref<10000x128xf32, #tpu.memory_space<hbm>>) target(%dma_start3A_128 : memref<128x128xf32, #tpu.memory_space<vmem>>) offsets(%dma_start3A_129 : memref<128xi32, #tpu.memory_space<vmem>>) semaphore(%arg12 : memref<!tpu.dma_semaphore, #tpu.memory_space<semaphore_mem>>)
      %add3A_133 = arith.constant 1 : i32
      %add3A_134 = arith.addi %mul3A_51, %add3A_133 : i32
      %mul3A_135 = arith.constant 128 : i32
      %mul3A_136 = arith.muli %add3A_134, %mul3A_135 : i32
      %min3A_137 = arith.constant 4872 : i32
      %min3A_138 = arith.minsi %mul3A_136, %min3A_137 : i32
      %dma_wait3A_139 = arith.constant 1 : i32
      %dma_wait3A_140 = arith.constant 0 : i32
      %dma_wait3A_141 = arith.constant 0 : i32
      %dma_wait3A_142 = tpu.memref_slice %arg9[%dma_wait3A_139, %dma_wait3A_140, %dma_wait3A_141] : memref<2x128x128xf32, #tpu.memory_space<vmem>> -> memref<1x128x128xf32, #tpu.memory_space<vmem>>
      %dma_wait3A_143 = tpu.memref_squeeze %dma_wait3A_142 : memref<1x128x128xf32, #tpu.memory_space<vmem>> -> memref<128x128xf32, #tpu.memory_space<vmem>>
      %dma_wait3A_144 = tpu.memref_slice %arg7[%min3A_138] : memref<5000xi32, #tpu.memory_space<vmem>> -> memref<128xi32, #tpu.memory_space<vmem>>
      %dma_wait3A_145 = arith.constant 0 : i32
      %dma_wait3A_146 = arith.constant 0 : i32
      %dma_wait3A_147 = tpu.memref_slice %arg2[%dma_wait3A_145, %dma_wait3A_146] : memref<10000x128xf32, #tpu.memory_space<hbm>> -> memref<10000x128xf32, #tpu.memory_space<hbm>>
      tpu.wait_indirect_dma semaphore(%arg13 : memref<!tpu.dma_semaphore, #tpu.memory_space<semaphore_mem>>) src(%dma_wait3A_147 : memref<10000x128xf32, #tpu.memory_space<hbm>>) dst(%dma_wait3A_143 : memref<128x128xf32, #tpu.memory_space<vmem>>)
      %dma_wait3A_148 = arith.constant 1 : i32
      %dma_wait3A_149 = arith.constant 0 : i32
      %dma_wait3A_150 = arith.constant 0 : i32
      %dma_wait3A_151 = tpu.memref_slice %arg10[%dma_wait3A_148, %dma_wait3A_149, %dma_wait3A_150] : memref<2x128x128xf32, #tpu.memory_space<vmem>> -> memref<1x128x128xf32, #tpu.memory_space<vmem>>
      %dma_wait3A_152 = tpu.memref_squeeze %dma_wait3A_151 : memref<1x128x128xf32, #tpu.memory_space<vmem>> -> memref<128x128xf32, #tpu.memory_space<vmem>>
      %dma_wait3A_153 = tpu.memref_slice %arg8[%min3A_138] : memref<5000xi32, #tpu.memory_space<vmem>> -> memref<128xi32, #tpu.memory_space<vmem>>
      %dma_wait3A_154 = arith.constant 0 : i32
      %dma_wait3A_155 = arith.constant 0 : i32
      %dma_wait3A_156 = tpu.memref_slice %arg3[%dma_wait3A_154, %dma_wait3A_155] : memref<10000x128xf32, #tpu.memory_space<hbm>> -> memref<10000x128xf32, #tpu.memory_space<hbm>>
      tpu.wait_indirect_dma semaphore(%arg13 : memref<!tpu.dma_semaphore, #tpu.memory_space<semaphore_mem>>) src(%dma_wait3A_156 : memref<10000x128xf32, #tpu.memory_space<hbm>>) dst(%dma_wait3A_152 : memref<128x128xf32, #tpu.memory_space<vmem>>)
      %add3A_157 = arith.constant 1 : i32
      %add3A_158 = arith.addi %mul3A_51, %add3A_157 : i32
      %scan3A_159 = arith.constant 0 : i32
      %scan3A_160 = arith.constant 0 : i32
      %scan3A_161 = arith.constant 128 : i32
      %scan3A_162 = arith.addi %scan3A_160, %scan3A_161 : i32
      %scan3A_163 = arith.constant 1 : i32
      scf.for %scan3A_172 = %scan3A_160 to %scan3A_162 step %scan3A_163  : i32 {
        %get3A = arith.constant 1 : i32
        %get3A_173 = arith.index_cast %get3A : i32 to index
        %get3A_174 = arith.index_cast %scan3A_172 : i32 to index
        %get3A_175 = arith.constant 0 : index
        %get3A_176 = tpu.vector_load %arg9[%get3A_173, %get3A_174, %get3A_175] {strides = array<i32>} : memref<2x128x128xf32, #tpu.memory_space<vmem>>, vector<1x1x16xf32>,
        %get3A_177 = vector.shape_cast %get3A_176 : vector<1x1x16xf32> to vector<16xf32>
        %get3A_178 = arith.constant 1 : i32
        %get3A_179 = arith.index_cast %get3A_178 : i32 to index
        %get3A_180 = arith.index_cast %scan3A_172 : i32 to index
        %get3A_181 = arith.constant 0 : index
        %get3A_182 = tpu.vector_load %arg10[%get3A_179, %get3A_180, %get3A_181] {strides = array<i32>} : memref<2x128x128xf32, #tpu.memory_space<vmem>>, vector<1x1x16xf32>,
        %get3A_183 = vector.shape_cast %get3A_182 : vector<1x1x16xf32> to vector<16xf32>
        %add3A_184 = arith.addf %get3A_177, %get3A_183 : vector<16xf32>
        %swap3A = arith.constant 1 : i32
        %swap3A_185 = arith.index_cast %swap3A : i32 to index
        %swap3A_186 = arith.index_cast %scan3A_172 : i32 to index
        %swap3A_187 = arith.constant 0 : index
        %swap3A_188 = tpu.vector_load %arg11[%swap3A_185, %swap3A_186, %swap3A_187] {strides = array<i32>} : memref<2x128x128xf32, #tpu.memory_space<vmem>>, vector<1x1x16xf32>,
        %swap3A_189 = vector.shape_cast %swap3A_188 : vector<1x1x16xf32> to vector<16xf32>
        %swap3A_190 = vector.shape_cast %add3A_184 : vector<16xf32> to vector<1x1x16xf32>
        tpu.vector_store %arg11[%swap3A_185, %swap3A_186, %swap3A_187], %swap3A_190 {strides = array<i32>} : memref<2x128x128xf32, #tpu.memory_space<vmem>>, vector<1x1x16xf32>,
        %get3A_191 = arith.constant 1 : i32
        %get3A_192 = arith.index_cast %get3A_191 : i32 to index
        %get3A_193 = arith.index_cast %scan3A_172 : i32 to index
        %get3A_194 = arith.constant 16 : index
        %get3A_195 = tpu.vector_load %arg9[%get3A_192, %get3A_193, %get3A_194] {strides = array<i32>} : memref<2x128x128xf32, #tpu.memory_space<vmem>>, vector<1x1x16xf32>,
        %get3A_196 = vector.shape_cast %get3A_195 : vector<1x1x16xf32> to vector<16xf32>
        %get3A_197 = arith.constant 1 : i32
        %get3A_198 = arith.index_cast %get3A_197 : i32 to index
        %get3A_199 = arith.index_cast %scan3A_172 : i32 to index
        %get3A_200 = arith.constant 16 : index
        %get3A_201 = tpu.vector_load %arg10[%get3A_198, %get3A_199, %get3A_200] {strides = array<i32>} : memref<2x128x128xf32, #tpu.memory_space<vmem>>, vector<1x1x16xf32>,
        %get3A_202 = vector.shape_cast %get3A_201 : vector<1x1x16xf32> to vector<16xf32>
        %add3A_203 = arith.addf %get3A_196, %get3A_202 : vector<16xf32>
        %swap3A_204 = arith.constant 1 : i32
        %swap3A_205 = arith.index_cast %swap3A_204 : i32 to index
        %swap3A_206 = arith.index_cast %scan3A_172 : i32 to index
        %swap3A_207 = arith.constant 16 : index
        %swap3A_208 = tpu.vector_load %arg11[%swap3A_205, %swap3A_206, %swap3A_207] {strides = array<i32>} : memref<2x128x128xf32, #tpu.memory_space<vmem>>, vector<1x1x16xf32>,
        %swap3A_209 = vector.shape_cast %swap3A_208 : vector<1x1x16xf32> to vector<16xf32>
        %swap3A_210 = vector.shape_cast %add3A_203 : vector<16xf32> to vector<1x1x16xf32>
        tpu.vector_store %arg11[%swap3A_205, %swap3A_206, %swap3A_207], %swap3A_210 {strides = array<i32>} : memref<2x128x128xf32, #tpu.memory_space<vmem>>, vector<1x1x16xf32>,
        %get3A_211 = arith.constant 1 : i32
        %get3A_212 = arith.index_cast %get3A_211 : i32 to index
        %get3A_213 = arith.index_cast %scan3A_172 : i32 to index
        %get3A_214 = arith.constant 32 : index
        %get3A_215 = tpu.vector_load %arg9[%get3A_212, %get3A_213, %get3A_214] {strides = array<i32>} : memref<2x128x128xf32, #tpu.memory_space<vmem>>, vector<1x1x16xf32>,
        %get3A_216 = vector.shape_cast %get3A_215 : vector<1x1x16xf32> to vector<16xf32>
        %get3A_217 = arith.constant 1 : i32
        %get3A_218 = arith.index_cast %get3A_217 : i32 to index
        %get3A_219 = arith.index_cast %scan3A_172 : i32 to index
        %get3A_220 = arith.constant 32 : index
        %get3A_221 = tpu.vector_load %arg10[%get3A_218, %get3A_219, %get3A_220] {strides = array<i32>} : memref<2x128x128xf32, #tpu.memory_space<vmem>>, vector<1x1x16xf32>,
        %get3A_222 = vector.shape_cast %get3A_221 : vector<1x1x16xf32> to vector<16xf32>
        %add3A_223 = arith.addf %get3A_216, %get3A_222 : vector<16xf32>
        %swap3A_224 = arith.constant 1 : i32
        %swap3A_225 = arith.index_cast %swap3A_224 : i32 to index
        %swap3A_226 = arith.index_cast %scan3A_172 : i32 to index
        %swap3A_227 = arith.constant 32 : index
        %swap3A_228 = tpu.vector_load %arg11[%swap3A_225, %swap3A_226, %swap3A_227] {strides = array<i32>} : memref<2x128x128xf32, #tpu.memory_space<vmem>>, vector<1x1x16xf32>,
        %swap3A_229 = vector.shape_cast %swap3A_228 : vector<1x1x16xf32> to vector<16xf32>
        %swap3A_230 = vector.shape_cast %add3A_223 : vector<16xf32> to vector<1x1x16xf32>
        tpu.vector_store %arg11[%swap3A_225, %swap3A_226, %swap3A_227], %swap3A_230 {strides = array<i32>} : memref<2x128x128xf32, #tpu.memory_space<vmem>>, vector<1x1x16xf32>,
        %get3A_231 = arith.constant 1 : i32
        %get3A_232 = arith.index_cast %get3A_231 : i32 to index
        %get3A_233 = arith.index_cast %scan3A_172 : i32 to index
        %get3A_234 = arith.constant 48 : index
        %get3A_235 = tpu.vector_load %arg9[%get3A_232, %get3A_233, %get3A_234] {strides = array<i32>} : memref<2x128x128xf32, #tpu.memory_space<vmem>>, vector<1x1x16xf32>,
        %get3A_236 = vector.shape_cast %get3A_235 : vector<1x1x16xf32> to vector<16xf32>
        %get3A_237 = arith.constant 1 : i32
        %get3A_238 = arith.index_cast %get3A_237 : i32 to index
        %get3A_239 = arith.index_cast %scan3A_172 : i32 to index
        %get3A_240 = arith.constant 48 : index
        %get3A_241 = tpu.vector_load %arg10[%get3A_238, %get3A_239, %get3A_240] {strides = array<i32>} : memref<2x128x128xf32, #tpu.memory_space<vmem>>, vector<1x1x16xf32>,
        %get3A_242 = vector.shape_cast %get3A_241 : vector<1x1x16xf32> to vector<16xf32>
        %add3A_243 = arith.addf %get3A_236, %get3A_242 : vector<16xf32>
        %swap3A_244 = arith.constant 1 : i32
        %swap3A_245 = arith.index_cast %swap3A_244 : i32 to index
        %swap3A_246 = arith.index_cast %scan3A_172 : i32 to index
        %swap3A_247 = arith.constant 48 : index
        %swap3A_248 = tpu.vector_load %arg11[%swap3A_245, %swap3A_246, %swap3A_247] {strides = array<i32>} : memref<2x128x128xf32, #tpu.memory_space<vmem>>, vector<1x1x16xf32>,
        %swap3A_249 = vector.shape_cast %swap3A_248 : vector<1x1x16xf32> to vector<16xf32>
        %swap3A_250 = vector.shape_cast %add3A_243 : vector<16xf32> to vector<1x1x16xf32>
        tpu.vector_store %arg11[%swap3A_245, %swap3A_246, %swap3A_247], %swap3A_250 {strides = array<i32>} : memref<2x128x128xf32, #tpu.memory_space<vmem>>, vector<1x1x16xf32>,
        %get3A_251 = arith.constant 1 : i32
        %get3A_252 = arith.index_cast %get3A_251 : i32 to index
        %get3A_253 = arith.index_cast %scan3A_172 : i32 to index
        %get3A_254 = arith.constant 64 : index
        %get3A_255 = tpu.vector_load %arg9[%get3A_252, %get3A_253, %get3A_254] {strides = array<i32>} : memref<2x128x128xf32, #tpu.memory_space<vmem>>, vector<1x1x16xf32>,
        %get3A_256 = vector.shape_cast %get3A_255 : vector<1x1x16xf32> to vector<16xf32>
        %get3A_257 = arith.constant 1 : i32
        %get3A_258 = arith.index_cast %get3A_257 : i32 to index
        %get3A_259 = arith.index_cast %scan3A_172 : i32 to index
        %get3A_260 = arith.constant 64 : index
        %get3A_261 = tpu.vector_load %arg10[%get3A_258, %get3A_259, %get3A_260] {strides = array<i32>} : memref<2x128x128xf32, #tpu.memory_space<vmem>>, vector<1x1x16xf32>,
        %get3A_262 = vector.shape_cast %get3A_261 : vector<1x1x16xf32> to vector<16xf32>
        %add3A_263 = arith.addf %get3A_256, %get3A_262 : vector<16xf32>
        %swap3A_264 = arith.constant 1 : i32
        %swap3A_265 = arith.index_cast %swap3A_264 : i32 to index
        %swap3A_266 = arith.index_cast %scan3A_172 : i32 to index
        %swap3A_267 = arith.constant 64 : index
        %swap3A_268 = tpu.vector_load %arg11[%swap3A_265, %swap3A_266, %swap3A_267] {strides = array<i32>} : memref<2x128x128xf32, #tpu.memory_space<vmem>>, vector<1x1x16xf32>,
        %swap3A_269 = vector.shape_cast %swap3A_268 : vector<1x1x16xf32> to vector<16xf32>
        %swap3A_270 = vector.shape_cast %add3A_263 : vector<16xf32> to vector<1x1x16xf32>
        tpu.vector_store %arg11[%swap3A_265, %swap3A_266, %swap3A_267], %swap3A_270 {strides = array<i32>} : memref<2x128x128xf32, #tpu.memory_space<vmem>>, vector<1x1x16xf32>,
        %get3A_271 = arith.constant 1 : i32
        %get3A_272 = arith.index_cast %get3A_271 : i32 to index
        %get3A_273 = arith.index_cast %scan3A_172 : i32 to index
        %get3A_274 = arith.constant 80 : index
        %get3A_275 = tpu.vector_load %arg9[%get3A_272, %get3A_273, %get3A_274] {strides = array<i32>} : memref<2x128x128xf32, #tpu.memory_space<vmem>>, vector<1x1x16xf32>,
        %get3A_276 = vector.shape_cast %get3A_275 : vector<1x1x16xf32> to vector<16xf32>
        %get3A_277 = arith.constant 1 : i32
        %get3A_278 = arith.index_cast %get3A_277 : i32 to index
        %get3A_279 = arith.index_cast %scan3A_172 : i32 to index
        %get3A_280 = arith.constant 80 : index
        %get3A_281 = tpu.vector_load %arg10[%get3A_278, %get3A_279, %get3A_280] {strides = array<i32>} : memref<2x128x128xf32, #tpu.memory_space<vmem>>, vector<1x1x16xf32>,
        %get3A_282 = vector.shape_cast %get3A_281 : vector<1x1x16xf32> to vector<16xf32>
        %add3A_283 = arith.addf %get3A_276, %get3A_282 : vector<16xf32>
        %swap3A_284 = arith.constant 1 : i32
        %swap3A_285 = arith.index_cast %swap3A_284 : i32 to index
        %swap3A_286 = arith.index_cast %scan3A_172 : i32 to index
        %swap3A_287 = arith.constant 80 : index
        %swap3A_288 = tpu.vector_load %arg11[%swap3A_285, %swap3A_286, %swap3A_287] {strides = array<i32>} : memref<2x128x128xf32, #tpu.memory_space<vmem>>, vector<1x1x16xf32>,
        %swap3A_289 = vector.shape_cast %swap3A_288 : vector<1x1x16xf32> to vector<16xf32>
        %swap3A_290 = vector.shape_cast %add3A_283 : vector<16xf32> to vector<1x1x16xf32>
        tpu.vector_store %arg11[%swap3A_285, %swap3A_286, %swap3A_287], %swap3A_290 {strides = array<i32>} : memref<2x128x128xf32, #tpu.memory_space<vmem>>, vector<1x1x16xf32>,
        %get3A_291 = arith.constant 1 : i32
        %get3A_292 = arith.index_cast %get3A_291 : i32 to index
        %get3A_293 = arith.index_cast %scan3A_172 : i32 to index
        %get3A_294 = arith.constant 96 : index
        %get3A_295 = tpu.vector_load %arg9[%get3A_292, %get3A_293, %get3A_294] {strides = array<i32>} : memref<2x128x128xf32, #tpu.memory_space<vmem>>, vector<1x1x16xf32>,
        %get3A_296 = vector.shape_cast %get3A_295 : vector<1x1x16xf32> to vector<16xf32>
        %get3A_297 = arith.constant 1 : i32
        %get3A_298 = arith.index_cast %get3A_297 : i32 to index
        %get3A_299 = arith.index_cast %scan3A_172 : i32 to index
        %get3A_300 = arith.constant 96 : index
        %get3A_301 = tpu.vector_load %arg10[%get3A_298, %get3A_299, %get3A_300] {strides = array<i32>} : memref<2x128x128xf32, #tpu.memory_space<vmem>>, vector<1x1x16xf32>,
        %get3A_302 = vector.shape_cast %get3A_301 : vector<1x1x16xf32> to vector<16xf32>
        %add3A_303 = arith.addf %get3A_296, %get3A_302 : vector<16xf32>
        %swap3A_304 = arith.constant 1 : i32
        %swap3A_305 = arith.index_cast %swap3A_304 : i32 to index
        %swap3A_306 = arith.index_cast %scan3A_172 : i32 to index
        %swap3A_307 = arith.constant 96 : index
        %swap3A_308 = tpu.vector_load %arg11[%swap3A_305, %swap3A_306, %swap3A_307] {strides = array<i32>} : memref<2x128x128xf32, #tpu.memory_space<vmem>>, vector<1x1x16xf32>,
        %swap3A_309 = vector.shape_cast %swap3A_308 : vector<1x1x16xf32> to vector<16xf32>
        %swap3A_310 = vector.shape_cast %add3A_303 : vector<16xf32> to vector<1x1x16xf32>
        tpu.vector_store %arg11[%swap3A_305, %swap3A_306, %swap3A_307], %swap3A_310 {strides = array<i32>} : memref<2x128x128xf32, #tpu.memory_space<vmem>>, vector<1x1x16xf32>,
        %get3A_311 = arith.constant 1 : i32
        %get3A_312 = arith.index_cast %get3A_311 : i32 to index
        %get3A_313 = arith.index_cast %scan3A_172 : i32 to index
        %get3A_314 = arith.constant 112 : index
        %get3A_315 = tpu.vector_load %arg9[%get3A_312, %get3A_313, %get3A_314] {strides = array<i32>} : memref<2x128x128xf32, #tpu.memory_space<vmem>>, vector<1x1x16xf32>,
        %get3A_316 = vector.shape_cast %get3A_315 : vector<1x1x16xf32> to vector<16xf32>
        %get3A_317 = arith.constant 1 : i32
        %get3A_318 = arith.index_cast %get3A_317 : i32 to index
        %get3A_319 = arith.index_cast %scan3A_172 : i32 to index
        %get3A_320 = arith.constant 112 : index
        %get3A_321 = tpu.vector_load %arg10[%get3A_318, %get3A_319, %get3A_320] {strides = array<i32>} : memref<2x128x128xf32, #tpu.memory_space<vmem>>, vector<1x1x16xf32>,
        %get3A_322 = vector.shape_cast %get3A_321 : vector<1x1x16xf32> to vector<16xf32>
        %add3A_323 = arith.addf %get3A_316, %get3A_322 : vector<16xf32>
        %swap3A_324 = arith.constant 1 : i32
        %swap3A_325 = arith.index_cast %swap3A_324 : i32 to index
        %swap3A_326 = arith.index_cast %scan3A_172 : i32 to index
        %swap3A_327 = arith.constant 112 : index
        %swap3A_328 = tpu.vector_load %arg11[%swap3A_325, %swap3A_326, %swap3A_327] {strides = array<i32>} : memref<2x128x128xf32, #tpu.memory_space<vmem>>, vector<1x1x16xf32>,
        %swap3A_329 = vector.shape_cast %swap3A_328 : vector<1x1x16xf32> to vector<16xf32>
        %swap3A_330 = vector.shape_cast %add3A_323 : vector<16xf32> to vector<1x1x16xf32>
        tpu.vector_store %arg11[%swap3A_325, %swap3A_326, %swap3A_327], %swap3A_330 {strides = array<i32>} : memref<2x128x128xf32, #tpu.memory_space<vmem>>, vector<1x1x16xf32>,
      }
      %scan3A_164 = arith.constant 128 : i32
      %mul3A_165 = arith.constant 128 : i32
      %mul3A_166 = arith.muli %add3A_158, %mul3A_165 : i32
      %min3A_167 = arith.constant 4872 : i32
      %min3A_168 = arith.minsi %mul3A_166, %min3A_167 : i32
      %add3A_169 = arith.addi %mul3A_2, %min3A_168 : i32
      %run_scoped3A_170 = arith.constant 1 : i32
      "tpu.region"() ({
        %run_scoped3A_172 = tpu.sem_alloc : memref<!tpu.dma_semaphore, #tpu.memory_space<semaphore_mem>>
        %dma_start3A_173 = arith.constant 0 : i32
        %dma_start3A_174 = arith.constant 0 : i32
        %dma_start3A_175 = tpu.memref_slice %arg11[%run_scoped3A_170, %dma_start3A_173, %dma_start3A_174] : memref<2x128x128xf32, #tpu.memory_space<vmem>> -> memref<1x128x128xf32, #tpu.memory_space<vmem>>
        %dma_start3A_176 = tpu.memref_squeeze %dma_start3A_175 : memref<1x128x128xf32, #tpu.memory_space<vmem>> -> memref<128x128xf32, #tpu.memory_space<vmem>>
        %dma_start3A_177 = arith.constant 0 : i32
        %dma_start3A_178 = tpu.memref_slice %arg6[%add3A_169, %dma_start3A_177] : memref<160000x128xf32, #tpu.memory_space<hbm>> -> memref<128x128xf32, #tpu.memory_space<hbm>>
        %dma_start3A_179 = arith.constant 0 : i32
        %dma_start3A_180 = tpu.memref_slice %arg6[%add3A_169, %dma_start3A_179] : memref<160000x128xf32, #tpu.memory_space<hbm>> -> memref<128x128xf32, #tpu.memory_space<hbm>>
        %dma_start3A_181 = arith.constant 0 : i32
        %dma_start3A_182 = arith.constant 0 : i32
        %dma_start3A_183 = tpu.memref_slice %arg11[%run_scoped3A_170, %dma_start3A_181, %dma_start3A_182] : memref<2x128x128xf32, #tpu.memory_space<vmem>> -> memref<1x128x128xf32, #tpu.memory_space<vmem>>
        %dma_start3A_184 = tpu.memref_squeeze %dma_start3A_183 : memref<1x128x128xf32, #tpu.memory_space<vmem>> -> memref<128x128xf32, #tpu.memory_space<vmem>>
        tpu.enqueue_dma source(%dma_start3A_184 : memref<128x128xf32, #tpu.memory_space<vmem>>) target(%dma_start3A_180 : memref<128x128xf32, #tpu.memory_space<hbm>>) target_semaphore(%run_scoped3A_172 : memref<!tpu.dma_semaphore, #tpu.memory_space<semaphore_mem>>)
        %dma_wait3A_185 = arith.constant 0 : i32
        %dma_wait3A_186 = arith.constant 0 : i32
        %dma_wait3A_187 = tpu.memref_slice %arg11[%run_scoped3A_170, %dma_wait3A_185, %dma_wait3A_186] : memref<2x128x128xf32, #tpu.memory_space<vmem>> -> memref<1x128x128xf32, #tpu.memory_space<vmem>>
        %dma_wait3A_188 = tpu.memref_squeeze %dma_wait3A_187 : memref<1x128x128xf32, #tpu.memory_space<vmem>> -> memref<128x128xf32, #tpu.memory_space<vmem>>
        %dma_wait3A_189 = arith.constant 0 : i32
        %dma_wait3A_190 = tpu.memref_slice %arg6[%add3A_169, %dma_wait3A_189] : memref<160000x128xf32, #tpu.memory_space<hbm>> -> memref<128x128xf32, #tpu.memory_space<hbm>>
        %dma_wait3A_191 = arith.constant 0 : i32
        %dma_wait3A_192 = tpu.memref_slice %arg6[%add3A_169, %dma_wait3A_191] : memref<160000x128xf32, #tpu.memory_space<hbm>> -> memref<128x128xf32, #tpu.memory_space<hbm>>
        %dma_wait3A_193 = arith.constant 0 : i32
        %dma_wait3A_194 = arith.constant 0 : i32
        %dma_wait3A_195 = tpu.memref_slice %arg11[%run_scoped3A_170, %dma_wait3A_193, %dma_wait3A_194] : memref<2x128x128xf32, #tpu.memory_space<vmem>> -> memref<1x128x128xf32, #tpu.memory_space<vmem>>
        %dma_wait3A_196 = tpu.memref_squeeze %dma_wait3A_195 : memref<1x128x128xf32, #tpu.memory_space<vmem>> -> memref<128x128xf32, #tpu.memory_space<vmem>>
        tpu.wait_dma2 semaphore(%run_scoped3A_172 : memref<!tpu.dma_semaphore, #tpu.memory_space<semaphore_mem>>) src(%dma_wait3A_196 : memref<128x128xf32, #tpu.memory_space<vmem>>) dst(%dma_wait3A_192 : memref<128x128xf32, #tpu.memory_space<hbm>>)
        tpu.yield
      }) : () -> ()
      %scan3A_171 = arith.constant 0 : i32
      scf.yield %scan3A_171 : i32
    }
    %scan3A_27 = arith.constant 20 : i32
    %min3A_28 = arith.constant 5120 : i32
    %min3A_29 = arith.constant 4872 : i32
    %min3A_30 = arith.minsi %min3A_28, %min3A_29 : i32
    %dma_wait3A = arith.constant 0 : i32
    %dma_wait3A_31 = arith.constant 0 : i32
    %dma_wait3A_32 = arith.constant 0 : i32
    %dma_wait3A_33 = tpu.memref_slice %arg9[%dma_wait3A, %dma_wait3A_31, %dma_wait3A_32] : memref<2x128x128xf32, #tpu.memory_space<vmem>> -> memref<1x128x128xf32, #tpu.memory_space<vmem>>
    %dma_wait3A_34 = tpu.memref_squeeze %dma_wait3A_33 : memref<1x128x128xf32, #tpu.memory_space<vmem>> -> memref<128x128xf32, #tpu.memory_space<vmem>>
    %dma_wait3A_35 = tpu.memref_slice %arg7[%min3A_30] : memref<5000xi32, #tpu.memory_space<vmem>> -> memref<128xi32, #tpu.memory_space<vmem>>
    %dma_wait3A_36 = arith.constant 0 : i32
    %dma_wait3A_37 = arith.constant 0 : i32
    %dma_wait3A_38 = tpu.memref_slice %arg2[%dma_wait3A_36, %dma_wait3A_37] : memref<10000x128xf32, #tpu.memory_space<hbm>> -> memref<10000x128xf32, #tpu.memory_space<hbm>>
    tpu.wait_indirect_dma semaphore(%arg12 : memref<!tpu.dma_semaphore, #tpu.memory_space<semaphore_mem>>) src(%dma_wait3A_38 : memref<10000x128xf32, #tpu.memory_space<hbm>>) dst(%dma_wait3A_34 : memref<128x128xf32, #tpu.memory_space<vmem>>)
    %dma_wait3A_39 = arith.constant 0 : i32
    %dma_wait3A_40 = arith.constant 0 : i32
    %dma_wait3A_41 = arith.constant 0 : i32
    %dma_wait3A_42 = tpu.memref_slice %arg10[%dma_wait3A_39, %dma_wait3A_40, %dma_wait3A_41] : memref<2x128x128xf32, #tpu.memory_space<vmem>> -> memref<1x128x128xf32, #tpu.memory_space<vmem>>
    %dma_wait3A_43 = tpu.memref_squeeze %dma_wait3A_42 : memref<1x128x128xf32, #tpu.memory_space<vmem>> -> memref<128x128xf32, #tpu.memory_space<vmem>>
    %dma_wait3A_44 = tpu.memref_slice %arg8[%min3A_30] : memref<5000xi32, #tpu.memory_space<vmem>> -> memref<128xi32, #tpu.memory_space<vmem>>
    %dma_wait3A_45 = arith.constant 0 : i32
    %dma_wait3A_46 = arith.constant 0 : i32
    %dma_wait3A_47 = tpu.memref_slice %arg3[%dma_wait3A_45, %dma_wait3A_46] : memref<10000x128xf32, #tpu.memory_space<hbm>> -> memref<10000x128xf32, #tpu.memory_space<hbm>>
    tpu.wait_indirect_dma semaphore(%arg12 : memref<!tpu.dma_semaphore, #tpu.memory_space<semaphore_mem>>) src(%dma_wait3A_47 : memref<10000x128xf32, #tpu.memory_space<hbm>>) dst(%dma_wait3A_43 : memref<128x128xf32, #tpu.memory_space<vmem>>)
    return
  }
}

#map = affine_map<(d0, d1) -> (0, 0)>
#map1 = affine_map<(d0, d1) -> (0)>
module attributes {stable_mosaic.version = 14 : i64} {
  func.func @k(%arg0: i32, %arg1: i32, %arg2: memref<160000x128xf32, #tpu.memory_space<hbm>>, %arg3: memref<320000xi32, #tpu.memory_space<hbm>>, %arg4: memref<640x128xf32, #tpu.memory_space<hbm>>, %arg5: memref<20000x128xf32, #tpu.memory_space<hbm>>, %arg6: memref<78x128xi32, #tpu.memory_space<vmem>>, %arg7: memref<16xi32, #tpu.memory_space<vmem>>, %arg8: memref<2x128x128xf32, #tpu.memory_space<vmem>>, %arg9: memref<10240x128xf32, #tpu.memory_space<vmem_shared>>, %arg10: memref<!tpu.dma_semaphore, #tpu.memory_space<semaphore_mem>>, %arg11: memref<!tpu.dma_semaphore, #tpu.memory_space<semaphore_mem>>) attributes {dimension_semantics = [#tpu.dimension_semantics<core_parallel>, #tpu.dimension_semantics<subcore_parallel>], iteration_bounds = array<i64: 2, 16>, scalar_prefetch = 0 : i64, scratch_operands = 6 : i64, tpu.core_type = #tpu.core_type<sc_vector_subcore>, window_params = [{transform_indices = #map}, {transform_indices = #map1}, {transform_indices = #map}, {transform_indices = #map}]} {
    %mul3A = arith.constant 10000 : i32
    %mul3A_0 = arith.muli %arg1, %mul3A : i32
    %mul3A_1 = arith.constant 640 : i32
    %mul3A_2 = arith.muli %arg1, %mul3A_1 : i32
    "tpu.region"() ({
      %run_scoped3A_84 = tpu.sem_alloc : memref<!tpu.dma_semaphore, #tpu.memory_space<semaphore_mem>>
      %dma_start3A_85 = arith.constant 0 : i32
      %dma_start3A_86 = tpu.memref_slice %arg9[%mul3A_2, %dma_start3A_85] : memref<10240x128xf32, #tpu.memory_space<vmem_shared>> -> memref<640x128xf32, #tpu.memory_space<vmem_shared>>
      tpu.enqueue_dma source(%arg4 : memref<640x128xf32, #tpu.memory_space<hbm>>) target(%dma_start3A_86 : memref<640x128xf32, #tpu.memory_space<vmem_shared>>) target_semaphore(%run_scoped3A_84 : memref<!tpu.dma_semaphore, #tpu.memory_space<semaphore_mem>>)
      %dma_wait3A_87 = arith.constant 0 : i32
      %dma_wait3A_88 = tpu.memref_slice %arg9[%mul3A_2, %dma_wait3A_87] : memref<10240x128xf32, #tpu.memory_space<vmem_shared>> -> memref<640x128xf32, #tpu.memory_space<vmem_shared>>
      tpu.wait_dma2 semaphore(%run_scoped3A_84 : memref<!tpu.dma_semaphore, #tpu.memory_space<semaphore_mem>>) src(%arg4 : memref<640x128xf32, #tpu.memory_space<hbm>>) dst(%dma_wait3A_88 : memref<640x128xf32, #tpu.memory_space<vmem_shared>>)
      tpu.yield
    }) : () -> ()
    %barrier3A = arith.constant 0 : index
    tpu.barrier barrier_id(%barrier3A)
    %min3A = arith.constant 0 : i32
    %min3A_3 = arith.constant 77 : i32
    %min3A_4 = arith.minsi %min3A, %min3A_3 : i32
    %mul3A_5 = arith.constant 160000 : i32
    %mul3A_6 = arith.muli %arg0, %mul3A_5 : i32
    %add3A = arith.addi %mul3A_6, %mul3A_0 : i32
    %mul3A_7 = arith.constant 128 : i32
    %mul3A_8 = arith.muli %min3A_4, %mul3A_7 : i32
    %add3A_9 = arith.addi %add3A, %mul3A_8 : i32
    %dma_start3A = arith.constant 0 : i32
    %dma_start3A_10 = tpu.memref_slice %arg6[%min3A_4, %dma_start3A] : memref<78x128xi32, #tpu.memory_space<vmem>> -> memref<1x128xi32, #tpu.memory_space<vmem>>
    %dma_start3A_11 = tpu.memref_squeeze %dma_start3A_10 : memref<1x128xi32, #tpu.memory_space<vmem>> -> memref<128xi32, #tpu.memory_space<vmem>>
    %dma_start3A_12 = tpu.memref_slice %arg3[%add3A_9] : memref<320000xi32, #tpu.memory_space<hbm>> -> memref<128xi32, #tpu.memory_space<hbm>>
    %dma_start3A_13 = arith.constant 0 : i32
    %dma_start3A_14 = tpu.memref_slice %arg6[%min3A_4, %dma_start3A_13] : memref<78x128xi32, #tpu.memory_space<vmem>> -> memref<1x128xi32, #tpu.memory_space<vmem>>
    %dma_start3A_15 = tpu.memref_squeeze %dma_start3A_14 : memref<1x128xi32, #tpu.memory_space<vmem>> -> memref<128xi32, #tpu.memory_space<vmem>>
    %dma_start3A_16 = tpu.memref_slice %arg3[%add3A_9] : memref<320000xi32, #tpu.memory_space<hbm>> -> memref<128xi32, #tpu.memory_space<hbm>>
    tpu.enqueue_dma source(%dma_start3A_16 : memref<128xi32, #tpu.memory_space<hbm>>) target(%dma_start3A_15 : memref<128xi32, #tpu.memory_space<vmem>>) target_semaphore(%arg10 : memref<!tpu.dma_semaphore, #tpu.memory_space<semaphore_mem>>)
    %mul3A_17 = arith.constant 128 : i32
    %mul3A_18 = arith.muli %min3A_4, %mul3A_17 : i32
    %add3A_19 = arith.addi %mul3A_0, %mul3A_18 : i32
    %dma_start3A_20 = arith.constant 0 : i32
    %dma_start3A_21 = arith.constant 0 : i32
    %dma_start3A_22 = arith.constant 0 : i32
    %dma_start3A_23 = tpu.memref_slice %arg8[%dma_start3A_20, %dma_start3A_21, %dma_start3A_22] : memref<2x128x128xf32, #tpu.memory_space<vmem>> -> memref<1x128x128xf32, #tpu.memory_space<vmem>>
    %dma_start3A_24 = tpu.memref_squeeze %dma_start3A_23 : memref<1x128x128xf32, #tpu.memory_space<vmem>> -> memref<128x128xf32, #tpu.memory_space<vmem>>
    %dma_start3A_25 = arith.constant 0 : i32
    %dma_start3A_26 = tpu.memref_slice %arg2[%add3A_19, %dma_start3A_25] : memref<160000x128xf32, #tpu.memory_space<hbm>> -> memref<128x128xf32, #tpu.memory_space<hbm>>
    %dma_start3A_27 = arith.constant 0 : i32
    %dma_start3A_28 = arith.constant 0 : i32
    %dma_start3A_29 = tpu.memref_slice %arg8[%dma_start3A_20, %dma_start3A_27, %dma_start3A_28] : memref<2x128x128xf32, #tpu.memory_space<vmem>> -> memref<1x128x128xf32, #tpu.memory_space<vmem>>
    %dma_start3A_30 = tpu.memref_squeeze %dma_start3A_29 : memref<1x128x128xf32, #tpu.memory_space<vmem>> -> memref<128x128xf32, #tpu.memory_space<vmem>>
    %dma_start3A_31 = arith.constant 0 : i32
    %dma_start3A_32 = tpu.memref_slice %arg2[%add3A_19, %dma_start3A_31] : memref<160000x128xf32, #tpu.memory_space<hbm>> -> memref<128x128xf32, #tpu.memory_space<hbm>>
    tpu.enqueue_dma source(%dma_start3A_32 : memref<128x128xf32, #tpu.memory_space<hbm>>) target(%dma_start3A_30 : memref<128x128xf32, #tpu.memory_space<vmem>>) target_semaphore(%arg10 : memref<!tpu.dma_semaphore, #tpu.memory_space<semaphore_mem>>)
    %scan3A = arith.constant 0 : i32
    %scan3A_33 = arith.constant 0 : i32
    %scan3A_34 = arith.constant 39 : i32
    %scan3A_35 = arith.addi %scan3A_33, %scan3A_34 : i32
    %scan3A_36 = arith.constant 1 : i32
    %scan3A_37 = scf.for %scan3A_84 = %scan3A_33 to %scan3A_35 step %scan3A_36 iter_args(%scan3A_85 = %scan3A) -> (i32)  : i32 {
      %mul3A_86 = arith.constant 2 : i32
      %mul3A_87 = arith.muli %scan3A_84, %mul3A_86 : i32
      %add3A_88 = arith.constant 1 : i32
      %add3A_89 = arith.addi %mul3A_87, %add3A_88 : i32
      %min3A_90 = arith.constant 77 : i32
      %min3A_91 = arith.minsi %add3A_89, %min3A_90 : i32
      %mul3A_92 = arith.constant 160000 : i32
      %mul3A_93 = arith.muli %arg0, %mul3A_92 : i32
      %add3A_94 = arith.addi %mul3A_93, %mul3A_0 : i32
      %mul3A_95 = arith.constant 128 : i32
      %mul3A_96 = arith.muli %min3A_91, %mul3A_95 : i32
      %add3A_97 = arith.addi %add3A_94, %mul3A_96 : i32
      %dma_start3A_98 = arith.constant 0 : i32
      %dma_start3A_99 = tpu.memref_slice %arg6[%min3A_91, %dma_start3A_98] : memref<78x128xi32, #tpu.memory_space<vmem>> -> memref<1x128xi32, #tpu.memory_space<vmem>>
      %dma_start3A_100 = tpu.memref_squeeze %dma_start3A_99 : memref<1x128xi32, #tpu.memory_space<vmem>> -> memref<128xi32, #tpu.memory_space<vmem>>
      %dma_start3A_101 = tpu.memref_slice %arg3[%add3A_97] : memref<320000xi32, #tpu.memory_space<hbm>> -> memref<128xi32, #tpu.memory_space<hbm>>
      %dma_start3A_102 = arith.constant 0 : i32
      %dma_start3A_103 = tpu.memref_slice %arg6[%min3A_91, %dma_start3A_102] : memref<78x128xi32, #tpu.memory_space<vmem>> -> memref<1x128xi32, #tpu.memory_space<vmem>>
      %dma_start3A_104 = tpu.memref_squeeze %dma_start3A_103 : memref<1x128xi32, #tpu.memory_space<vmem>> -> memref<128xi32, #tpu.memory_space<vmem>>
      %dma_start3A_105 = tpu.memref_slice %arg3[%add3A_97] : memref<320000xi32, #tpu.memory_space<hbm>> -> memref<128xi32, #tpu.memory_space<hbm>>
      tpu.enqueue_dma source(%dma_start3A_105 : memref<128xi32, #tpu.memory_space<hbm>>) target(%dma_start3A_104 : memref<128xi32, #tpu.memory_space<vmem>>) target_semaphore(%arg11 : memref<!tpu.dma_semaphore, #tpu.memory_space<semaphore_mem>>)
      %mul3A_106 = arith.constant 128 : i32
      %mul3A_107 = arith.muli %min3A_91, %mul3A_106 : i32
      %add3A_108 = arith.addi %mul3A_0, %mul3A_107 : i32
      %dma_start3A_109 = arith.constant 1 : i32
      %dma_start3A_110 = arith.constant 0 : i32
      %dma_start3A_111 = arith.constant 0 : i32
      %dma_start3A_112 = tpu.memref_slice %arg8[%dma_start3A_109, %dma_start3A_110, %dma_start3A_111] : memref<2x128x128xf32, #tpu.memory_space<vmem>> -> memref<1x128x128xf32, #tpu.memory_space<vmem>>
      %dma_start3A_113 = tpu.memref_squeeze %dma_start3A_112 : memref<1x128x128xf32, #tpu.memory_space<vmem>> -> memref<128x128xf32, #tpu.memory_space<vmem>>
      %dma_start3A_114 = arith.constant 0 : i32
      %dma_start3A_115 = tpu.memref_slice %arg2[%add3A_108, %dma_start3A_114] : memref<160000x128xf32, #tpu.memory_space<hbm>> -> memref<128x128xf32, #tpu.memory_space<hbm>>
      %dma_start3A_116 = arith.constant 0 : i32
      %dma_start3A_117 = arith.constant 0 : i32
      %dma_start3A_118 = tpu.memref_slice %arg8[%dma_start3A_109, %dma_start3A_116, %dma_start3A_117] : memref<2x128x128xf32, #tpu.memory_space<vmem>> -> memref<1x128x128xf32, #tpu.memory_space<vmem>>
      %dma_start3A_119 = tpu.memref_squeeze %dma_start3A_118 : memref<1x128x128xf32, #tpu.memory_space<vmem>> -> memref<128x128xf32, #tpu.memory_space<vmem>>
      %dma_start3A_120 = arith.constant 0 : i32
      %dma_start3A_121 = tpu.memref_slice %arg2[%add3A_108, %dma_start3A_120] : memref<160000x128xf32, #tpu.memory_space<hbm>> -> memref<128x128xf32, #tpu.memory_space<hbm>>
      tpu.enqueue_dma source(%dma_start3A_121 : memref<128x128xf32, #tpu.memory_space<hbm>>) target(%dma_start3A_119 : memref<128x128xf32, #tpu.memory_space<vmem>>) target_semaphore(%arg11 : memref<!tpu.dma_semaphore, #tpu.memory_space<semaphore_mem>>)
      %min3A_122 = arith.constant 77 : i32
      %min3A_123 = arith.minsi %mul3A_87, %min3A_122 : i32
      %mul3A_124 = arith.constant 160000 : i32
      %mul3A_125 = arith.muli %arg0, %mul3A_124 : i32
      %add3A_126 = arith.addi %mul3A_125, %mul3A_0 : i32
      %mul3A_127 = arith.constant 128 : i32
      %mul3A_128 = arith.muli %min3A_123, %mul3A_127 : i32
      %add3A_129 = arith.addi %add3A_126, %mul3A_128 : i32
      %dma_wait3A_130 = arith.constant 0 : i32
      %dma_wait3A_131 = tpu.memref_slice %arg6[%min3A_123, %dma_wait3A_130] : memref<78x128xi32, #tpu.memory_space<vmem>> -> memref<1x128xi32, #tpu.memory_space<vmem>>
      %dma_wait3A_132 = tpu.memref_squeeze %dma_wait3A_131 : memref<1x128xi32, #tpu.memory_space<vmem>> -> memref<128xi32, #tpu.memory_space<vmem>>
      %dma_wait3A_133 = tpu.memref_slice %arg3[%add3A_129] : memref<320000xi32, #tpu.memory_space<hbm>> -> memref<128xi32, #tpu.memory_space<hbm>>
      %dma_wait3A_134 = arith.constant 0 : i32
      %dma_wait3A_135 = tpu.memref_slice %arg6[%min3A_123, %dma_wait3A_134] : memref<78x128xi32, #tpu.memory_space<vmem>> -> memref<1x128xi32, #tpu.memory_space<vmem>>
      %dma_wait3A_136 = tpu.memref_squeeze %dma_wait3A_135 : memref<1x128xi32, #tpu.memory_space<vmem>> -> memref<128xi32, #tpu.memory_space<vmem>>
      %dma_wait3A_137 = tpu.memref_slice %arg3[%add3A_129] : memref<320000xi32, #tpu.memory_space<hbm>> -> memref<128xi32, #tpu.memory_space<hbm>>
      tpu.wait_dma2 semaphore(%arg10 : memref<!tpu.dma_semaphore, #tpu.memory_space<semaphore_mem>>) src(%dma_wait3A_137 : memref<128xi32, #tpu.memory_space<hbm>>) dst(%dma_wait3A_136 : memref<128xi32, #tpu.memory_space<vmem>>)
      %mul3A_138 = arith.constant 128 : i32
      %mul3A_139 = arith.muli %min3A_123, %mul3A_138 : i32
      %add3A_140 = arith.addi %mul3A_0, %mul3A_139 : i32
      %dma_wait3A_141 = arith.constant 0 : i32
      %dma_wait3A_142 = arith.constant 0 : i32
      %dma_wait3A_143 = arith.constant 0 : i32
      %dma_wait3A_144 = tpu.memref_slice %arg8[%dma_wait3A_141, %dma_wait3A_142, %dma_wait3A_143] : memref<2x128x128xf32, #tpu.memory_space<vmem>> -> memref<1x128x128xf32, #tpu.memory_space<vmem>>
      %dma_wait3A_145 = tpu.memref_squeeze %dma_wait3A_144 : memref<1x128x128xf32, #tpu.memory_space<vmem>> -> memref<128x128xf32, #tpu.memory_space<vmem>>
      %dma_wait3A_146 = arith.constant 0 : i32
      %dma_wait3A_147 = tpu.memref_slice %arg2[%add3A_140, %dma_wait3A_146] : memref<160000x128xf32, #tpu.memory_space<hbm>> -> memref<128x128xf32, #tpu.memory_space<hbm>>
      %dma_wait3A_148 = arith.constant 0 : i32
      %dma_wait3A_149 = arith.constant 0 : i32
      %dma_wait3A_150 = tpu.memref_slice %arg8[%dma_wait3A_141, %dma_wait3A_148, %dma_wait3A_149] : memref<2x128x128xf32, #tpu.memory_space<vmem>> -> memref<1x128x128xf32, #tpu.memory_space<vmem>>
      %dma_wait3A_151 = tpu.memref_squeeze %dma_wait3A_150 : memref<1x128x128xf32, #tpu.memory_space<vmem>> -> memref<128x128xf32, #tpu.memory_space<vmem>>
      %dma_wait3A_152 = arith.constant 0 : i32
      %dma_wait3A_153 = tpu.memref_slice %arg2[%add3A_140, %dma_wait3A_152] : memref<160000x128xf32, #tpu.memory_space<hbm>> -> memref<128x128xf32, #tpu.memory_space<hbm>>
      tpu.wait_dma2 semaphore(%arg10 : memref<!tpu.dma_semaphore, #tpu.memory_space<semaphore_mem>>) src(%dma_wait3A_153 : memref<128x128xf32, #tpu.memory_space<hbm>>) dst(%dma_wait3A_151 : memref<128x128xf32, #tpu.memory_space<vmem>>)
      %min3A_154 = arith.constant 77 : i32
      %min3A_155 = arith.minsi %mul3A_87, %min3A_154 : i32
      %run_scoped3A_156 = arith.constant 0 : i32
      "tpu.region"() ({
        %run_scoped3A_231 = tpu.sem_alloc : memref<!tpu.dma_semaphore, #tpu.memory_space<semaphore_mem>>
        %dma_start3A_232 = arith.constant 0 : i32
        %dma_start3A_233 = arith.constant 0 : i32
        %dma_start3A_234 = tpu.memref_slice %arg8[%run_scoped3A_156, %dma_start3A_232, %dma_start3A_233] : memref<2x128x128xf32, #tpu.memory_space<vmem>> -> memref<1x128x128xf32, #tpu.memory_space<vmem>>
        %dma_start3A_235 = tpu.memref_squeeze %dma_start3A_234 : memref<1x128x128xf32, #tpu.memory_space<vmem>> -> memref<128x128xf32, #tpu.memory_space<vmem>>
        %dma_start3A_236 = arith.constant 0 : i32
        %dma_start3A_237 = tpu.memref_slice %arg6[%min3A_155, %dma_start3A_236] : memref<78x128xi32, #tpu.memory_space<vmem>> -> memref<1x128xi32, #tpu.memory_space<vmem>>
        %dma_start3A_238 = tpu.memref_squeeze %dma_start3A_237 : memref<1x128xi32, #tpu.memory_space<vmem>> -> memref<128xi32, #tpu.memory_space<vmem>>
        %dma_start3A_239 = arith.constant 0 : i32
        %dma_start3A_240 = arith.constant 0 : i32
        %dma_start3A_241 = tpu.memref_slice %arg9[%dma_start3A_239, %dma_start3A_240] : memref<10240x128xf32, #tpu.memory_space<vmem_shared>> -> memref<10240x128xf32, #tpu.memory_space<vmem_shared>>
        tpu.enqueue_indirect_dma source(%dma_start3A_235 : memref<128x128xf32, #tpu.memory_space<vmem>>) target(%dma_start3A_241 : memref<10240x128xf32, #tpu.memory_space<vmem_shared>>) offsets(%dma_start3A_238 : memref<128xi32, #tpu.memory_space<vmem>>) semaphore(%run_scoped3A_231 : memref<!tpu.dma_semaphore, #tpu.memory_space<semaphore_mem>>) {add = true}
        %dma_wait3A_242 = arith.constant 0 : i32
        %dma_wait3A_243 = arith.constant 0 : i32
        %dma_wait3A_244 = tpu.memref_slice %arg8[%run_scoped3A_156, %dma_wait3A_242, %dma_wait3A_243] : memref<2x128x128xf32, #tpu.memory_space<vmem>> -> memref<1x128x128xf32, #tpu.memory_space<vmem>>
        %dma_wait3A_245 = tpu.memref_squeeze %dma_wait3A_244 : memref<1x128x128xf32, #tpu.memory_space<vmem>> -> memref<128x128xf32, #tpu.memory_space<vmem>>
        %dma_wait3A_246 = arith.constant 0 : i32
        %dma_wait3A_247 = tpu.memref_slice %arg6[%min3A_155, %dma_wait3A_246] : memref<78x128xi32, #tpu.memory_space<vmem>> -> memref<1x128xi32, #tpu.memory_space<vmem>>
        %dma_wait3A_248 = tpu.memref_squeeze %dma_wait3A_247 : memref<1x128xi32, #tpu.memory_space<vmem>> -> memref<128xi32, #tpu.memory_space<vmem>>
        %dma_wait3A_249 = arith.constant 0 : i32
        %dma_wait3A_250 = arith.constant 0 : i32
        %dma_wait3A_251 = tpu.memref_slice %arg9[%dma_wait3A_249, %dma_wait3A_250] : memref<10240x128xf32, #tpu.memory_space<vmem_shared>> -> memref<10240x128xf32, #tpu.memory_space<vmem_shared>>
        tpu.wait_indirect_dma semaphore(%run_scoped3A_231 : memref<!tpu.dma_semaphore, #tpu.memory_space<semaphore_mem>>) src(%dma_wait3A_245 : memref<128x128xf32, #tpu.memory_space<vmem>>) dst(%dma_wait3A_251 : memref<10240x128xf32, #tpu.memory_space<vmem_shared>>)
        tpu.yield
      }) : () -> ()
      %add3A_157 = arith.constant 2 : i32
      %add3A_158 = arith.addi %mul3A_87, %add3A_157 : i32
      %min3A_159 = arith.constant 77 : i32
      %min3A_160 = arith.minsi %add3A_158, %min3A_159 : i32
      %mul3A_161 = arith.constant 160000 : i32
      %mul3A_162 = arith.muli %arg0, %mul3A_161 : i32
      %add3A_163 = arith.addi %mul3A_162, %mul3A_0 : i32
      %mul3A_164 = arith.constant 128 : i32
      %mul3A_165 = arith.muli %min3A_160, %mul3A_164 : i32
      %add3A_166 = arith.addi %add3A_163, %mul3A_165 : i32
      %dma_start3A_167 = arith.constant 0 : i32
      %dma_start3A_168 = tpu.memref_slice %arg6[%min3A_160, %dma_start3A_167] : memref<78x128xi32, #tpu.memory_space<vmem>> -> memref<1x128xi32, #tpu.memory_space<vmem>>
      %dma_start3A_169 = tpu.memref_squeeze %dma_start3A_168 : memref<1x128xi32, #tpu.memory_space<vmem>> -> memref<128xi32, #tpu.memory_space<vmem>>
      %dma_start3A_170 = tpu.memref_slice %arg3[%add3A_166] : memref<320000xi32, #tpu.memory_space<hbm>> -> memref<128xi32, #tpu.memory_space<hbm>>
      %dma_start3A_171 = arith.constant 0 : i32
      %dma_start3A_172 = tpu.memref_slice %arg6[%min3A_160, %dma_start3A_171] : memref<78x128xi32, #tpu.memory_space<vmem>> -> memref<1x128xi32, #tpu.memory_space<vmem>>
      %dma_start3A_173 = tpu.memref_squeeze %dma_start3A_172 : memref<1x128xi32, #tpu.memory_space<vmem>> -> memref<128xi32, #tpu.memory_space<vmem>>
      %dma_start3A_174 = tpu.memref_slice %arg3[%add3A_166] : memref<320000xi32, #tpu.memory_space<hbm>> -> memref<128xi32, #tpu.memory_space<hbm>>
      tpu.enqueue_dma source(%dma_start3A_174 : memref<128xi32, #tpu.memory_space<hbm>>) target(%dma_start3A_173 : memref<128xi32, #tpu.memory_space<vmem>>) target_semaphore(%arg10 : memref<!tpu.dma_semaphore, #tpu.memory_space<semaphore_mem>>)
      %mul3A_175 = arith.constant 128 : i32
      %mul3A_176 = arith.muli %min3A_160, %mul3A_175 : i32
      %add3A_177 = arith.addi %mul3A_0, %mul3A_176 : i32
      %dma_start3A_178 = arith.constant 0 : i32
      %dma_start3A_179 = arith.constant 0 : i32
      %dma_start3A_180 = arith.constant 0 : i32
      %dma_start3A_181 = tpu.memref_slice %arg8[%dma_start3A_178, %dma_start3A_179, %dma_start3A_180] : memref<2x128x128xf32, #tpu.memory_space<vmem>> -> memref<1x128x128xf32, #tpu.memory_space<vmem>>
      %dma_start3A_182 = tpu.memref_squeeze %dma_start3A_181 : memref<1x128x128xf32, #tpu.memory_space<vmem>> -> memref<128x128xf32, #tpu.memory_space<vmem>>
      %dma_start3A_183 = arith.constant 0 : i32
      %dma_start3A_184 = tpu.memref_slice %arg2[%add3A_177, %dma_start3A_183] : memref<160000x128xf32, #tpu.memory_space<hbm>> -> memref<128x128xf32, #tpu.memory_space<hbm>>
      %dma_start3A_185 = arith.constant 0 : i32
      %dma_start3A_186 = arith.constant 0 : i32
      %dma_start3A_187 = tpu.memref_slice %arg8[%dma_start3A_178, %dma_start3A_185, %dma_start3A_186] : memref<2x128x128xf32, #tpu.memory_space<vmem>> -> memref<1x128x128xf32, #tpu.memory_space<vmem>>
      %dma_start3A_188 = tpu.memref_squeeze %dma_start3A_187 : memref<1x128x128xf32, #tpu.memory_space<vmem>> -> memref<128x128xf32, #tpu.memory_space<vmem>>
      %dma_start3A_189 = arith.constant 0 : i32
      %dma_start3A_190 = tpu.memref_slice %arg2[%add3A_177, %dma_start3A_189] : memref<160000x128xf32, #tpu.memory_space<hbm>> -> memref<128x128xf32, #tpu.memory_space<hbm>>
      tpu.enqueue_dma source(%dma_start3A_190 : memref<128x128xf32, #tpu.memory_space<hbm>>) target(%dma_start3A_188 : memref<128x128xf32, #tpu.memory_space<vmem>>) target_semaphore(%arg10 : memref<!tpu.dma_semaphore, #tpu.memory_space<semaphore_mem>>)
      %add3A_191 = arith.constant 1 : i32
      %add3A_192 = arith.addi %mul3A_87, %add3A_191 : i32
      %min3A_193 = arith.constant 77 : i32
      %min3A_194 = arith.minsi %add3A_192, %min3A_193 : i32
      %mul3A_195 = arith.constant 160000 : i32
      %mul3A_196 = arith.muli %arg0, %mul3A_195 : i32
      %add3A_197 = arith.addi %mul3A_196, %mul3A_0 : i32
      %mul3A_198 = arith.constant 128 : i32
      %mul3A_199 = arith.muli %min3A_194, %mul3A_198 : i32
      %add3A_200 = arith.addi %add3A_197, %mul3A_199 : i32
      %dma_wait3A_201 = arith.constant 0 : i32
      %dma_wait3A_202 = tpu.memref_slice %arg6[%min3A_194, %dma_wait3A_201] : memref<78x128xi32, #tpu.memory_space<vmem>> -> memref<1x128xi32, #tpu.memory_space<vmem>>
      %dma_wait3A_203 = tpu.memref_squeeze %dma_wait3A_202 : memref<1x128xi32, #tpu.memory_space<vmem>> -> memref<128xi32, #tpu.memory_space<vmem>>
      %dma_wait3A_204 = tpu.memref_slice %arg3[%add3A_200] : memref<320000xi32, #tpu.memory_space<hbm>> -> memref<128xi32, #tpu.memory_space<hbm>>
      %dma_wait3A_205 = arith.constant 0 : i32
      %dma_wait3A_206 = tpu.memref_slice %arg6[%min3A_194, %dma_wait3A_205] : memref<78x128xi32, #tpu.memory_space<vmem>> -> memref<1x128xi32, #tpu.memory_space<vmem>>
      %dma_wait3A_207 = tpu.memref_squeeze %dma_wait3A_206 : memref<1x128xi32, #tpu.memory_space<vmem>> -> memref<128xi32, #tpu.memory_space<vmem>>
      %dma_wait3A_208 = tpu.memref_slice %arg3[%add3A_200] : memref<320000xi32, #tpu.memory_space<hbm>> -> memref<128xi32, #tpu.memory_space<hbm>>
      tpu.wait_dma2 semaphore(%arg11 : memref<!tpu.dma_semaphore, #tpu.memory_space<semaphore_mem>>) src(%dma_wait3A_208 : memref<128xi32, #tpu.memory_space<hbm>>) dst(%dma_wait3A_207 : memref<128xi32, #tpu.memory_space<vmem>>)
      %mul3A_209 = arith.constant 128 : i32
      %mul3A_210 = arith.muli %min3A_194, %mul3A_209 : i32
      %add3A_211 = arith.addi %mul3A_0, %mul3A_210 : i32
      %dma_wait3A_212 = arith.constant 1 : i32
      %dma_wait3A_213 = arith.constant 0 : i32
      %dma_wait3A_214 = arith.constant 0 : i32
      %dma_wait3A_215 = tpu.memref_slice %arg8[%dma_wait3A_212, %dma_wait3A_213, %dma_wait3A_214] : memref<2x128x128xf32, #tpu.memory_space<vmem>> -> memref<1x128x128xf32, #tpu.memory_space<vmem>>
      %dma_wait3A_216 = tpu.memref_squeeze %dma_wait3A_215 : memref<1x128x128xf32, #tpu.memory_space<vmem>> -> memref<128x128xf32, #tpu.memory_space<vmem>>
      %dma_wait3A_217 = arith.constant 0 : i32
      %dma_wait3A_218 = tpu.memref_slice %arg2[%add3A_211, %dma_wait3A_217] : memref<160000x128xf32, #tpu.memory_space<hbm>> -> memref<128x128xf32, #tpu.memory_space<hbm>>
      %dma_wait3A_219 = arith.constant 0 : i32
      %dma_wait3A_220 = arith.constant 0 : i32
      %dma_wait3A_221 = tpu.memref_slice %arg8[%dma_wait3A_212, %dma_wait3A_219, %dma_wait3A_220] : memref<2x128x128xf32, #tpu.memory_space<vmem>> -> memref<1x128x128xf32, #tpu.memory_space<vmem>>
      %dma_wait3A_222 = tpu.memref_squeeze %dma_wait3A_221 : memref<1x128x128xf32, #tpu.memory_space<vmem>> -> memref<128x128xf32, #tpu.memory_space<vmem>>
      %dma_wait3A_223 = arith.constant 0 : i32
      %dma_wait3A_224 = tpu.memref_slice %arg2[%add3A_211, %dma_wait3A_223] : memref<160000x128xf32, #tpu.memory_space<hbm>> -> memref<128x128xf32, #tpu.memory_space<hbm>>
      tpu.wait_dma2 semaphore(%arg11 : memref<!tpu.dma_semaphore, #tpu.memory_space<semaphore_mem>>) src(%dma_wait3A_224 : memref<128x128xf32, #tpu.memory_space<hbm>>) dst(%dma_wait3A_222 : memref<128x128xf32, #tpu.memory_space<vmem>>)
      %add3A_225 = arith.constant 1 : i32
      %add3A_226 = arith.addi %mul3A_87, %add3A_225 : i32
      %min3A_227 = arith.constant 77 : i32
      %min3A_228 = arith.minsi %add3A_226, %min3A_227 : i32
      %run_scoped3A_229 = arith.constant 1 : i32
      "tpu.region"() ({
        %run_scoped3A_231 = tpu.sem_alloc : memref<!tpu.dma_semaphore, #tpu.memory_space<semaphore_mem>>
        %dma_start3A_232 = arith.constant 0 : i32
        %dma_start3A_233 = arith.constant 0 : i32
        %dma_start3A_234 = tpu.memref_slice %arg8[%run_scoped3A_229, %dma_start3A_232, %dma_start3A_233] : memref<2x128x128xf32, #tpu.memory_space<vmem>> -> memref<1x128x128xf32, #tpu.memory_space<vmem>>
        %dma_start3A_235 = tpu.memref_squeeze %dma_start3A_234 : memref<1x128x128xf32, #tpu.memory_space<vmem>> -> memref<128x128xf32, #tpu.memory_space<vmem>>
        %dma_start3A_236 = arith.constant 0 : i32
        %dma_start3A_237 = tpu.memref_slice %arg6[%min3A_228, %dma_start3A_236] : memref<78x128xi32, #tpu.memory_space<vmem>> -> memref<1x128xi32, #tpu.memory_space<vmem>>
        %dma_start3A_238 = tpu.memref_squeeze %dma_start3A_237 : memref<1x128xi32, #tpu.memory_space<vmem>> -> memref<128xi32, #tpu.memory_space<vmem>>
        %dma_start3A_239 = arith.constant 0 : i32
        %dma_start3A_240 = arith.constant 0 : i32
        %dma_start3A_241 = tpu.memref_slice %arg9[%dma_start3A_239, %dma_start3A_240] : memref<10240x128xf32, #tpu.memory_space<vmem_shared>> -> memref<10240x128xf32, #tpu.memory_space<vmem_shared>>
        tpu.enqueue_indirect_dma source(%dma_start3A_235 : memref<128x128xf32, #tpu.memory_space<vmem>>) target(%dma_start3A_241 : memref<10240x128xf32, #tpu.memory_space<vmem_shared>>) offsets(%dma_start3A_238 : memref<128xi32, #tpu.memory_space<vmem>>) semaphore(%run_scoped3A_231 : memref<!tpu.dma_semaphore, #tpu.memory_space<semaphore_mem>>) {add = true}
        %dma_wait3A_242 = arith.constant 0 : i32
        %dma_wait3A_243 = arith.constant 0 : i32
        %dma_wait3A_244 = tpu.memref_slice %arg8[%run_scoped3A_229, %dma_wait3A_242, %dma_wait3A_243] : memref<2x128x128xf32, #tpu.memory_space<vmem>> -> memref<1x128x128xf32, #tpu.memory_space<vmem>>
        %dma_wait3A_245 = tpu.memref_squeeze %dma_wait3A_244 : memref<1x128x128xf32, #tpu.memory_space<vmem>> -> memref<128x128xf32, #tpu.memory_space<vmem>>
        %dma_wait3A_246 = arith.constant 0 : i32
        %dma_wait3A_247 = tpu.memref_slice %arg6[%min3A_228, %dma_wait3A_246] : memref<78x128xi32, #tpu.memory_space<vmem>> -> memref<1x128xi32, #tpu.memory_space<vmem>>
        %dma_wait3A_248 = tpu.memref_squeeze %dma_wait3A_247 : memref<1x128xi32, #tpu.memory_space<vmem>> -> memref<128xi32, #tpu.memory_space<vmem>>
        %dma_wait3A_249 = arith.constant 0 : i32
        %dma_wait3A_250 = arith.constant 0 : i32
        %dma_wait3A_251 = tpu.memref_slice %arg9[%dma_wait3A_249, %dma_wait3A_250] : memref<10240x128xf32, #tpu.memory_space<vmem_shared>> -> memref<10240x128xf32, #tpu.memory_space<vmem_shared>>
        tpu.wait_indirect_dma semaphore(%run_scoped3A_231 : memref<!tpu.dma_semaphore, #tpu.memory_space<semaphore_mem>>) src(%dma_wait3A_245 : memref<128x128xf32, #tpu.memory_space<vmem>>) dst(%dma_wait3A_251 : memref<10240x128xf32, #tpu.memory_space<vmem_shared>>)
        tpu.yield
      }) : () -> ()
      %scan3A_230 = arith.constant 0 : i32
      scf.yield %scan3A_230 : i32
    }
    %scan3A_38 = arith.constant 39 : i32
    %min3A_39 = arith.constant 78 : i32
    %min3A_40 = arith.constant 77 : i32
    %min3A_41 = arith.minsi %min3A_39, %min3A_40 : i32
    %mul3A_42 = arith.constant 160000 : i32
    %mul3A_43 = arith.muli %arg0, %mul3A_42 : i32
    %add3A_44 = arith.addi %mul3A_43, %mul3A_0 : i32
    %mul3A_45 = arith.constant 128 : i32
    %mul3A_46 = arith.muli %min3A_41, %mul3A_45 : i32
    %add3A_47 = arith.addi %add3A_44, %mul3A_46 : i32
    %dma_wait3A = arith.constant 0 : i32
    %dma_wait3A_48 = tpu.memref_slice %arg6[%min3A_41, %dma_wait3A] : memref<78x128xi32, #tpu.memory_space<vmem>> -> memref<1x128xi32, #tpu.memory_space<vmem>>
    %dma_wait3A_49 = tpu.memref_squeeze %dma_wait3A_48 : memref<1x128xi32, #tpu.memory_space<vmem>> -> memref<128xi32, #tpu.memory_space<vmem>>
    %dma_wait3A_50 = tpu.memref_slice %arg3[%add3A_47] : memref<320000xi32, #tpu.memory_space<hbm>> -> memref<128xi32, #tpu.memory_space<hbm>>
    %dma_wait3A_51 = arith.constant 0 : i32
    %dma_wait3A_52 = tpu.memref_slice %arg6[%min3A_41, %dma_wait3A_51] : memref<78x128xi32, #tpu.memory_space<vmem>> -> memref<1x128xi32, #tpu.memory_space<vmem>>
    %dma_wait3A_53 = tpu.memref_squeeze %dma_wait3A_52 : memref<1x128xi32, #tpu.memory_space<vmem>> -> memref<128xi32, #tpu.memory_space<vmem>>
    %dma_wait3A_54 = tpu.memref_slice %arg3[%add3A_47] : memref<320000xi32, #tpu.memory_space<hbm>> -> memref<128xi32, #tpu.memory_space<hbm>>
    tpu.wait_dma2 semaphore(%arg10 : memref<!tpu.dma_semaphore, #tpu.memory_space<semaphore_mem>>) src(%dma_wait3A_54 : memref<128xi32, #tpu.memory_space<hbm>>) dst(%dma_wait3A_53 : memref<128xi32, #tpu.memory_space<vmem>>)
    %mul3A_55 = arith.constant 128 : i32
    %mul3A_56 = arith.muli %min3A_41, %mul3A_55 : i32
    %add3A_57 = arith.addi %mul3A_0, %mul3A_56 : i32
    %dma_wait3A_58 = arith.constant 0 : i32
    %dma_wait3A_59 = arith.constant 0 : i32
    %dma_wait3A_60 = arith.constant 0 : i32
    %dma_wait3A_61 = tpu.memref_slice %arg8[%dma_wait3A_58, %dma_wait3A_59, %dma_wait3A_60] : memref<2x128x128xf32, #tpu.memory_space<vmem>> -> memref<1x128x128xf32, #tpu.memory_space<vmem>>
    %dma_wait3A_62 = tpu.memref_squeeze %dma_wait3A_61 : memref<1x128x128xf32, #tpu.memory_space<vmem>> -> memref<128x128xf32, #tpu.memory_space<vmem>>
    %dma_wait3A_63 = arith.constant 0 : i32
    %dma_wait3A_64 = tpu.memref_slice %arg2[%add3A_57, %dma_wait3A_63] : memref<160000x128xf32, #tpu.memory_space<hbm>> -> memref<128x128xf32, #tpu.memory_space<hbm>>
    %dma_wait3A_65 = arith.constant 0 : i32
    %dma_wait3A_66 = arith.constant 0 : i32
    %dma_wait3A_67 = tpu.memref_slice %arg8[%dma_wait3A_58, %dma_wait3A_65, %dma_wait3A_66] : memref<2x128x128xf32, #tpu.memory_space<vmem>> -> memref<1x128x128xf32, #tpu.memory_space<vmem>>
    %dma_wait3A_68 = tpu.memref_squeeze %dma_wait3A_67 : memref<1x128x128xf32, #tpu.memory_space<vmem>> -> memref<128x128xf32, #tpu.memory_space<vmem>>
    %dma_wait3A_69 = arith.constant 0 : i32
    %dma_wait3A_70 = tpu.memref_slice %arg2[%add3A_57, %dma_wait3A_69] : memref<160000x128xf32, #tpu.memory_space<hbm>> -> memref<128x128xf32, #tpu.memory_space<hbm>>
    tpu.wait_dma2 semaphore(%arg10 : memref<!tpu.dma_semaphore, #tpu.memory_space<semaphore_mem>>) src(%dma_wait3A_70 : memref<128x128xf32, #tpu.memory_space<hbm>>) dst(%dma_wait3A_68 : memref<128x128xf32, #tpu.memory_space<vmem>>)
    %add3A_71 = arith.constant 9984 : i32
    %add3A_72 = arith.addi %mul3A_0, %add3A_71 : i32
    %mul3A_73 = arith.constant 160000 : i32
    %mul3A_74 = arith.muli %arg0, %mul3A_73 : i32
    %add3A_75 = arith.addi %mul3A_74, %add3A_72 : i32
    "tpu.region"() ({
      %run_scoped3A_84 = tpu.sem_alloc : memref<!tpu.dma_semaphore, #tpu.memory_space<semaphore_mem>>
      %dma_start3A_85 = tpu.memref_slice %arg3[%add3A_75] : memref<320000xi32, #tpu.memory_space<hbm>> -> memref<16xi32, #tpu.memory_space<hbm>>
      %dma_start3A_86 = tpu.memref_slice %arg3[%add3A_75] : memref<320000xi32, #tpu.memory_space<hbm>> -> memref<16xi32, #tpu.memory_space<hbm>>
      tpu.enqueue_dma source(%dma_start3A_86 : memref<16xi32, #tpu.memory_space<hbm>>) target(%arg7 : memref<16xi32, #tpu.memory_space<vmem>>) target_semaphore(%run_scoped3A_84 : memref<!tpu.dma_semaphore, #tpu.memory_space<semaphore_mem>>)
      %dma_wait3A_87 = tpu.memref_slice %arg3[%add3A_75] : memref<320000xi32, #tpu.memory_space<hbm>> -> memref<16xi32, #tpu.memory_space<hbm>>
      %dma_wait3A_88 = tpu.memref_slice %arg3[%add3A_75] : memref<320000xi32, #tpu.memory_space<hbm>> -> memref<16xi32, #tpu.memory_space<hbm>>
      tpu.wait_dma2 semaphore(%run_scoped3A_84 : memref<!tpu.dma_semaphore, #tpu.memory_space<semaphore_mem>>) src(%dma_wait3A_88 : memref<16xi32, #tpu.memory_space<hbm>>) dst(%arg7 : memref<16xi32, #tpu.memory_space<vmem>>)
      tpu.yield
    }) : () -> ()
    %run_scoped3A = arith.constant 0 : i32
    "tpu.region"() ({
      %run_scoped3A_84 = tpu.sem_alloc : memref<!tpu.dma_semaphore, #tpu.memory_space<semaphore_mem>>
      %dma_start3A_85 = arith.constant 0 : i32
      %dma_start3A_86 = arith.constant 0 : i32
      %dma_start3A_87 = tpu.memref_slice %arg8[%run_scoped3A, %dma_start3A_85, %dma_start3A_86] : memref<2x128x128xf32, #tpu.memory_space<vmem>> -> memref<1x16x128xf32, #tpu.memory_space<vmem>>
      %dma_start3A_88 = tpu.memref_squeeze %dma_start3A_87 : memref<1x16x128xf32, #tpu.memory_space<vmem>> -> memref<16x128xf32, #tpu.memory_space<vmem>>
      %dma_start3A_89 = arith.constant 0 : i32
      %dma_start3A_90 = tpu.memref_slice %arg2[%add3A_72, %dma_start3A_89] : memref<160000x128xf32, #tpu.memory_space<hbm>> -> memref<16x128xf32, #tpu.memory_space<hbm>>
      %dma_start3A_91 = arith.constant 0 : i32
      %dma_start3A_92 = arith.constant 0 : i32
      %dma_start3A_93 = tpu.memref_slice %arg8[%run_scoped3A, %dma_start3A_91, %dma_start3A_92] : memref<2x128x128xf32, #tpu.memory_space<vmem>> -> memref<1x16x128xf32, #tpu.memory_space<vmem>>
      %dma_start3A_94 = tpu.memref_squeeze %dma_start3A_93 : memref<1x16x128xf32, #tpu.memory_space<vmem>> -> memref<16x128xf32, #tpu.memory_space<vmem>>
      %dma_start3A_95 = arith.constant 0 : i32
      %dma_start3A_96 = tpu.memref_slice %arg2[%add3A_72, %dma_start3A_95] : memref<160000x128xf32, #tpu.memory_space<hbm>> -> memref<16x128xf32, #tpu.memory_space<hbm>>
      tpu.enqueue_dma source(%dma_start3A_96 : memref<16x128xf32, #tpu.memory_space<hbm>>) target(%dma_start3A_94 : memref<16x128xf32, #tpu.memory_space<vmem>>) target_semaphore(%run_scoped3A_84 : memref<!tpu.dma_semaphore, #tpu.memory_space<semaphore_mem>>)
      %dma_wait3A_97 = arith.constant 0 : i32
      %dma_wait3A_98 = arith.constant 0 : i32
      %dma_wait3A_99 = tpu.memref_slice %arg8[%run_scoped3A, %dma_wait3A_97, %dma_wait3A_98] : memref<2x128x128xf32, #tpu.memory_space<vmem>> -> memref<1x16x128xf32, #tpu.memory_space<vmem>>
      %dma_wait3A_100 = tpu.memref_squeeze %dma_wait3A_99 : memref<1x16x128xf32, #tpu.memory_space<vmem>> -> memref<16x128xf32, #tpu.memory_space<vmem>>
      %dma_wait3A_101 = arith.constant 0 : i32
      %dma_wait3A_102 = tpu.memref_slice %arg2[%add3A_72, %dma_wait3A_101] : memref<160000x128xf32, #tpu.memory_space<hbm>> -> memref<16x128xf32, #tpu.memory_space<hbm>>
      %dma_wait3A_103 = arith.constant 0 : i32
      %dma_wait3A_104 = arith.constant 0 : i32
      %dma_wait3A_105 = tpu.memref_slice %arg8[%run_scoped3A, %dma_wait3A_103, %dma_wait3A_104] : memref<2x128x128xf32, #tpu.memory_space<vmem>> -> memref<1x16x128xf32, #tpu.memory_space<vmem>>
      %dma_wait3A_106 = tpu.memref_squeeze %dma_wait3A_105 : memref<1x16x128xf32, #tpu.memory_space<vmem>> -> memref<16x128xf32, #tpu.memory_space<vmem>>
      %dma_wait3A_107 = arith.constant 0 : i32
      %dma_wait3A_108 = tpu.memref_slice %arg2[%add3A_72, %dma_wait3A_107] : memref<160000x128xf32, #tpu.memory_space<hbm>> -> memref<16x128xf32, #tpu.memory_space<hbm>>
      tpu.wait_dma2 semaphore(%run_scoped3A_84 : memref<!tpu.dma_semaphore, #tpu.memory_space<semaphore_mem>>) src(%dma_wait3A_108 : memref<16x128xf32, #tpu.memory_space<hbm>>) dst(%dma_wait3A_106 : memref<16x128xf32, #tpu.memory_space<vmem>>)
      tpu.yield
    }) : () -> ()
    %run_scoped3A_76 = arith.constant 0 : i32
    "tpu.region"() ({
      %run_scoped3A_84 = tpu.sem_alloc : memref<!tpu.dma_semaphore, #tpu.memory_space<semaphore_mem>>
      %dma_start3A_85 = arith.constant 0 : i32
      %dma_start3A_86 = arith.constant 0 : i32
      %dma_start3A_87 = tpu.memref_slice %arg8[%run_scoped3A_76, %dma_start3A_85, %dma_start3A_86] : memref<2x128x128xf32, #tpu.memory_space<vmem>> -> memref<1x16x128xf32, #tpu.memory_space<vmem>>
      %dma_start3A_88 = tpu.memref_squeeze %dma_start3A_87 : memref<1x16x128xf32, #tpu.memory_space<vmem>> -> memref<16x128xf32, #tpu.memory_space<vmem>>
      %dma_start3A_89 = arith.constant 0 : i32
      %dma_start3A_90 = arith.constant 0 : i32
      %dma_start3A_91 = tpu.memref_slice %arg9[%dma_start3A_89, %dma_start3A_90] : memref<10240x128xf32, #tpu.memory_space<vmem_shared>> -> memref<10240x128xf32, #tpu.memory_space<vmem_shared>>
      tpu.enqueue_indirect_dma source(%dma_start3A_88 : memref<16x128xf32, #tpu.memory_space<vmem>>) target(%dma_start3A_91 : memref<10240x128xf32, #tpu.memory_space<vmem_shared>>) offsets(%arg7 : memref<16xi32, #tpu.memory_space<vmem>>) semaphore(%run_scoped3A_84 : memref<!tpu.dma_semaphore, #tpu.memory_space<semaphore_mem>>) {add = true}
      %dma_wait3A_92 = arith.constant 0 : i32
      %dma_wait3A_93 = arith.constant 0 : i32
      %dma_wait3A_94 = tpu.memref_slice %arg8[%run_scoped3A_76, %dma_wait3A_92, %dma_wait3A_93] : memref<2x128x128xf32, #tpu.memory_space<vmem>> -> memref<1x16x128xf32, #tpu.memory_space<vmem>>
      %dma_wait3A_95 = tpu.memref_squeeze %dma_wait3A_94 : memref<1x16x128xf32, #tpu.memory_space<vmem>> -> memref<16x128xf32, #tpu.memory_space<vmem>>
      %dma_wait3A_96 = arith.constant 0 : i32
      %dma_wait3A_97 = arith.constant 0 : i32
      %dma_wait3A_98 = tpu.memref_slice %arg9[%dma_wait3A_96, %dma_wait3A_97] : memref<10240x128xf32, #tpu.memory_space<vmem_shared>> -> memref<10240x128xf32, #tpu.memory_space<vmem_shared>>
      tpu.wait_indirect_dma semaphore(%run_scoped3A_84 : memref<!tpu.dma_semaphore, #tpu.memory_space<semaphore_mem>>) src(%dma_wait3A_95 : memref<16x128xf32, #tpu.memory_space<vmem>>) dst(%dma_wait3A_98 : memref<10240x128xf32, #tpu.memory_space<vmem_shared>>)
      tpu.yield
    }) : () -> ()
    %barrier3A_77 = arith.constant 0 : index
    tpu.barrier barrier_id(%barrier3A_77)
    %lt3A = arith.constant 15 : i32
    %lt3A_78 = arith.cmpi slt, %arg1, %lt3A : i32
    %convert_element_type3A = arith.extui %lt3A_78 : i1 to i32
    %cond3A = arith.constant 0 : i32
    %cond3A_79 = arith.cmpi ne, %convert_element_type3A, %cond3A : i32
    scf.if %cond3A_79 {
      %mul3A_84 = arith.constant 640 : i32
      %mul3A_85 = arith.muli %arg1, %mul3A_84 : i32
      %mul3A_86 = arith.constant 10000 : i32
      %mul3A_87 = arith.muli %arg0, %mul3A_86 : i32
      %mul3A_88 = arith.constant 640 : i32
      %mul3A_89 = arith.muli %arg1, %mul3A_88 : i32
      %add3A_90 = arith.addi %mul3A_87, %mul3A_89 : i32
      "tpu.region"() ({
        %run_scoped3A_91 = tpu.sem_alloc : memref<!tpu.dma_semaphore, #tpu.memory_space<semaphore_mem>>
        %dma_start3A_92 = arith.constant 0 : i32
        %dma_start3A_93 = tpu.memref_slice %arg5[%add3A_90, %dma_start3A_92] : memref<20000x128xf32, #tpu.memory_space<hbm>> -> memref<640x128xf32, #tpu.memory_space<hbm>>
        %dma_start3A_94 = arith.constant 0 : i32
        %dma_start3A_95 = tpu.memref_slice %arg9[%mul3A_85, %dma_start3A_94] : memref<10240x128xf32, #tpu.memory_space<vmem_shared>> -> memref<640x128xf32, #tpu.memory_space<vmem_shared>>
        tpu.enqueue_dma source(%dma_start3A_95 : memref<640x128xf32, #tpu.memory_space<vmem_shared>>) target(%dma_start3A_93 : memref<640x128xf32, #tpu.memory_space<hbm>>) target_semaphore(%run_scoped3A_91 : memref<!tpu.dma_semaphore, #tpu.memory_space<semaphore_mem>>)
        %dma_wait3A_96 = arith.constant 0 : i32
        %dma_wait3A_97 = tpu.memref_slice %arg5[%add3A_90, %dma_wait3A_96] : memref<20000x128xf32, #tpu.memory_space<hbm>> -> memref<640x128xf32, #tpu.memory_space<hbm>>
        %dma_wait3A_98 = arith.constant 0 : i32
        %dma_wait3A_99 = tpu.memref_slice %arg9[%mul3A_85, %dma_wait3A_98] : memref<10240x128xf32, #tpu.memory_space<vmem_shared>> -> memref<640x128xf32, #tpu.memory_space<vmem_shared>>
        tpu.wait_dma2 semaphore(%run_scoped3A_91 : memref<!tpu.dma_semaphore, #tpu.memory_space<semaphore_mem>>) src(%dma_wait3A_99 : memref<640x128xf32, #tpu.memory_space<vmem_shared>>) dst(%dma_wait3A_97 : memref<640x128xf32, #tpu.memory_space<hbm>>)
        tpu.yield
      }) : () -> ()
    } else {
    }
    %eq3A = arith.constant 15 : i32
    %eq3A_80 = arith.cmpi eq, %arg1, %eq3A : i32
    %convert_element_type3A_81 = arith.extui %eq3A_80 : i1 to i32
    %cond3A_82 = arith.constant 0 : i32
    %cond3A_83 = arith.cmpi ne, %convert_element_type3A_81, %cond3A_82 : i32
    scf.if %cond3A_83 {
      %mul3A_84 = arith.constant 10000 : i32
      %mul3A_85 = arith.muli %arg0, %mul3A_84 : i32
      %add3A_86 = arith.constant 9600 : i32
      %add3A_87 = arith.addi %mul3A_85, %add3A_86 : i32
      "tpu.region"() ({
        %run_scoped3A_88 = tpu.sem_alloc : memref<!tpu.dma_semaphore, #tpu.memory_space<semaphore_mem>>
        %dma_start3A_89 = arith.constant 0 : i32
        %dma_start3A_90 = tpu.memref_slice %arg5[%add3A_87, %dma_start3A_89] : memref<20000x128xf32, #tpu.memory_space<hbm>> -> memref<400x128xf32, #tpu.memory_space<hbm>>
        %dma_start3A_91 = arith.constant 9600 : i32
        %dma_start3A_92 = arith.constant 0 : i32
        %dma_start3A_93 = tpu.memref_slice %arg9[%dma_start3A_91, %dma_start3A_92] : memref<10240x128xf32, #tpu.memory_space<vmem_shared>> -> memref<400x128xf32, #tpu.memory_space<vmem_shared>>
        tpu.enqueue_dma source(%dma_start3A_93 : memref<400x128xf32, #tpu.memory_space<vmem_shared>>) target(%dma_start3A_90 : memref<400x128xf32, #tpu.memory_space<hbm>>) target_semaphore(%run_scoped3A_88 : memref<!tpu.dma_semaphore, #tpu.memory_space<semaphore_mem>>)
        %dma_wait3A_94 = arith.constant 0 : i32
        %dma_wait3A_95 = tpu.memref_slice %arg5[%add3A_87, %dma_wait3A_94] : memref<20000x128xf32, #tpu.memory_space<hbm>> -> memref<400x128xf32, #tpu.memory_space<hbm>>
        %dma_wait3A_96 = arith.constant 9600 : i32
        %dma_wait3A_97 = arith.constant 0 : i32
        %dma_wait3A_98 = tpu.memref_slice %arg9[%dma_wait3A_96, %dma_wait3A_97] : memref<10240x128xf32, #tpu.memory_space<vmem_shared>> -> memref<400x128xf32, #tpu.memory_space<vmem_shared>>
        tpu.wait_dma2 semaphore(%run_scoped3A_88 : memref<!tpu.dma_semaphore, #tpu.memory_space<semaphore_mem>>) src(%dma_wait3A_98 : memref<400x128xf32, #tpu.memory_space<vmem_shared>>) dst(%dma_wait3A_95 : memref<400x128xf32, #tpu.memory_space<hbm>>)
        tpu.yield
      }) : () -> ()
    } else {
    }
    return
  }
}

module attributes {stable_mosaic.version = 14 : i64} {
  func.func @_embed_node_body(%arg0: i32, %arg1: memref<2000x128xf32, #tpu.memory_space<vmem>>, %arg2: memref<128x128xf32, #tpu.memory_space<vmem>>, %arg3: memref<1x128xf32, #tpu.memory_space<vmem>>, %arg4: memref<128x128xf32, #tpu.memory_space<vmem>>, %arg5: memref<128x128xf32, #tpu.memory_space<vmem>>, %arg6: memref<1x128xf32, #tpu.memory_space<vmem>>, %arg7: memref<128x128xf32, #tpu.memory_space<vmem>>, %arg8: memref<1x128xf32, #tpu.memory_space<vmem>>, %arg9: memref<128x128xf32, #tpu.memory_space<vmem>>, %arg10: memref<1x128xf32, #tpu.memory_space<vmem>>, %arg11: memref<2000x128xf32, #tpu.memory_space<vmem>>, %arg12: memref<2000x128xf32, #tpu.memory_space<vmem>>, %arg13: memref<2000x128xf32, #tpu.memory_space<vmem>>, %arg14: memref<1x128xf32, #tpu.memory_space<vmem>>, %arg15: memref<1x128xf32, #tpu.memory_space<vmem>>) attributes {dimension_semantics = [#tpu.dimension_semantics<arbitrary>], iteration_bounds = array<i64: 5>, scalar_prefetch = 0 : i64, scratch_operands = 0 : i64, tpu.core_type = #tpu.core_type<tc>, window_params = [{transform_indices = @transform_0, window_bounds = array<i64: 2000, 128>}, {pipeline_mode = #tpu.pipeline_mode<synchronous>, transform_indices = @transform_1, window_bounds = array<i64: 128, 128>}, {pipeline_mode = #tpu.pipeline_mode<synchronous>, transform_indices = @transform_2, window_bounds = array<i64: 1, 128>}, {pipeline_mode = #tpu.pipeline_mode<synchronous>, transform_indices = @transform_3, window_bounds = array<i64: 128, 128>}, {pipeline_mode = #tpu.pipeline_mode<synchronous>, transform_indices = @transform_4, window_bounds = array<i64: 128, 128>}, {pipeline_mode = #tpu.pipeline_mode<synchronous>, transform_indices = @transform_5, window_bounds = array<i64: 1, 128>}, {pipeline_mode = #tpu.pipeline_mode<synchronous>, transform_indices = @transform_6, window_bounds = array<i64: 128, 128>}, {pipeline_mode = #tpu.pipeline_mode<synchronous>, transform_indices = @transform_7, window_bounds = array<i64: 1, 128>}, {pipeline_mode = #tpu.pipeline_mode<synchronous>, transform_indices = @transform_8, window_bounds = array<i64: 128, 128>}, {pipeline_mode = #tpu.pipeline_mode<synchronous>, transform_indices = @transform_9, window_bounds = array<i64: 1, 128>}, {transform_indices = @transform_10, window_bounds = array<i64: 2000, 128>}, {transform_indices = @transform_11, window_bounds = array<i64: 2000, 128>}, {transform_indices = @transform_12, window_bounds = array<i64: 2000, 128>}, {pipeline_mode = #tpu.pipeline_mode<synchronous>, transform_indices = @transform_13, window_bounds = array<i64: 1, 128>}, {pipeline_mode = #tpu.pipeline_mode<synchronous>, transform_indices = @transform_14, window_bounds = array<i64: 1, 128>}]} {
    %get3A = arith.constant 0 : index
    %get3A_0 = arith.constant 0 : index
    %get3A_1 = vector.load %arg1[%get3A, %get3A_0] : memref<2000x128xf32, #tpu.memory_space<vmem>>, vector<2000x128xf32>
    %get3A_2 = arith.constant 0 : index
    %get3A_3 = arith.constant 0 : index
    %get3A_4 = vector.load %arg2[%get3A_2, %get3A_3] : memref<128x128xf32, #tpu.memory_space<vmem>>, vector<128x128xf32>
    %dot_general3A = arith.constant dense<0.000000e+00> : vector<2000x128xf32>
    %dot_general3A_5 = tpu.matmul %get3A_1, %get3A_4, %dot_general3A {dimension_numbers = #tpu.dot_dimension_numbers<[1], [0], [0], [1], [0, 0, 1, 1], [], []>, transpose_lhs_hint = false} : vector<2000x128xf32>, vector<128x128xf32>, vector<2000x128xf32> -> vector<2000x128xf32>
    %get3A_6 = arith.constant 0 : index
    %get3A_7 = arith.constant 0 : index
    %get3A_8 = vector.load %arg3[%get3A_6, %get3A_7] : memref<1x128xf32, #tpu.memory_space<vmem>>, vector<1x128xf32>
    %add3A = vector.broadcast %get3A_8 : vector<1x128xf32> to vector<2000x128xf32>
    %add3A_9 = arith.addf %dot_general3A_5, %add3A : vector<2000x128xf32>
    %swap3A = arith.constant 0 : index
    %swap3A_10 = arith.constant 0 : index
    %swap3A_11 = vector.load %arg11[%swap3A, %swap3A_10] : memref<2000x128xf32, #tpu.memory_space<vmem>>, vector<2000x128xf32>
    tpu.vector_store %arg11[%swap3A, %swap3A_10], %add3A_9 {strides = array<i32>} : memref<2000x128xf32, #tpu.memory_space<vmem>>, vector<2000x128xf32>,
    %get3A_12 = arith.constant 0 : index
    %get3A_13 = arith.constant 0 : index
    %get3A_14 = vector.load %arg4[%get3A_12, %get3A_13] : memref<128x128xf32, #tpu.memory_space<vmem>>, vector<128x128xf32>
    %dot_general3A_15 = arith.constant dense<0.000000e+00> : vector<2000x128xf32>
    %dot_general3A_16 = tpu.matmul %add3A_9, %get3A_14, %dot_general3A_15 {dimension_numbers = #tpu.dot_dimension_numbers<[1], [0], [0], [1], [0, 0, 1, 1], [], []>, transpose_lhs_hint = false} : vector<2000x128xf32>, vector<128x128xf32>, vector<2000x128xf32> -> vector<2000x128xf32>
    %swap3A_17 = arith.constant 0 : index
    %swap3A_18 = arith.constant 0 : index
    %swap3A_19 = vector.load %arg12[%swap3A_17, %swap3A_18] : memref<2000x128xf32, #tpu.memory_space<vmem>>, vector<2000x128xf32>
    tpu.vector_store %arg12[%swap3A_17, %swap3A_18], %dot_general3A_16 {strides = array<i32>} : memref<2000x128xf32, #tpu.memory_space<vmem>>, vector<2000x128xf32>,
    %get3A_20 = arith.constant 0 : index
    %get3A_21 = arith.constant 0 : index
    %get3A_22 = vector.load %arg5[%get3A_20, %get3A_21] : memref<128x128xf32, #tpu.memory_space<vmem>>, vector<128x128xf32>
    %dot_general3A_23 = arith.constant dense<0.000000e+00> : vector<2000x128xf32>
    %dot_general3A_24 = tpu.matmul %add3A_9, %get3A_22, %dot_general3A_23 {dimension_numbers = #tpu.dot_dimension_numbers<[1], [0], [0], [1], [0, 0, 1, 1], [], []>, transpose_lhs_hint = false} : vector<2000x128xf32>, vector<128x128xf32>, vector<2000x128xf32> -> vector<2000x128xf32>
    %swap3A_25 = arith.constant 0 : index
    %swap3A_26 = arith.constant 0 : index
    %swap3A_27 = vector.load %arg13[%swap3A_25, %swap3A_26] : memref<2000x128xf32, #tpu.memory_space<vmem>>, vector<2000x128xf32>
    tpu.vector_store %arg13[%swap3A_25, %swap3A_26], %dot_general3A_24 {strides = array<i32>} : memref<2000x128xf32, #tpu.memory_space<vmem>>, vector<2000x128xf32>,
    %get3A_28 = arith.constant 0 : index
    %get3A_29 = arith.constant 0 : index
    %get3A_30 = vector.load %arg6[%get3A_28, %get3A_29] : memref<1x128xf32, #tpu.memory_space<vmem>>, vector<1x128xf32>
    %get3A_31 = arith.constant 0 : index
    %get3A_32 = arith.constant 0 : index
    %get3A_33 = vector.load %arg7[%get3A_31, %get3A_32] : memref<128x128xf32, #tpu.memory_space<vmem>>, vector<128x128xf32>
    %dot_general3A_34 = arith.constant dense<0.000000e+00> : vector<1x128xf32>
    %dot_general3A_35 = tpu.matmul %get3A_30, %get3A_33, %dot_general3A_34 {dimension_numbers = #tpu.dot_dimension_numbers<[1], [0], [0], [1], [0, 0, 1, 1], [], []>, transpose_lhs_hint = false} : vector<1x128xf32>, vector<128x128xf32>, vector<1x128xf32> -> vector<1x128xf32>
    %get3A_36 = arith.constant 0 : index
    %get3A_37 = arith.constant 0 : index
    %get3A_38 = vector.load %arg8[%get3A_36, %get3A_37] : memref<1x128xf32, #tpu.memory_space<vmem>>, vector<1x128xf32>
    %add3A_39 = arith.addf %dot_general3A_35, %get3A_38 : vector<1x128xf32>
    %swap3A_40 = arith.constant 0 : index
    %swap3A_41 = arith.constant 0 : index
    %swap3A_42 = vector.load %arg14[%swap3A_40, %swap3A_41] : memref<1x128xf32, #tpu.memory_space<vmem>>, vector<1x128xf32>
    tpu.vector_store %arg14[%swap3A_40, %swap3A_41], %add3A_39 {strides = array<i32>} : memref<1x128xf32, #tpu.memory_space<vmem>>, vector<1x128xf32>,
    %get3A_43 = arith.constant 0 : index
    %get3A_44 = arith.constant 0 : index
    %get3A_45 = vector.load %arg9[%get3A_43, %get3A_44] : memref<128x128xf32, #tpu.memory_space<vmem>>, vector<128x128xf32>
    %dot_general3A_46 = arith.constant dense<0.000000e+00> : vector<1x128xf32>
    %dot_general3A_47 = tpu.matmul %add3A_39, %get3A_45, %dot_general3A_46 {dimension_numbers = #tpu.dot_dimension_numbers<[1], [0], [0], [1], [0, 0, 1, 1], [], []>, transpose_lhs_hint = false} : vector<1x128xf32>, vector<128x128xf32>, vector<1x128xf32> -> vector<1x128xf32>
    %get3A_48 = arith.constant 0 : index
    %get3A_49 = arith.constant 0 : index
    %get3A_50 = vector.load %arg10[%get3A_48, %get3A_49] : memref<1x128xf32, #tpu.memory_space<vmem>>, vector<1x128xf32>
    %add3A_51 = arith.addf %dot_general3A_47, %get3A_50 : vector<1x128xf32>
    %swap3A_52 = arith.constant 0 : index
    %swap3A_53 = arith.constant 0 : index
    %swap3A_54 = vector.load %arg15[%swap3A_52, %swap3A_53] : memref<1x128xf32, #tpu.memory_space<vmem>>, vector<1x128xf32>
    tpu.vector_store %arg15[%swap3A_52, %swap3A_53], %add3A_51 {strides = array<i32>} : memref<1x128xf32, #tpu.memory_space<vmem>>, vector<1x128xf32>,
    return
  }
  func.func @transform_0(%arg0: i32) -> (i32, i32) {
    %c0_i32 = arith.constant 0 : i32
    %c0_i32_0 = arith.constant 0 : i32
    return %arg0, %c0_i32 : i32, i32
  }
  func.func @transform_1(%arg0: i32) -> (i32, i32) {
    %c0_i32 = arith.constant 0 : i32
    %c0_i32_0 = arith.constant 0 : i32
    %c0_i32_1 = arith.constant 0 : i32
    return %c0_i32, %c0_i32_0 : i32, i32
  }
  func.func @transform_2(%arg0: i32) -> (i32, i32) {
    %c0_i32 = arith.constant 0 : i32
    %c0_i32_0 = arith.constant 0 : i32
    %c0_i32_1 = arith.constant 0 : i32
    return %c0_i32, %c0_i32_0 : i32, i32
  }
  func.func @transform_3(%arg0: i32) -> (i32, i32) {
    %c0_i32 = arith.constant 0 : i32
    %c0_i32_0 = arith.constant 0 : i32
    %c0_i32_1 = arith.constant 0 : i32
    return %c0_i32, %c0_i32_0 : i32, i32
  }
  func.func @transform_4(%arg0: i32) -> (i32, i32) {
    %c0_i32 = arith.constant 0 : i32
    %c0_i32_0 = arith.constant 0 : i32
    %c0_i32_1 = arith.constant 0 : i32
    return %c0_i32, %c0_i32_0 : i32, i32
  }
  func.func @transform_5(%arg0: i32) -> (i32, i32) {
    %c0_i32 = arith.constant 0 : i32
    %c0_i32_0 = arith.constant 0 : i32
    %c0_i32_1 = arith.constant 0 : i32
    return %c0_i32, %c0_i32_0 : i32, i32
  }
  func.func @transform_6(%arg0: i32) -> (i32, i32) {
    %c0_i32 = arith.constant 0 : i32
    %c0_i32_0 = arith.constant 0 : i32
    %c0_i32_1 = arith.constant 0 : i32
    return %c0_i32, %c0_i32_0 : i32, i32
  }
  func.func @transform_7(%arg0: i32) -> (i32, i32) {
    %c0_i32 = arith.constant 0 : i32
    %c0_i32_0 = arith.constant 0 : i32
    %c0_i32_1 = arith.constant 0 : i32
    return %c0_i32, %c0_i32_0 : i32, i32
  }
  func.func @transform_8(%arg0: i32) -> (i32, i32) {
    %c0_i32 = arith.constant 0 : i32
    %c0_i32_0 = arith.constant 0 : i32
    %c0_i32_1 = arith.constant 0 : i32
    return %c0_i32, %c0_i32_0 : i32, i32
  }
  func.func @transform_9(%arg0: i32) -> (i32, i32) {
    %c0_i32 = arith.constant 0 : i32
    %c0_i32_0 = arith.constant 0 : i32
    %c0_i32_1 = arith.constant 0 : i32
    return %c0_i32, %c0_i32_0 : i32, i32
  }
  func.func @transform_10(%arg0: i32) -> (i32, i32) {
    %c0_i32 = arith.constant 0 : i32
    %c0_i32_0 = arith.constant 0 : i32
    return %arg0, %c0_i32 : i32, i32
  }
  func.func @transform_11(%arg0: i32) -> (i32, i32) {
    %c0_i32 = arith.constant 0 : i32
    %c0_i32_0 = arith.constant 0 : i32
    return %arg0, %c0_i32 : i32, i32
  }
  func.func @transform_12(%arg0: i32) -> (i32, i32) {
    %c0_i32 = arith.constant 0 : i32
    %c0_i32_0 = arith.constant 0 : i32
    return %arg0, %c0_i32 : i32, i32
  }
  func.func @transform_13(%arg0: i32) -> (i32, i32) {
    %c0_i32 = arith.constant 0 : i32
    %c0_i32_0 = arith.constant 0 : i32
    %c0_i32_1 = arith.constant 0 : i32
    return %c0_i32, %c0_i32_0 : i32, i32
  }
  func.func @transform_14(%arg0: i32) -> (i32, i32) {
    %c0_i32 = arith.constant 0 : i32
    %c0_i32_0 = arith.constant 0 : i32
    %c0_i32_1 = arith.constant 0 : i32
    return %c0_i32, %c0_i32_0 : i32, i32
  }
}

module attributes {stable_mosaic.version = 14 : i64} {
  func.func @_edge_embed_body(%arg0: i32, %arg1: memref<2000x16xf32, #tpu.memory_space<vmem>>, %arg2: memref<2000x128xf32, #tpu.memory_space<vmem>>, %arg3: memref<16x128xf32, #tpu.memory_space<vmem>>, %arg4: memref<1x128xf32, #tpu.memory_space<vmem>>, %arg5: memref<128x128xf32, #tpu.memory_space<vmem>>, %arg6: memref<1x128xf32, #tpu.memory_space<vmem>>, %arg7: memref<1x128xf32, #tpu.memory_space<vmem>>, %arg8: memref<1x128xf32, #tpu.memory_space<vmem>>, %arg9: memref<2000x128xf32, #tpu.memory_space<vmem>>, %arg10: memref<2000x128xbf16, #tpu.memory_space<vmem>>, %arg11: memref<8x128xf32, #tpu.memory_space<vmem>>) attributes {dimension_semantics = [#tpu.dimension_semantics<arbitrary>], iteration_bounds = array<i64: 80>, scalar_prefetch = 0 : i64, scratch_operands = 0 : i64, tpu.core_type = #tpu.core_type<tc>, window_params = [{transform_indices = @transform_0, window_bounds = array<i64: 2000, 16>}, {transform_indices = @transform_1, window_bounds = array<i64: 2000, 128>}, {pipeline_mode = #tpu.pipeline_mode<synchronous>, transform_indices = @transform_2, window_bounds = array<i64: 16, 128>}, {pipeline_mode = #tpu.pipeline_mode<synchronous>, transform_indices = @transform_3, window_bounds = array<i64: 1, 128>}, {pipeline_mode = #tpu.pipeline_mode<synchronous>, transform_indices = @transform_4, window_bounds = array<i64: 128, 128>}, {pipeline_mode = #tpu.pipeline_mode<synchronous>, transform_indices = @transform_5, window_bounds = array<i64: 1, 128>}, {pipeline_mode = #tpu.pipeline_mode<synchronous>, transform_indices = @transform_6, window_bounds = array<i64: 1, 128>}, {pipeline_mode = #tpu.pipeline_mode<synchronous>, transform_indices = @transform_7, window_bounds = array<i64: 1, 128>}, {transform_indices = @transform_8, window_bounds = array<i64: 2000, 128>}, {transform_indices = @transform_9, window_bounds = array<i64: 2000, 128>}, {pipeline_mode = #tpu.pipeline_mode<synchronous>, transform_indices = @transform_10, window_bounds = array<i64: 8, 128>}]} {
    %get3A = arith.constant 0 : index
    %get3A_0 = arith.constant 0 : index
    %get3A_1 = vector.load %arg1[%get3A, %get3A_0] : memref<2000x16xf32, #tpu.memory_space<vmem>>, vector<2000x16xf32>
    %get3A_2 = arith.constant 0 : index
    %get3A_3 = arith.constant 0 : index
    %get3A_4 = vector.load %arg3[%get3A_2, %get3A_3] : memref<16x128xf32, #tpu.memory_space<vmem>>, vector<16x128xf32>
    %dot_general3A = arith.constant dense<0.000000e+00> : vector<2000x128xf32>
    %dot_general3A_5 = tpu.matmul %get3A_1, %get3A_4, %dot_general3A {dimension_numbers = #tpu.dot_dimension_numbers<[1], [0], [0], [1], [0, 0, 1, 1], [], []>, transpose_lhs_hint = false} : vector<2000x16xf32>, vector<16x128xf32>, vector<2000x128xf32> -> vector<2000x128xf32>
    %get3A_6 = arith.constant 0 : index
    %get3A_7 = arith.constant 0 : index
    %get3A_8 = vector.load %arg4[%get3A_6, %get3A_7] : memref<1x128xf32, #tpu.memory_space<vmem>>, vector<1x128xf32>
    %add3A = vector.broadcast %get3A_8 : vector<1x128xf32> to vector<2000x128xf32>
    %add3A_9 = arith.addf %dot_general3A_5, %add3A : vector<2000x128xf32>
    %get3A_10 = arith.constant 0 : index
    %get3A_11 = arith.constant 0 : index
    %get3A_12 = vector.load %arg5[%get3A_10, %get3A_11] : memref<128x128xf32, #tpu.memory_space<vmem>>, vector<128x128xf32>
    %dot_general3A_13 = arith.constant dense<0.000000e+00> : vector<2000x128xf32>
    %dot_general3A_14 = tpu.matmul %add3A_9, %get3A_12, %dot_general3A_13 {dimension_numbers = #tpu.dot_dimension_numbers<[1], [0], [0], [1], [0, 0, 1, 1], [], []>, transpose_lhs_hint = false} : vector<2000x128xf32>, vector<128x128xf32>, vector<2000x128xf32> -> vector<2000x128xf32>
    %get3A_15 = arith.constant 0 : index
    %get3A_16 = arith.constant 0 : index
    %get3A_17 = vector.load %arg2[%get3A_15, %get3A_16] : memref<2000x128xf32, #tpu.memory_space<vmem>>, vector<2000x128xf32>
    %add3A_18 = arith.addf %dot_general3A_14, %get3A_17 : vector<2000x128xf32>
    %get3A_19 = arith.constant 0 : index
    %get3A_20 = arith.constant 0 : index
    %get3A_21 = vector.load %arg6[%get3A_19, %get3A_20] : memref<1x128xf32, #tpu.memory_space<vmem>>, vector<1x128xf32>
    %add3A_22 = vector.broadcast %get3A_21 : vector<1x128xf32> to vector<2000x128xf32>
    %add3A_23 = arith.addf %add3A_18, %add3A_22 : vector<2000x128xf32>
    %max3A = arith.constant 0.000000e+00 : f32
    %max3A_24 = vector.broadcast %max3A : f32 to vector<2000x128xf32>
    %max3A_25 = arith.maximumf %add3A_23, %max3A_24 : vector<2000x128xf32>
    %swap3A = arith.constant 0 : index
    %swap3A_26 = arith.constant 0 : index
    %swap3A_27 = vector.load %arg9[%swap3A, %swap3A_26] : memref<2000x128xf32, #tpu.memory_space<vmem>>, vector<2000x128xf32>
    tpu.vector_store %arg9[%swap3A, %swap3A_26], %max3A_25 {strides = array<i32>} : memref<2000x128xf32, #tpu.memory_space<vmem>>, vector<2000x128xf32>,
    %add3A_28 = arith.addf %max3A_25, %add3A_9 : vector<2000x128xf32>
    %get3A_29 = arith.constant 0 : index
    %get3A_30 = arith.constant 0 : index
    %get3A_31 = vector.load %arg7[%get3A_29, %get3A_30] : memref<1x128xf32, #tpu.memory_space<vmem>>, vector<1x128xf32>
    %get3A_32 = arith.constant 0 : index
    %get3A_33 = arith.constant 0 : index
    %get3A_34 = vector.load %arg8[%get3A_32, %get3A_33] : memref<1x128xf32, #tpu.memory_space<vmem>>, vector<1x128xf32>
    %reduce_sum3A = arith.constant dense<0.000000e+00> : vector<2000xf32>
    %reduce_sum3A_35 = vector.multi_reduction <add>, %add3A_28, %reduce_sum3A [1] : vector<2000x128xf32> to vector<2000xf32>
    %broadcast_in_dim3A = vector.shape_cast %reduce_sum3A_35 : vector<2000xf32> to vector<2000x1xf32>
    %div3A = arith.constant 1.280000e+02 : f32
    %div3A_36 = vector.broadcast %div3A : f32 to vector<2000x1xf32>
    %div3A_37 = arith.divf %broadcast_in_dim3A, %div3A_36 : vector<2000x1xf32>
    %sub3A = vector.broadcast %div3A_37 : vector<2000x1xf32> to vector<2000x128xf32>
    %sub3A_38 = arith.subf %add3A_28, %sub3A : vector<2000x128xf32>
    %square3A = arith.mulf %sub3A_38, %sub3A_38 : vector<2000x128xf32>
    %reduce_sum3A_39 = arith.constant dense<0.000000e+00> : vector<2000xf32>
    %reduce_sum3A_40 = vector.multi_reduction <add>, %square3A, %reduce_sum3A_39 [1] : vector<2000x128xf32> to vector<2000xf32>
    %broadcast_in_dim3A_41 = vector.shape_cast %reduce_sum3A_40 : vector<2000xf32> to vector<2000x1xf32>
    %div3A_42 = arith.constant 1.280000e+02 : f32
    %div3A_43 = vector.broadcast %div3A_42 : f32 to vector<2000x1xf32>
    %div3A_44 = arith.divf %broadcast_in_dim3A_41, %div3A_43 : vector<2000x1xf32>
    %sub3A_45 = vector.broadcast %div3A_37 : vector<2000x1xf32> to vector<2000x128xf32>
    %sub3A_46 = arith.subf %add3A_28, %sub3A_45 : vector<2000x128xf32>
    %add3A_47 = arith.constant 9.99999974E-6 : f32
    %add3A_48 = vector.broadcast %add3A_47 : f32 to vector<2000x1xf32>
    %add3A_49 = arith.addf %div3A_44, %add3A_48 : vector<2000x1xf32>
    %rsqrt3A = math.rsqrt %add3A_49 : vector<2000x1xf32>
    %mul3A = vector.broadcast %rsqrt3A : vector<2000x1xf32> to vector<2000x128xf32>
    %mul3A_50 = arith.mulf %sub3A_46, %mul3A : vector<2000x128xf32>
    %mul3A_51 = vector.broadcast %get3A_31 : vector<1x128xf32> to vector<2000x128xf32>
    %mul3A_52 = arith.mulf %mul3A_50, %mul3A_51 : vector<2000x128xf32>
    %add3A_53 = vector.broadcast %get3A_34 : vector<1x128xf32> to vector<2000x128xf32>
    %add3A_54 = arith.addf %mul3A_52, %add3A_53 : vector<2000x128xf32>
    %convert_element_type3A = arith.truncf %add3A_54 : vector<2000x128xf32> to vector<2000x128xbf16>
    %swap3A_55 = arith.constant 0 : index
    %swap3A_56 = arith.constant 0 : index
    %swap3A_57 = vector.load %arg10[%swap3A_55, %swap3A_56] : memref<2000x128xbf16, #tpu.memory_space<vmem>>, vector<2000x128xbf16>
    tpu.vector_store %arg10[%swap3A_55, %swap3A_56], %convert_element_type3A {strides = array<i32>} : memref<2000x128xbf16, #tpu.memory_space<vmem>>, vector<2000x128xbf16>,
    %reshape3A = vector.shape_cast %max3A_25 : vector<2000x128xf32> to vector<250x8x128xf32>
    %reduce_sum3A_58 = arith.constant dense<0.000000e+00> : vector<8x128xf32>
    %reduce_sum3A_59 = vector.multi_reduction <add>, %reshape3A, %reduce_sum3A_58 [0] : vector<250x8x128xf32> to vector<8x128xf32>
    %eq3A = arith.constant 0 : i32
    %eq3A_60 = arith.cmpi eq, %arg0, %eq3A : i32
    %convert_element_type3A_61 = arith.extui %eq3A_60 : i1 to i32
    %cond3A = arith.constant 0 : i32
    %cond3A_62 = arith.cmpi ne, %convert_element_type3A_61, %cond3A : i32
    scf.if %cond3A_62 {
      %swap3A_67 = arith.constant 0 : index
      %swap3A_68 = arith.constant 0 : index
      %swap3A_69 = vector.load %arg11[%swap3A_67, %swap3A_68] : memref<8x128xf32, #tpu.memory_space<vmem>>, vector<8x128xf32>
      tpu.vector_store %arg11[%swap3A_67, %swap3A_68], %reduce_sum3A_59 {strides = array<i32>} : memref<8x128xf32, #tpu.memory_space<vmem>>, vector<8x128xf32>,
    } else {
    }
    %gt3A = arith.constant 0 : i32
    %gt3A_63 = arith.cmpi sgt, %arg0, %gt3A : i32
    %convert_element_type3A_64 = arith.extui %gt3A_63 : i1 to i32
    %cond3A_65 = arith.constant 0 : i32
    %cond3A_66 = arith.cmpi ne, %convert_element_type3A_64, %cond3A_65 : i32
    scf.if %cond3A_66 {
      %get3A_67 = arith.constant 0 : index
      %get3A_68 = arith.constant 0 : index
      %get3A_69 = vector.load %arg11[%get3A_67, %get3A_68] : memref<8x128xf32, #tpu.memory_space<vmem>>, vector<8x128xf32>
      %add3A_70 = arith.addf %get3A_69, %reduce_sum3A_59 : vector<8x128xf32>
      %swap3A_71 = arith.constant 0 : index
      %swap3A_72 = arith.constant 0 : index
      %swap3A_73 = vector.load %arg11[%swap3A_71, %swap3A_72] : memref<8x128xf32, #tpu.memory_space<vmem>>, vector<8x128xf32>
      tpu.vector_store %arg11[%swap3A_71, %swap3A_72], %add3A_70 {strides = array<i32>} : memref<8x128xf32, #tpu.memory_space<vmem>>, vector<8x128xf32>,
    } else {
    }
    return
  }
  func.func @transform_0(%arg0: i32) -> (i32, i32) {
    %c0_i32 = arith.constant 0 : i32
    %c0_i32_0 = arith.constant 0 : i32
    return %arg0, %c0_i32 : i32, i32
  }
  func.func @transform_1(%arg0: i32) -> (i32, i32) {
    %c0_i32 = arith.constant 0 : i32
    %c0_i32_0 = arith.constant 0 : i32
    return %arg0, %c0_i32 : i32, i32
  }
  func.func @transform_2(%arg0: i32) -> (i32, i32) {
    %c0_i32 = arith.constant 0 : i32
    %c0_i32_0 = arith.constant 0 : i32
    %c0_i32_1 = arith.constant 0 : i32
    return %c0_i32, %c0_i32_0 : i32, i32
  }
  func.func @transform_3(%arg0: i32) -> (i32, i32) {
    %c0_i32 = arith.constant 0 : i32
    %c0_i32_0 = arith.constant 0 : i32
    %c0_i32_1 = arith.constant 0 : i32
    return %c0_i32, %c0_i32_0 : i32, i32
  }
  func.func @transform_4(%arg0: i32) -> (i32, i32) {
    %c0_i32 = arith.constant 0 : i32
    %c0_i32_0 = arith.constant 0 : i32
    %c0_i32_1 = arith.constant 0 : i32
    return %c0_i32, %c0_i32_0 : i32, i32
  }
  func.func @transform_5(%arg0: i32) -> (i32, i32) {
    %c0_i32 = arith.constant 0 : i32
    %c0_i32_0 = arith.constant 0 : i32
    %c0_i32_1 = arith.constant 0 : i32
    return %c0_i32, %c0_i32_0 : i32, i32
  }
  func.func @transform_6(%arg0: i32) -> (i32, i32) {
    %c0_i32 = arith.constant 0 : i32
    %c0_i32_0 = arith.constant 0 : i32
    %c0_i32_1 = arith.constant 0 : i32
    return %c0_i32, %c0_i32_0 : i32, i32
  }
  func.func @transform_7(%arg0: i32) -> (i32, i32) {
    %c0_i32 = arith.constant 0 : i32
    %c0_i32_0 = arith.constant 0 : i32
    %c0_i32_1 = arith.constant 0 : i32
    return %c0_i32, %c0_i32_0 : i32, i32
  }
  func.func @transform_8(%arg0: i32) -> (i32, i32) {
    %c0_i32 = arith.constant 0 : i32
    %c0_i32_0 = arith.constant 0 : i32
    return %arg0, %c0_i32 : i32, i32
  }
  func.func @transform_9(%arg0: i32) -> (i32, i32) {
    %c0_i32 = arith.constant 0 : i32
    %c0_i32_0 = arith.constant 0 : i32
    return %arg0, %c0_i32 : i32, i32
  }
  func.func @transform_10(%arg0: i32) -> (i32, i32) {
    %c0_i32 = arith.constant 0 : i32
    %c0_i32_0 = arith.constant 0 : i32
    %c0_i32_1 = arith.constant 0 : i32
    return %c0_i32, %c0_i32_0 : i32, i32
  }
}

module attributes {stable_mosaic.version = 14 : i64} {
  func.func @wrapped(%arg0: i32, %arg1: memref<2000x128xf32, #tpu.memory_space<vmem>>, %arg2: memref<2000x128xf32, #tpu.memory_space<vmem>>, %arg3: memref<2000x128xf32, #tpu.memory_space<vmem>>, %arg4: memref<1x128xf32, #tpu.memory_space<vmem>>, %arg5: memref<8x128xf32, #tpu.memory_space<vmem>>, %arg6: memref<128x128xf32, #tpu.memory_space<vmem>>, %arg7: memref<128x128xf32, #tpu.memory_space<vmem>>, %arg8: memref<128x128xf32, #tpu.memory_space<vmem>>, %arg9: memref<128x128xf32, #tpu.memory_space<vmem>>, %arg10: memref<1x128xf32, #tpu.memory_space<vmem>>, %arg11: memref<128x128xf32, #tpu.memory_space<vmem>>, %arg12: memref<128x128xf32, #tpu.memory_space<vmem>>, %arg13: memref<128x128xf32, #tpu.memory_space<vmem>>, %arg14: memref<1x128xf32, #tpu.memory_space<vmem>>, %arg15: memref<1x128xf32, #tpu.memory_space<vmem>>, %arg16: memref<1x128xf32, #tpu.memory_space<vmem>>, %arg17: memref<1x128xf32, #tpu.memory_space<vmem>>, %arg18: memref<1x128xf32, #tpu.memory_space<vmem>>, %arg19: memref<128x128xf32, #tpu.memory_space<vmem>>, %arg20: memref<128x128xf32, #tpu.memory_space<vmem>>, %arg21: memref<128x128xf32, #tpu.memory_space<vmem>>, %arg22: memref<1x128xf32, #tpu.memory_space<vmem>>, %arg23: memref<2000x128xf32, #tpu.memory_space<vmem>>, %arg24: memref<2000x128xf32, #tpu.memory_space<vmem>>, %arg25: memref<2000x128xf32, #tpu.memory_space<vmem>>, %arg26: memref<1x128xf32, #tpu.memory_space<vmem>>, %arg27: memref<1x128xf32, #tpu.memory_space<vmem>>, %arg28: memref<8x128xf32, #tpu.memory_space<vmem>>) attributes {dimension_semantics = [#tpu.dimension_semantics<arbitrary>], iteration_bounds = array<i64: 5>, scalar_prefetch = 0 : i64, scratch_operands = 1 : i64, tpu.core_type = #tpu.core_type<tc>, window_params = [{transform_indices = @transform_0, window_bounds = array<i64: 2000, 128>}, {transform_indices = @transform_1, window_bounds = array<i64: 2000, 128>}, {transform_indices = @transform_2, window_bounds = array<i64: 2000, 128>}, {pipeline_mode = #tpu.pipeline_mode<synchronous>, transform_indices = @transform_3, window_bounds = array<i64: 1, 128>}, {pipeline_mode = #tpu.pipeline_mode<synchronous>, transform_indices = @transform_4, window_bounds = array<i64: 8, 128>}, {pipeline_mode = #tpu.pipeline_mode<synchronous>, transform_indices = @transform_5, window_bounds = array<i64: 128, 128>}, {pipeline_mode = #tpu.pipeline_mode<synchronous>, transform_indices = @transform_6, window_bounds = array<i64: 128, 128>}, {pipeline_mode = #tpu.pipeline_mode<synchronous>, transform_indices = @transform_7, window_bounds = array<i64: 128, 128>}, {pipeline_mode = #tpu.pipeline_mode<synchronous>, transform_indices = @transform_8, window_bounds = array<i64: 128, 128>}, {pipeline_mode = #tpu.pipeline_mode<synchronous>, transform_indices = @transform_9, window_bounds = array<i64: 1, 128>}, {pipeline_mode = #tpu.pipeline_mode<synchronous>, transform_indices = @transform_10, window_bounds = array<i64: 128, 128>}, {pipeline_mode = #tpu.pipeline_mode<synchronous>, transform_indices = @transform_11, window_bounds = array<i64: 128, 128>}, {pipeline_mode = #tpu.pipeline_mode<synchronous>, transform_indices = @transform_12, window_bounds = array<i64: 128, 128>}, {pipeline_mode = #tpu.pipeline_mode<synchronous>, transform_indices = @transform_13, window_bounds = array<i64: 1, 128>}, {pipeline_mode = #tpu.pipeline_mode<synchronous>, transform_indices = @transform_14, window_bounds = array<i64: 1, 128>}, {pipeline_mode = #tpu.pipeline_mode<synchronous>, transform_indices = @transform_15, window_bounds = array<i64: 1, 128>}, {pipeline_mode = #tpu.pipeline_mode<synchronous>, transform_indices = @transform_16, window_bounds = array<i64: 1, 128>}, {pipeline_mode = #tpu.pipeline_mode<synchronous>, transform_indices = @transform_17, window_bounds = array<i64: 1, 128>}, {pipeline_mode = #tpu.pipeline_mode<synchronous>, transform_indices = @transform_18, window_bounds = array<i64: 128, 128>}, {pipeline_mode = #tpu.pipeline_mode<synchronous>, transform_indices = @transform_19, window_bounds = array<i64: 128, 128>}, {pipeline_mode = #tpu.pipeline_mode<synchronous>, transform_indices = @transform_20, window_bounds = array<i64: 128, 128>}, {pipeline_mode = #tpu.pipeline_mode<synchronous>, transform_indices = @transform_21, window_bounds = array<i64: 1, 128>}, {transform_indices = @transform_22, window_bounds = array<i64: 2000, 128>}, {transform_indices = @transform_23, window_bounds = array<i64: 2000, 128>}, {transform_indices = @transform_24, window_bounds = array<i64: 2000, 128>}, {pipeline_mode = #tpu.pipeline_mode<synchronous>, transform_indices = @transform_25, window_bounds = array<i64: 1, 128>}, {pipeline_mode = #tpu.pipeline_mode<synchronous>, transform_indices = @transform_26, window_bounds = array<i64: 1, 128>}]} {
    %get3A = arith.constant 0 : index
    %get3A_0 = arith.constant 0 : index
    %get3A_1 = vector.load %arg1[%get3A, %get3A_0] : memref<2000x128xf32, #tpu.memory_space<vmem>>, vector<2000x128xf32>
    %get3A_2 = arith.constant 0 : index
    %get3A_3 = arith.constant 0 : index
    %get3A_4 = vector.load %arg4[%get3A_2, %get3A_3] : memref<1x128xf32, #tpu.memory_space<vmem>>, vector<1x128xf32>
    %get3A_5 = arith.constant 0 : index
    %get3A_6 = arith.constant 0 : index
    %get3A_7 = vector.load %arg9[%get3A_5, %get3A_6] : memref<128x128xf32, #tpu.memory_space<vmem>>, vector<128x128xf32>
    %dot_general3A = arith.constant dense<0.000000e+00> : vector<1x128xf32>
    %dot_general3A_8 = tpu.matmul %get3A_4, %get3A_7, %dot_general3A {dimension_numbers = #tpu.dot_dimension_numbers<[1], [0], [0], [1], [0, 0, 1, 1], [], []>, transpose_lhs_hint = false} : vector<1x128xf32>, vector<128x128xf32>, vector<1x128xf32> -> vector<1x128xf32>
    %get3A_9 = arith.constant 0 : index
    %get3A_10 = arith.constant 0 : index
    %get3A_11 = vector.load %arg10[%get3A_9, %get3A_10] : memref<1x128xf32, #tpu.memory_space<vmem>>, vector<1x128xf32>
    %add3A = arith.addf %dot_general3A_8, %get3A_11 : vector<1x128xf32>
    %get3A_12 = arith.constant 0 : index
    %get3A_13 = arith.constant 0 : index
    %get3A_14 = vector.load %arg6[%get3A_12, %get3A_13] : memref<128x128xf32, #tpu.memory_space<vmem>>, vector<128x128xf32>
    %dot_general3A_15 = arith.constant dense<0.000000e+00> : vector<2000x128xf32>
    %dot_general3A_16 = tpu.matmul %get3A_1, %get3A_14, %dot_general3A_15 {dimension_numbers = #tpu.dot_dimension_numbers<[1], [0], [0], [1], [0, 0, 1, 1], [], []>, transpose_lhs_hint = false} : vector<2000x128xf32>, vector<128x128xf32>, vector<2000x128xf32> -> vector<2000x128xf32>
    %get3A_17 = arith.constant 0 : index
    %get3A_18 = arith.constant 0 : index
    %get3A_19 = vector.load %arg2[%get3A_17, %get3A_18] : memref<2000x128xf32, #tpu.memory_space<vmem>>, vector<2000x128xf32>
    %get3A_20 = arith.constant 0 : index
    %get3A_21 = arith.constant 0 : index
    %get3A_22 = vector.load %arg7[%get3A_20, %get3A_21] : memref<128x128xf32, #tpu.memory_space<vmem>>, vector<128x128xf32>
    %dot_general3A_23 = arith.constant dense<0.000000e+00> : vector<2000x128xf32>
    %dot_general3A_24 = tpu.matmul %get3A_19, %get3A_22, %dot_general3A_23 {dimension_numbers = #tpu.dot_dimension_numbers<[1], [0], [0], [1], [0, 0, 1, 1], [], []>, transpose_lhs_hint = false} : vector<2000x128xf32>, vector<128x128xf32>, vector<2000x128xf32> -> vector<2000x128xf32>
    %add3A_25 = arith.addf %dot_general3A_16, %dot_general3A_24 : vector<2000x128xf32>
    %get3A_26 = arith.constant 0 : index
    %get3A_27 = arith.constant 0 : index
    %get3A_28 = vector.load %arg3[%get3A_26, %get3A_27] : memref<2000x128xf32, #tpu.memory_space<vmem>>, vector<2000x128xf32>
    %get3A_29 = arith.constant 0 : index
    %get3A_30 = arith.constant 0 : index
    %get3A_31 = vector.load %arg8[%get3A_29, %get3A_30] : memref<128x128xf32, #tpu.memory_space<vmem>>, vector<128x128xf32>
    %dot_general3A_32 = arith.constant dense<0.000000e+00> : vector<2000x128xf32>
    %dot_general3A_33 = tpu.matmul %get3A_28, %get3A_31, %dot_general3A_32 {dimension_numbers = #tpu.dot_dimension_numbers<[1], [0], [0], [1], [0, 0, 1, 1], [], []>, transpose_lhs_hint = false} : vector<2000x128xf32>, vector<128x128xf32>, vector<2000x128xf32> -> vector<2000x128xf32>
    %add3A_34 = arith.addf %add3A_25, %dot_general3A_33 : vector<2000x128xf32>
    %add3A_35 = vector.broadcast %add3A : vector<1x128xf32> to vector<2000x128xf32>
    %add3A_36 = arith.addf %add3A_34, %add3A_35 : vector<2000x128xf32>
    %max3A = arith.constant 0.000000e+00 : f32
    %max3A_37 = vector.broadcast %max3A : f32 to vector<2000x128xf32>
    %max3A_38 = arith.maximumf %add3A_36, %max3A_37 : vector<2000x128xf32>
    %add3A_39 = arith.addf %max3A_38, %get3A_1 : vector<2000x128xf32>
    %get3A_40 = arith.constant 0 : index
    %get3A_41 = arith.constant 0 : index
    %get3A_42 = vector.load %arg15[%get3A_40, %get3A_41] : memref<1x128xf32, #tpu.memory_space<vmem>>, vector<1x128xf32>
    %get3A_43 = arith.constant 0 : index
    %get3A_44 = arith.constant 0 : index
    %get3A_45 = vector.load %arg16[%get3A_43, %get3A_44] : memref<1x128xf32, #tpu.memory_space<vmem>>, vector<1x128xf32>
    %reduce_sum3A = arith.constant dense<0.000000e+00> : vector<2000xf32>
    %reduce_sum3A_46 = vector.multi_reduction <add>, %add3A_39, %reduce_sum3A [1] : vector<2000x128xf32> to vector<2000xf32>
    %broadcast_in_dim3A = vector.shape_cast %reduce_sum3A_46 : vector<2000xf32> to vector<2000x1xf32>
    %div3A = arith.constant 1.280000e+02 : f32
    %div3A_47 = vector.broadcast %div3A : f32 to vector<2000x1xf32>
    %div3A_48 = arith.divf %broadcast_in_dim3A, %div3A_47 : vector<2000x1xf32>
    %sub3A = vector.broadcast %div3A_48 : vector<2000x1xf32> to vector<2000x128xf32>
    %sub3A_49 = arith.subf %add3A_39, %sub3A : vector<2000x128xf32>
    %square3A = arith.mulf %sub3A_49, %sub3A_49 : vector<2000x128xf32>
    %reduce_sum3A_50 = arith.constant dense<0.000000e+00> : vector<2000xf32>
    %reduce_sum3A_51 = vector.multi_reduction <add>, %square3A, %reduce_sum3A_50 [1] : vector<2000x128xf32> to vector<2000xf32>
    %broadcast_in_dim3A_52 = vector.shape_cast %reduce_sum3A_51 : vector<2000xf32> to vector<2000x1xf32>
    %div3A_53 = arith.constant 1.280000e+02 : f32
    %div3A_54 = vector.broadcast %div3A_53 : f32 to vector<2000x1xf32>
    %div3A_55 = arith.divf %broadcast_in_dim3A_52, %div3A_54 : vector<2000x1xf32>
    %sub3A_56 = vector.broadcast %div3A_48 : vector<2000x1xf32> to vector<2000x128xf32>
    %sub3A_57 = arith.subf %add3A_39, %sub3A_56 : vector<2000x128xf32>
    %add3A_58 = arith.constant 9.99999974E-6 : f32
    %add3A_59 = vector.broadcast %add3A_58 : f32 to vector<2000x1xf32>
    %add3A_60 = arith.addf %div3A_55, %add3A_59 : vector<2000x1xf32>
    %rsqrt3A = math.rsqrt %add3A_60 : vector<2000x1xf32>
    %mul3A = vector.broadcast %rsqrt3A : vector<2000x1xf32> to vector<2000x128xf32>
    %mul3A_61 = arith.mulf %sub3A_57, %mul3A : vector<2000x128xf32>
    %mul3A_62 = vector.broadcast %get3A_42 : vector<1x128xf32> to vector<2000x128xf32>
    %mul3A_63 = arith.mulf %mul3A_61, %mul3A_62 : vector<2000x128xf32>
    %add3A_64 = vector.broadcast %get3A_45 : vector<1x128xf32> to vector<2000x128xf32>
    %add3A_65 = arith.addf %mul3A_63, %add3A_64 : vector<2000x128xf32>
    %swap3A = arith.constant 0 : index
    %swap3A_66 = arith.constant 0 : index
    %swap3A_67 = vector.load %arg23[%swap3A, %swap3A_66] : memref<2000x128xf32, #tpu.memory_space<vmem>>, vector<2000x128xf32>
    tpu.vector_store %arg23[%swap3A, %swap3A_66], %add3A_65 {strides = array<i32>} : memref<2000x128xf32, #tpu.memory_space<vmem>>, vector<2000x128xf32>,
    %reshape3A = vector.shape_cast %max3A_38 : vector<2000x128xf32> to vector<250x8x128xf32>
    %reduce_sum3A_68 = arith.constant dense<0.000000e+00> : vector<8x128xf32>
    %reduce_sum3A_69 = vector.multi_reduction <add>, %reshape3A, %reduce_sum3A_68 [0] : vector<250x8x128xf32> to vector<8x128xf32>
    %eq3A = arith.constant 0 : i32
    %eq3A_70 = arith.cmpi eq, %arg0, %eq3A : i32
    %convert_element_type3A = arith.extui %eq3A_70 : i1 to i32
    %cond3A = arith.constant 0 : i32
    %cond3A_71 = arith.cmpi ne, %convert_element_type3A, %cond3A : i32
    scf.if %cond3A_71 {
      %swap3A_97 = arith.constant 0 : index
      %swap3A_98 = arith.constant 0 : index
      %swap3A_99 = vector.load %arg28[%swap3A_97, %swap3A_98] : memref<8x128xf32, #tpu.memory_space<vmem>>, vector<8x128xf32>
      tpu.vector_store %arg28[%swap3A_97, %swap3A_98], %reduce_sum3A_69 {strides = array<i32>} : memref<8x128xf32, #tpu.memory_space<vmem>>, vector<8x128xf32>,
    } else {
    }
    %gt3A = arith.constant 0 : i32
    %gt3A_72 = arith.cmpi sgt, %arg0, %gt3A : i32
    %convert_element_type3A_73 = arith.extui %gt3A_72 : i1 to i32
    %cond3A_74 = arith.constant 0 : i32
    %cond3A_75 = arith.cmpi ne, %convert_element_type3A_73, %cond3A_74 : i32
    scf.if %cond3A_75 {
      %get3A_97 = arith.constant 0 : index
      %get3A_98 = arith.constant 0 : index
      %get3A_99 = vector.load %arg28[%get3A_97, %get3A_98] : memref<8x128xf32, #tpu.memory_space<vmem>>, vector<8x128xf32>
      %add3A_100 = arith.addf %get3A_99, %reduce_sum3A_69 : vector<8x128xf32>
      %swap3A_101 = arith.constant 0 : index
      %swap3A_102 = arith.constant 0 : index
      %swap3A_103 = vector.load %arg28[%swap3A_101, %swap3A_102] : memref<8x128xf32, #tpu.memory_space<vmem>>, vector<8x128xf32>
      tpu.vector_store %arg28[%swap3A_101, %swap3A_102], %add3A_100 {strides = array<i32>} : memref<8x128xf32, #tpu.memory_space<vmem>>, vector<8x128xf32>,
    } else {
    }
    %get3A_76 = arith.constant 0 : index
    %get3A_77 = arith.constant 0 : index
    %get3A_78 = vector.load %arg19[%get3A_76, %get3A_77] : memref<128x128xf32, #tpu.memory_space<vmem>>, vector<128x128xf32>
    %dot_general3A_79 = arith.constant dense<0.000000e+00> : vector<2000x128xf32>
    %dot_general3A_80 = tpu.matmul %add3A_65, %get3A_78, %dot_general3A_79 {dimension_numbers = #tpu.dot_dimension_numbers<[1], [0], [0], [1], [0, 0, 1, 1], [], []>, transpose_lhs_hint = false} : vector<2000x128xf32>, vector<128x128xf32>, vector<2000x128xf32> -> vector<2000x128xf32>
    %swap3A_81 = arith.constant 0 : index
    %swap3A_82 = arith.constant 0 : index
    %swap3A_83 = vector.load %arg24[%swap3A_81, %swap3A_82] : memref<2000x128xf32, #tpu.memory_space<vmem>>, vector<2000x128xf32>
    tpu.vector_store %arg24[%swap3A_81, %swap3A_82], %dot_general3A_80 {strides = array<i32>} : memref<2000x128xf32, #tpu.memory_space<vmem>>, vector<2000x128xf32>,
    %get3A_84 = arith.constant 0 : index
    %get3A_85 = arith.constant 0 : index
    %get3A_86 = vector.load %arg20[%get3A_84, %get3A_85] : memref<128x128xf32, #tpu.memory_space<vmem>>, vector<128x128xf32>
    %dot_general3A_87 = arith.constant dense<0.000000e+00> : vector<2000x128xf32>
    %dot_general3A_88 = tpu.matmul %add3A_65, %get3A_86, %dot_general3A_87 {dimension_numbers = #tpu.dot_dimension_numbers<[1], [0], [0], [1], [0, 0, 1, 1], [], []>, transpose_lhs_hint = false} : vector<2000x128xf32>, vector<128x128xf32>, vector<2000x128xf32> -> vector<2000x128xf32>
    %swap3A_89 = arith.constant 0 : index
    %swap3A_90 = arith.constant 0 : index
    %swap3A_91 = vector.load %arg25[%swap3A_89, %swap3A_90] : memref<2000x128xf32, #tpu.memory_space<vmem>>, vector<2000x128xf32>
    tpu.vector_store %arg25[%swap3A_89, %swap3A_90], %dot_general3A_88 {strides = array<i32>} : memref<2000x128xf32, #tpu.memory_space<vmem>>, vector<2000x128xf32>,
    %eq3A_92 = arith.constant 4 : i32
    %eq3A_93 = arith.cmpi eq, %arg0, %eq3A_92 : i32
    %convert_element_type3A_94 = arith.extui %eq3A_93 : i1 to i32
    %cond3A_95 = arith.constant 0 : i32
    %cond3A_96 = arith.cmpi ne, %convert_element_type3A_94, %cond3A_95 : i32
    scf.if %cond3A_96 {
      %get3A_97 = arith.constant 0 : index
      %get3A_98 = arith.constant 0 : index
      %get3A_99 = vector.load %arg28[%get3A_97, %get3A_98] : memref<8x128xf32, #tpu.memory_space<vmem>>, vector<8x128xf32>
      %reduce_sum3A_100 = arith.constant dense<0.000000e+00> : vector<128xf32>
      %reduce_sum3A_101 = vector.multi_reduction <add>, %get3A_99, %reduce_sum3A_100 [0] : vector<8x128xf32> to vector<128xf32>
      %broadcast_in_dim3A_102 = vector.shape_cast %reduce_sum3A_101 : vector<128xf32> to vector<1x128xf32>
      %get3A_103 = arith.constant 0 : index
      %get3A_104 = arith.constant 0 : index
      %get3A_105 = vector.load %arg5[%get3A_103, %get3A_104] : memref<8x128xf32, #tpu.memory_space<vmem>>, vector<8x128xf32>
      %reduce_sum3A_106 = arith.constant dense<0.000000e+00> : vector<128xf32>
      %reduce_sum3A_107 = vector.multi_reduction <add>, %get3A_105, %reduce_sum3A_106 [0] : vector<8x128xf32> to vector<128xf32>
      %broadcast_in_dim3A_108 = vector.shape_cast %reduce_sum3A_107 : vector<128xf32> to vector<1x128xf32>
      %get3A_109 = arith.constant 0 : index
      %get3A_110 = arith.constant 0 : index
      %get3A_111 = vector.load %arg11[%get3A_109, %get3A_110] : memref<128x128xf32, #tpu.memory_space<vmem>>, vector<128x128xf32>
      %dot_general3A_112 = arith.constant dense<0.000000e+00> : vector<1x128xf32>
      %dot_general3A_113 = tpu.matmul %broadcast_in_dim3A_102, %get3A_111, %dot_general3A_112 {dimension_numbers = #tpu.dot_dimension_numbers<[1], [0], [0], [1], [0, 0, 1, 1], [], []>, transpose_lhs_hint = false} : vector<1x128xf32>, vector<128x128xf32>, vector<1x128xf32> -> vector<1x128xf32>
      %get3A_114 = arith.constant 0 : index
      %get3A_115 = arith.constant 0 : index
      %get3A_116 = vector.load %arg12[%get3A_114, %get3A_115] : memref<128x128xf32, #tpu.memory_space<vmem>>, vector<128x128xf32>
      %dot_general3A_117 = arith.constant dense<0.000000e+00> : vector<1x128xf32>
      %dot_general3A_118 = tpu.matmul %broadcast_in_dim3A_108, %get3A_116, %dot_general3A_117 {dimension_numbers = #tpu.dot_dimension_numbers<[1], [0], [0], [1], [0, 0, 1, 1], [], []>, transpose_lhs_hint = false} : vector<1x128xf32>, vector<128x128xf32>, vector<1x128xf32> -> vector<1x128xf32>
      %add3A_119 = arith.addf %dot_general3A_113, %dot_general3A_118 : vector<1x128xf32>
      %get3A_120 = arith.constant 0 : index
      %get3A_121 = arith.constant 0 : index
      %get3A_122 = vector.load %arg13[%get3A_120, %get3A_121] : memref<128x128xf32, #tpu.memory_space<vmem>>, vector<128x128xf32>
      %dot_general3A_123 = arith.constant dense<0.000000e+00> : vector<1x128xf32>
      %dot_general3A_124 = tpu.matmul %get3A_4, %get3A_122, %dot_general3A_123 {dimension_numbers = #tpu.dot_dimension_numbers<[1], [0], [0], [1], [0, 0, 1, 1], [], []>, transpose_lhs_hint = false} : vector<1x128xf32>, vector<128x128xf32>, vector<1x128xf32> -> vector<1x128xf32>
      %add3A_125 = arith.addf %add3A_119, %dot_general3A_124 : vector<1x128xf32>
      %get3A_126 = arith.constant 0 : index
      %get3A_127 = arith.constant 0 : index
      %get3A_128 = vector.load %arg14[%get3A_126, %get3A_127] : memref<1x128xf32, #tpu.memory_space<vmem>>, vector<1x128xf32>
      %add3A_129 = arith.addf %add3A_125, %get3A_128 : vector<1x128xf32>
      %max3A_130 = arith.constant 0.000000e+00 : f32
      %max3A_131 = vector.broadcast %max3A_130 : f32 to vector<1x128xf32>
      %max3A_132 = arith.maximumf %add3A_129, %max3A_131 : vector<1x128xf32>
      %add3A_133 = arith.addf %max3A_132, %get3A_4 : vector<1x128xf32>
      %get3A_134 = arith.constant 0 : index
      %get3A_135 = arith.constant 0 : index
      %get3A_136 = vector.load %arg17[%get3A_134, %get3A_135] : memref<1x128xf32, #tpu.memory_space<vmem>>, vector<1x128xf32>
      %get3A_137 = arith.constant 0 : index
      %get3A_138 = arith.constant 0 : index
      %get3A_139 = vector.load %arg18[%get3A_137, %get3A_138] : memref<1x128xf32, #tpu.memory_space<vmem>>, vector<1x128xf32>
      %reduce_sum3A_140 = arith.constant dense<0.000000e+00> : vector<1xf32>
      %reduce_sum3A_141 = vector.multi_reduction <add>, %add3A_133, %reduce_sum3A_140 [1] : vector<1x128xf32> to vector<1xf32>
      %broadcast_in_dim3A_142 = vector.shape_cast %reduce_sum3A_141 : vector<1xf32> to vector<1x1xf32>
      %div3A_143 = arith.constant 1.280000e+02 : f32
      %div3A_144 = vector.broadcast %div3A_143 : f32 to vector<1x1xf32>
      %div3A_145 = arith.divf %broadcast_in_dim3A_142, %div3A_144 : vector<1x1xf32>
      %sub3A_146 = vector.broadcast %div3A_145 : vector<1x1xf32> to vector<1x128xf32>
      %sub3A_147 = arith.subf %add3A_133, %sub3A_146 : vector<1x128xf32>
      %square3A_148 = arith.mulf %sub3A_147, %sub3A_147 : vector<1x128xf32>
      %reduce_sum3A_149 = arith.constant dense<0.000000e+00> : vector<1xf32>
      %reduce_sum3A_150 = vector.multi_reduction <add>, %square3A_148, %reduce_sum3A_149 [1] : vector<1x128xf32> to vector<1xf32>
      %broadcast_in_dim3A_151 = vector.shape_cast %reduce_sum3A_150 : vector<1xf32> to vector<1x1xf32>
      %div3A_152 = arith.constant 1.280000e+02 : f32
      %div3A_153 = vector.broadcast %div3A_152 : f32 to vector<1x1xf32>
      %div3A_154 = arith.divf %broadcast_in_dim3A_151, %div3A_153 : vector<1x1xf32>
      %sub3A_155 = vector.broadcast %div3A_145 : vector<1x1xf32> to vector<1x128xf32>
      %sub3A_156 = arith.subf %add3A_133, %sub3A_155 : vector<1x128xf32>
      %add3A_157 = arith.constant 9.99999974E-6 : f32
      %add3A_158 = vector.broadcast %add3A_157 : f32 to vector<1x1xf32>
      %add3A_159 = arith.addf %div3A_154, %add3A_158 : vector<1x1xf32>
      %rsqrt3A_160 = math.rsqrt %add3A_159 : vector<1x1xf32>
      %mul3A_161 = vector.broadcast %rsqrt3A_160 : vector<1x1xf32> to vector<1x128xf32>
      %mul3A_162 = arith.mulf %sub3A_156, %mul3A_161 : vector<1x128xf32>
      %mul3A_163 = arith.mulf %mul3A_162, %get3A_136 : vector<1x128xf32>
      %add3A_164 = arith.addf %mul3A_163, %get3A_139 : vector<1x128xf32>
      %swap3A_165 = arith.constant 0 : index
      %swap3A_166 = arith.constant 0 : index
      %swap3A_167 = vector.load %arg26[%swap3A_165, %swap3A_166] : memref<1x128xf32, #tpu.memory_space<vmem>>, vector<1x128xf32>
      tpu.vector_store %arg26[%swap3A_165, %swap3A_166], %add3A_164 {strides = array<i32>} : memref<1x128xf32, #tpu.memory_space<vmem>>, vector<1x128xf32>,
      %get3A_168 = arith.constant 0 : index
      %get3A_169 = arith.constant 0 : index
      %get3A_170 = vector.load %arg21[%get3A_168, %get3A_169] : memref<128x128xf32, #tpu.memory_space<vmem>>, vector<128x128xf32>
      %dot_general3A_171 = arith.constant dense<0.000000e+00> : vector<1x128xf32>
      %dot_general3A_172 = tpu.matmul %add3A_164, %get3A_170, %dot_general3A_171 {dimension_numbers = #tpu.dot_dimension_numbers<[1], [0], [0], [1], [0, 0, 1, 1], [], []>, transpose_lhs_hint = false} : vector<1x128xf32>, vector<128x128xf32>, vector<1x128xf32> -> vector<1x128xf32>
      %get3A_173 = arith.constant 0 : index
      %get3A_174 = arith.constant 0 : index
      %get3A_175 = vector.load %arg22[%get3A_173, %get3A_174] : memref<1x128xf32, #tpu.memory_space<vmem>>, vector<1x128xf32>
      %add3A_176 = arith.addf %dot_general3A_172, %get3A_175 : vector<1x128xf32>
      %swap3A_177 = arith.constant 0 : index
      %swap3A_178 = arith.constant 0 : index
      %swap3A_179 = vector.load %arg27[%swap3A_177, %swap3A_178] : memref<1x128xf32, #tpu.memory_space<vmem>>, vector<1x128xf32>
      tpu.vector_store %arg27[%swap3A_177, %swap3A_178], %add3A_176 {strides = array<i32>} : memref<1x128xf32, #tpu.memory_space<vmem>>, vector<1x128xf32>,
    } else {
    }
    return
  }
  func.func @transform_0(%arg0: i32) -> (i32, i32) {
    %c0_i32 = arith.constant 0 : i32
    %c0_i32_0 = arith.constant 0 : i32
    return %arg0, %c0_i32 : i32, i32
  }
  func.func @transform_1(%arg0: i32) -> (i32, i32) {
    %c0_i32 = arith.constant 0 : i32
    %c0_i32_0 = arith.constant 0 : i32
    return %arg0, %c0_i32 : i32, i32
  }
  func.func @transform_2(%arg0: i32) -> (i32, i32) {
    %c0_i32 = arith.constant 0 : i32
    %c0_i32_0 = arith.constant 0 : i32
    return %arg0, %c0_i32 : i32, i32
  }
  func.func @transform_3(%arg0: i32) -> (i32, i32) {
    %c0_i32 = arith.constant 0 : i32
    %c0_i32_0 = arith.constant 0 : i32
    %c0_i32_1 = arith.constant 0 : i32
    return %c0_i32, %c0_i32_0 : i32, i32
  }
  func.func @transform_4(%arg0: i32) -> (i32, i32) {
    %c0_i32 = arith.constant 0 : i32
    %c0_i32_0 = arith.constant 0 : i32
    %c0_i32_1 = arith.constant 0 : i32
    return %c0_i32, %c0_i32_0 : i32, i32
  }
  func.func @transform_5(%arg0: i32) -> (i32, i32) {
    %c0_i32 = arith.constant 0 : i32
    %c0_i32_0 = arith.constant 0 : i32
    %c0_i32_1 = arith.constant 0 : i32
    return %c0_i32, %c0_i32_0 : i32, i32
  }
  func.func @transform_6(%arg0: i32) -> (i32, i32) {
    %c0_i32 = arith.constant 0 : i32
    %c0_i32_0 = arith.constant 0 : i32
    %c0_i32_1 = arith.constant 0 : i32
    return %c0_i32, %c0_i32_0 : i32, i32
  }
  func.func @transform_7(%arg0: i32) -> (i32, i32) {
    %c0_i32 = arith.constant 0 : i32
    %c0_i32_0 = arith.constant 0 : i32
    %c0_i32_1 = arith.constant 0 : i32
    return %c0_i32, %c0_i32_0 : i32, i32
  }
  func.func @transform_8(%arg0: i32) -> (i32, i32) {
    %c0_i32 = arith.constant 0 : i32
    %c0_i32_0 = arith.constant 0 : i32
    %c0_i32_1 = arith.constant 0 : i32
    return %c0_i32, %c0_i32_0 : i32, i32
  }
  func.func @transform_9(%arg0: i32) -> (i32, i32) {
    %c0_i32 = arith.constant 0 : i32
    %c0_i32_0 = arith.constant 0 : i32
    %c0_i32_1 = arith.constant 0 : i32
    return %c0_i32, %c0_i32_0 : i32, i32
  }
  func.func @transform_10(%arg0: i32) -> (i32, i32) {
    %c0_i32 = arith.constant 0 : i32
    %c0_i32_0 = arith.constant 0 : i32
    %c0_i32_1 = arith.constant 0 : i32
    return %c0_i32, %c0_i32_0 : i32, i32
  }
  func.func @transform_11(%arg0: i32) -> (i32, i32) {
    %c0_i32 = arith.constant 0 : i32
    %c0_i32_0 = arith.constant 0 : i32
    %c0_i32_1 = arith.constant 0 : i32
    return %c0_i32, %c0_i32_0 : i32, i32
  }
  func.func @transform_12(%arg0: i32) -> (i32, i32) {
    %c0_i32 = arith.constant 0 : i32
    %c0_i32_0 = arith.constant 0 : i32
    %c0_i32_1 = arith.constant 0 : i32
    return %c0_i32, %c0_i32_0 : i32, i32
  }
  func.func @transform_13(%arg0: i32) -> (i32, i32) {
    %c0_i32 = arith.constant 0 : i32
    %c0_i32_0 = arith.constant 0 : i32
    %c0_i32_1 = arith.constant 0 : i32
    return %c0_i32, %c0_i32_0 : i32, i32
  }
  func.func @transform_14(%arg0: i32) -> (i32, i32) {
    %c0_i32 = arith.constant 0 : i32
    %c0_i32_0 = arith.constant 0 : i32
    %c0_i32_1 = arith.constant 0 : i32
    return %c0_i32, %c0_i32_0 : i32, i32
  }
  func.func @transform_15(%arg0: i32) -> (i32, i32) {
    %c0_i32 = arith.constant 0 : i32
    %c0_i32_0 = arith.constant 0 : i32
    %c0_i32_1 = arith.constant 0 : i32
    return %c0_i32, %c0_i32_0 : i32, i32
  }
  func.func @transform_16(%arg0: i32) -> (i32, i32) {
    %c0_i32 = arith.constant 0 : i32
    %c0_i32_0 = arith.constant 0 : i32
    %c0_i32_1 = arith.constant 0 : i32
    return %c0_i32, %c0_i32_0 : i32, i32
  }
  func.func @transform_17(%arg0: i32) -> (i32, i32) {
    %c0_i32 = arith.constant 0 : i32
    %c0_i32_0 = arith.constant 0 : i32
    %c0_i32_1 = arith.constant 0 : i32
    return %c0_i32, %c0_i32_0 : i32, i32
  }
  func.func @transform_18(%arg0: i32) -> (i32, i32) {
    %c0_i32 = arith.constant 0 : i32
    %c0_i32_0 = arith.constant 0 : i32
    %c0_i32_1 = arith.constant 0 : i32
    return %c0_i32, %c0_i32_0 : i32, i32
  }
  func.func @transform_19(%arg0: i32) -> (i32, i32) {
    %c0_i32 = arith.constant 0 : i32
    %c0_i32_0 = arith.constant 0 : i32
    %c0_i32_1 = arith.constant 0 : i32
    return %c0_i32, %c0_i32_0 : i32, i32
  }
  func.func @transform_20(%arg0: i32) -> (i32, i32) {
    %c0_i32 = arith.constant 0 : i32
    %c0_i32_0 = arith.constant 0 : i32
    %c0_i32_1 = arith.constant 0 : i32
    return %c0_i32, %c0_i32_0 : i32, i32
  }
  func.func @transform_21(%arg0: i32) -> (i32, i32) {
    %c0_i32 = arith.constant 0 : i32
    %c0_i32_0 = arith.constant 0 : i32
    %c0_i32_1 = arith.constant 0 : i32
    return %c0_i32, %c0_i32_0 : i32, i32
  }
  func.func @transform_22(%arg0: i32) -> (i32, i32) {
    %c0_i32 = arith.constant 0 : i32
    %c0_i32_0 = arith.constant 0 : i32
    return %arg0, %c0_i32 : i32, i32
  }
  func.func @transform_23(%arg0: i32) -> (i32, i32) {
    %c0_i32 = arith.constant 0 : i32
    %c0_i32_0 = arith.constant 0 : i32
    return %arg0, %c0_i32 : i32, i32
  }
  func.func @transform_24(%arg0: i32) -> (i32, i32) {
    %c0_i32 = arith.constant 0 : i32
    %c0_i32_0 = arith.constant 0 : i32
    return %arg0, %c0_i32 : i32, i32
  }
  func.func @transform_25(%arg0: i32) -> (i32, i32) {
    %c0_i32 = arith.constant 0 : i32
    %c0_i32_0 = arith.constant 0 : i32
    %c0_i32_1 = arith.constant 0 : i32
    return %c0_i32, %c0_i32_0 : i32, i32
  }
  func.func @transform_26(%arg0: i32) -> (i32, i32) {
    %c0_i32 = arith.constant 0 : i32
    %c0_i32_0 = arith.constant 0 : i32
    %c0_i32_1 = arith.constant 0 : i32
    return %c0_i32, %c0_i32_0 : i32, i32
  }
}

module attributes {stable_mosaic.version = 14 : i64} {
  func.func @_edge_body(%arg0: i32, %arg1: memref<2000x128xbf16, #tpu.memory_space<vmem>>, %arg2: memref<2000x128xf32, #tpu.memory_space<vmem>>, %arg3: memref<128x128xf32, #tpu.memory_space<vmem>>, %arg4: memref<1x128xf32, #tpu.memory_space<vmem>>, %arg5: memref<1x128xf32, #tpu.memory_space<vmem>>, %arg6: memref<1x128xf32, #tpu.memory_space<vmem>>, %arg7: memref<2000x128xf32, #tpu.memory_space<vmem>>, %arg8: memref<2000x128xf32, #tpu.memory_space<vmem>>, %arg9: memref<8x128xf32, #tpu.memory_space<vmem>>) attributes {dimension_semantics = [#tpu.dimension_semantics<arbitrary>], iteration_bounds = array<i64: 80>, scalar_prefetch = 0 : i64, scratch_operands = 0 : i64, tpu.core_type = #tpu.core_type<tc>, window_params = [{transform_indices = @transform_0, window_bounds = array<i64: 2000, 128>}, {transform_indices = @transform_1, window_bounds = array<i64: 2000, 128>}, {pipeline_mode = #tpu.pipeline_mode<synchronous>, transform_indices = @transform_2, window_bounds = array<i64: 128, 128>}, {pipeline_mode = #tpu.pipeline_mode<synchronous>, transform_indices = @transform_3, window_bounds = array<i64: 1, 128>}, {pipeline_mode = #tpu.pipeline_mode<synchronous>, transform_indices = @transform_4, window_bounds = array<i64: 1, 128>}, {pipeline_mode = #tpu.pipeline_mode<synchronous>, transform_indices = @transform_5, window_bounds = array<i64: 1, 128>}, {transform_indices = @transform_6, window_bounds = array<i64: 2000, 128>}, {transform_indices = @transform_7, window_bounds = array<i64: 2000, 128>}, {pipeline_mode = #tpu.pipeline_mode<synchronous>, transform_indices = @transform_8, window_bounds = array<i64: 8, 128>}]} {
    %get3A = arith.constant 0 : index
    %get3A_0 = arith.constant 0 : index
    %get3A_1 = vector.load %arg1[%get3A, %get3A_0] : memref<2000x128xbf16, #tpu.memory_space<vmem>>, vector<2000x128xbf16>
    %convert_element_type3A = arith.extf %get3A_1 : vector<2000x128xbf16> to vector<2000x128xf32>
    %get3A_2 = arith.constant 0 : index
    %get3A_3 = arith.constant 0 : index
    %get3A_4 = vector.load %arg3[%get3A_2, %get3A_3] : memref<128x128xf32, #tpu.memory_space<vmem>>, vector<128x128xf32>
    %dot_general3A = arith.constant dense<0.000000e+00> : vector<2000x128xf32>
    %dot_general3A_5 = tpu.matmul %convert_element_type3A, %get3A_4, %dot_general3A {dimension_numbers = #tpu.dot_dimension_numbers<[1], [0], [0], [1], [0, 0, 1, 1], [], []>, transpose_lhs_hint = false} : vector<2000x128xf32>, vector<128x128xf32>, vector<2000x128xf32> -> vector<2000x128xf32>
    %get3A_6 = arith.constant 0 : index
    %get3A_7 = arith.constant 0 : index
    %get3A_8 = vector.load %arg2[%get3A_6, %get3A_7] : memref<2000x128xf32, #tpu.memory_space<vmem>>, vector<2000x128xf32>
    %add3A = arith.addf %dot_general3A_5, %get3A_8 : vector<2000x128xf32>
    %get3A_9 = arith.constant 0 : index
    %get3A_10 = arith.constant 0 : index
    %get3A_11 = vector.load %arg4[%get3A_9, %get3A_10] : memref<1x128xf32, #tpu.memory_space<vmem>>, vector<1x128xf32>
    %add3A_12 = vector.broadcast %get3A_11 : vector<1x128xf32> to vector<2000x128xf32>
    %add3A_13 = arith.addf %add3A, %add3A_12 : vector<2000x128xf32>
    %max3A = arith.constant 0.000000e+00 : f32
    %max3A_14 = vector.broadcast %max3A : f32 to vector<2000x128xf32>
    %max3A_15 = arith.maximumf %add3A_13, %max3A_14 : vector<2000x128xf32>
    %swap3A = arith.constant 0 : index
    %swap3A_16 = arith.constant 0 : index
    %swap3A_17 = vector.load %arg7[%swap3A, %swap3A_16] : memref<2000x128xf32, #tpu.memory_space<vmem>>, vector<2000x128xf32>
    tpu.vector_store %arg7[%swap3A, %swap3A_16], %max3A_15 {strides = array<i32>} : memref<2000x128xf32, #tpu.memory_space<vmem>>, vector<2000x128xf32>,
    %add3A_18 = arith.addf %max3A_15, %convert_element_type3A : vector<2000x128xf32>
    %get3A_19 = arith.constant 0 : index
    %get3A_20 = arith.constant 0 : index
    %get3A_21 = vector.load %arg5[%get3A_19, %get3A_20] : memref<1x128xf32, #tpu.memory_space<vmem>>, vector<1x128xf32>
    %get3A_22 = arith.constant 0 : index
    %get3A_23 = arith.constant 0 : index
    %get3A_24 = vector.load %arg6[%get3A_22, %get3A_23] : memref<1x128xf32, #tpu.memory_space<vmem>>, vector<1x128xf32>
    %reduce_sum3A = arith.constant dense<0.000000e+00> : vector<2000xf32>
    %reduce_sum3A_25 = vector.multi_reduction <add>, %add3A_18, %reduce_sum3A [1] : vector<2000x128xf32> to vector<2000xf32>
    %broadcast_in_dim3A = vector.shape_cast %reduce_sum3A_25 : vector<2000xf32> to vector<2000x1xf32>
    %div3A = arith.constant 1.280000e+02 : f32
    %div3A_26 = vector.broadcast %div3A : f32 to vector<2000x1xf32>
    %div3A_27 = arith.divf %broadcast_in_dim3A, %div3A_26 : vector<2000x1xf32>
    %sub3A = vector.broadcast %div3A_27 : vector<2000x1xf32> to vector<2000x128xf32>
    %sub3A_28 = arith.subf %add3A_18, %sub3A : vector<2000x128xf32>
    %square3A = arith.mulf %sub3A_28, %sub3A_28 : vector<2000x128xf32>
    %reduce_sum3A_29 = arith.constant dense<0.000000e+00> : vector<2000xf32>
    %reduce_sum3A_30 = vector.multi_reduction <add>, %square3A, %reduce_sum3A_29 [1] : vector<2000x128xf32> to vector<2000xf32>
    %broadcast_in_dim3A_31 = vector.shape_cast %reduce_sum3A_30 : vector<2000xf32> to vector<2000x1xf32>
    %div3A_32 = arith.constant 1.280000e+02 : f32
    %div3A_33 = vector.broadcast %div3A_32 : f32 to vector<2000x1xf32>
    %div3A_34 = arith.divf %broadcast_in_dim3A_31, %div3A_33 : vector<2000x1xf32>
    %sub3A_35 = vector.broadcast %div3A_27 : vector<2000x1xf32> to vector<2000x128xf32>
    %sub3A_36 = arith.subf %add3A_18, %sub3A_35 : vector<2000x128xf32>
    %add3A_37 = arith.constant 9.99999974E-6 : f32
    %add3A_38 = vector.broadcast %add3A_37 : f32 to vector<2000x1xf32>
    %add3A_39 = arith.addf %div3A_34, %add3A_38 : vector<2000x1xf32>
    %rsqrt3A = math.rsqrt %add3A_39 : vector<2000x1xf32>
    %mul3A = vector.broadcast %rsqrt3A : vector<2000x1xf32> to vector<2000x128xf32>
    %mul3A_40 = arith.mulf %sub3A_36, %mul3A : vector<2000x128xf32>
    %mul3A_41 = vector.broadcast %get3A_21 : vector<1x128xf32> to vector<2000x128xf32>
    %mul3A_42 = arith.mulf %mul3A_40, %mul3A_41 : vector<2000x128xf32>
    %add3A_43 = vector.broadcast %get3A_24 : vector<1x128xf32> to vector<2000x128xf32>
    %add3A_44 = arith.addf %mul3A_42, %add3A_43 : vector<2000x128xf32>
    %swap3A_45 = arith.constant 0 : index
    %swap3A_46 = arith.constant 0 : index
    %swap3A_47 = vector.load %arg8[%swap3A_45, %swap3A_46] : memref<2000x128xf32, #tpu.memory_space<vmem>>, vector<2000x128xf32>
    tpu.vector_store %arg8[%swap3A_45, %swap3A_46], %add3A_44 {strides = array<i32>} : memref<2000x128xf32, #tpu.memory_space<vmem>>, vector<2000x128xf32>,
    %reshape3A = vector.shape_cast %max3A_15 : vector<2000x128xf32> to vector<250x8x128xf32>
    %reduce_sum3A_48 = arith.constant dense<0.000000e+00> : vector<8x128xf32>
    %reduce_sum3A_49 = vector.multi_reduction <add>, %reshape3A, %reduce_sum3A_48 [0] : vector<250x8x128xf32> to vector<8x128xf32>
    %eq3A = arith.constant 0 : i32
    %eq3A_50 = arith.cmpi eq, %arg0, %eq3A : i32
    %convert_element_type3A_51 = arith.extui %eq3A_50 : i1 to i32
    %cond3A = arith.constant 0 : i32
    %cond3A_52 = arith.cmpi ne, %convert_element_type3A_51, %cond3A : i32
    scf.if %cond3A_52 {
      %swap3A_57 = arith.constant 0 : index
      %swap3A_58 = arith.constant 0 : index
      %swap3A_59 = vector.load %arg9[%swap3A_57, %swap3A_58] : memref<8x128xf32, #tpu.memory_space<vmem>>, vector<8x128xf32>
      tpu.vector_store %arg9[%swap3A_57, %swap3A_58], %reduce_sum3A_49 {strides = array<i32>} : memref<8x128xf32, #tpu.memory_space<vmem>>, vector<8x128xf32>,
    } else {
    }
    %gt3A = arith.constant 0 : i32
    %gt3A_53 = arith.cmpi sgt, %arg0, %gt3A : i32
    %convert_element_type3A_54 = arith.extui %gt3A_53 : i1 to i32
    %cond3A_55 = arith.constant 0 : i32
    %cond3A_56 = arith.cmpi ne, %convert_element_type3A_54, %cond3A_55 : i32
    scf.if %cond3A_56 {
      %get3A_57 = arith.constant 0 : index
      %get3A_58 = arith.constant 0 : index
      %get3A_59 = vector.load %arg9[%get3A_57, %get3A_58] : memref<8x128xf32, #tpu.memory_space<vmem>>, vector<8x128xf32>
      %add3A_60 = arith.addf %get3A_59, %reduce_sum3A_49 : vector<8x128xf32>
      %swap3A_61 = arith.constant 0 : index
      %swap3A_62 = arith.constant 0 : index
      %swap3A_63 = vector.load %arg9[%swap3A_61, %swap3A_62] : memref<8x128xf32, #tpu.memory_space<vmem>>, vector<8x128xf32>
      tpu.vector_store %arg9[%swap3A_61, %swap3A_62], %add3A_60 {strides = array<i32>} : memref<8x128xf32, #tpu.memory_space<vmem>>, vector<8x128xf32>,
    } else {
    }
    return
  }
  func.func @transform_0(%arg0: i32) -> (i32, i32) {
    %c0_i32 = arith.constant 0 : i32
    %c0_i32_0 = arith.constant 0 : i32
    return %arg0, %c0_i32 : i32, i32
  }
  func.func @transform_1(%arg0: i32) -> (i32, i32) {
    %c0_i32 = arith.constant 0 : i32
    %c0_i32_0 = arith.constant 0 : i32
    return %arg0, %c0_i32 : i32, i32
  }
  func.func @transform_2(%arg0: i32) -> (i32, i32) {
    %c0_i32 = arith.constant 0 : i32
    %c0_i32_0 = arith.constant 0 : i32
    %c0_i32_1 = arith.constant 0 : i32
    return %c0_i32, %c0_i32_0 : i32, i32
  }
  func.func @transform_3(%arg0: i32) -> (i32, i32) {
    %c0_i32 = arith.constant 0 : i32
    %c0_i32_0 = arith.constant 0 : i32
    %c0_i32_1 = arith.constant 0 : i32
    return %c0_i32, %c0_i32_0 : i32, i32
  }
  func.func @transform_4(%arg0: i32) -> (i32, i32) {
    %c0_i32 = arith.constant 0 : i32
    %c0_i32_0 = arith.constant 0 : i32
    %c0_i32_1 = arith.constant 0 : i32
    return %c0_i32, %c0_i32_0 : i32, i32
  }
  func.func @transform_5(%arg0: i32) -> (i32, i32) {
    %c0_i32 = arith.constant 0 : i32
    %c0_i32_0 = arith.constant 0 : i32
    %c0_i32_1 = arith.constant 0 : i32
    return %c0_i32, %c0_i32_0 : i32, i32
  }
  func.func @transform_6(%arg0: i32) -> (i32, i32) {
    %c0_i32 = arith.constant 0 : i32
    %c0_i32_0 = arith.constant 0 : i32
    return %arg0, %c0_i32 : i32, i32
  }
  func.func @transform_7(%arg0: i32) -> (i32, i32) {
    %c0_i32 = arith.constant 0 : i32
    %c0_i32_0 = arith.constant 0 : i32
    return %arg0, %c0_i32 : i32, i32
  }
  func.func @transform_8(%arg0: i32) -> (i32, i32) {
    %c0_i32 = arith.constant 0 : i32
    %c0_i32_0 = arith.constant 0 : i32
    %c0_i32_1 = arith.constant 0 : i32
    return %c0_i32, %c0_i32_0 : i32, i32
  }
}

module attributes {stable_mosaic.version = 14 : i64} {
  func.func @wrapped(%arg0: i32, %arg1: memref<2000x128xf32, #tpu.memory_space<vmem>>, %arg2: memref<2000x128xf32, #tpu.memory_space<vmem>>, %arg3: memref<2000x128xf32, #tpu.memory_space<vmem>>, %arg4: memref<1x128xf32, #tpu.memory_space<vmem>>, %arg5: memref<8x128xf32, #tpu.memory_space<vmem>>, %arg6: memref<128x128xf32, #tpu.memory_space<vmem>>, %arg7: memref<128x128xf32, #tpu.memory_space<vmem>>, %arg8: memref<128x128xf32, #tpu.memory_space<vmem>>, %arg9: memref<128x128xf32, #tpu.memory_space<vmem>>, %arg10: memref<1x128xf32, #tpu.memory_space<vmem>>, %arg11: memref<128x128xf32, #tpu.memory_space<vmem>>, %arg12: memref<128x128xf32, #tpu.memory_space<vmem>>, %arg13: memref<128x128xf32, #tpu.memory_space<vmem>>, %arg14: memref<1x128xf32, #tpu.memory_space<vmem>>, %arg15: memref<1x128xf32, #tpu.memory_space<vmem>>, %arg16: memref<1x128xf32, #tpu.memory_space<vmem>>, %arg17: memref<1x128xf32, #tpu.memory_space<vmem>>, %arg18: memref<1x128xf32, #tpu.memory_space<vmem>>, %arg19: memref<128x128xf32, #tpu.memory_space<vmem>>, %arg20: memref<1x128xf32, #tpu.memory_space<vmem>>, %arg21: memref<2000x128xf32, #tpu.memory_space<vmem>>, %arg22: memref<1x128xf32, #tpu.memory_space<vmem>>, %arg23: memref<8x128xf32, #tpu.memory_space<vmem>>) attributes {dimension_semantics = [#tpu.dimension_semantics<arbitrary>], iteration_bounds = array<i64: 5>, scalar_prefetch = 0 : i64, scratch_operands = 1 : i64, tpu.core_type = #tpu.core_type<tc>, window_params = [{transform_indices = @transform_0, window_bounds = array<i64: 2000, 128>}, {transform_indices = @transform_1, window_bounds = array<i64: 2000, 128>}, {transform_indices = @transform_2, window_bounds = array<i64: 2000, 128>}, {pipeline_mode = #tpu.pipeline_mode<synchronous>, transform_indices = @transform_3, window_bounds = array<i64: 1, 128>}, {pipeline_mode = #tpu.pipeline_mode<synchronous>, transform_indices = @transform_4, window_bounds = array<i64: 8, 128>}, {pipeline_mode = #tpu.pipeline_mode<synchronous>, transform_indices = @transform_5, window_bounds = array<i64: 128, 128>}, {pipeline_mode = #tpu.pipeline_mode<synchronous>, transform_indices = @transform_6, window_bounds = array<i64: 128, 128>}, {pipeline_mode = #tpu.pipeline_mode<synchronous>, transform_indices = @transform_7, window_bounds = array<i64: 128, 128>}, {pipeline_mode = #tpu.pipeline_mode<synchronous>, transform_indices = @transform_8, window_bounds = array<i64: 128, 128>}, {pipeline_mode = #tpu.pipeline_mode<synchronous>, transform_indices = @transform_9, window_bounds = array<i64: 1, 128>}, {pipeline_mode = #tpu.pipeline_mode<synchronous>, transform_indices = @transform_10, window_bounds = array<i64: 128, 128>}, {pipeline_mode = #tpu.pipeline_mode<synchronous>, transform_indices = @transform_11, window_bounds = array<i64: 128, 128>}, {pipeline_mode = #tpu.pipeline_mode<synchronous>, transform_indices = @transform_12, window_bounds = array<i64: 128, 128>}, {pipeline_mode = #tpu.pipeline_mode<synchronous>, transform_indices = @transform_13, window_bounds = array<i64: 1, 128>}, {pipeline_mode = #tpu.pipeline_mode<synchronous>, transform_indices = @transform_14, window_bounds = array<i64: 1, 128>}, {pipeline_mode = #tpu.pipeline_mode<synchronous>, transform_indices = @transform_15, window_bounds = array<i64: 1, 128>}, {pipeline_mode = #tpu.pipeline_mode<synchronous>, transform_indices = @transform_16, window_bounds = array<i64: 1, 128>}, {pipeline_mode = #tpu.pipeline_mode<synchronous>, transform_indices = @transform_17, window_bounds = array<i64: 1, 128>}, {pipeline_mode = #tpu.pipeline_mode<synchronous>, transform_indices = @transform_18, window_bounds = array<i64: 128, 128>}, {pipeline_mode = #tpu.pipeline_mode<synchronous>, transform_indices = @transform_19, window_bounds = array<i64: 1, 128>}, {transform_indices = @transform_20, window_bounds = array<i64: 2000, 128>}, {pipeline_mode = #tpu.pipeline_mode<synchronous>, transform_indices = @transform_21, window_bounds = array<i64: 1, 128>}]} {
    %get3A = arith.constant 0 : index
    %get3A_0 = arith.constant 0 : index
    %get3A_1 = vector.load %arg1[%get3A, %get3A_0] : memref<2000x128xf32, #tpu.memory_space<vmem>>, vector<2000x128xf32>
    %get3A_2 = arith.constant 0 : index
    %get3A_3 = arith.constant 0 : index
    %get3A_4 = vector.load %arg4[%get3A_2, %get3A_3] : memref<1x128xf32, #tpu.memory_space<vmem>>, vector<1x128xf32>
    %get3A_5 = arith.constant 0 : index
    %get3A_6 = arith.constant 0 : index
    %get3A_7 = vector.load %arg9[%get3A_5, %get3A_6] : memref<128x128xf32, #tpu.memory_space<vmem>>, vector<128x128xf32>
    %dot_general3A = arith.constant dense<0.000000e+00> : vector<1x128xf32>
    %dot_general3A_8 = tpu.matmul %get3A_4, %get3A_7, %dot_general3A {dimension_numbers = #tpu.dot_dimension_numbers<[1], [0], [0], [1], [0, 0, 1, 1], [], []>, transpose_lhs_hint = false} : vector<1x128xf32>, vector<128x128xf32>, vector<1x128xf32> -> vector<1x128xf32>
    %get3A_9 = arith.constant 0 : index
    %get3A_10 = arith.constant 0 : index
    %get3A_11 = vector.load %arg10[%get3A_9, %get3A_10] : memref<1x128xf32, #tpu.memory_space<vmem>>, vector<1x128xf32>
    %add3A = arith.addf %dot_general3A_8, %get3A_11 : vector<1x128xf32>
    %get3A_12 = arith.constant 0 : index
    %get3A_13 = arith.constant 0 : index
    %get3A_14 = vector.load %arg6[%get3A_12, %get3A_13] : memref<128x128xf32, #tpu.memory_space<vmem>>, vector<128x128xf32>
    %dot_general3A_15 = arith.constant dense<0.000000e+00> : vector<2000x128xf32>
    %dot_general3A_16 = tpu.matmul %get3A_1, %get3A_14, %dot_general3A_15 {dimension_numbers = #tpu.dot_dimension_numbers<[1], [0], [0], [1], [0, 0, 1, 1], [], []>, transpose_lhs_hint = false} : vector<2000x128xf32>, vector<128x128xf32>, vector<2000x128xf32> -> vector<2000x128xf32>
    %get3A_17 = arith.constant 0 : index
    %get3A_18 = arith.constant 0 : index
    %get3A_19 = vector.load %arg2[%get3A_17, %get3A_18] : memref<2000x128xf32, #tpu.memory_space<vmem>>, vector<2000x128xf32>
    %get3A_20 = arith.constant 0 : index
    %get3A_21 = arith.constant 0 : index
    %get3A_22 = vector.load %arg7[%get3A_20, %get3A_21] : memref<128x128xf32, #tpu.memory_space<vmem>>, vector<128x128xf32>
    %dot_general3A_23 = arith.constant dense<0.000000e+00> : vector<2000x128xf32>
    %dot_general3A_24 = tpu.matmul %get3A_19, %get3A_22, %dot_general3A_23 {dimension_numbers = #tpu.dot_dimension_numbers<[1], [0], [0], [1], [0, 0, 1, 1], [], []>, transpose_lhs_hint = false} : vector<2000x128xf32>, vector<128x128xf32>, vector<2000x128xf32> -> vector<2000x128xf32>
    %add3A_25 = arith.addf %dot_general3A_16, %dot_general3A_24 : vector<2000x128xf32>
    %get3A_26 = arith.constant 0 : index
    %get3A_27 = arith.constant 0 : index
    %get3A_28 = vector.load %arg3[%get3A_26, %get3A_27] : memref<2000x128xf32, #tpu.memory_space<vmem>>, vector<2000x128xf32>
    %get3A_29 = arith.constant 0 : index
    %get3A_30 = arith.constant 0 : index
    %get3A_31 = vector.load %arg8[%get3A_29, %get3A_30] : memref<128x128xf32, #tpu.memory_space<vmem>>, vector<128x128xf32>
    %dot_general3A_32 = arith.constant dense<0.000000e+00> : vector<2000x128xf32>
    %dot_general3A_33 = tpu.matmul %get3A_28, %get3A_31, %dot_general3A_32 {dimension_numbers = #tpu.dot_dimension_numbers<[1], [0], [0], [1], [0, 0, 1, 1], [], []>, transpose_lhs_hint = false} : vector<2000x128xf32>, vector<128x128xf32>, vector<2000x128xf32> -> vector<2000x128xf32>
    %add3A_34 = arith.addf %add3A_25, %dot_general3A_33 : vector<2000x128xf32>
    %add3A_35 = vector.broadcast %add3A : vector<1x128xf32> to vector<2000x128xf32>
    %add3A_36 = arith.addf %add3A_34, %add3A_35 : vector<2000x128xf32>
    %max3A = arith.constant 0.000000e+00 : f32
    %max3A_37 = vector.broadcast %max3A : f32 to vector<2000x128xf32>
    %max3A_38 = arith.maximumf %add3A_36, %max3A_37 : vector<2000x128xf32>
    %add3A_39 = arith.addf %max3A_38, %get3A_1 : vector<2000x128xf32>
    %get3A_40 = arith.constant 0 : index
    %get3A_41 = arith.constant 0 : index
    %get3A_42 = vector.load %arg15[%get3A_40, %get3A_41] : memref<1x128xf32, #tpu.memory_space<vmem>>, vector<1x128xf32>
    %get3A_43 = arith.constant 0 : index
    %get3A_44 = arith.constant 0 : index
    %get3A_45 = vector.load %arg16[%get3A_43, %get3A_44] : memref<1x128xf32, #tpu.memory_space<vmem>>, vector<1x128xf32>
    %reduce_sum3A = arith.constant dense<0.000000e+00> : vector<2000xf32>
    %reduce_sum3A_46 = vector.multi_reduction <add>, %add3A_39, %reduce_sum3A [1] : vector<2000x128xf32> to vector<2000xf32>
    %broadcast_in_dim3A = vector.shape_cast %reduce_sum3A_46 : vector<2000xf32> to vector<2000x1xf32>
    %div3A = arith.constant 1.280000e+02 : f32
    %div3A_47 = vector.broadcast %div3A : f32 to vector<2000x1xf32>
    %div3A_48 = arith.divf %broadcast_in_dim3A, %div3A_47 : vector<2000x1xf32>
    %sub3A = vector.broadcast %div3A_48 : vector<2000x1xf32> to vector<2000x128xf32>
    %sub3A_49 = arith.subf %add3A_39, %sub3A : vector<2000x128xf32>
    %square3A = arith.mulf %sub3A_49, %sub3A_49 : vector<2000x128xf32>
    %reduce_sum3A_50 = arith.constant dense<0.000000e+00> : vector<2000xf32>
    %reduce_sum3A_51 = vector.multi_reduction <add>, %square3A, %reduce_sum3A_50 [1] : vector<2000x128xf32> to vector<2000xf32>
    %broadcast_in_dim3A_52 = vector.shape_cast %reduce_sum3A_51 : vector<2000xf32> to vector<2000x1xf32>
    %div3A_53 = arith.constant 1.280000e+02 : f32
    %div3A_54 = vector.broadcast %div3A_53 : f32 to vector<2000x1xf32>
    %div3A_55 = arith.divf %broadcast_in_dim3A_52, %div3A_54 : vector<2000x1xf32>
    %sub3A_56 = vector.broadcast %div3A_48 : vector<2000x1xf32> to vector<2000x128xf32>
    %sub3A_57 = arith.subf %add3A_39, %sub3A_56 : vector<2000x128xf32>
    %add3A_58 = arith.constant 9.99999974E-6 : f32
    %add3A_59 = vector.broadcast %add3A_58 : f32 to vector<2000x1xf32>
    %add3A_60 = arith.addf %div3A_55, %add3A_59 : vector<2000x1xf32>
    %rsqrt3A = math.rsqrt %add3A_60 : vector<2000x1xf32>
    %mul3A = vector.broadcast %rsqrt3A : vector<2000x1xf32> to vector<2000x128xf32>
    %mul3A_61 = arith.mulf %sub3A_57, %mul3A : vector<2000x128xf32>
    %mul3A_62 = vector.broadcast %get3A_42 : vector<1x128xf32> to vector<2000x128xf32>
    %mul3A_63 = arith.mulf %mul3A_61, %mul3A_62 : vector<2000x128xf32>
    %add3A_64 = vector.broadcast %get3A_45 : vector<1x128xf32> to vector<2000x128xf32>
    %add3A_65 = arith.addf %mul3A_63, %add3A_64 : vector<2000x128xf32>
    %swap3A = arith.constant 0 : index
    %swap3A_66 = arith.constant 0 : index
    %swap3A_67 = vector.load %arg21[%swap3A, %swap3A_66] : memref<2000x128xf32, #tpu.memory_space<vmem>>, vector<2000x128xf32>
    tpu.vector_store %arg21[%swap3A, %swap3A_66], %add3A_65 {strides = array<i32>} : memref<2000x128xf32, #tpu.memory_space<vmem>>, vector<2000x128xf32>,
    %reshape3A = vector.shape_cast %max3A_38 : vector<2000x128xf32> to vector<250x8x128xf32>
    %reduce_sum3A_68 = arith.constant dense<0.000000e+00> : vector<8x128xf32>
    %reduce_sum3A_69 = vector.multi_reduction <add>, %reshape3A, %reduce_sum3A_68 [0] : vector<250x8x128xf32> to vector<8x128xf32>
    %eq3A = arith.constant 0 : i32
    %eq3A_70 = arith.cmpi eq, %arg0, %eq3A : i32
    %convert_element_type3A = arith.extui %eq3A_70 : i1 to i32
    %cond3A = arith.constant 0 : i32
    %cond3A_71 = arith.cmpi ne, %convert_element_type3A, %cond3A : i32
    scf.if %cond3A_71 {
      %swap3A_81 = arith.constant 0 : index
      %swap3A_82 = arith.constant 0 : index
      %swap3A_83 = vector.load %arg23[%swap3A_81, %swap3A_82] : memref<8x128xf32, #tpu.memory_space<vmem>>, vector<8x128xf32>
      tpu.vector_store %arg23[%swap3A_81, %swap3A_82], %reduce_sum3A_69 {strides = array<i32>} : memref<8x128xf32, #tpu.memory_space<vmem>>, vector<8x128xf32>,
    } else {
    }
    %gt3A = arith.constant 0 : i32
    %gt3A_72 = arith.cmpi sgt, %arg0, %gt3A : i32
    %convert_element_type3A_73 = arith.extui %gt3A_72 : i1 to i32
    %cond3A_74 = arith.constant 0 : i32
    %cond3A_75 = arith.cmpi ne, %convert_element_type3A_73, %cond3A_74 : i32
    scf.if %cond3A_75 {
      %get3A_81 = arith.constant 0 : index
      %get3A_82 = arith.constant 0 : index
      %get3A_83 = vector.load %arg23[%get3A_81, %get3A_82] : memref<8x128xf32, #tpu.memory_space<vmem>>, vector<8x128xf32>
      %add3A_84 = arith.addf %get3A_83, %reduce_sum3A_69 : vector<8x128xf32>
      %swap3A_85 = arith.constant 0 : index
      %swap3A_86 = arith.constant 0 : index
      %swap3A_87 = vector.load %arg23[%swap3A_85, %swap3A_86] : memref<8x128xf32, #tpu.memory_space<vmem>>, vector<8x128xf32>
      tpu.vector_store %arg23[%swap3A_85, %swap3A_86], %add3A_84 {strides = array<i32>} : memref<8x128xf32, #tpu.memory_space<vmem>>, vector<8x128xf32>,
    } else {
    }
    %eq3A_76 = arith.constant 4 : i32
    %eq3A_77 = arith.cmpi eq, %arg0, %eq3A_76 : i32
    %convert_element_type3A_78 = arith.extui %eq3A_77 : i1 to i32
    %cond3A_79 = arith.constant 0 : i32
    %cond3A_80 = arith.cmpi ne, %convert_element_type3A_78, %cond3A_79 : i32
    scf.if %cond3A_80 {
      %get3A_81 = arith.constant 0 : index
      %get3A_82 = arith.constant 0 : index
      %get3A_83 = vector.load %arg23[%get3A_81, %get3A_82] : memref<8x128xf32, #tpu.memory_space<vmem>>, vector<8x128xf32>
      %reduce_sum3A_84 = arith.constant dense<0.000000e+00> : vector<128xf32>
      %reduce_sum3A_85 = vector.multi_reduction <add>, %get3A_83, %reduce_sum3A_84 [0] : vector<8x128xf32> to vector<128xf32>
      %broadcast_in_dim3A_86 = vector.shape_cast %reduce_sum3A_85 : vector<128xf32> to vector<1x128xf32>
      %get3A_87 = arith.constant 0 : index
      %get3A_88 = arith.constant 0 : index
      %get3A_89 = vector.load %arg5[%get3A_87, %get3A_88] : memref<8x128xf32, #tpu.memory_space<vmem>>, vector<8x128xf32>
      %reduce_sum3A_90 = arith.constant dense<0.000000e+00> : vector<128xf32>
      %reduce_sum3A_91 = vector.multi_reduction <add>, %get3A_89, %reduce_sum3A_90 [0] : vector<8x128xf32> to vector<128xf32>
      %broadcast_in_dim3A_92 = vector.shape_cast %reduce_sum3A_91 : vector<128xf32> to vector<1x128xf32>
      %get3A_93 = arith.constant 0 : index
      %get3A_94 = arith.constant 0 : index
      %get3A_95 = vector.load %arg11[%get3A_93, %get3A_94] : memref<128x128xf32, #tpu.memory_space<vmem>>, vector<128x128xf32>
      %dot_general3A_96 = arith.constant dense<0.000000e+00> : vector<1x128xf32>
      %dot_general3A_97 = tpu.matmul %broadcast_in_dim3A_86, %get3A_95, %dot_general3A_96 {dimension_numbers = #tpu.dot_dimension_numbers<[1], [0], [0], [1], [0, 0, 1, 1], [], []>, transpose_lhs_hint = false} : vector<1x128xf32>, vector<128x128xf32>, vector<1x128xf32> -> vector<1x128xf32>
      %get3A_98 = arith.constant 0 : index
      %get3A_99 = arith.constant 0 : index
      %get3A_100 = vector.load %arg12[%get3A_98, %get3A_99] : memref<128x128xf32, #tpu.memory_space<vmem>>, vector<128x128xf32>
      %dot_general3A_101 = arith.constant dense<0.000000e+00> : vector<1x128xf32>
      %dot_general3A_102 = tpu.matmul %broadcast_in_dim3A_92, %get3A_100, %dot_general3A_101 {dimension_numbers = #tpu.dot_dimension_numbers<[1], [0], [0], [1], [0, 0, 1, 1], [], []>, transpose_lhs_hint = false} : vector<1x128xf32>, vector<128x128xf32>, vector<1x128xf32> -> vector<1x128xf32>
      %add3A_103 = arith.addf %dot_general3A_97, %dot_general3A_102 : vector<1x128xf32>
      %get3A_104 = arith.constant 0 : index
      %get3A_105 = arith.constant 0 : index
      %get3A_106 = vector.load %arg13[%get3A_104, %get3A_105] : memref<128x128xf32, #tpu.memory_space<vmem>>, vector<128x128xf32>
      %dot_general3A_107 = arith.constant dense<0.000000e+00> : vector<1x128xf32>
      %dot_general3A_108 = tpu.matmul %get3A_4, %get3A_106, %dot_general3A_107 {dimension_numbers = #tpu.dot_dimension_numbers<[1], [0], [0], [1], [0, 0, 1, 1], [], []>, transpose_lhs_hint = false} : vector<1x128xf32>, vector<128x128xf32>, vector<1x128xf32> -> vector<1x128xf32>
      %add3A_109 = arith.addf %add3A_103, %dot_general3A_108 : vector<1x128xf32>
      %get3A_110 = arith.constant 0 : index
      %get3A_111 = arith.constant 0 : index
      %get3A_112 = vector.load %arg14[%get3A_110, %get3A_111] : memref<1x128xf32, #tpu.memory_space<vmem>>, vector<1x128xf32>
      %add3A_113 = arith.addf %add3A_109, %get3A_112 : vector<1x128xf32>
      %max3A_114 = arith.constant 0.000000e+00 : f32
      %max3A_115 = vector.broadcast %max3A_114 : f32 to vector<1x128xf32>
      %max3A_116 = arith.maximumf %add3A_113, %max3A_115 : vector<1x128xf32>
      %add3A_117 = arith.addf %max3A_116, %get3A_4 : vector<1x128xf32>
      %get3A_118 = arith.constant 0 : index
      %get3A_119 = arith.constant 0 : index
      %get3A_120 = vector.load %arg17[%get3A_118, %get3A_119] : memref<1x128xf32, #tpu.memory_space<vmem>>, vector<1x128xf32>
      %get3A_121 = arith.constant 0 : index
      %get3A_122 = arith.constant 0 : index
      %get3A_123 = vector.load %arg18[%get3A_121, %get3A_122] : memref<1x128xf32, #tpu.memory_space<vmem>>, vector<1x128xf32>
      %reduce_sum3A_124 = arith.constant dense<0.000000e+00> : vector<1xf32>
      %reduce_sum3A_125 = vector.multi_reduction <add>, %add3A_117, %reduce_sum3A_124 [1] : vector<1x128xf32> to vector<1xf32>
      %broadcast_in_dim3A_126 = vector.shape_cast %reduce_sum3A_125 : vector<1xf32> to vector<1x1xf32>
      %div3A_127 = arith.constant 1.280000e+02 : f32
      %div3A_128 = vector.broadcast %div3A_127 : f32 to vector<1x1xf32>
      %div3A_129 = arith.divf %broadcast_in_dim3A_126, %div3A_128 : vector<1x1xf32>
      %sub3A_130 = vector.broadcast %div3A_129 : vector<1x1xf32> to vector<1x128xf32>
      %sub3A_131 = arith.subf %add3A_117, %sub3A_130 : vector<1x128xf32>
      %square3A_132 = arith.mulf %sub3A_131, %sub3A_131 : vector<1x128xf32>
      %reduce_sum3A_133 = arith.constant dense<0.000000e+00> : vector<1xf32>
      %reduce_sum3A_134 = vector.multi_reduction <add>, %square3A_132, %reduce_sum3A_133 [1] : vector<1x128xf32> to vector<1xf32>
      %broadcast_in_dim3A_135 = vector.shape_cast %reduce_sum3A_134 : vector<1xf32> to vector<1x1xf32>
      %div3A_136 = arith.constant 1.280000e+02 : f32
      %div3A_137 = vector.broadcast %div3A_136 : f32 to vector<1x1xf32>
      %div3A_138 = arith.divf %broadcast_in_dim3A_135, %div3A_137 : vector<1x1xf32>
      %sub3A_139 = vector.broadcast %div3A_129 : vector<1x1xf32> to vector<1x128xf32>
      %sub3A_140 = arith.subf %add3A_117, %sub3A_139 : vector<1x128xf32>
      %add3A_141 = arith.constant 9.99999974E-6 : f32
      %add3A_142 = vector.broadcast %add3A_141 : f32 to vector<1x1xf32>
      %add3A_143 = arith.addf %div3A_138, %add3A_142 : vector<1x1xf32>
      %rsqrt3A_144 = math.rsqrt %add3A_143 : vector<1x1xf32>
      %mul3A_145 = vector.broadcast %rsqrt3A_144 : vector<1x1xf32> to vector<1x128xf32>
      %mul3A_146 = arith.mulf %sub3A_140, %mul3A_145 : vector<1x128xf32>
      %mul3A_147 = arith.mulf %mul3A_146, %get3A_120 : vector<1x128xf32>
      %add3A_148 = arith.addf %mul3A_147, %get3A_123 : vector<1x128xf32>
      %get3A_149 = arith.constant 0 : index
      %get3A_150 = arith.constant 0 : index
      %get3A_151 = vector.load %arg19[%get3A_149, %get3A_150] : memref<128x128xf32, #tpu.memory_space<vmem>>, vector<128x128xf32>
      %dot_general3A_152 = arith.constant dense<0.000000e+00> : vector<1x128xf32>
      %dot_general3A_153 = tpu.matmul %add3A_148, %get3A_151, %dot_general3A_152 {dimension_numbers = #tpu.dot_dimension_numbers<[1], [0], [0], [1], [0, 0, 1, 1], [], []>, transpose_lhs_hint = false} : vector<1x128xf32>, vector<128x128xf32>, vector<1x128xf32> -> vector<1x128xf32>
      %get3A_154 = arith.constant 0 : index
      %get3A_155 = arith.constant 0 : index
      %get3A_156 = vector.load %arg20[%get3A_154, %get3A_155] : memref<1x128xf32, #tpu.memory_space<vmem>>, vector<1x128xf32>
      %add3A_157 = arith.addf %dot_general3A_153, %get3A_156 : vector<1x128xf32>
      %swap3A_158 = arith.constant 0 : index
      %swap3A_159 = arith.constant 0 : index
      %swap3A_160 = vector.load %arg22[%swap3A_158, %swap3A_159] : memref<1x128xf32, #tpu.memory_space<vmem>>, vector<1x128xf32>
      tpu.vector_store %arg22[%swap3A_158, %swap3A_159], %add3A_157 {strides = array<i32>} : memref<1x128xf32, #tpu.memory_space<vmem>>, vector<1x128xf32>,
    } else {
    }
    return
  }
  func.func @transform_0(%arg0: i32) -> (i32, i32) {
    %c0_i32 = arith.constant 0 : i32
    %c0_i32_0 = arith.constant 0 : i32
    return %arg0, %c0_i32 : i32, i32
  }
  func.func @transform_1(%arg0: i32) -> (i32, i32) {
    %c0_i32 = arith.constant 0 : i32
    %c0_i32_0 = arith.constant 0 : i32
    return %arg0, %c0_i32 : i32, i32
  }
  func.func @transform_2(%arg0: i32) -> (i32, i32) {
    %c0_i32 = arith.constant 0 : i32
    %c0_i32_0 = arith.constant 0 : i32
    return %arg0, %c0_i32 : i32, i32
  }
  func.func @transform_3(%arg0: i32) -> (i32, i32) {
    %c0_i32 = arith.constant 0 : i32
    %c0_i32_0 = arith.constant 0 : i32
    %c0_i32_1 = arith.constant 0 : i32
    return %c0_i32, %c0_i32_0 : i32, i32
  }
  func.func @transform_4(%arg0: i32) -> (i32, i32) {
    %c0_i32 = arith.constant 0 : i32
    %c0_i32_0 = arith.constant 0 : i32
    %c0_i32_1 = arith.constant 0 : i32
    return %c0_i32, %c0_i32_0 : i32, i32
  }
  func.func @transform_5(%arg0: i32) -> (i32, i32) {
    %c0_i32 = arith.constant 0 : i32
    %c0_i32_0 = arith.constant 0 : i32
    %c0_i32_1 = arith.constant 0 : i32
    return %c0_i32, %c0_i32_0 : i32, i32
  }
  func.func @transform_6(%arg0: i32) -> (i32, i32) {
    %c0_i32 = arith.constant 0 : i32
    %c0_i32_0 = arith.constant 0 : i32
    %c0_i32_1 = arith.constant 0 : i32
    return %c0_i32, %c0_i32_0 : i32, i32
  }
  func.func @transform_7(%arg0: i32) -> (i32, i32) {
    %c0_i32 = arith.constant 0 : i32
    %c0_i32_0 = arith.constant 0 : i32
    %c0_i32_1 = arith.constant 0 : i32
    return %c0_i32, %c0_i32_0 : i32, i32
  }
  func.func @transform_8(%arg0: i32) -> (i32, i32) {
    %c0_i32 = arith.constant 0 : i32
    %c0_i32_0 = arith.constant 0 : i32
    %c0_i32_1 = arith.constant 0 : i32
    return %c0_i32, %c0_i32_0 : i32, i32
  }
  func.func @transform_9(%arg0: i32) -> (i32, i32) {
    %c0_i32 = arith.constant 0 : i32
    %c0_i32_0 = arith.constant 0 : i32
    %c0_i32_1 = arith.constant 0 : i32
    return %c0_i32, %c0_i32_0 : i32, i32
  }
  func.func @transform_10(%arg0: i32) -> (i32, i32) {
    %c0_i32 = arith.constant 0 : i32
    %c0_i32_0 = arith.constant 0 : i32
    %c0_i32_1 = arith.constant 0 : i32
    return %c0_i32, %c0_i32_0 : i32, i32
  }
  func.func @transform_11(%arg0: i32) -> (i32, i32) {
    %c0_i32 = arith.constant 0 : i32
    %c0_i32_0 = arith.constant 0 : i32
    %c0_i32_1 = arith.constant 0 : i32
    return %c0_i32, %c0_i32_0 : i32, i32
  }
  func.func @transform_12(%arg0: i32) -> (i32, i32) {
    %c0_i32 = arith.constant 0 : i32
    %c0_i32_0 = arith.constant 0 : i32
    %c0_i32_1 = arith.constant 0 : i32
    return %c0_i32, %c0_i32_0 : i32, i32
  }
  func.func @transform_13(%arg0: i32) -> (i32, i32) {
    %c0_i32 = arith.constant 0 : i32
    %c0_i32_0 = arith.constant 0 : i32
    %c0_i32_1 = arith.constant 0 : i32
    return %c0_i32, %c0_i32_0 : i32, i32
  }
  func.func @transform_14(%arg0: i32) -> (i32, i32) {
    %c0_i32 = arith.constant 0 : i32
    %c0_i32_0 = arith.constant 0 : i32
    %c0_i32_1 = arith.constant 0 : i32
    return %c0_i32, %c0_i32_0 : i32, i32
  }
  func.func @transform_15(%arg0: i32) -> (i32, i32) {
    %c0_i32 = arith.constant 0 : i32
    %c0_i32_0 = arith.constant 0 : i32
    %c0_i32_1 = arith.constant 0 : i32
    return %c0_i32, %c0_i32_0 : i32, i32
  }
  func.func @transform_16(%arg0: i32) -> (i32, i32) {
    %c0_i32 = arith.constant 0 : i32
    %c0_i32_0 = arith.constant 0 : i32
    %c0_i32_1 = arith.constant 0 : i32
    return %c0_i32, %c0_i32_0 : i32, i32
  }
  func.func @transform_17(%arg0: i32) -> (i32, i32) {
    %c0_i32 = arith.constant 0 : i32
    %c0_i32_0 = arith.constant 0 : i32
    %c0_i32_1 = arith.constant 0 : i32
    return %c0_i32, %c0_i32_0 : i32, i32
  }
  func.func @transform_18(%arg0: i32) -> (i32, i32) {
    %c0_i32 = arith.constant 0 : i32
    %c0_i32_0 = arith.constant 0 : i32
    %c0_i32_1 = arith.constant 0 : i32
    return %c0_i32, %c0_i32_0 : i32, i32
  }
  func.func @transform_19(%arg0: i32) -> (i32, i32) {
    %c0_i32 = arith.constant 0 : i32
    %c0_i32_0 = arith.constant 0 : i32
    %c0_i32_1 = arith.constant 0 : i32
    return %c0_i32, %c0_i32_0 : i32, i32
  }
  func.func @transform_20(%arg0: i32) -> (i32, i32) {
    %c0_i32 = arith.constant 0 : i32
    %c0_i32_0 = arith.constant 0 : i32
    return %arg0, %c0_i32 : i32, i32
  }
  func.func @transform_21(%arg0: i32) -> (i32, i32) {
    %c0_i32 = arith.constant 0 : i32
    %c0_i32_0 = arith.constant 0 : i32
    %c0_i32_1 = arith.constant 0 : i32
    return %c0_i32, %c0_i32_0 : i32, i32
  }
}

</mosaic_0001>

<sc_bundles>
// kernel: kernel.11.cloned.1.call-start
scs
__scs_entry_jumppad:
0x0: {  	(pc) =	sbr.rel $0x88, $3  }
0x1: {  	(tag) =	ssettag $0x0;
	lr =	simm.s32 $0x1  }
0x2: {  	[smem:$0x3F7C] =	sst lr;
	_ =	strace $0xD0000000  }
0x3: {  	_ = 	snop  }
0x4: {  	_ = 	snop  }
0x5: {  	_ = 	snop  }
0x6: {  	_ = 	snop  }
0x7: {  	_ = 	snop  }
__scs_overlays_trampoline_lowered:
0x8: {  	[smem:$0x3F8B] =	sst s0  }
0x9: {  	[smem:$0x3F8C] =	sst s1  }
0xa: {  	[smem:$0x3F8D] =	sst s2  }
0xb: {  	[smem:$0x3F8E] =	sst s3  }
0xc: {  	[smem:$0x3F8F] =	sst s4  }
0xd: {  	[smem:$0x3F90] =	sst s5  }
0xe: {  	[smem:$0x3F91] =	sst s6  }
0xf: {  	[smem:$0x3F92] =	sst s7  }
0x10: {  	[smem:$0x3F93] =	sst s8  }
0x11: {  	[smem:$0x3F94] =	sst s9;
	s0 =	simm.s32 @!p0 $0x0  }
0x12: {  	s1 =	sld [smem:$0x3F7A];
	s0 =	simm.s32 @p0 $0x1  }
0x13: {  	[smem:$0x3F95] =	sst s0;
	s0 =	simm.s32 @!p1 $0x0  }
0x14: {  	s2 =	sld [smem:$0x3F79];
	s0 =	simm.s32 @p1 $0x1  }
0x15: {  	[smem:$0x3F96] =	sst s0;
	s0 =	simm.s32 @!p2 $0x0  }
0x16: {  	s3 =	sld [smem:$0x3FDB];
	s0 =	simm.s32 @p2 $0x1  }
0x17: {  	s4 =	simm.s32 $0x1BF5;
	[smem:$0x3F98] =	sst s0  }
0x18: {  	s0 =	sld [smem:$0x3F7B];
	_ =	swait.ge [sflag:s4], $0x0  }
0x19: {  	s7 =	sld [smem:$0x3F7C]  }
0x1a: {  	s8 =	sadd.s32 $0xFFFFE003, lr  }
0x1b: {  	s9 =	sadd.s32 $0xFFFFFEF7, lr;
	s5 =	simm.s32 $0xFFFFFFFF;
	p2 =	slt.u32 s8, $0xFFFFF086  }
0x1c: {  	p1 =	slt.u32 s9, $0xF7A;
	s5 =	simm.s32 @!p2 $0x0  }
0x1d: {  	s5 =	simm.s32 @p1 $0x1;
	p0 =	seq.s32 s7, s2  }
0x1e: {  	s7 =	smul.u32 @!p0 $0xF7A, s2;
	p2 =	seq.s32 @!p0 s5, $0x0  }
0x1f: {  	s9 =	smul.u32 $0xF7A, s1;
	s8 =	simm.s32 @!p0 $0x1BF5;
	p2 =	por !p2, p0  }
0x20: {  	[sflag:s8] =	ssyncset.s32 @!p0 $0xFFFFF086;
	s6 =	sadd.s32 @!p0 s3, s7;
	s7 =	simm.s32 @!p0 $0x108  }
0x21: {  	s3 =	sadd.s32 s3, s9;
	s6 =	sadd.s32 @!p0 $0x88, s6;
	s7 =	simm.s32 @p2 $0x1082  }
0x22: {  	[simem:s7], [sflag:s8] =	dma.local @!p0 [hbm:s6], $0xF7A  }
0x23: {  	s9 =	sor.u32 $0xD0000000, s2;
	s6 =	simm.s32 $0x108;
	_ =	swait.ge @!p0 [sflag:s8], $0x0  }
0x24: {  	s3 =	sadd.s32 $0x88, s3;
	s6 =	simm.s32 @!p1 $0x1082;
	[sflag:s4] =	ssyncset.s32 $0xFFFFF086  }
0x25: {  	[simem:s6], [sflag:s4] =	dma.local [hbm:s3], $0xF7A  }
0x26: {  	[smem:$0x3F7C] =	sst s1;
	(tag) =	ssettag s2;
	_ =	strace s9  }
0x27: {  	s1 =	sld [smem:$0x3F8C]  }
0x28: {  	s2 =	sld [smem:$0x3F8D]  }
0x29: {  	s4 =	sld [smem:$0x3F8F]  }
0x2a: {  	p0 =	seq.s32 s5, $0x0;
	s5 =	sld [smem:$0x3F90]  }
0x2b: {  	s6 =	sld [smem:$0x3F91]  }
0x2c: {  	s7 =	sld [smem:$0x3F92]  }
0x2d: {  	s3 =	simm.s32 $0x108;
	s8 =	sld [smem:$0x3F93]  }
0x2e: {  	s3 =	simm.s32 @!p0 $0x1082;
	s9 =	sld [smem:$0x3F94]  }
0x2f: {  	lr =	sadd.s32 s0, s3;
	s0 =	sld [smem:$0x3F8B]  }
0x30: {  	s3 =	sld [smem:$0x3F8E]  }
0x31: {  	[smem:$0x3F97] =	sst s10  }
0x32: {  	s10 =	sld [smem:$0x3F95];
	_ =	sdelay $0x3  }
0x33: {  	p0 =	seq.s32 s10, $0x1;
	s10 =	sld [smem:$0x3F97];
	_ =	sdelay $0x3  }
0x34: {  	[smem:$0x3F97] =	sst s10  }
0x35: {  	s10 =	sld [smem:$0x3F96];
	_ =	sdelay $0x3  }
0x36: {  	p1 =	seq.s32 s10, $0x1;
	s10 =	sld [smem:$0x3F97];
	_ =	sdelay $0x3  }
0x37: {  	[smem:$0x3F97] =	sst s10  }
0x38: {  	s10 =	sld [smem:$0x3F98]  }
0x39: {  	_ = 	snop;
	(pc) =	sbr.ind lr, $3  }
0x3a: {  	_ = 	snop  }
0x3b: {  	_ = 	snop  }
0x3c: {  	p2 =	seq.s32 s10, $0x1;
	s10 =	sld [smem:$0x3F97]  }
0x3d: {  	_ =	shalt  }
0x3e: {  	_ =	shalt  }
0x3f: {  	_ =	shalt  }
0x40: {  	_ =	shalt  }
0x41: {  	_ =	shalt  }
0x42: {  	_ =	shalt  }
0x43: {  	_ =	shalt  }
0x44: {  	_ =	shalt  }
0x45: {  	_ =	shalt  }
0x46: {  	_ =	shalt  }
0x47: {  	_ =	shalt  }
0x48: {  	_ =	shalt  }
0x49: {  	_ =	shalt  }
0x4a: {  	_ =	shalt  }
0x4b: {  	_ =	shalt  }
0x4c: {  	_ =	shalt  }
0x4d: {  	_ =	shalt  }
0x4e: {  	_ =	shalt  }
0x4f: {  	_ =	shalt  }
0x50: {  	_ =	shalt  }
0x51: {  	_ =	shalt  }
0x52: {  	_ =	shalt  }
0x53: {  	_ =	shalt  }
0x54: {  	_ =	shalt  }
0x55: {  	_ =	shalt  }
0x56: {  	_ =	shalt  }
0x57: {  	_ =	shalt  }
0x58: {  	_ =	shalt  }
0x59: {  	_ =	shalt  }
0x5a: {  	_ =	shalt  }
0x5b: {  	_ =	shalt  }
0x5c: {  	_ =	shalt  }
0x5d: {  	_ =	shalt  }
0x5e: {  	_ =	shalt  }
0x5f: {  	_ =	shalt  }
0x60: {  	_ =	shalt  }
0x61: {  	_ =	shalt  }
0x62: {  	_ =	shalt  }
0x63: {  	_ =	shalt  }
0x64: {  	_ =	shalt  }
0x65: {  	_ =	shalt  }
0x66: {  	_ =	shalt  }
0x67: {  	_ =	shalt  }
0x68: {  	_ =	shalt  }
0x69: {  	_ =	shalt  }
0x6a: {  	_ =	shalt  }
0x6b: {  	_ =	shalt  }
0x6c: {  	_ =	shalt  }
0x6d: {  	_ =	shalt  }
0x6e: {  	_ =	shalt  }
0x6f: {  	_ =	shalt  }
0x70: {  	_ =	shalt  }
0x71: {  	_ =	shalt  }
0x72: {  	_ =	shalt  }
0x73: {  	_ =	shalt  }
0x74: {  	_ =	shalt  }
0x75: {  	_ =	shalt  }
0x76: {  	_ =	shalt  }
0x77: {  	_ =	shalt  }
0x78: {  	_ =	shalt  }
0x79: {  	_ =	shalt  }
0x7a: {  	_ =	shalt  }
0x7b: {  	_ =	shalt  }
0x7c: {  	_ =	shalt  }
0x7d: {  	_ =	shalt  }
0x7e: {  	_ =	shalt  }
0x7f: {  	_ =	shalt  }
0x80: {  	_ =	shalt  }
0x81: {  	_ =	shalt  }
0x82: {  	_ =	shalt  }
0x83: {  	_ =	shalt  }
0x84: {  	_ =	shalt  }
0x85: {  	_ =	shalt  }
0x86: {  	_ =	shalt  }
0x87: {  	_ =	shalt  }
.Lfunc_end0:
.L_simem_size_0:
called_computation_lowered:
.L_overlay_start_0:
0x88: {  	s2 =	sld [smem:$0x3FD9]  }
0x89: {  	s3 =	sld [smem:$0x3FFE];
	_ =	sdelay $0x1  }
0x8a: {  	s1 =	srdreg.scid  }
0x8b: {  	s0 =	sand.u32 $0x1, s1  }
0x8c: {  	s17 =	sshll.u32 s0, $0xA;
	s2 =	sadd.s32 s3, s2  }
0x8d: {  	s2 =	sadd.s32 s2, s17  }
0x8e: {  	[smem:$0x3FA3] =	sst s2  }
0x8f: {  	_ = 	snop  }
0x90: {  	s2 =	sld [smem:$0x3FC7]  }
0x91: {  	s18 =	sld [smem:$0x3FC6];
	(tm) =	ssettm $0x1  }
0x92: {  	s4 =	sld [smem:$0x3FFB];
	_ =	sdelay $0x3  }
0x93: {  	_ =	strace s4  }
0x94: {  	s4 =	sld [smem:$0x3FFC];
	_ =	sdelay $0x3  }
0x95: {  	_ =	strace s4  }
0x96: {  	s4 =	sld [smem:$0x3FFD];
	_ =	sdelay $0x3  }
0x97: {  	_ =	strace s4  }
0x98: {  	_ =	strace $0x8FFFFFFF  }
0x99: {  	s19 =	sld [smem:$0x3FDB];
	_ =	sdelay $0x1  }
0x9a: {  	s5 =	simm.s32 $_scs_section_size  }
0x9b: {  	s6 =	simm.s32 $_size__tile_overlayer_lowered;
	s7 =	simm.s32 $_tile_overlayer_lowered  }
0x9c: {  	s22 =	simm.s32 $0x1BFF;
	s21 =	sshll.u32 s7, $0x1;
	s4 =	sadd.s32 s5, s19  }
0x9d: {  	s8 =	simm.s32 $0x0;
	s20 =	sshll.u32 s6, $0x1;
	s6 =	sadd.s32 s21, s4  }
0x9e: {  	[timem:s8], [sflag:s22] =	dma.local [hbm:s6], s20  }
0x9f: {  	_ =	swait.ge [sflag:s22], s20  }
0xa0: {  	s5 =	ssub.s32 $0x0, s20;
	[sflag:s22] =	ssyncset.done $0x0  }
0xa1: {  	[sflag:s22] =	ssyncadd.s32 s5;
	_ =	sdelay $0x1  }
0xa2: {  	s23 =	simm.s32 $0x1B8B  }
0xa3: {  	_ =	swait.ge [sflag:s23], $0x1  }
0xa4: {  	[sflag:s23] =	ssyncset.done $0x0  }
0xa5: {  	s25 =	simm.s32 $0x1B8E;
	s24 =	sld [smem:$0x3FFE];
	[sflag:s23] =	ssyncadd.s32 $0xFFFFFFFF  }
0xa6: {  	s26 =	simm.s32 $execute0_lowered;
	[smem:$0x3FD2] =	sst s25  }
0xa7: {  	s6 =	sshll.u32 s26, $0x1;
	_ =	strace $0x80000046;
	[dreg:$0x1] =	wrdreg $0xFFFFFFFF  }
0xa8: {  	s28 =	simm.s32 $_size_execute0_lowered;
	s4 =	sadd.s32 s4, s6;
	[dreg:$0x0] =	wrdreg $0x0  }
0xa9: {  	s6 =	sshll.u32 s28, $0x1;
	[dreg:$0x2] =	wrdreg s4  }
0xaa: {  	[dreg:$0x3] =	wrdreg s6  }
0xab: {  	[dreg:$0x4] =	wrdreg $0xC0  }
0xac: {  	_ =	task [dreg:s8], $0x5FFFF  }
0xad: {  	[dreg:$0x1] =	wrdreg $0xFFFFFFFF  }
0xae: {  	[dreg:$0x0] =	wrdreg $0x60  }
0xaf: {  	[dreg:$0x2] =	wrdreg s24  }
0xb0: {  	[dreg:$0x3] =	wrdreg s2  }
0xb1: {  	[dreg:$0x4] =	wrdreg s18  }
0xb2: {  	[dreg:$0x5] =	wrdreg $0x9  }
0xb3: {  	_ =	task.clear_ibuf [dreg:s8], $0x6FFFF;
	_ =	strace $0x90000046  }
0xb4: {  	s29 =	simm.s32 $0x9;
	_ =	strace $0x80000048  }
0xb5: {  	_ =	swait.ge [sflag:s29], $0x1  }
0xb6: {  	[sflag:s29] =	ssyncadd.s32 $0xFFFFFFFF  }
0xb7: {  	_ =	strace $0x90000048  }
0xb8: {  	_ =	sfence  }
0xb9: {  	s30 =	sld [smem:$0x0];
	_ =	sdelay $0x2  }
0xba: {  	s31 =	sshll.u32 s1, $0xD;
	s1 =	sshrl.u32 s1, $0x2  }
0xbb: {  	s3 =	sand.u32 $0x4000, s31;
	s1 =	sadd.s32 s1, s30  }
0xbc: {  	s0 =	sor.u32 s3, s0;
	s1 =	sshll.u32 s1, $0x11  }
0xbd: {  	s0 =	sor.u32 s1, s0  }
0xbe: {  	s0 =	sadd.s32 $0x8F2B, s0  }
0xbf: {  	[sflag:s0] =	ssyncadd.remote.s32 $0x1  }
0xc0: {  	_ =	sfence.sel $0xFFFF  }
0xc1: {  	[dreg:$0x0] =	wrdreg $0xFFFFFFFF;
	(pc) =	sbr.abs _section_cstart, $3  }
0xc2: {  	[dreg:$0x1] =	wrdreg $0xFFFFFFFF  }
0xc3: {  	_ =	task.clear_ibuf [dreg:s8], $0x2FFFF;
	_ =	strace $0x9FFFFFFF  }
0xc4: {  	(tm) =	ssettm $0x7FFFFFFF  }
0xc5: {  	_ =	shalt  }
tec
execute0_lowered:
.L_overlay_start_1:
0x0: {  	(tag) =	ssettag $0x1  }
0x1: {  	s6 =	rddreg [dreg:$0x0]  }
0x2: {  	s7 =	rddreg [dreg:$0x1]  }
0x3: {  	s8 =	rddreg [dreg:$0x2]  }
0x4: {  	s0 =	rddreg [dreg:$0x3];
	s3 =	srdreg.scid  }
0x5: {  	s1 =	stileid.u32;
	s2 =	simm.s32 $0x0;
	s11 =	simm.s32 $0x1400  }
0x6: {  	s12 =	simm.s32 $0x80;
	s13 =	simm.s32 $0x2800;
	s14 =	simm.s32 $0xA800  }
0x7: {  	s15 =	simm.s32 $0x6800;
	s16 =	simm.s32 $0xE800;
	s17 =	simm.s32 $0x1  }
0x8: {  	s18 =	simm.s32 $0x12800;
	s19 =	simm.s32 $0x2;
	s20 =	simm.s32 $0x16800  }
0x9: {  	s21 =	simm.s32 $0x0;
	s3 =	sand.u32 $0x1, s3;
	s4 =	sshll.u32 s1, $0x1  }
0xa: {  	[smem:$0x7FF] =	sst s2;
	s5 =	sadd.s32 $0x31000, s6;
	s4 =	sor.u32 s3, s4  }
0xb: {  	_ =	strace $0x80000047;
	s9 =	ssub.s32 $0x2, s3;
	s3 =	smul.u32 $0x1388, s4  }
0xc: {  	s4 =	sadd.s32 $0x9E00, s6;
	s10 =	sshrl.u32 s9, $0x1;
	s6 =	sadd.s32 $0x58200, s6  }
0xd: {  	s9 =	ssub.s32 s9, s10;
	s10 =	simm.s32 $0x3;
	s31 =	sshrl.u32 s3, $0x3  }
0xe: {  	s9 =	smax.u32 s9, $0x1;
	s7 =	sadd.s32 s7, s31;
	s8 =	sadd.s32 s8, s31  }
.LBB2_1:
0xf: {  	[tilespmem:s2], [sflag:$0x3] =	stream.linear.gather [hbm4b:s7+s2], $0x1388, $0x38;
	[tilespmem:$0x1A800] =	vst v63  }
0x10: {  	_ =	swait.ge [sflag:s10], $0x1388  }
0x11: {  	[sflag:s10] =	ssyncset.done $0x0  }
0x12: {  	[sflag:s10] =	ssyncadd.s32 $0xFFFFEC78  }
0x13: {  	[tilespmem:s11], [sflag:$0x3] =	stream.linear.gather [hbm4b:s8+s2], $0x1388, $0x38;
	[tilespmem:$0x1A800] =	vst v63  }
0x14: {  	_ =	swait.ge [sflag:s10], $0x1388  }
0x15: {  	[sflag:s10] =	ssyncset.done $0x0  }
0x16: {  	[sflag:s10] =	ssyncadd.s32 $0xFFFFEC78  }
0x17: {  	[tilespmem:s13], [sflag:$0x1] =	stream.indirect.gather [hbm4b:s4+s12], $0x80, s2, s12, $0xb8;
	[tilespmem:$0x1A800] =	vst v63  }
0x18: {  	s22 =	simm.s32 $0x0  }
0x19: {  	[tilespmem:s14], [sflag:$0x1] =	stream.indirect.gather [hbm4b:s5+s12], $0x80, s11, s12, $0xb8;
	[tilespmem:$0x1A800] =	vst v63  }
.LBB2_2:
0x1a: {  	s24 =	sshll.u32 s22, $0x8  }
0x1b: {  	s23 =	sor.u32 $0x80, s24  }
0x1c: {  	s23 =	smin.u32 s23, $0x1308  }
0x1d: {  	[tilespmem:s15], [sflag:$0x2] =	stream.indirect.gather [hbm4b:s4+s12], $0x80, s23, s12, $0xb8;
	[tilespmem:$0x1A800] =	vst v63  }
0x1e: {  	s25 =	sadd.s32 $0x1400, s23  }
0x1f: {  	[tilespmem:s16], [sflag:$0x2] =	stream.indirect.gather [hbm4b:s5+s12], $0x80, s25, s12, $0xb8;
	[tilespmem:$0x1A800] =	vst v63  }
0x20: {  	_ =	swait.ge [sflag:s17], $0x4000  }
0x21: {  	[sflag:s17] =	ssyncset.done $0x0  }
0x22: {  	[sflag:s17] =	ssyncadd.s32 $0xFFFFC000  }
0x23: {  	_ =	swait.ge [sflag:s17], $0x4000  }
0x24: {  	[sflag:s17] =	ssyncset.done $0x0  }
0x25: {  	s25 =	simm.s32 $0x0;
	[sflag:s17] =	ssyncadd.s32 $0xFFFFC000  }
0x26: {  	v0 =	vld [tilespmem:s25+$0x2870]  }
0x27: {  	v1 =	vld [tilespmem:s25+$0xA870]  }
0x28: {  	v2 =	vld [tilespmem:s25+$0x2800]  }
0x29: {  	v3 =	vld [tilespmem:s25+$0xA800]  }
0x2a: {  	v4 =	vld [tilespmem:s25+$0x2810]  }
0x2b: {  	v5 =	vld [tilespmem:s25+$0xA810]  }
0x2c: {  	v6 =	vld [tilespmem:s25+$0x2820]  }
0x2d: {  	v7 =	vld [tilespmem:s25+$0x2830]  }
0x2e: {  	v0 =	vadd.f32 v1, v0;
	v1 =	vld [tilespmem:s25+$0xA820]  }
0x2f: {  	v8 =	vld [tilespmem:s25+$0xA830]  }
0x30: {  	v9 =	vld [tilespmem:s25+$0xA840];
	v2 =	vadd.f32 v3, v2  }
0x31: {  	[tilespmem:s25+$0x12870] =	vst v0;
	v0 =	vadd.f32 v5, v4;
	v5 =	vld [tilespmem:s25+$0x2840]  }
0x32: {  	v3 =	vld [tilespmem:s25+$0xA850];
	[tilespmem:s25+$0x12800] =	vst v2  }
0x33: {  	v2 =	vld [tilespmem:s25+$0x2850];
	[tilespmem:s25+$0x12810] =	vst v0;
	v0 =	vadd.f32 v1, v6  }
0x34: {  	v4 =	vld [tilespmem:s25+$0xA860];
	v6 =	vadd.f32 v8, v7  }
0x35: {  	s26 =	simm.s32 $0x80;
	[tilespmem:s25+$0x12820] =	vst v0;
	v0 =	vld [tilespmem:s25+$0x2860]  }
0x36: {  	s28 =	simm.s32 $0x400;
	v5 =	vadd.f32 v9, v5;
	v1 =	vld [tilespmem:s26+$0x2870];
	[tilespmem:s25+$0x12830] =	vst v6  }
.LBB2_3:
0x37: {  	p0 =	sne.s32 s28, $0xFE00;
	v6 =	vld [tilespmem:s26+$0xA870]  }
0x38: {  	v7 =	vld [tilespmem:s26+$0x2800];
	[tilespmem:s25+$0x12840] =	vst v5;
	v2 =	vadd.f32 v3, v2  }
0x39: {  	v3 =	vld [tilespmem:s26+$0xA800]  }
0x3a: {  	v5 =	vld [tilespmem:s26+$0x2810];
	[tilespmem:s25+$0x12850] =	vst v2;
	v0 =	vadd.f32 v4, v0  }
0x3b: {  	v2 =	vld [tilespmem:s26+$0xA810]  }
0x3c: {  	v4 =	vld [tilespmem:s26+$0x2820];
	v1 =	vadd.f32 v6, v1;
	[tilespmem:s25+$0x12860] =	vst v0;
	s25 =	smov.u32 s26  }
0x3d: {  	v0 =	vld [tilespmem:s25+$0xA820]  }
0x3e: {  	v3 =	vadd.f32 v3, v7;
	v6 =	vld [tilespmem:s25+$0x2830];
	[tilespmem:s25+$0x12870] =	vst v1  }
0x3f: {  	v1 =	vld [tilespmem:s25+$0xA830]  }
0x40: {  	[tilespmem:s25+$0x12800] =	vst v3;
	v2 =	vadd.f32 v2, v5;
	v5 =	vld [tilespmem:s25+$0x2840]  }
0x41: {  	v7 =	vld [tilespmem:s25+$0xA840]  }
.Ltmp0:
0x42: {  	[tilespmem:s25+$0x12810] =	vst v2;
	v0 =	vadd.f32 v0, v4;
	v2 =	vld [tilespmem:s25+$0x2850];
	(pc) =	sbr.rel @p0 .LBB2_3-.Ltmp0, $4  }
0x43: {  	v3 =	vld [tilespmem:s25+$0xA850]  }
0x44: {  	[tilespmem:s25+$0x12820] =	vst v0;
	v6 =	vadd.f32 v1, v6;
	v0 =	vld [tilespmem:s25+$0x2860]  }
0x45: {  	s26 =	sshra.s32 s28, $0x2;
	v4 =	vld [tilespmem:s25+$0xA860]  }
0x46: {  	s28 =	sadd.s32 $0x200, s28;
	v1 =	vld [tilespmem:s26+$0x2870];
	[tilespmem:s25+$0x12830] =	vst v6;
	v5 =	vadd.f32 v7, v5  }
0x47: {  	v6 =	vld [tilespmem:s26+$0xA870]  }
0x48: {  	v7 =	vld [tilespmem:s26+$0x2800];
	[tilespmem:s25+$0x12840] =	vst v5;
	v2 =	vadd.f32 v3, v2  }
0x49: {  	v3 =	vld [tilespmem:s26+$0xA800]  }
0x4a: {  	v5 =	vld [tilespmem:s26+$0x2810];
	[tilespmem:s25+$0x12850] =	vst v2;
	v0 =	vadd.f32 v4, v0  }
0x4b: {  	v2 =	vld [tilespmem:s26+$0xA810]  }
0x4c: {  	v4 =	vld [tilespmem:s26+$0x2820];
	[tilespmem:s25+$0x12860] =	vst v0  }
0x4d: {  	v0 =	vadd.f32 v6, v1;
	v1 =	vld [tilespmem:s26+$0xA820]  }
0x4e: {  	v6 =	vld [tilespmem:s26+$0x2830]  }
0x4f: {  	v3 =	vadd.f32 v3, v7;
	[tilespmem:s26+$0x12870] =	vst v0;
	v0 =	vld [tilespmem:s26+$0xA830]  }
0x50: {  	v7 =	vld [tilespmem:s26+$0xA860]  }
0x51: {  	[tilespmem:s26+$0x12800] =	vst v3;
	v2 =	vadd.f32 v2, v5;
	v3 =	vld [tilespmem:s26+$0x2840]  }
0x52: {  	v5 =	vld [tilespmem:s26+$0xA840]  }
0x53: {  	[tilespmem:s26+$0x12810] =	vst v2;
	v1 =	vadd.f32 v1, v4;
	v2 =	vld [tilespmem:s26+$0x2850]  }
0x54: {  	v4 =	vld [tilespmem:s26+$0xA850]  }
0x55: {  	[tilespmem:s26+$0x12820] =	vst v1;
	v1 =	vld [tilespmem:s26+$0x2860];
	_ =	sdelay $0x1  }
0x56: {  	v0 =	vadd.f32 v0, v6  }
0x57: {  	v3 =	vadd.f32 v5, v3  }
0x58: {  	[tilespmem:s26+$0x12830] =	vst v0;
	v0 =	vadd.f32 v4, v2  }
0x59: {  	s28 =	sadd.s32 s3, s24;
	[tilespmem:s26+$0x12840] =	vst v3;
	v1 =	vadd.f32 v7, v1  }
0x5a: {  	s25 =	sshll.u32 s28, $0x4;
	[tilespmem:s26+$0x12850] =	vst v0  }
0x5b: {  	s29 =	simm.s32 $0x0;
	s25 =	sadd.s32 s6, s25;
	[tilespmem:s26+$0x12860] =	vst v1  }
0x5c: {  	[hbm4b:s25+s29] =	stream.linear.scatter [tilespmem:s18], [sflag:$0x3], $0x4000, $0x38;
	[tilespmem:$0x1A800] =	vst v63  }
0x5d: {  	_ =	swait.ge [sflag:s10], $0x4000  }
0x5e: {  	s30 =	smin.u32 s24, $0x1208;
	[sflag:s10] =	ssyncset.done $0x0  }
0x5f: {  	s31 =	sadd.s32 $0x100, s30;
	[sflag:s10] =	ssyncadd.s32 $0xFFFFC000  }
0x60: {  	[tilespmem:s13], [sflag:$0x1] =	stream.indirect.gather [hbm4b:s4+s12], $0x80, s31, s12, $0xb8;
	[tilespmem:$0x1A800] =	vst v63  }
0x61: {  	s24 =	sadd.s32 $0x1500, s30  }
0x62: {  	[tilespmem:s14], [sflag:$0x1] =	stream.indirect.gather [hbm4b:s5+s12], $0x80, s24, s12, $0xb8;
	[tilespmem:$0x1A800] =	vst v63  }
0x63: {  	_ =	swait.ge [sflag:s19], $0x4000  }
0x64: {  	[sflag:s19] =	ssyncset.done $0x0  }
0x65: {  	[sflag:s19] =	ssyncadd.s32 $0xFFFFC000  }
0x66: {  	_ =	swait.ge [sflag:s19], $0x4000  }
0x67: {  	[sflag:s19] =	ssyncset.done $0x0  }
0x68: {  	s24 =	simm.s32 $0x0;
	[sflag:s19] =	ssyncadd.s32 $0xFFFFC000  }
0x69: {  	v0 =	vld [tilespmem:s24+$0x6870]  }
0x6a: {  	v1 =	vld [tilespmem:s24+$0xE870]  }
0x6b: {  	v2 =	vld [tilespmem:s24+$0x6800]  }
0x6c: {  	v3 =	vld [tilespmem:s24+$0xE800]  }
0x6d: {  	v4 =	vld [tilespmem:s24+$0x6810]  }
0x6e: {  	v5 =	vld [tilespmem:s24+$0xE810]  }
0x6f: {  	v6 =	vld [tilespmem:s24+$0x6820]  }
0x70: {  	v7 =	vld [tilespmem:s24+$0x6830]  }
0x71: {  	v0 =	vadd.f32 v1, v0;
	v1 =	vld [tilespmem:s24+$0xE820]  }
0x72: {  	v8 =	vld [tilespmem:s24+$0xE830]  }
0x73: {  	v9 =	vld [tilespmem:s24+$0xE840];
	v2 =	vadd.f32 v3, v2  }
0x74: {  	[tilespmem:s24+$0x16870] =	vst v0;
	v0 =	vadd.f32 v5, v4;
	v5 =	vld [tilespmem:s24+$0x6840]  }
0x75: {  	v3 =	vld [tilespmem:s24+$0xE850];
	[tilespmem:s24+$0x16800] =	vst v2  }
0x76: {  	v2 =	vld [tilespmem:s24+$0x6850];
	[tilespmem:s24+$0x16810] =	vst v0;
	v0 =	vadd.f32 v1, v6  }
0x77: {  	v4 =	vld [tilespmem:s24+$0xE860];
	v6 =	vadd.f32 v8, v7  }
0x78: {  	s25 =	simm.s32 $0x80;
	[tilespmem:s24+$0x16820] =	vst v0;
	v0 =	vld [tilespmem:s24+$0x6860]  }
0x79: {  	s26 =	simm.s32 $0x400;
	v5 =	vadd.f32 v9, v5;
	v1 =	vld [tilespmem:s25+$0x6870];
	[tilespmem:s24+$0x16830] =	vst v6  }
.LBB2_5:
0x7a: {  	p0 =	sne.s32 s26, $0xFE00;
	v6 =	vld [tilespmem:s25+$0xE870]  }
0x7b: {  	v7 =	vld [tilespmem:s25+$0x6800];
	[tilespmem:s24+$0x16840] =	vst v5;
	v2 =	vadd.f32 v3, v2  }
0x7c: {  	v3 =	vld [tilespmem:s25+$0xE800]  }
0x7d: {  	v5 =	vld [tilespmem:s25+$0x6810];
	[tilespmem:s24+$0x16850] =	vst v2;
	v0 =	vadd.f32 v4, v0  }
0x7e: {  	v2 =	vld [tilespmem:s25+$0xE810]  }
0x7f: {  	v4 =	vld [tilespmem:s25+$0x6820];
	v1 =	vadd.f32 v6, v1;
	[tilespmem:s24+$0x16860] =	vst v0;
	s24 =	smov.u32 s25  }
0x80: {  	v0 =	vld [tilespmem:s24+$0xE820]  }
0x81: {  	v3 =	vadd.f32 v3, v7;
	v6 =	vld [tilespmem:s24+$0x6830];
	[tilespmem:s24+$0x16870] =	vst v1  }
0x82: {  	v1 =	vld [tilespmem:s24+$0xE830]  }
0x83: {  	[tilespmem:s24+$0x16800] =	vst v3;
	v2 =	vadd.f32 v2, v5;
	v5 =	vld [tilespmem:s24+$0x6840]  }
0x84: {  	v7 =	vld [tilespmem:s24+$0xE840]  }
.Ltmp1:
0x85: {  	[tilespmem:s24+$0x16810] =	vst v2;
	v0 =	vadd.f32 v0, v4;
	v2 =	vld [tilespmem:s24+$0x6850];
	(pc) =	sbr.rel @p0 .LBB2_5-.Ltmp1, $4  }
0x86: {  	v3 =	vld [tilespmem:s24+$0xE850]  }
0x87: {  	[tilespmem:s24+$0x16820] =	vst v0;
	v6 =	vadd.f32 v1, v6;
	v0 =	vld [tilespmem:s24+$0x6860]  }
0x88: {  	s25 =	sshra.s32 s26, $0x2;
	v4 =	vld [tilespmem:s24+$0xE860]  }
0x89: {  	s26 =	sadd.s32 $0x200, s26;
	v1 =	vld [tilespmem:s25+$0x6870];
	[tilespmem:s24+$0x16830] =	vst v6;
	v5 =	vadd.f32 v7, v5  }
0x8a: {  	v6 =	vld [tilespmem:s25+$0xE870]  }
0x8b: {  	v7 =	vld [tilespmem:s25+$0x6800];
	[tilespmem:s24+$0x16840] =	vst v5;
	v2 =	vadd.f32 v3, v2  }
0x8c: {  	v51 =	vld [tilespmem:s25+$0xE800]  }
0x8d: {  	v5 =	vld [tilespmem:s25+$0x6810];
	[tilespmem:s24+$0x16850] =	vst v2;
	v0 =	vadd.f32 v4, v0  }
0x8e: {  	v2 =	vld [tilespmem:s25+$0xE810]  }
0x8f: {  	v52 =	vld [tilespmem:s25+$0x6820];
	[tilespmem:s24+$0x16860] =	vst v0  }
0x90: {  	v54 =	vld [tilespmem:s25+$0xE820]  }
0x91: {  	v55 =	vld [tilespmem:s25+$0x6830]  }
0x92: {  	v56 =	vld [tilespmem:s25+$0xE830]  }
0x93: {  	v57 =	vld [tilespmem:s25+$0x6840]  }
0x94: {  	v58 =	vld [tilespmem:s25+$0xE840]  }
0x95: {  	v59 =	vld [tilespmem:s25+$0x6850]  }
0x96: {  	v53 =	vadd.f32 v6, v1;
	v60 =	vld [tilespmem:s25+$0xE850]  }
0x97: {  	v61 =	vld [tilespmem:s25+$0x6860];
	v3 =	vadd.f32 v51, v7  }
0x98: {  	v62 =	vld [tilespmem:s25+$0xE860];
	[tilespmem:s25+$0x16870] =	vst v53;
	v2 =	vadd.f32 v2, v5  }
0x99: {  	[tilespmem:s25+$0x16800] =	vst v3;
	v1 =	vadd.f32 v54, v52  }
0x9a: {  	[tilespmem:s25+$0x16810] =	vst v2;
	v0 =	vadd.f32 v56, v55  }
0x9b: {  	v3 =	vadd.f32 v58, v57;
	[tilespmem:s25+$0x16820] =	vst v1  }
0x9c: {  	v63 =	vadd.f32 v60, v59;
	[tilespmem:s25+$0x16830] =	vst v0  }
0x9d: {  	s23 =	sadd.s32 s3, s23;
	s22 =	sadd.s32 $0x1, s22;
	[tilespmem:s25+$0x16840] =	vst v3;
	v1 =	vadd.f32 v62, v61  }
0x9e: {  	s23 =	sshll.u32 s23, $0x4;
	p0 =	sne.s32 s22, $0x14;
	[tilespmem:s25+$0x16850] =	vst v63  }
.Ltmp2:
0x9f: {  	s23 =	sadd.s32 s6, s23;
	[tilespmem:s25+$0x16860] =	vst v1;
	(pc) =	sbr.rel @p0 .LBB2_2-.Ltmp2, $4  }
0xa0: {  	[hbm4b:s23+s2] =	stream.linear.scatter [tilespmem:s20], [sflag:$0x3], $0x4000, $0x38;
	[tilespmem:$0x1A800] =	vst v63  }
0xa1: {  	_ =	swait.ge [sflag:s10], $0x4000  }
0xa2: {  	[sflag:s10] =	ssyncset.done $0x0  }
0xa3: {  	[sflag:s10] =	ssyncadd.s32 $0xFFFFC000  }
0xa4: {  	s21 =	sadd.s32 $0x1, s21  }
0xa5: {  	_ =	swait.ge [sflag:s17], $0x4000;
	p0 =	sne.s32 s21, s9  }
.Ltmp3:
0xa6: {  	[sflag:s17] =	ssyncset.done $0x0;
	(pc) =	sbr.rel @p0 .LBB2_1-.Ltmp3, $4  }
0xa7: {  	[sflag:s17] =	ssyncadd.s32 $0xFFFFC000  }
0xa8: {  	_ =	swait.ge [sflag:s17], $0x4000  }
0xa9: {  	[sflag:s17] =	ssyncset.done $0x0  }
0xaa: {  	[sflag:s17] =	ssyncadd.s32 $0xFFFFC000  }
0xab: {  	_ =	sfence.sel $0x180000  }
0xac: {  	[bflag:$0x0] =	sbarrier.arrive $0xFFFF  }
0xad: {  	p0 =	sne.s32 s1, $0x0;
	_ =	strace $0x90000047  }
0xae: {  	s0 =	sadd.s32 @!p0 $0x100000, s0;
	[bflag:$0x2] =	sbarrier.arrive $0xFFFF  }
0xaf: {  	[sflag:s0] =	ssyncadd.tile.s32 @!p0 $0x1;
	_ =	shalt  }
.Lfunc_end2:
_tile_overlayer_lowered:
.L_overlay_start_2:
0xb0: {  	(tag) =	ssettag $0x2  }
0xb1: {  	s0 =	rddreg [dreg:$0x0];
	s2 =	stileid.u32  }
0xb2: {  	s1 =	rddreg [dreg:$0x1];
	p0 =	sne.s32 s2, $0x0  }
0xb3: {  	s3 =	rddreg [dreg:$0x2];
	[bflag:$0x3] =	sbarrier.arrive $0xFFFF;
	s2 =	simm.s32 @!p0 $0x1C03  }
0xb4: {  	[timem:s3], [sflag:s2] =	dma.local @!p0 [hbm:s0], s1  }
0xb5: {  	s0 =	simm.s32 @!p0 $0x3  }
0xb6: {  	_ =	swait.ge @!p0 [sflag:s0], s1  }
0xb7: {  	s1 =	ssub.s32 @!p0 $0x0, s1;
	[sflag:s0] =	ssyncset.done @!p0 $0x0  }
0xb8: {  	[sflag:s0] =	ssyncadd.s32 @!p0 s1  }
0xb9: {  	[bflag:$0x3] =	sbarrier.arrive $0xFFFF  }
0xba: {  	_ =	shalt  }

// kernel: kernel.14.cloned.1.call-start
scs
__scs_entry_jumppad:
0x0: {  	(pc) =	sbr.rel $0x88, $3  }
0x1: {  	(tag) =	ssettag $0x0;
	lr =	simm.s32 $0x1  }
0x2: {  	[smem:$0x3F7C] =	sst lr;
	_ =	strace $0xD0000000  }
0x3: {  	_ = 	snop  }
0x4: {  	_ = 	snop  }
0x5: {  	_ = 	snop  }
0x6: {  	_ = 	snop  }
0x7: {  	_ = 	snop  }
__scs_overlays_trampoline_lowered:
0x8: {  	[smem:$0x3F8B] =	sst s0  }
0x9: {  	[smem:$0x3F8C] =	sst s1  }
0xa: {  	[smem:$0x3F8D] =	sst s2  }
0xb: {  	[smem:$0x3F8E] =	sst s3  }
0xc: {  	[smem:$0x3F8F] =	sst s4  }
0xd: {  	[smem:$0x3F90] =	sst s5  }
0xe: {  	[smem:$0x3F91] =	sst s6  }
0xf: {  	[smem:$0x3F92] =	sst s7  }
0x10: {  	[smem:$0x3F93] =	sst s8  }
0x11: {  	[smem:$0x3F94] =	sst s9;
	s0 =	simm.s32 @!p0 $0x0  }
0x12: {  	s1 =	sld [smem:$0x3F7A];
	s0 =	simm.s32 @p0 $0x1  }
0x13: {  	[smem:$0x3F95] =	sst s0;
	s0 =	simm.s32 @!p1 $0x0  }
0x14: {  	s2 =	sld [smem:$0x3F79];
	s0 =	simm.s32 @p1 $0x1  }
0x15: {  	[smem:$0x3F96] =	sst s0;
	s0 =	simm.s32 @!p2 $0x0  }
0x16: {  	s3 =	sld [smem:$0x3FDB];
	s0 =	simm.s32 @p2 $0x1  }
0x17: {  	s4 =	simm.s32 $0x1BF5;
	[smem:$0x3F98] =	sst s0  }
0x18: {  	s0 =	sld [smem:$0x3F7B];
	_ =	swait.ge [sflag:s4], $0x0  }
0x19: {  	s7 =	sld [smem:$0x3F7C]  }
0x1a: {  	s8 =	sadd.s32 $0xFFFFE003, lr  }
0x1b: {  	s9 =	sadd.s32 $0xFFFFFEF7, lr;
	s5 =	simm.s32 $0xFFFFFFFF;
	p2 =	slt.u32 s8, $0xFFFFF086  }
0x1c: {  	p1 =	slt.u32 s9, $0xF7A;
	s5 =	simm.s32 @!p2 $0x0  }
0x1d: {  	s5 =	simm.s32 @p1 $0x1;
	p0 =	seq.s32 s7, s2  }
0x1e: {  	s7 =	smul.u32 @!p0 $0xF7A, s2;
	p2 =	seq.s32 @!p0 s5, $0x0  }
0x1f: {  	s9 =	smul.u32 $0xF7A, s1;
	s8 =	simm.s32 @!p0 $0x1BF5;
	p2 =	por !p2, p0  }
0x20: {  	[sflag:s8] =	ssyncset.s32 @!p0 $0xFFFFF086;
	s6 =	sadd.s32 @!p0 s3, s7;
	s7 =	simm.s32 @!p0 $0x108  }
0x21: {  	s3 =	sadd.s32 s3, s9;
	s6 =	sadd.s32 @!p0 $0x88, s6;
	s7 =	simm.s32 @p2 $0x1082  }
0x22: {  	[simem:s7], [sflag:s8] =	dma.local @!p0 [hbm:s6], $0xF7A  }
0x23: {  	s9 =	sor.u32 $0xD0000000, s2;
	s6 =	simm.s32 $0x108;
	_ =	swait.ge @!p0 [sflag:s8], $0x0  }
0x24: {  	s3 =	sadd.s32 $0x88, s3;
	s6 =	simm.s32 @!p1 $0x1082;
	[sflag:s4] =	ssyncset.s32 $0xFFFFF086  }
0x25: {  	[simem:s6], [sflag:s4] =	dma.local [hbm:s3], $0xF7A  }
0x26: {  	[smem:$0x3F7C] =	sst s1;
	(tag) =	ssettag s2;
	_ =	strace s9  }
0x27: {  	s1 =	sld [smem:$0x3F8C]  }
0x28: {  	s2 =	sld [smem:$0x3F8D]  }
0x29: {  	s4 =	sld [smem:$0x3F8F]  }
0x2a: {  	p0 =	seq.s32 s5, $0x0;
	s5 =	sld [smem:$0x3F90]  }
0x2b: {  	s6 =	sld [smem:$0x3F91]  }
0x2c: {  	s7 =	sld [smem:$0x3F92]  }
0x2d: {  	s3 =	simm.s32 $0x108;
	s8 =	sld [smem:$0x3F93]  }
0x2e: {  	s3 =	simm.s32 @!p0 $0x1082;
	s9 =	sld [smem:$0x3F94]  }
0x2f: {  	lr =	sadd.s32 s0, s3;
	s0 =	sld [smem:$0x3F8B]  }
0x30: {  	s3 =	sld [smem:$0x3F8E]  }
0x31: {  	[smem:$0x3F97] =	sst s10  }
0x32: {  	s10 =	sld [smem:$0x3F95];
	_ =	sdelay $0x3  }
0x33: {  	p0 =	seq.s32 s10, $0x1;
	s10 =	sld [smem:$0x3F97];
	_ =	sdelay $0x3  }
0x34: {  	[smem:$0x3F97] =	sst s10  }
0x35: {  	s10 =	sld [smem:$0x3F96];
	_ =	sdelay $0x3  }
0x36: {  	p1 =	seq.s32 s10, $0x1;
	s10 =	sld [smem:$0x3F97];
	_ =	sdelay $0x3  }
0x37: {  	[smem:$0x3F97] =	sst s10  }
0x38: {  	s10 =	sld [smem:$0x3F98]  }
0x39: {  	_ = 	snop;
	(pc) =	sbr.ind lr, $3  }
0x3a: {  	_ = 	snop  }
0x3b: {  	_ = 	snop  }
0x3c: {  	p2 =	seq.s32 s10, $0x1;
	s10 =	sld [smem:$0x3F97]  }
0x3d: {  	_ =	shalt  }
0x3e: {  	_ =	shalt  }
0x3f: {  	_ =	shalt  }
0x40: {  	_ =	shalt  }
0x41: {  	_ =	shalt  }
0x42: {  	_ =	shalt  }
0x43: {  	_ =	shalt  }
0x44: {  	_ =	shalt  }
0x45: {  	_ =	shalt  }
0x46: {  	_ =	shalt  }
0x47: {  	_ =	shalt  }
0x48: {  	_ =	shalt  }
0x49: {  	_ =	shalt  }
0x4a: {  	_ =	shalt  }
0x4b: {  	_ =	shalt  }
0x4c: {  	_ =	shalt  }
0x4d: {  	_ =	shalt  }
0x4e: {  	_ =	shalt  }
0x4f: {  	_ =	shalt  }
0x50: {  	_ =	shalt  }
0x51: {  	_ =	shalt  }
0x52: {  	_ =	shalt  }
0x53: {  	_ =	shalt  }
0x54: {  	_ =	shalt  }
0x55: {  	_ =	shalt  }
0x56: {  	_ =	shalt  }
0x57: {  	_ =	shalt  }
0x58: {  	_ =	shalt  }
0x59: {  	_ =	shalt  }
0x5a: {  	_ =	shalt  }
0x5b: {  	_ =	shalt  }
0x5c: {  	_ =	shalt  }
0x5d: {  	_ =	shalt  }
0x5e: {  	_ =	shalt  }
0x5f: {  	_ =	shalt  }
0x60: {  	_ =	shalt  }
0x61: {  	_ =	shalt  }
0x62: {  	_ =	shalt  }
0x63: {  	_ =	shalt  }
0x64: {  	_ =	shalt  }
0x65: {  	_ =	shalt  }
0x66: {  	_ =	shalt  }
0x67: {  	_ =	shalt  }
0x68: {  	_ =	shalt  }
0x69: {  	_ =	shalt  }
0x6a: {  	_ =	shalt  }
0x6b: {  	_ =	shalt  }
0x6c: {  	_ =	shalt  }
0x6d: {  	_ =	shalt  }
0x6e: {  	_ =	shalt  }
0x6f: {  	_ =	shalt  }
0x70: {  	_ =	shalt  }
0x71: {  	_ =	shalt  }
0x72: {  	_ =	shalt  }
0x73: {  	_ =	shalt  }
0x74: {  	_ =	shalt  }
0x75: {  	_ =	shalt  }
0x76: {  	_ =	shalt  }
0x77: {  	_ =	shalt  }
0x78: {  	_ =	shalt  }
0x79: {  	_ =	shalt  }
0x7a: {  	_ =	shalt  }
0x7b: {  	_ =	shalt  }
0x7c: {  	_ =	shalt  }
0x7d: {  	_ =	shalt  }
0x7e: {  	_ =	shalt  }
0x7f: {  	_ =	shalt  }
0x80: {  	_ =	shalt  }
0x81: {  	_ =	shalt  }
0x82: {  	_ =	shalt  }
0x83: {  	_ =	shalt  }
0x84: {  	_ =	shalt  }
0x85: {  	_ =	shalt  }
0x86: {  	_ =	shalt  }
0x87: {  	_ =	shalt  }
.Lfunc_end0:
.L_simem_size_0:
called_computation.1_lowered:
.L_overlay_start_0:
0x88: {  	s2 =	sld [smem:$0x3FD9]  }
0x89: {  	s3 =	sld [smem:$0x3FFE];
	_ =	sdelay $0x1  }
0x8a: {  	s1 =	srdreg.scid  }
0x8b: {  	s0 =	sand.u32 $0x1, s1  }
0x8c: {  	s14 =	sshll.u32 s0, $0xA;
	s2 =	sadd.s32 s3, s2  }
0x8d: {  	s2 =	sadd.s32 s2, s14  }
0x8e: {  	[smem:$0x3FA3] =	sst s2  }
0x8f: {  	_ = 	snop  }
0x90: {  	s2 =	sld [smem:$0x3FD0];
	_ =	sdelay $0x2  }
0x91: {  	s15 =	simm.s32 $0xA;
	s4 =	simm.s32 $0x10  }
0x92: {  	[smem:s4], [sflag:s15] =	dma.local [hbm:s2], $0x1  }
0x93: {  	_ =	swait.eq [sflag:s15], $0x1  }
0x94: {  	[sflag:s15] =	ssyncset.done $0x0  }
0x95: {  	[sflag:s15] =	ssyncadd.s32 $0xFFFFFFFF  }
0x96: {  	s16 =	sld [smem:$0x11];
	(tm) =	ssettm $0x1  }
0x97: {  	s17 =	sld [smem:$0x3FFB];
	_ =	sdelay $0x3  }
0x98: {  	_ =	strace s17  }
0x99: {  	s3 =	sld [smem:$0x3FFC];
	_ =	sdelay $0x3  }
0x9a: {  	_ =	strace s3  }
0x9b: {  	s3 =	sld [smem:$0x3FFD];
	_ =	sdelay $0x3  }
0x9c: {  	_ =	strace s3  }
0x9d: {  	_ =	strace $0x8FFFFFFF  }
0x9e: {  	s18 =	sld [smem:$0x3FDB];
	_ =	sdelay $0x1  }
0x9f: {  	s19 =	simm.s32 $_scs_section_size  }
0xa0: {  	s5 =	simm.s32 $_size__tile_overlayer_lowered;
	s6 =	simm.s32 $_tile_overlayer_lowered  }
0xa1: {  	s22 =	simm.s32 $0x1BFF;
	s21 =	sshll.u32 s6, $0x1;
	s3 =	sadd.s32 s19, s18  }
0xa2: {  	s7 =	simm.s32 $0x0;
	s20 =	sshll.u32 s5, $0x1;
	s5 =	sadd.s32 s21, s3  }
0xa3: {  	[timem:s7], [sflag:s22] =	dma.local [hbm:s5], s20  }
0xa4: {  	_ =	swait.ge [sflag:s22], s20  }
0xa5: {  	s4 =	ssub.s32 $0x0, s20;
	[sflag:s22] =	ssyncset.done $0x0  }
0xa6: {  	[sflag:s22] =	ssyncadd.s32 s4;
	_ =	sdelay $0x1  }
0xa7: {  	s23 =	simm.s32 $0x1B8B  }
0xa8: {  	_ =	swait.ge [sflag:s23], $0x1  }
0xa9: {  	[sflag:s23] =	ssyncset.done $0x0  }
0xaa: {  	s25 =	simm.s32 $0x1B8E;
	s24 =	sld [smem:$0x3FFE];
	[sflag:s23] =	ssyncadd.s32 $0xFFFFFFFF  }
0xab: {  	s26 =	simm.s32 $execute0_lowered;
	[smem:$0x3FD2] =	sst s25  }
0xac: {  	s5 =	sshll.u32 s26, $0x1;
	_ =	strace $0x80000049;
	[dreg:$0x1] =	wrdreg $0xFFFFFFFF  }
0xad: {  	s28 =	simm.s32 $_size_execute0_lowered;
	s3 =	sadd.s32 s3, s5;
	[dreg:$0x0] =	wrdreg $0x0  }
0xae: {  	s5 =	sshll.u32 s28, $0x1;
	[dreg:$0x2] =	wrdreg s3  }
0xaf: {  	[dreg:$0x3] =	wrdreg s5  }
0xb0: {  	[dreg:$0x4] =	wrdreg $0xC0  }
0xb1: {  	_ =	task [dreg:s7], $0x5FFFF  }
0xb2: {  	[dreg:$0x1] =	wrdreg $0xFFFFFFFF  }
0xb3: {  	[dreg:$0x0] =	wrdreg $0x60  }
0xb4: {  	[dreg:$0x2] =	wrdreg s24  }
0xb5: {  	[dreg:$0x3] =	wrdreg s16  }
0xb6: {  	[dreg:$0x4] =	wrdreg $0xA8800  }
0xb7: {  	[dreg:$0x5] =	wrdreg $0x9  }
0xb8: {  	_ =	task.clear_ibuf [dreg:s7], $0x6FFFF;
	_ =	strace $0x90000049  }
0xb9: {  	s29 =	simm.s32 $0x9;
	_ =	strace $0x8000004B  }
0xba: {  	_ =	swait.ge [sflag:s29], $0x1  }
0xbb: {  	[sflag:s29] =	ssyncadd.s32 $0xFFFFFFFF  }
0xbc: {  	_ =	strace $0x9000004B  }
0xbd: {  	_ =	sfence  }
0xbe: {  	s30 =	sld [smem:$0x0];
	_ =	sdelay $0x2  }
0xbf: {  	s31 =	sshll.u32 s1, $0xD;
	s1 =	sshrl.u32 s1, $0x2  }
0xc0: {  	s3 =	sand.u32 $0x4000, s31;
	s1 =	sadd.s32 s1, s30  }
0xc1: {  	s0 =	sor.u32 s3, s0;
	s1 =	sshll.u32 s1, $0x11  }
0xc2: {  	s0 =	sor.u32 s1, s0  }
0xc3: {  	s0 =	sadd.s32 $0x8F2B, s0  }
0xc4: {  	[sflag:s0] =	ssyncadd.remote.s32 $0x1  }
0xc5: {  	_ =	sfence.sel $0xFFFF  }
0xc6: {  	[dreg:$0x0] =	wrdreg $0xFFFFFFFF;
	(pc) =	sbr.abs _section_cstart, $3  }
0xc7: {  	[dreg:$0x1] =	wrdreg $0xFFFFFFFF  }
0xc8: {  	_ =	task.clear_ibuf [dreg:s7], $0x2FFFF;
	_ =	strace $0x9FFFFFFF  }
0xc9: {  	(tm) =	ssettm $0x7FFFFFFF  }
tec
execute0_lowered:
.L_overlay_start_1:
0x0: {  	(tag) =	ssettag $0x1  }
0x1: {  	s0 =	rddreg [dreg:$0x0]  }
0x2: {  	s2 =	rddreg [dreg:$0x1]  }
0x3: {  	s1 =	rddreg [dreg:$0x2]  }
0x4: {  	s3 =	simm.s32 $0x0;
	s4 =	srdreg.scid;
	s24 =	stileid.u32  }
0x5: {  	s28 =	simm.s32 $0x2;
	s29 =	simm.s32 $0x2680;
	s31 =	simm.s32 $0x2800  }
0x6: {  	[smem:$0x7FF] =	sst s3;
	s5 =	sand.u32 $0x1, s4;
	s8 =	smul.u32 $0x2710, s24  }
0x7: {  	s6 =	sadd.s32 $0x2D3000, s0;
	s4 =	sadd.s32 $0x2C9200, s0;
	s10 =	smul.u32 $0x50000, s24  }
0x8: {  	s0 =	sadd.s32 $0x9E00, s0;
	s11 =	smul.u32 $0x2800, s24;
	s18 =	sshll.u32 s24, $0x6  }
0x9: {  	s21 =	smul.u32 $0x27100, s24;
	p0 =	seq.s32 s24, $0xF;
	s24 =	simm.s32 $0x1  }
0xa: {  	_ =	strace $0x8000004A;
	s7 =	ssub.s32 $0x2, s5;
	s19 =	smul.u32 $0x27100, s5  }
0xb: {  	[dreg:$0x4] =	wrdreg s0;
	s5 =	smul.u32 $0x138800, s5;
	s9 =	sshrl.u32 s7, $0x1  }
0xc: {  	s17 =	sshrl.u32 s10, $0x2;
	s12 =	sadd.s32 $0x2700, s8;
	s16 =	ssub.s32 s7, s9  }
0xd: {  	s20 =	sadd.s32 s17, s1;
	s7 =	sor.u32 $0x1C03, s18;
	s18 =	sadd.s32 s8, s19  }
0xe: {  	s22 =	sadd.s32 s19, s12;
	s9 =	sadd.s32 s6, s21;
	s12 =	sshll.u32 s12, $0x4  }
0xf: {  	s10 =	sadd.s32 s11, s19;
	s5 =	sshrl.u32 s5, $0x3;
	s21 =	simm.s32 $0x3  }
0x10: {  	s13 =	sshrl.u32 s18, $0x3;
	s14 =	sshrl.u32 s22, $0x3;
	s6 =	sadd.s32 s6, s12  }
0x11: {  	s26 =	sadd.s32 s2, s10;
	s2 =	sadd.s32 s2, s5;
	s5 =	sadd.s32 $0x12C000, s1  }
0x12: {  	s0 =	smax.u32 s16, $0x1;
	s16 =	sadd.s32 $0x26800, s9;
	s30 =	sadd.s32 $0x80, s18  }
0x13: {  	s17 =	sadd.s32 $0x1000, s9;
	s18 =	sadd.s32 $0x100, s18;
	[dreg:$0x6] =	wrdreg s6  }
0x14: {  	s22 =	simm.s32 $0x2880;
	s23 =	sadd.s32 s4, s13;
	[dreg:$0x7] =	wrdreg s26  }
0x15: {  	s25 =	sadd.s32 s4, s14;
	s2 =	sadd.s32 $0x25800, s2;
	[dreg:$0x9] =	wrdreg s0  }
0x16: {  	s0 =	sshrl.u32 s30, $0x3;
	s13 =	smov.u32 s20;
	[dreg:$0x5] =	wrdreg s25  }
0x17: {  	s20 =	sshrl.u32 s20, $0x3;
	s26 =	simm.s32 $0x80;
	[dreg:$0x8] =	wrdreg s2  }
0x18: {  	s14 =	smov.u32 s23;
	s15 =	sadd.s32 $0x4D0, s23;
	s19 =	sadd.s32 s0, s4  }
0x19: {  	s23 =	simm.s32 $0x6880;
	s25 =	sshrl.u32 @p0 s5, $0x3;
	s2 =	simm.s32 $0x0  }
.LBB2_1:
0x1a: {  	s0 =	rddreg [dreg:$0x4]  }
0x1b: {  	[spmem:s20], [sflag:s7] =	dma.local [hbm:s0], $0x2800  }
0x1c: {  	_ =	swait.ge [sflag:s21], $0x2800  }
0x1d: {  	[sflag:s21] =	ssyncset.done $0x0  }
0x1e: {  	[sflag:s21] =	ssyncadd.s32 $0xFFFFD800  }
0x1f: {  	[bflag:$0x0] =	sbarrier.arrive $0xFFFF  }
0x20: {  	[tilespmem:s3], [sflag:$0x1] =	stream.linear.gather [hbm4b:s14+s3], $0x80, $0x38;
	[tilespmem:$0x1E880] =	vst v63  }
0x21: {  	_ = 	snop  }
0x22: {  	[tilespmem:s22], [sflag:$0x1] =	stream.linear.gather [hbm4b:s9+s3], $0x4000, $0x38;
	[tilespmem:$0x1E880] =	vst v63  }
0x23: {  	s8 =	simm.s32 $0x80  }
0x24: {  	[tilespmem:s8], [sflag:$0x2] =	stream.linear.gather [hbm4b:s19+s3], $0x80, $0x38;
	[tilespmem:$0x1E880] =	vst v63  }
0x25: {  	s5 =	sadd.s32 $0xFFFFF800, s17  }
0x26: {  	[tilespmem:s23], [sflag:$0x2] =	stream.linear.gather [hbm4b:s5+s3], $0x4000, $0x38;
	[tilespmem:$0x1E880] =	vst v63  }
0x27: {  	_ =	swait.ge [sflag:s24], $0x80  }
0x28: {  	[sflag:s24] =	ssyncset.done $0x0  }
0x29: {  	[sflag:s24] =	ssyncadd.s32 $0xFFFFFF80  }
0x2a: {  	_ =	swait.ge [sflag:s24], $0x4000  }
0x2b: {  	[sflag:s24] =	ssyncset.done $0x0  }
0x2c: {  	s11 =	simm.s32 $0x0;
	[sflag:s24] =	ssyncadd.s32 $0xFFFFC000  }
0x2d: {  	[spmem:s1] =	stream.indirect.scatter.add.f32 [tilespmem:s22], [sflag:$0x3], $0x80, s11, s26, $0xb8;
	[tilespmem:$0x1E880] =	vst v63  }
0x2e: {  	_ =	swait.ge [sflag:s21], $0x4000  }
0x2f: {  	s12 =	sshrl.u32 s18, $0x3;
	[sflag:s21] =	ssyncset.done $0x0  }
0x30: {  	s6 =	simm.s32 $0x100;
	s5 =	sadd.s32 s4, s12;
	[sflag:s21] =	ssyncadd.s32 $0xFFFFC000  }
0x31: {  	[tilespmem:s6], [sflag:$0x1] =	stream.linear.gather [hbm4b:s5+s3], $0x80, $0x38;
	[tilespmem:$0x1E880] =	vst v63  }
0x32: {  	_ = 	snop  }
0x33: {  	[tilespmem:s22], [sflag:$0x1] =	stream.linear.gather [hbm4b:s17+s3], $0x4000, $0x38;
	[tilespmem:$0x1E880] =	vst v63  }
0x34: {  	_ =	swait.ge [sflag:s28], $0x80  }
0x35: {  	[sflag:s28] =	ssyncset.done $0x0  }
0x36: {  	[sflag:s28] =	ssyncadd.s32 $0xFFFFFF80  }
0x37: {  	_ =	swait.ge [sflag:s28], $0x4000  }
0x38: {  	[sflag:s28] =	ssyncset.done $0x0  }
0x39: {  	s10 =	simm.s32 $0x800;
	[sflag:s28] =	ssyncadd.s32 $0xFFFFC000  }
0x3a: {  	[spmem:s1] =	stream.indirect.scatter.add.f32 [tilespmem:s23], [sflag:$0x3], $0x80, s8, s26, $0xb8;
	[tilespmem:$0x1E880] =	vst v63  }
0x3b: {  	s30 =	sadd.s32 $0x1000, s17;
	s0 =	sadd.s32 $0x100, s18;
	_ =	swait.ge [sflag:s21], $0x4000  }
0x3c: {  	s5 =	sadd.s32 $0x20, s19;
	s6 =	simm.s32 $0x100;
	[sflag:s21] =	ssyncset.done $0x0  }
.LBB2_2:
0x3d: {  	s11 =	sadd.s32 $0x80, s6  }
0x3e: {  	[sflag:s21] =	ssyncadd.s32 $0xFFFFC000;
	s12 =	smov.u32 s10;
	s8 =	sadd.s32 $0x400, s10  }
0x3f: {  	[tilespmem:s11], [sflag:$0x2] =	stream.linear.gather [hbm4b:s5+s3], $0x80, $0x38;
	[tilespmem:$0x1E880] =	vst v63  }
0x40: {  	p1 =	sne.s32 s10, $0x9400;
	s10 =	sadd.s32 $0xFFFFF800, s30  }
0x41: {  	[tilespmem:s23], [sflag:$0x2] =	stream.linear.gather [hbm4b:s10+s3], $0x4000, $0x38;
	[tilespmem:$0x1E880] =	vst v63  }
0x42: {  	_ =	swait.ge [sflag:s24], $0x80  }
0x43: {  	[sflag:s24] =	ssyncset.done $0x0  }
0x44: {  	[sflag:s24] =	ssyncadd.s32 $0xFFFFFF80  }
0x45: {  	_ =	swait.ge [sflag:s24], $0x4000  }
0x46: {  	[sflag:s24] =	ssyncset.done $0x0  }
0x47: {  	[sflag:s24] =	ssyncadd.s32 $0xFFFFC000  }
0x48: {  	[spmem:s1] =	stream.indirect.scatter.add.f32 [tilespmem:s22], [sflag:$0x3], $0x80, s6, s26, $0xb8;
	[tilespmem:$0x1E880] =	vst v63  }
0x49: {  	_ =	swait.ge [sflag:s21], $0x4000  }
0x4a: {  	s10 =	sshrl.u32 s0, $0x3;
	[sflag:s21] =	ssyncset.done $0x0  }
0x4b: {  	s10 =	sadd.s32 s4, s10;
	s6 =	sadd.s32 $0x100, s6;
	[sflag:s21] =	ssyncadd.s32 $0xFFFFC000  }
0x4c: {  	[tilespmem:s6], [sflag:$0x1] =	stream.linear.gather [hbm4b:s10+s3], $0x80, $0x38;
	[tilespmem:$0x1E880] =	vst v63  }
0x4d: {  	_ = 	snop  }
0x4e: {  	[tilespmem:s22], [sflag:$0x1] =	stream.linear.gather [hbm4b:s30+s3], $0x4000, $0x38;
	[tilespmem:$0x1E880] =	vst v63  }
0x4f: {  	_ =	swait.ge [sflag:s28], $0x80  }
0x50: {  	[sflag:s28] =	ssyncset.done $0x0  }
0x51: {  	[sflag:s28] =	ssyncadd.s32 $0xFFFFFF80  }
0x52: {  	_ =	swait.ge [sflag:s28], $0x4000  }
.Ltmp0:
0x53: {  	[sflag:s28] =	ssyncset.done $0x0;
	(pc) =	sbr.rel @p1 .LBB2_2-.Ltmp0, $4  }
0x54: {  	s5 =	sadd.s32 $0x20, s5;
	[sflag:s28] =	ssyncadd.s32 $0xFFFFC000  }
0x55: {  	[spmem:s1] =	stream.indirect.scatter.add.f32 [tilespmem:s23], [sflag:$0x3], $0x80, s11, s26, $0xb8;
	[tilespmem:$0x1E880] =	vst v63  }
0x56: {  	s0 =	sadd.s32 $0x100, s0;
	s6 =	sshra.s32 s12, $0x2;
	_ =	swait.ge [sflag:s21], $0x4000  }
0x57: {  	s10 =	smov.u32 s8;
	s30 =	sadd.s32 $0x1000, s30;
	[sflag:s21] =	ssyncset.done $0x0  }
0x58: {  	s8 =	sadd.s32 $0x80, s6;
	[sflag:s21] =	ssyncadd.s32 $0xFFFFC000  }
0x59: {  	[tilespmem:s8], [sflag:$0x2] =	stream.linear.gather [hbm4b:s5+s3], $0x80, $0x38;
	[tilespmem:$0x1E880] =	vst v63  }
0x5a: {  	s12 =	sadd.s32 $0xFFFFF800, s30  }
0x5b: {  	[tilespmem:s23], [sflag:$0x2] =	stream.linear.gather [hbm4b:s12+s3], $0x4000, $0x38;
	[tilespmem:$0x1E880] =	vst v63  }
0x5c: {  	_ =	swait.ge [sflag:s24], $0x80  }
0x5d: {  	[sflag:s24] =	ssyncset.done $0x0  }
0x5e: {  	[sflag:s24] =	ssyncadd.s32 $0xFFFFFF80  }
0x5f: {  	_ =	swait.ge [sflag:s24], $0x4000  }
0x60: {  	[sflag:s24] =	ssyncset.done $0x0  }
0x61: {  	[sflag:s24] =	ssyncadd.s32 $0xFFFFC000  }
0x62: {  	[spmem:s1] =	stream.indirect.scatter.add.f32 [tilespmem:s22], [sflag:$0x3], $0x80, s6, s26, $0xb8;
	[tilespmem:$0x1E880] =	vst v63  }
0x63: {  	_ =	swait.ge [sflag:s21], $0x4000  }
0x64: {  	s0 =	sshrl.u32 s0, $0x3;
	[sflag:s21] =	ssyncset.done $0x0  }
0x65: {  	s0 =	sadd.s32 s4, s0;
	s6 =	sadd.s32 $0x100, s6;
	[sflag:s21] =	ssyncadd.s32 $0xFFFFC000  }
0x66: {  	[tilespmem:s6], [sflag:$0x1] =	stream.linear.gather [hbm4b:s0+s3], $0x80, $0x38;
	[tilespmem:$0x1E880] =	vst v63  }
0x67: {  	_ = 	snop  }
0x68: {  	[tilespmem:s22], [sflag:$0x1] =	stream.linear.gather [hbm4b:s30+s3], $0x4000, $0x38;
	[tilespmem:$0x1E880] =	vst v63  }
0x69: {  	_ =	swait.ge [sflag:s28], $0x80  }
0x6a: {  	[sflag:s28] =	ssyncset.done $0x0  }
0x6b: {  	[sflag:s28] =	ssyncadd.s32 $0xFFFFFF80  }
0x6c: {  	_ =	swait.ge [sflag:s28], $0x4000  }
0x6d: {  	[sflag:s28] =	ssyncset.done $0x0  }
0x6e: {  	[sflag:s28] =	ssyncadd.s32 $0xFFFFC000  }
0x6f: {  	[spmem:s1] =	stream.indirect.scatter.add.f32 [tilespmem:s23], [sflag:$0x3], $0x80, s8, s26, $0xb8;
	[tilespmem:$0x1E880] =	vst v63  }
0x70: {  	_ =	swait.ge [sflag:s21], $0x4000  }
0x71: {  	[sflag:s21] =	ssyncset.done $0x0  }
0x72: {  	[sflag:s21] =	ssyncadd.s32 $0xFFFFC000  }
0x73: {  	[tilespmem:s29], [sflag:$0x2] =	stream.linear.gather [hbm4b:s15+s3], $0x80, $0x38;
	[tilespmem:$0x1E880] =	vst v63  }
0x74: {  	_ = 	snop  }
0x75: {  	[tilespmem:s23], [sflag:$0x2] =	stream.linear.gather [hbm4b:s16+s3], $0x4000, $0x38;
	[tilespmem:$0x1E880] =	vst v63  }
0x76: {  	_ =	swait.ge [sflag:s24], $0x80  }
0x77: {  	[sflag:s24] =	ssyncset.done $0x0  }
0x78: {  	[sflag:s24] =	ssyncadd.s32 $0xFFFFFF80  }
0x79: {  	_ =	swait.ge [sflag:s24], $0x4000  }
0x7a: {  	[sflag:s24] =	ssyncset.done $0x0  }
0x7b: {  	s8 =	simm.s32 $0x2600;
	[sflag:s24] =	ssyncadd.s32 $0xFFFFC000  }
0x7c: {  	[spmem:s1] =	stream.indirect.scatter.add.f32 [tilespmem:s22], [sflag:$0x3], $0x80, s8, s26, $0xb8;
	[tilespmem:$0x1E880] =	vst v63  }
0x7d: {  	_ =	swait.ge [sflag:s21], $0x4000  }
0x7e: {  	[sflag:s21] =	ssyncset.done $0x0  }
0x7f: {  	[sflag:s21] =	ssyncadd.s32 $0xFFFFC000  }
0x80: {  	[tilespmem:s29], [sflag:$0x1] =	stream.linear.gather [hbm4b:s15+s3], $0x80, $0x38;
	[tilespmem:$0x1E880] =	vst v63  }
0x81: {  	_ = 	snop  }
0x82: {  	[tilespmem:s22], [sflag:$0x1] =	stream.linear.gather [hbm4b:s16+s3], $0x4000, $0x38;
	[tilespmem:$0x1E880] =	vst v63  }
0x83: {  	_ =	swait.ge [sflag:s28], $0x80  }
0x84: {  	[sflag:s28] =	ssyncset.done $0x0  }
0x85: {  	[sflag:s28] =	ssyncadd.s32 $0xFFFFFF80  }
0x86: {  	_ =	swait.ge [sflag:s28], $0x4000  }
0x87: {  	[sflag:s28] =	ssyncset.done $0x0  }
0x88: {  	[sflag:s28] =	ssyncadd.s32 $0xFFFFC000  }
0x89: {  	[spmem:s1] =	stream.indirect.scatter.add.f32 [tilespmem:s23], [sflag:$0x3], $0x80, s29, s26, $0xb8;
	[tilespmem:$0x1E880] =	vst v63  }
0x8a: {  	_ =	swait.ge [sflag:s21], $0x4000  }
0x8b: {  	[sflag:s21] =	ssyncset.done $0x0  }
0x8c: {  	[sflag:s21] =	ssyncadd.s32 $0xFFFFC000  }
0x8d: {  	_ =	swait.ge [sflag:s24], $0x80  }
0x8e: {  	[sflag:s24] =	ssyncset.done $0x0  }
0x8f: {  	[sflag:s24] =	ssyncadd.s32 $0xFFFFFF80  }
0x90: {  	_ =	swait.ge [sflag:s24], $0x4000  }
0x91: {  	[sflag:s24] =	ssyncset.done $0x0  }
0x92: {  	s10 =	rddreg [dreg:$0x5];
	[sflag:s24] =	ssyncadd.s32 $0xFFFFC000  }
0x93: {  	[tilespmem:s31], [sflag:$0x3] =	stream.linear.gather [hbm4b:s10+s3], $0x10, $0x38;
	[tilespmem:$0x1E880] =	vst v63  }
0x94: {  	_ =	swait.ge [sflag:s21], $0x10  }
0x95: {  	[sflag:s21] =	ssyncset.done $0x0  }
0x96: {  	s11 =	rddreg [dreg:$0x6];
	[sflag:s21] =	ssyncadd.s32 $0xFFFFFFF0  }
0x97: {  	[tilespmem:s22], [sflag:$0x3] =	stream.linear.gather [hbm4b:s11+s3], $0x800, $0x38;
	[tilespmem:$0x1E880] =	vst v63  }
0x98: {  	_ =	swait.ge [sflag:s21], $0x800  }
0x99: {  	[sflag:s21] =	ssyncset.done $0x0  }
0x9a: {  	s12 =	simm.s32 $0x10;
	[sflag:s21] =	ssyncadd.s32 $0xFFFFF800  }
0x9b: {  	[spmem:s1] =	stream.indirect.scatter.add.f32 [tilespmem:s22], [sflag:$0x3], $0x80, s31, s12, $0xb8;
	[tilespmem:$0x1E880] =	vst v63  }
0x9c: {  	_ =	swait.ge [sflag:s21], $0x800  }
0x9d: {  	[sflag:s21] =	ssyncset.done $0x0  }
0x9e: {  	[sflag:s21] =	ssyncadd.s32 $0xFFFFF800  }
0x9f: {  	[bflag:$0x0] =	sbarrier.arrive $0xFFFF  }
0xa0: {  	s0 =	rddreg [dreg:$0x8]  }
0xa1: {  	[hbm:s0], [sflag:s7] =	dma.local @p0 [spmem:s25], $0x1900  }
0xa2: {  	s0 =	simm.s32 @p0 $0x3  }
0xa3: {  	_ =	swait.ge @p0 [sflag:s0], $0x1900  }
0xa4: {  	[sflag:s0] =	ssyncset.done @p0 $0x0  }
0xa5: {  	s5 =	rddreg [dreg:$0x7];
	[sflag:s0] =	ssyncadd.s32 @p0 $0xFFFFE700;
	s0 =	sshrl.u32 @!p0 s13, $0x3  }
0xa6: {  	[hbm:s5], [sflag:s7] =	dma.local @!p0 [spmem:s0], $0x2800  }
0xa7: {  	s0 =	simm.s32 @!p0 $0x3  }
0xa8: {  	_ =	swait.ge @!p0 [sflag:s0], $0x2800  }
0xa9: {  	s2 =	sadd.s32 $0x1, s2;
	s30 =	rddreg [dreg:$0x9]  }
0xaa: {  	p1 =	sne.s32 s2, s30  }
.Ltmp1:
0xab: {  	_ = 	snop;
	(pc) =	sbr.rel @p1 .LBB2_1-.Ltmp1, $3  }
0xac: {  	_ =	sdelay $0x1  }
0xad: {  	[sflag:s0] =	ssyncset.done @!p0 $0x0  }
0xae: {  	[sflag:s0] =	ssyncadd.s32 @!p0 $0xFFFFD800  }
0xaf: {  	_ =	sfence.sel $0x180000  }
0xb0: {  	[bflag:$0x0] =	sbarrier.arrive $0xFFFF  }
0xb1: {  	_ =	strace $0x9000004A  }
0xb2: {  	s0 =	stileid.u32;
	[bflag:$0x2] =	sbarrier.arrive $0xFFFF  }
0xb3: {  	p0 =	sne.s32 s0, $0x0;
	s0 =	rddreg [dreg:$0x3]  }
0xb4: {  	s0 =	sadd.s32 @!p0 $0x100000, s0  }
0xb5: {  	[sflag:s0] =	ssyncadd.tile.s32 @!p0 $0x1;
	_ =	shalt  }
.Lfunc_end2:
_tile_overlayer_lowered:
.L_overlay_start_2:
0xb6: {  	(tag) =	ssettag $0x2  }
0xb7: {  	s0 =	rddreg [dreg:$0x0];
	s2 =	stileid.u32  }
0xb8: {  	s1 =	rddreg [dreg:$0x1];
	p0 =	sne.s32 s2, $0x0  }
0xb9: {  	s3 =	rddreg [dreg:$0x2];
	[bflag:$0x3] =	sbarrier.arrive $0xFFFF;
	s2 =	simm.s32 @!p0 $0x1C03  }
0xba: {  	[timem:s3], [sflag:s2] =	dma.local @!p0 [hbm:s0], s1  }
0xbb: {  	s0 =	simm.s32 @!p0 $0x3  }
0xbc: {  	_ =	swait.ge @!p0 [sflag:s0], s1  }
0xbd: {  	s1 =	ssub.s32 @!p0 $0x0, s1;
	[sflag:s0] =	ssyncset.done @!p0 $0x0  }
0xbe: {  	[sflag:s0] =	ssyncadd.s32 @!p0 s1  }
0xbf: {  	[bflag:$0x3] =	sbarrier.arrive $0xFFFF  }
0xc0: {  	_ =	shalt  }

// kernel: kernel.17.cloned.1.call-start
scs
__scs_entry_jumppad:
0x0: {  	(pc) =	sbr.rel $0x88, $3  }
0x1: {  	(tag) =	ssettag $0x0;
	lr =	simm.s32 $0x1  }
0x2: {  	[smem:$0x3F7C] =	sst lr;
	_ =	strace $0xD0000000  }
0x3: {  	_ = 	snop  }
0x4: {  	_ = 	snop  }
0x5: {  	_ = 	snop  }
0x6: {  	_ = 	snop  }
0x7: {  	_ = 	snop  }
__scs_overlays_trampoline_lowered:
0x8: {  	[smem:$0x3F8B] =	sst s0  }
0x9: {  	[smem:$0x3F8C] =	sst s1  }
0xa: {  	[smem:$0x3F8D] =	sst s2  }
0xb: {  	[smem:$0x3F8E] =	sst s3  }
0xc: {  	[smem:$0x3F8F] =	sst s4  }
0xd: {  	[smem:$0x3F90] =	sst s5  }
0xe: {  	[smem:$0x3F91] =	sst s6  }
0xf: {  	[smem:$0x3F92] =	sst s7  }
0x10: {  	[smem:$0x3F93] =	sst s8  }
0x11: {  	[smem:$0x3F94] =	sst s9;
	s0 =	simm.s32 @!p0 $0x0  }
0x12: {  	s1 =	sld [smem:$0x3F7A];
	s0 =	simm.s32 @p0 $0x1  }
0x13: {  	[smem:$0x3F95] =	sst s0;
	s0 =	simm.s32 @!p1 $0x0  }
0x14: {  	s2 =	sld [smem:$0x3F79];
	s0 =	simm.s32 @p1 $0x1  }
0x15: {  	[smem:$0x3F96] =	sst s0;
	s0 =	simm.s32 @!p2 $0x0  }
0x16: {  	s3 =	sld [smem:$0x3FDB];
	s0 =	simm.s32 @p2 $0x1  }
0x17: {  	s4 =	simm.s32 $0x1BF5;
	[smem:$0x3F98] =	sst s0  }
0x18: {  	s0 =	sld [smem:$0x3F7B];
	_ =	swait.ge [sflag:s4], $0x0  }
0x19: {  	s7 =	sld [smem:$0x3F7C]  }
0x1a: {  	s8 =	sadd.s32 $0xFFFFE003, lr  }
0x1b: {  	s9 =	sadd.s32 $0xFFFFFEF7, lr;
	s5 =	simm.s32 $0xFFFFFFFF;
	p2 =	slt.u32 s8, $0xFFFFF086  }
0x1c: {  	p1 =	slt.u32 s9, $0xF7A;
	s5 =	simm.s32 @!p2 $0x0  }
0x1d: {  	s5 =	simm.s32 @p1 $0x1;
	p0 =	seq.s32 s7, s2  }
0x1e: {  	s7 =	smul.u32 @!p0 $0xF7A, s2;
	p2 =	seq.s32 @!p0 s5, $0x0  }
0x1f: {  	s9 =	smul.u32 $0xF7A, s1;
	s8 =	simm.s32 @!p0 $0x1BF5;
	p2 =	por !p2, p0  }
0x20: {  	[sflag:s8] =	ssyncset.s32 @!p0 $0xFFFFF086;
	s6 =	sadd.s32 @!p0 s3, s7;
	s7 =	simm.s32 @!p0 $0x108  }
0x21: {  	s3 =	sadd.s32 s3, s9;
	s6 =	sadd.s32 @!p0 $0x88, s6;
	s7 =	simm.s32 @p2 $0x1082  }
0x22: {  	[simem:s7], [sflag:s8] =	dma.local @!p0 [hbm:s6], $0xF7A  }
0x23: {  	s9 =	sor.u32 $0xD0000000, s2;
	s6 =	simm.s32 $0x108;
	_ =	swait.ge @!p0 [sflag:s8], $0x0  }
0x24: {  	s3 =	sadd.s32 $0x88, s3;
	s6 =	simm.s32 @!p1 $0x1082;
	[sflag:s4] =	ssyncset.s32 $0xFFFFF086  }
0x25: {  	[simem:s6], [sflag:s4] =	dma.local [hbm:s3], $0xF7A  }
0x26: {  	[smem:$0x3F7C] =	sst s1;
	(tag) =	ssettag s2;
	_ =	strace s9  }
0x27: {  	s1 =	sld [smem:$0x3F8C]  }
0x28: {  	s2 =	sld [smem:$0x3F8D]  }
0x29: {  	s4 =	sld [smem:$0x3F8F]  }
0x2a: {  	p0 =	seq.s32 s5, $0x0;
	s5 =	sld [smem:$0x3F90]  }
0x2b: {  	s6 =	sld [smem:$0x3F91]  }
0x2c: {  	s7 =	sld [smem:$0x3F92]  }
0x2d: {  	s3 =	simm.s32 $0x108;
	s8 =	sld [smem:$0x3F93]  }
0x2e: {  	s3 =	simm.s32 @!p0 $0x1082;
	s9 =	sld [smem:$0x3F94]  }
0x2f: {  	lr =	sadd.s32 s0, s3;
	s0 =	sld [smem:$0x3F8B]  }
0x30: {  	s3 =	sld [smem:$0x3F8E]  }
0x31: {  	[smem:$0x3F97] =	sst s10  }
0x32: {  	s10 =	sld [smem:$0x3F95];
	_ =	sdelay $0x3  }
0x33: {  	p0 =	seq.s32 s10, $0x1;
	s10 =	sld [smem:$0x3F97];
	_ =	sdelay $0x3  }
0x34: {  	[smem:$0x3F97] =	sst s10  }
0x35: {  	s10 =	sld [smem:$0x3F96];
	_ =	sdelay $0x3  }
0x36: {  	p1 =	seq.s32 s10, $0x1;
	s10 =	sld [smem:$0x3F97];
	_ =	sdelay $0x3  }
0x37: {  	[smem:$0x3F97] =	sst s10  }
0x38: {  	s10 =	sld [smem:$0x3F98]  }
0x39: {  	_ = 	snop;
	(pc) =	sbr.ind lr, $3  }
0x3a: {  	_ = 	snop  }
0x3b: {  	_ = 	snop  }
0x3c: {  	p2 =	seq.s32 s10, $0x1;
	s10 =	sld [smem:$0x3F97]  }
0x3d: {  	_ =	shalt  }
0x3e: {  	_ =	shalt  }
0x3f: {  	_ =	shalt  }
0x40: {  	_ =	shalt  }
0x41: {  	_ =	shalt  }
0x42: {  	_ =	shalt  }
0x43: {  	_ =	shalt  }
0x44: {  	_ =	shalt  }
0x45: {  	_ =	shalt  }
0x46: {  	_ =	shalt  }
0x47: {  	_ =	shalt  }
0x48: {  	_ =	shalt  }
0x49: {  	_ =	shalt  }
0x4a: {  	_ =	shalt  }
0x4b: {  	_ =	shalt  }
0x4c: {  	_ =	shalt  }
0x4d: {  	_ =	shalt  }
0x4e: {  	_ =	shalt  }
0x4f: {  	_ =	shalt  }
0x50: {  	_ =	shalt  }
0x51: {  	_ =	shalt  }
0x52: {  	_ =	shalt  }
0x53: {  	_ =	shalt  }
0x54: {  	_ =	shalt  }
0x55: {  	_ =	shalt  }
0x56: {  	_ =	shalt  }
0x57: {  	_ =	shalt  }
0x58: {  	_ =	shalt  }
0x59: {  	_ =	shalt  }
0x5a: {  	_ =	shalt  }
0x5b: {  	_ =	shalt  }
0x5c: {  	_ =	shalt  }
0x5d: {  	_ =	shalt  }
0x5e: {  	_ =	shalt  }
0x5f: {  	_ =	shalt  }
0x60: {  	_ =	shalt  }
0x61: {  	_ =	shalt  }
0x62: {  	_ =	shalt  }
0x63: {  	_ =	shalt  }
0x64: {  	_ =	shalt  }
0x65: {  	_ =	shalt  }
0x66: {  	_ =	shalt  }
0x67: {  	_ =	shalt  }
0x68: {  	_ =	shalt  }
0x69: {  	_ =	shalt  }
0x6a: {  	_ =	shalt  }
0x6b: {  	_ =	shalt  }
0x6c: {  	_ =	shalt  }
0x6d: {  	_ =	shalt  }
0x6e: {  	_ =	shalt  }
0x6f: {  	_ =	shalt  }
0x70: {  	_ =	shalt  }
0x71: {  	_ =	shalt  }
0x72: {  	_ =	shalt  }
0x73: {  	_ =	shalt  }
0x74: {  	_ =	shalt  }
0x75: {  	_ =	shalt  }
0x76: {  	_ =	shalt  }
0x77: {  	_ =	shalt  }
0x78: {  	_ =	shalt  }
0x79: {  	_ =	shalt  }
0x7a: {  	_ =	shalt  }
0x7b: {  	_ =	shalt  }
0x7c: {  	_ =	shalt  }
0x7d: {  	_ =	shalt  }
0x7e: {  	_ =	shalt  }
0x7f: {  	_ =	shalt  }
0x80: {  	_ =	shalt  }
0x81: {  	_ =	shalt  }
0x82: {  	_ =	shalt  }
0x83: {  	_ =	shalt  }
0x84: {  	_ =	shalt  }
0x85: {  	_ =	shalt  }
0x86: {  	_ =	shalt  }
0x87: {  	_ =	shalt  }
.Lfunc_end0:
.L_simem_size_0:
called_computation.2_lowered:
.L_overlay_start_0:
0x88: {  	s2 =	sld [smem:$0x3FD9]  }
0x89: {  	s3 =	sld [smem:$0x3FFE];
	_ =	sdelay $0x1  }
0x8a: {  	s1 =	srdreg.scid  }
0x8b: {  	s0 =	sand.u32 $0x1, s1  }
0x8c: {  	s14 =	sshll.u32 s0, $0xA;
	s2 =	sadd.s32 s3, s2  }
0x8d: {  	s2 =	sadd.s32 s2, s14  }
0x8e: {  	[smem:$0x3FA3] =	sst s2  }
0x8f: {  	_ = 	snop  }
0x90: {  	s2 =	sld [smem:$0x3FD0];
	_ =	sdelay $0x1  }
0x91: {  	s15 =	sld [smem:$0x3FC7]  }
0x92: {  	s5 =	simm.s32 $0xA;
	s6 =	simm.s32 $0x10;
	s4 =	sld [smem:$0x3FC6]  }
0x93: {  	[smem:s6], [sflag:s5] =	dma.local [hbm:s2], $0x1  }
0x94: {  	_ =	swait.eq [sflag:s5], $0x1  }
0x95: {  	[sflag:s5] =	ssyncset.done $0x0  }
0x96: {  	[sflag:s5] =	ssyncadd.s32 $0xFFFFFFFF  }
0x97: {  	s16 =	sld [smem:$0x11];
	(tm) =	ssettm $0x1  }
0x98: {  	s17 =	sld [smem:$0x3FFB];
	_ =	sdelay $0x3  }
0x99: {  	_ =	strace s17  }
0x9a: {  	s5 =	sld [smem:$0x3FFC];
	_ =	sdelay $0x3  }
0x9b: {  	_ =	strace s5  }
0x9c: {  	s5 =	sld [smem:$0x3FFD];
	_ =	sdelay $0x3  }
0x9d: {  	_ =	strace s5  }
0x9e: {  	_ =	strace $0x8FFFFFFF  }
0x9f: {  	s18 =	sld [smem:$0x3FDB];
	_ =	sdelay $0x1  }
0xa0: {  	s19 =	simm.s32 $_scs_section_size  }
0xa1: {  	s7 =	simm.s32 $_size__tile_overlayer_lowered;
	s8 =	simm.s32 $_tile_overlayer_lowered  }
0xa2: {  	s22 =	simm.s32 $0x1BFF;
	s21 =	sshll.u32 s8, $0x1;
	s5 =	sadd.s32 s19, s18  }
0xa3: {  	s9 =	simm.s32 $0x0;
	s20 =	sshll.u32 s7, $0x1;
	s7 =	sadd.s32 s21, s5  }
0xa4: {  	[timem:s9], [sflag:s22] =	dma.local [hbm:s7], s20  }
0xa5: {  	_ =	swait.ge [sflag:s22], s20  }
0xa6: {  	s6 =	ssub.s32 $0x0, s20;
	[sflag:s22] =	ssyncset.done $0x0  }
0xa7: {  	[sflag:s22] =	ssyncadd.s32 s6;
	_ =	sdelay $0x1  }
0xa8: {  	s23 =	simm.s32 $0x1B8B  }
0xa9: {  	_ =	swait.ge [sflag:s23], $0x1  }
0xaa: {  	[sflag:s23] =	ssyncset.done $0x0  }
0xab: {  	s25 =	simm.s32 $0x1B8E;
	s24 =	sld [smem:$0x3FFE];
	[sflag:s23] =	ssyncadd.s32 $0xFFFFFFFF  }
0xac: {  	s26 =	simm.s32 $execute0_lowered;
	[smem:$0x3FD2] =	sst s25  }
0xad: {  	s7 =	sshll.u32 s26, $0x1;
	_ =	strace $0x8000004C;
	[dreg:$0x1] =	wrdreg $0xFFFFFFFF  }
0xae: {  	s28 =	simm.s32 $_size_execute0_lowered;
	s5 =	sadd.s32 s5, s7;
	[dreg:$0x0] =	wrdreg $0x0  }
0xaf: {  	s7 =	sshll.u32 s28, $0x1;
	[dreg:$0x2] =	wrdreg s5  }
0xb0: {  	[dreg:$0x3] =	wrdreg s7  }
0xb1: {  	[dreg:$0x4] =	wrdreg $0xC0  }
0xb2: {  	_ =	task [dreg:s9], $0x5FFFF  }
0xb3: {  	[dreg:$0x1] =	wrdreg $0xFFFFFFFF  }
0xb4: {  	[dreg:$0x0] =	wrdreg $0x60  }
0xb5: {  	[dreg:$0x2] =	wrdreg s16  }
0xb6: {  	[dreg:$0x3] =	wrdreg s24  }
0xb7: {  	[dreg:$0x4] =	wrdreg s15  }
0xb8: {  	[dreg:$0x5] =	wrdreg s4  }
0xb9: {  	[dreg:$0x6] =	wrdreg $0x9  }
0xba: {  	_ =	task.clear_ibuf [dreg:s9], $0x7FFFF;
	_ =	strace $0x9000004C  }
0xbb: {  	s29 =	simm.s32 $0x9;
	_ =	strace $0x8000004E  }
0xbc: {  	_ =	swait.ge [sflag:s29], $0x1  }
0xbd: {  	[sflag:s29] =	ssyncadd.s32 $0xFFFFFFFF  }
0xbe: {  	_ =	strace $0x9000004E  }
0xbf: {  	_ =	sfence  }
0xc0: {  	s30 =	sld [smem:$0x0];
	_ =	sdelay $0x2  }
0xc1: {  	s31 =	sshll.u32 s1, $0xD;
	s1 =	sshrl.u32 s1, $0x2  }
0xc2: {  	s3 =	sand.u32 $0x4000, s31;
	s1 =	sadd.s32 s1, s30  }
0xc3: {  	s0 =	sor.u32 s3, s0;
	s1 =	sshll.u32 s1, $0x11  }
0xc4: {  	s0 =	sor.u32 s1, s0  }
0xc5: {  	s0 =	sadd.s32 $0x8F2B, s0  }
0xc6: {  	[sflag:s0] =	ssyncadd.remote.s32 $0x1  }
0xc7: {  	_ =	sfence.sel $0xFFFF  }
0xc8: {  	[dreg:$0x0] =	wrdreg $0xFFFFFFFF;
	(pc) =	sbr.abs _section_cstart, $3  }
0xc9: {  	[dreg:$0x1] =	wrdreg $0xFFFFFFFF  }
0xca: {  	_ =	task.clear_ibuf [dreg:s9], $0x2FFFF;
	_ =	strace $0x9FFFFFFF  }
0xcb: {  	(tm) =	ssettm $0x7FFFFFFF  }
tec
execute0_lowered:
.L_overlay_start_1:
0x0: {  	(tag) =	ssettag $0x1  }
0x1: {  	s1 =	rddreg [dreg:$0x0]  }
0x2: {  	s6 =	rddreg [dreg:$0x1]  }
0x3: {  	s7 =	rddreg [dreg:$0x2]  }
0x4: {  	s2 =	srdreg.scid;
	s0 =	stileid.u32  }
0x5: {  	s8 =	rddreg [dreg:$0x3];
	s3 =	simm.s32 $0x0;
	s11 =	simm.s32 $0x1400  }
0x6: {  	s12 =	simm.s32 $0x80;
	s13 =	simm.s32 $0x2800;
	s14 =	simm.s32 $0xA800  }
0x7: {  	s15 =	simm.s32 $0x6800;
	s16 =	simm.s32 $0xE800;
	s17 =	simm.s32 $0x1  }
0x8: {  	s18 =	simm.s32 $0x12800;
	s19 =	simm.s32 $0x2;
	s20 =	simm.s32 $0x16800  }
0x9: {  	s4 =	sand.u32 $0x1, s2;
	s5 =	sshll.u32 s0, $0x1;
	s2 =	rddreg [dreg:$0x4]  }
0xa: {  	s21 =	simm.s32 $0x0;
	[smem:$0x7FF] =	sst s3;
	s5 =	sor.u32 s4, s5  }
0xb: {  	s9 =	ssub.s32 $0x2, s4;
	_ =	strace $0x8000004D;
	s4 =	smul.u32 $0x1388, s5  }
0xc: {  	s5 =	sadd.s32 $0x2D3000, s6;
	s10 =	sshrl.u32 s9, $0x1;
	s6 =	sadd.s32 $0xC600, s6  }
0xd: {  	s9 =	ssub.s32 s9, s10;
	s10 =	simm.s32 $0x3;
	s31 =	sshrl.u32 s4, $0x3  }
0xe: {  	s9 =	smax.u32 s9, $0x1;
	s7 =	sadd.s32 s7, s31;
	s8 =	sadd.s32 s8, s31  }
.LBB2_1:
0xf: {  	[tilespmem:s3], [sflag:$0x3] =	stream.linear.gather [hbm4b:s7+s3], $0x1388, $0x38;
	[tilespmem:$0x1A800] =	vst v63  }
0x10: {  	_ =	swait.ge [sflag:s10], $0x1388  }
0x11: {  	[sflag:s10] =	ssyncset.done $0x0  }
0x12: {  	[sflag:s10] =	ssyncadd.s32 $0xFFFFEC78  }
0x13: {  	[tilespmem:s11], [sflag:$0x3] =	stream.linear.gather [hbm4b:s8+s3], $0x1388, $0x38;
	[tilespmem:$0x1A800] =	vst v63  }
0x14: {  	_ =	swait.ge [sflag:s10], $0x1388  }
0x15: {  	[sflag:s10] =	ssyncset.done $0x0  }
0x16: {  	[sflag:s10] =	ssyncadd.s32 $0xFFFFEC78  }
0x17: {  	[tilespmem:s13], [sflag:$0x1] =	stream.indirect.gather [hbm4b:s1+s12], $0x80, s3, s12, $0xb8;
	[tilespmem:$0x1A800] =	vst v63  }
0x18: {  	s22 =	simm.s32 $0x0  }
0x19: {  	[tilespmem:s14], [sflag:$0x1] =	stream.indirect.gather [hbm4b:s5+s12], $0x80, s11, s12, $0xb8;
	[tilespmem:$0x1A800] =	vst v63  }
.LBB2_2:
0x1a: {  	s24 =	sshll.u32 s22, $0x8  }
0x1b: {  	s23 =	sor.u32 $0x80, s24  }
0x1c: {  	s23 =	smin.u32 s23, $0x1308  }
0x1d: {  	[tilespmem:s15], [sflag:$0x2] =	stream.indirect.gather [hbm4b:s1+s12], $0x80, s23, s12, $0xb8;
	[tilespmem:$0x1A800] =	vst v63  }
0x1e: {  	s25 =	sadd.s32 $0x1400, s23  }
0x1f: {  	[tilespmem:s16], [sflag:$0x2] =	stream.indirect.gather [hbm4b:s5+s12], $0x80, s25, s12, $0xb8;
	[tilespmem:$0x1A800] =	vst v63  }
0x20: {  	_ =	swait.ge [sflag:s17], $0x4000  }
0x21: {  	[sflag:s17] =	ssyncset.done $0x0  }
0x22: {  	[sflag:s17] =	ssyncadd.s32 $0xFFFFC000  }
0x23: {  	_ =	swait.ge [sflag:s17], $0x4000  }
0x24: {  	[sflag:s17] =	ssyncset.done $0x0  }
0x25: {  	s25 =	simm.s32 $0x0;
	[sflag:s17] =	ssyncadd.s32 $0xFFFFC000  }
0x26: {  	v0 =	vld [tilespmem:s25+$0x2870]  }
0x27: {  	v1 =	vld [tilespmem:s25+$0xA870]  }
0x28: {  	v2 =	vld [tilespmem:s25+$0x2800]  }
0x29: {  	v3 =	vld [tilespmem:s25+$0xA800]  }
0x2a: {  	v4 =	vld [tilespmem:s25+$0x2810]  }
0x2b: {  	v5 =	vld [tilespmem:s25+$0xA810]  }
0x2c: {  	v6 =	vld [tilespmem:s25+$0x2820]  }
0x2d: {  	v7 =	vld [tilespmem:s25+$0x2830]  }
0x2e: {  	v0 =	vadd.f32 v1, v0;
	v1 =	vld [tilespmem:s25+$0xA820]  }
0x2f: {  	v8 =	vld [tilespmem:s25+$0xA830]  }
0x30: {  	v9 =	vld [tilespmem:s25+$0xA840];
	v2 =	vadd.f32 v3, v2  }
0x31: {  	[tilespmem:s25+$0x12870] =	vst v0;
	v0 =	vadd.f32 v5, v4;
	v5 =	vld [tilespmem:s25+$0x2840]  }
0x32: {  	v3 =	vld [tilespmem:s25+$0xA850];
	[tilespmem:s25+$0x12800] =	vst v2  }
0x33: {  	v2 =	vld [tilespmem:s25+$0x2850];
	[tilespmem:s25+$0x12810] =	vst v0;
	v0 =	vadd.f32 v1, v6  }
0x34: {  	v4 =	vld [tilespmem:s25+$0xA860];
	v6 =	vadd.f32 v8, v7  }
0x35: {  	s26 =	simm.s32 $0x80;
	[tilespmem:s25+$0x12820] =	vst v0;
	v0 =	vld [tilespmem:s25+$0x2860]  }
0x36: {  	s28 =	simm.s32 $0x400;
	v5 =	vadd.f32 v9, v5;
	v1 =	vld [tilespmem:s26+$0x2870];
	[tilespmem:s25+$0x12830] =	vst v6  }
.LBB2_3:
0x37: {  	p0 =	sne.s32 s28, $0xFE00;
	v6 =	vld [tilespmem:s26+$0xA870]  }
0x38: {  	v7 =	vld [tilespmem:s26+$0x2800];
	[tilespmem:s25+$0x12840] =	vst v5;
	v2 =	vadd.f32 v3, v2  }
0x39: {  	v3 =	vld [tilespmem:s26+$0xA800]  }
0x3a: {  	v5 =	vld [tilespmem:s26+$0x2810];
	[tilespmem:s25+$0x12850] =	vst v2;
	v0 =	vadd.f32 v4, v0  }
0x3b: {  	v2 =	vld [tilespmem:s26+$0xA810]  }
0x3c: {  	v4 =	vld [tilespmem:s26+$0x2820];
	v1 =	vadd.f32 v6, v1;
	[tilespmem:s25+$0x12860] =	vst v0;
	s25 =	smov.u32 s26  }
0x3d: {  	v0 =	vld [tilespmem:s25+$0xA820]  }
0x3e: {  	v3 =	vadd.f32 v3, v7;
	v6 =	vld [tilespmem:s25+$0x2830];
	[tilespmem:s25+$0x12870] =	vst v1  }
0x3f: {  	v1 =	vld [tilespmem:s25+$0xA830]  }
0x40: {  	[tilespmem:s25+$0x12800] =	vst v3;
	v2 =	vadd.f32 v2, v5;
	v5 =	vld [tilespmem:s25+$0x2840]  }
0x41: {  	v7 =	vld [tilespmem:s25+$0xA840]  }
.Ltmp0:
0x42: {  	[tilespmem:s25+$0x12810] =	vst v2;
	v0 =	vadd.f32 v0, v4;
	v2 =	vld [tilespmem:s25+$0x2850];
	(pc) =	sbr.rel @p0 .LBB2_3-.Ltmp0, $4  }
0x43: {  	v3 =	vld [tilespmem:s25+$0xA850]  }
0x44: {  	[tilespmem:s25+$0x12820] =	vst v0;
	v6 =	vadd.f32 v1, v6;
	v0 =	vld [tilespmem:s25+$0x2860]  }
0x45: {  	s26 =	sshra.s32 s28, $0x2;
	v4 =	vld [tilespmem:s25+$0xA860]  }
0x46: {  	s28 =	sadd.s32 $0x200, s28;
	v1 =	vld [tilespmem:s26+$0x2870];
	[tilespmem:s25+$0x12830] =	vst v6;
	v5 =	vadd.f32 v7, v5  }
0x47: {  	v6 =	vld [tilespmem:s26+$0xA870]  }
0x48: {  	v7 =	vld [tilespmem:s26+$0x2800];
	[tilespmem:s25+$0x12840] =	vst v5;
	v2 =	vadd.f32 v3, v2  }
0x49: {  	v3 =	vld [tilespmem:s26+$0xA800]  }
0x4a: {  	v5 =	vld [tilespmem:s26+$0x2810];
	[tilespmem:s25+$0x12850] =	vst v2;
	v0 =	vadd.f32 v4, v0  }
0x4b: {  	v2 =	vld [tilespmem:s26+$0xA810]  }
0x4c: {  	v4 =	vld [tilespmem:s26+$0x2820];
	[tilespmem:s25+$0x12860] =	vst v0  }
0x4d: {  	v0 =	vadd.f32 v6, v1;
	v1 =	vld [tilespmem:s26+$0xA820]  }
0x4e: {  	v6 =	vld [tilespmem:s26+$0x2830]  }
0x4f: {  	v3 =	vadd.f32 v3, v7;
	[tilespmem:s26+$0x12870] =	vst v0;
	v0 =	vld [tilespmem:s26+$0xA830]  }
0x50: {  	v7 =	vld [tilespmem:s26+$0xA860]  }
0x51: {  	[tilespmem:s26+$0x12800] =	vst v3;
	v2 =	vadd.f32 v2, v5;
	v3 =	vld [tilespmem:s26+$0x2840]  }
0x52: {  	v5 =	vld [tilespmem:s26+$0xA840]  }
0x53: {  	[tilespmem:s26+$0x12810] =	vst v2;
	v1 =	vadd.f32 v1, v4;
	v2 =	vld [tilespmem:s26+$0x2850]  }
0x54: {  	v4 =	vld [tilespmem:s26+$0xA850]  }
0x55: {  	[tilespmem:s26+$0x12820] =	vst v1;
	v1 =	vld [tilespmem:s26+$0x2860];
	_ =	sdelay $0x1  }
0x56: {  	v0 =	vadd.f32 v0, v6  }
0x57: {  	v3 =	vadd.f32 v5, v3  }
0x58: {  	[tilespmem:s26+$0x12830] =	vst v0;
	v0 =	vadd.f32 v4, v2  }
0x59: {  	s28 =	sadd.s32 s4, s24;
	[tilespmem:s26+$0x12840] =	vst v3;
	v1 =	vadd.f32 v7, v1  }
0x5a: {  	s25 =	sshll.u32 s28, $0x4;
	[tilespmem:s26+$0x12850] =	vst v0  }
0x5b: {  	s29 =	simm.s32 $0x0;
	s25 =	sadd.s32 s6, s25;
	[tilespmem:s26+$0x12860] =	vst v1  }
0x5c: {  	[hbm4b:s25+s29] =	stream.linear.scatter [tilespmem:s18], [sflag:$0x3], $0x4000, $0x38;
	[tilespmem:$0x1A800] =	vst v63  }
0x5d: {  	_ =	swait.ge [sflag:s10], $0x4000  }
0x5e: {  	s30 =	smin.u32 s24, $0x1208;
	[sflag:s10] =	ssyncset.done $0x0  }
0x5f: {  	s31 =	sadd.s32 $0x100, s30;
	[sflag:s10] =	ssyncadd.s32 $0xFFFFC000  }
0x60: {  	[tilespmem:s13], [sflag:$0x1] =	stream.indirect.gather [hbm4b:s1+s12], $0x80, s31, s12, $0xb8;
	[tilespmem:$0x1A800] =	vst v63  }
0x61: {  	s24 =	sadd.s32 $0x1500, s30  }
0x62: {  	[tilespmem:s14], [sflag:$0x1] =	stream.indirect.gather [hbm4b:s5+s12], $0x80, s24, s12, $0xb8;
	[tilespmem:$0x1A800] =	vst v63  }
0x63: {  	_ =	swait.ge [sflag:s19], $0x4000  }
0x64: {  	[sflag:s19] =	ssyncset.done $0x0  }
0x65: {  	[sflag:s19] =	ssyncadd.s32 $0xFFFFC000  }
0x66: {  	_ =	swait.ge [sflag:s19], $0x4000  }
0x67: {  	[sflag:s19] =	ssyncset.done $0x0  }
0x68: {  	s24 =	simm.s32 $0x0;
	[sflag:s19] =	ssyncadd.s32 $0xFFFFC000  }
0x69: {  	v0 =	vld [tilespmem:s24+$0x6870]  }
0x6a: {  	v1 =	vld [tilespmem:s24+$0xE870]  }
0x6b: {  	v2 =	vld [tilespmem:s24+$0x6800]  }
0x6c: {  	v3 =	vld [tilespmem:s24+$0xE800]  }
0x6d: {  	v4 =	vld [tilespmem:s24+$0x6810]  }
0x6e: {  	v5 =	vld [tilespmem:s24+$0xE810]  }
0x6f: {  	v6 =	vld [tilespmem:s24+$0x6820]  }
0x70: {  	v7 =	vld [tilespmem:s24+$0x6830]  }
0x71: {  	v0 =	vadd.f32 v1, v0;
	v1 =	vld [tilespmem:s24+$0xE820]  }
0x72: {  	v8 =	vld [tilespmem:s24+$0xE830]  }
0x73: {  	v9 =	vld [tilespmem:s24+$0xE840];
	v2 =	vadd.f32 v3, v2  }
0x74: {  	[tilespmem:s24+$0x16870] =	vst v0;
	v0 =	vadd.f32 v5, v4;
	v5 =	vld [tilespmem:s24+$0x6840]  }
0x75: {  	v3 =	vld [tilespmem:s24+$0xE850];
	[tilespmem:s24+$0x16800] =	vst v2  }
0x76: {  	v2 =	vld [tilespmem:s24+$0x6850];
	[tilespmem:s24+$0x16810] =	vst v0;
	v0 =	vadd.f32 v1, v6  }
0x77: {  	v4 =	vld [tilespmem:s24+$0xE860];
	v6 =	vadd.f32 v8, v7  }
0x78: {  	s25 =	simm.s32 $0x80;
	[tilespmem:s24+$0x16820] =	vst v0;
	v0 =	vld [tilespmem:s24+$0x6860]  }
0x79: {  	s26 =	simm.s32 $0x400;
	v5 =	vadd.f32 v9, v5;
	v1 =	vld [tilespmem:s25+$0x6870];
	[tilespmem:s24+$0x16830] =	vst v6  }
.LBB2_5:
0x7a: {  	p0 =	sne.s32 s26, $0xFE00;
	v6 =	vld [tilespmem:s25+$0xE870]  }
0x7b: {  	v7 =	vld [tilespmem:s25+$0x6800];
	[tilespmem:s24+$0x16840] =	vst v5;
	v2 =	vadd.f32 v3, v2  }
0x7c: {  	v3 =	vld [tilespmem:s25+$0xE800]  }
0x7d: {  	v5 =	vld [tilespmem:s25+$0x6810];
	[tilespmem:s24+$0x16850] =	vst v2;
	v0 =	vadd.f32 v4, v0  }
0x7e: {  	v2 =	vld [tilespmem:s25+$0xE810]  }
0x7f: {  	v4 =	vld [tilespmem:s25+$0x6820];
	v1 =	vadd.f32 v6, v1;
	[tilespmem:s24+$0x16860] =	vst v0;
	s24 =	smov.u32 s25  }
0x80: {  	v0 =	vld [tilespmem:s24+$0xE820]  }
0x81: {  	v3 =	vadd.f32 v3, v7;
	v6 =	vld [tilespmem:s24+$0x6830];
	[tilespmem:s24+$0x16870] =	vst v1  }
0x82: {  	v1 =	vld [tilespmem:s24+$0xE830]  }
0x83: {  	[tilespmem:s24+$0x16800] =	vst v3;
	v2 =	vadd.f32 v2, v5;
	v5 =	vld [tilespmem:s24+$0x6840]  }
0x84: {  	v7 =	vld [tilespmem:s24+$0xE840]  }
.Ltmp1:
0x85: {  	[tilespmem:s24+$0x16810] =	vst v2;
	v0 =	vadd.f32 v0, v4;
	v2 =	vld [tilespmem:s24+$0x6850];
	(pc) =	sbr.rel @p0 .LBB2_5-.Ltmp1, $4  }
0x86: {  	v3 =	vld [tilespmem:s24+$0xE850]  }
0x87: {  	[tilespmem:s24+$0x16820] =	vst v0;
	v6 =	vadd.f32 v1, v6;
	v0 =	vld [tilespmem:s24+$0x6860]  }
0x88: {  	s25 =	sshra.s32 s26, $0x2;
	v4 =	vld [tilespmem:s24+$0xE860]  }
0x89: {  	s26 =	sadd.s32 $0x200, s26;
	v1 =	vld [tilespmem:s25+$0x6870];
	[tilespmem:s24+$0x16830] =	vst v6;
	v5 =	vadd.f32 v7, v5  }
0x8a: {  	v6 =	vld [tilespmem:s25+$0xE870]  }
0x8b: {  	v7 =	vld [tilespmem:s25+$0x6800];
	[tilespmem:s24+$0x16840] =	vst v5;
	v2 =	vadd.f32 v3, v2  }
0x8c: {  	v51 =	vld [tilespmem:s25+$0xE800]  }
0x8d: {  	v5 =	vld [tilespmem:s25+$0x6810];
	[tilespmem:s24+$0x16850] =	vst v2;
	v0 =	vadd.f32 v4, v0  }
0x8e: {  	v2 =	vld [tilespmem:s25+$0xE810]  }
0x8f: {  	v52 =	vld [tilespmem:s25+$0x6820];
	[tilespmem:s24+$0x16860] =	vst v0  }
0x90: {  	v54 =	vld [tilespmem:s25+$0xE820]  }
0x91: {  	v55 =	vld [tilespmem:s25+$0x6830]  }
0x92: {  	v56 =	vld [tilespmem:s25+$0xE830]  }
0x93: {  	v57 =	vld [tilespmem:s25+$0x6840]  }
0x94: {  	v58 =	vld [tilespmem:s25+$0xE840]  }
0x95: {  	v59 =	vld [tilespmem:s25+$0x6850]  }
0x96: {  	v53 =	vadd.f32 v6, v1;
	v60 =	vld [tilespmem:s25+$0xE850]  }
0x97: {  	v61 =	vld [tilespmem:s25+$0x6860];
	v3 =	vadd.f32 v51, v7  }
0x98: {  	v62 =	vld [tilespmem:s25+$0xE860];
	[tilespmem:s25+$0x16870] =	vst v53;
	v2 =	vadd.f32 v2, v5  }
0x99: {  	[tilespmem:s25+$0x16800] =	vst v3;
	v1 =	vadd.f32 v54, v52  }
0x9a: {  	[tilespmem:s25+$0x16810] =	vst v2;
	v0 =	vadd.f32 v56, v55  }
0x9b: {  	v3 =	vadd.f32 v58, v57;
	[tilespmem:s25+$0x16820] =	vst v1  }
0x9c: {  	v63 =	vadd.f32 v60, v59;
	[tilespmem:s25+$0x16830] =	vst v0  }
0x9d: {  	s23 =	sadd.s32 s4, s23;
	s22 =	sadd.s32 $0x1, s22;
	[tilespmem:s25+$0x16840] =	vst v3;
	v1 =	vadd.f32 v62, v61  }
0x9e: {  	s23 =	sshll.u32 s23, $0x4;
	p0 =	sne.s32 s22, $0x14;
	[tilespmem:s25+$0x16850] =	vst v63  }
.Ltmp2:
0x9f: {  	s23 =	sadd.s32 s6, s23;
	[tilespmem:s25+$0x16860] =	vst v1;
	(pc) =	sbr.rel @p0 .LBB2_2-.Ltmp2, $4  }
0xa0: {  	[hbm4b:s23+s3] =	stream.linear.scatter [tilespmem:s20], [sflag:$0x3], $0x4000, $0x38;
	[tilespmem:$0x1A800] =	vst v63  }
0xa1: {  	_ =	swait.ge [sflag:s10], $0x4000  }
0xa2: {  	[sflag:s10] =	ssyncset.done $0x0  }
0xa3: {  	[sflag:s10] =	ssyncadd.s32 $0xFFFFC000  }
0xa4: {  	s21 =	sadd.s32 $0x1, s21  }
0xa5: {  	_ =	swait.ge [sflag:s17], $0x4000;
	p0 =	sne.s32 s21, s9  }
.Ltmp3:
0xa6: {  	[sflag:s17] =	ssyncset.done $0x0;
	(pc) =	sbr.rel @p0 .LBB2_1-.Ltmp3, $4  }
0xa7: {  	[sflag:s17] =	ssyncadd.s32 $0xFFFFC000  }
0xa8: {  	_ =	swait.ge [sflag:s17], $0x4000  }
0xa9: {  	[sflag:s17] =	ssyncset.done $0x0  }
0xaa: {  	[sflag:s17] =	ssyncadd.s32 $0xFFFFC000  }
0xab: {  	_ =	sfence.sel $0x180000  }
0xac: {  	[bflag:$0x0] =	sbarrier.arrive $0xFFFF  }
0xad: {  	p0 =	sne.s32 s0, $0x0;
	_ =	strace $0x9000004D  }
0xae: {  	s0 =	sadd.s32 @!p0 $0x100000, s2;
	[bflag:$0x2] =	sbarrier.arrive $0xFFFF  }
0xaf: {  	[sflag:s0] =	ssyncadd.tile.s32 @!p0 $0x1;
	_ =	shalt  }
.Lfunc_end2:
_tile_overlayer_lowered:
.L_overlay_start_2:
0xb0: {  	(tag) =	ssettag $0x2  }
0xb1: {  	s0 =	rddreg [dreg:$0x0];
	s2 =	stileid.u32  }
0xb2: {  	s1 =	rddreg [dreg:$0x1];
	p0 =	sne.s32 s2, $0x0  }
0xb3: {  	s3 =	rddreg [dreg:$0x2];
	[bflag:$0x3] =	sbarrier.arrive $0xFFFF;
	s2 =	simm.s32 @!p0 $0x1C03  }
0xb4: {  	[timem:s3], [sflag:s2] =	dma.local @!p0 [hbm:s0], s1  }
0xb5: {  	s0 =	simm.s32 @!p0 $0x3  }
0xb6: {  	_ =	swait.ge @!p0 [sflag:s0], s1  }
0xb7: {  	s1 =	ssub.s32 @!p0 $0x0, s1;
	[sflag:s0] =	ssyncset.done @!p0 $0x0  }
0xb8: {  	[sflag:s0] =	ssyncadd.s32 @!p0 s1  }
0xb9: {  	[bflag:$0x3] =	sbarrier.arrive $0xFFFF  }
0xba: {  	_ =	shalt  }

// kernel: kernel.20.cloned.1.call-start
scs
__scs_entry_jumppad:
0x0: {  	(pc) =	sbr.rel $0x88, $3  }
0x1: {  	(tag) =	ssettag $0x0;
	lr =	simm.s32 $0x1  }
0x2: {  	[smem:$0x3F7C] =	sst lr;
	_ =	strace $0xD0000000  }
0x3: {  	_ = 	snop  }
0x4: {  	_ = 	snop  }
0x5: {  	_ = 	snop  }
0x6: {  	_ = 	snop  }
0x7: {  	_ = 	snop  }
__scs_overlays_trampoline_lowered:
0x8: {  	[smem:$0x3F8B] =	sst s0  }
0x9: {  	[smem:$0x3F8C] =	sst s1  }
0xa: {  	[smem:$0x3F8D] =	sst s2  }
0xb: {  	[smem:$0x3F8E] =	sst s3  }
0xc: {  	[smem:$0x3F8F] =	sst s4  }
0xd: {  	[smem:$0x3F90] =	sst s5  }
0xe: {  	[smem:$0x3F91] =	sst s6  }
0xf: {  	[smem:$0x3F92] =	sst s7  }
0x10: {  	[smem:$0x3F93] =	sst s8  }
0x11: {  	[smem:$0x3F94] =	sst s9;
	s0 =	simm.s32 @!p0 $0x0  }
0x12: {  	s1 =	sld [smem:$0x3F7A];
	s0 =	simm.s32 @p0 $0x1  }
0x13: {  	[smem:$0x3F95] =	sst s0;
	s0 =	simm.s32 @!p1 $0x0  }
0x14: {  	s2 =	sld [smem:$0x3F79];
	s0 =	simm.s32 @p1 $0x1  }
0x15: {  	[smem:$0x3F96] =	sst s0;
	s0 =	simm.s32 @!p2 $0x0  }
0x16: {  	s3 =	sld [smem:$0x3FDB];
	s0 =	simm.s32 @p2 $0x1  }
0x17: {  	s4 =	simm.s32 $0x1BF5;
	[smem:$0x3F98] =	sst s0  }
0x18: {  	s0 =	sld [smem:$0x3F7B];
	_ =	swait.ge [sflag:s4], $0x0  }
0x19: {  	s7 =	sld [smem:$0x3F7C]  }
0x1a: {  	s8 =	sadd.s32 $0xFFFFE003, lr  }
0x1b: {  	s9 =	sadd.s32 $0xFFFFFEF7, lr;
	s5 =	simm.s32 $0xFFFFFFFF;
	p2 =	slt.u32 s8, $0xFFFFF086  }
0x1c: {  	p1 =	slt.u32 s9, $0xF7A;
	s5 =	simm.s32 @!p2 $0x0  }
0x1d: {  	s5 =	simm.s32 @p1 $0x1;
	p0 =	seq.s32 s7, s2  }
0x1e: {  	s7 =	smul.u32 @!p0 $0xF7A, s2;
	p2 =	seq.s32 @!p0 s5, $0x0  }
0x1f: {  	s9 =	smul.u32 $0xF7A, s1;
	s8 =	simm.s32 @!p0 $0x1BF5;
	p2 =	por !p2, p0  }
0x20: {  	[sflag:s8] =	ssyncset.s32 @!p0 $0xFFFFF086;
	s6 =	sadd.s32 @!p0 s3, s7;
	s7 =	simm.s32 @!p0 $0x108  }
0x21: {  	s3 =	sadd.s32 s3, s9;
	s6 =	sadd.s32 @!p0 $0x88, s6;
	s7 =	simm.s32 @p2 $0x1082  }
0x22: {  	[simem:s7], [sflag:s8] =	dma.local @!p0 [hbm:s6], $0xF7A  }
0x23: {  	s9 =	sor.u32 $0xD0000000, s2;
	s6 =	simm.s32 $0x108;
	_ =	swait.ge @!p0 [sflag:s8], $0x0  }
0x24: {  	s3 =	sadd.s32 $0x88, s3;
	s6 =	simm.s32 @!p1 $0x1082;
	[sflag:s4] =	ssyncset.s32 $0xFFFFF086  }
0x25: {  	[simem:s6], [sflag:s4] =	dma.local [hbm:s3], $0xF7A  }
0x26: {  	[smem:$0x3F7C] =	sst s1;
	(tag) =	ssettag s2;
	_ =	strace s9  }
0x27: {  	s1 =	sld [smem:$0x3F8C]  }
0x28: {  	s2 =	sld [smem:$0x3F8D]  }
0x29: {  	s4 =	sld [smem:$0x3F8F]  }
0x2a: {  	p0 =	seq.s32 s5, $0x0;
	s5 =	sld [smem:$0x3F90]  }
0x2b: {  	s6 =	sld [smem:$0x3F91]  }
0x2c: {  	s7 =	sld [smem:$0x3F92]  }
0x2d: {  	s3 =	simm.s32 $0x108;
	s8 =	sld [smem:$0x3F93]  }
0x2e: {  	s3 =	simm.s32 @!p0 $0x1082;
	s9 =	sld [smem:$0x3F94]  }
0x2f: {  	lr =	sadd.s32 s0, s3;
	s0 =	sld [smem:$0x3F8B]  }
0x30: {  	s3 =	sld [smem:$0x3F8E]  }
0x31: {  	[smem:$0x3F97] =	sst s10  }
0x32: {  	s10 =	sld [smem:$0x3F95];
	_ =	sdelay $0x3  }
0x33: {  	p0 =	seq.s32 s10, $0x1;
	s10 =	sld [smem:$0x3F97];
	_ =	sdelay $0x3  }
0x34: {  	[smem:$0x3F97] =	sst s10  }
0x35: {  	s10 =	sld [smem:$0x3F96];
	_ =	sdelay $0x3  }
0x36: {  	p1 =	seq.s32 s10, $0x1;
	s10 =	sld [smem:$0x3F97];
	_ =	sdelay $0x3  }
0x37: {  	[smem:$0x3F97] =	sst s10  }
0x38: {  	s10 =	sld [smem:$0x3F98]  }
0x39: {  	_ = 	snop;
	(pc) =	sbr.ind lr, $3  }
0x3a: {  	_ = 	snop  }
0x3b: {  	_ = 	snop  }
0x3c: {  	p2 =	seq.s32 s10, $0x1;
	s10 =	sld [smem:$0x3F97]  }
0x3d: {  	_ =	shalt  }
0x3e: {  	_ =	shalt  }
0x3f: {  	_ =	shalt  }
0x40: {  	_ =	shalt  }
0x41: {  	_ =	shalt  }
0x42: {  	_ =	shalt  }
0x43: {  	_ =	shalt  }
0x44: {  	_ =	shalt  }
0x45: {  	_ =	shalt  }
0x46: {  	_ =	shalt  }
0x47: {  	_ =	shalt  }
0x48: {  	_ =	shalt  }
0x49: {  	_ =	shalt  }
0x4a: {  	_ =	shalt  }
0x4b: {  	_ =	shalt  }
0x4c: {  	_ =	shalt  }
0x4d: {  	_ =	shalt  }
0x4e: {  	_ =	shalt  }
0x4f: {  	_ =	shalt  }
0x50: {  	_ =	shalt  }
0x51: {  	_ =	shalt  }
0x52: {  	_ =	shalt  }
0x53: {  	_ =	shalt  }
0x54: {  	_ =	shalt  }
0x55: {  	_ =	shalt  }
0x56: {  	_ =	shalt  }
0x57: {  	_ =	shalt  }
0x58: {  	_ =	shalt  }
0x59: {  	_ =	shalt  }
0x5a: {  	_ =	shalt  }
0x5b: {  	_ =	shalt  }
0x5c: {  	_ =	shalt  }
0x5d: {  	_ =	shalt  }
0x5e: {  	_ =	shalt  }
0x5f: {  	_ =	shalt  }
0x60: {  	_ =	shalt  }
0x61: {  	_ =	shalt  }
0x62: {  	_ =	shalt  }
0x63: {  	_ =	shalt  }
0x64: {  	_ =	shalt  }
0x65: {  	_ =	shalt  }
0x66: {  	_ =	shalt  }
0x67: {  	_ =	shalt  }
0x68: {  	_ =	shalt  }
0x69: {  	_ =	shalt  }
0x6a: {  	_ =	shalt  }
0x6b: {  	_ =	shalt  }
0x6c: {  	_ =	shalt  }
0x6d: {  	_ =	shalt  }
0x6e: {  	_ =	shalt  }
0x6f: {  	_ =	shalt  }
0x70: {  	_ =	shalt  }
0x71: {  	_ =	shalt  }
0x72: {  	_ =	shalt  }
0x73: {  	_ =	shalt  }
0x74: {  	_ =	shalt  }
0x75: {  	_ =	shalt  }
0x76: {  	_ =	shalt  }
0x77: {  	_ =	shalt  }
0x78: {  	_ =	shalt  }
0x79: {  	_ =	shalt  }
0x7a: {  	_ =	shalt  }
0x7b: {  	_ =	shalt  }
0x7c: {  	_ =	shalt  }
0x7d: {  	_ =	shalt  }
0x7e: {  	_ =	shalt  }
0x7f: {  	_ =	shalt  }
0x80: {  	_ =	shalt  }
0x81: {  	_ =	shalt  }
0x82: {  	_ =	shalt  }
0x83: {  	_ =	shalt  }
0x84: {  	_ =	shalt  }
0x85: {  	_ =	shalt  }
0x86: {  	_ =	shalt  }
0x87: {  	_ =	shalt  }
.Lfunc_end0:
.L_simem_size_0:
called_computation.3_lowered:
.L_overlay_start_0:
0x88: {  	s2 =	sld [smem:$0x3FD9]  }
0x89: {  	s3 =	sld [smem:$0x3FFE];
	_ =	sdelay $0x1  }
0x8a: {  	s1 =	srdreg.scid  }
0x8b: {  	s0 =	sand.u32 $0x1, s1  }
0x8c: {  	s16 =	sshll.u32 s0, $0xA;
	s2 =	sadd.s32 s3, s2  }
0x8d: {  	s2 =	sadd.s32 s2, s16  }
0x8e: {  	[smem:$0x3FA3] =	sst s2  }
0x8f: {  	_ = 	snop  }
0x90: {  	(tm) =	ssettm $0x1  }
0x91: {  	s17 =	sld [smem:$0x3FFB];
	_ =	sdelay $0x3  }
0x92: {  	_ =	strace s17  }
0x93: {  	s2 =	sld [smem:$0x3FFC];
	_ =	sdelay $0x3  }
0x94: {  	_ =	strace s2  }
0x95: {  	s2 =	sld [smem:$0x3FFD];
	_ =	sdelay $0x3  }
0x96: {  	_ =	strace s2  }
0x97: {  	_ =	strace $0x8FFFFFFF  }
0x98: {  	s18 =	sld [smem:$0x3FDB];
	_ =	sdelay $0x1  }
0x99: {  	s19 =	simm.s32 $_scs_section_size  }
0x9a: {  	s4 =	simm.s32 $_size__tile_overlayer_lowered;
	s5 =	simm.s32 $_tile_overlayer_lowered  }
0x9b: {  	s22 =	simm.s32 $0x1BFF;
	s21 =	sshll.u32 s5, $0x1;
	s2 =	sadd.s32 s19, s18  }
0x9c: {  	s6 =	simm.s32 $0x0;
	s20 =	sshll.u32 s4, $0x1;
	s4 =	sadd.s32 s21, s2  }
0x9d: {  	[timem:s6], [sflag:s22] =	dma.local [hbm:s4], s20  }
0x9e: {  	_ =	swait.ge [sflag:s22], s20  }
0x9f: {  	s3 =	ssub.s32 $0x0, s20;
	[sflag:s22] =	ssyncset.done $0x0  }
0xa0: {  	[sflag:s22] =	ssyncadd.s32 s3;
	_ =	sdelay $0x1  }
0xa1: {  	s23 =	simm.s32 $0x1B8B  }
0xa2: {  	_ =	swait.ge [sflag:s23], $0x1  }
0xa3: {  	[sflag:s23] =	ssyncset.done $0x0  }
0xa4: {  	s25 =	simm.s32 $0x1B8E;
	s24 =	sld [smem:$0x3FFE];
	[sflag:s23] =	ssyncadd.s32 $0xFFFFFFFF  }
0xa5: {  	s26 =	simm.s32 $execute0_lowered;
	[smem:$0x3FD2] =	sst s25  }
0xa6: {  	s4 =	sshll.u32 s26, $0x1;
	_ =	strace $0x8000004F;
	[dreg:$0x1] =	wrdreg $0xFFFFFFFF  }
0xa7: {  	s28 =	simm.s32 $_size_execute0_lowered;
	s2 =	sadd.s32 s2, s4;
	[dreg:$0x0] =	wrdreg $0x0  }
0xa8: {  	s4 =	sshll.u32 s28, $0x1;
	[dreg:$0x2] =	wrdreg s2  }
0xa9: {  	[dreg:$0x3] =	wrdreg s4  }
0xaa: {  	[dreg:$0x4] =	wrdreg $0xC0  }
0xab: {  	_ =	task [dreg:s6], $0x5FFFF  }
0xac: {  	[dreg:$0x1] =	wrdreg $0xFFFFFFFF  }
0xad: {  	[dreg:$0x0] =	wrdreg $0x60  }
0xae: {  	[dreg:$0x2] =	wrdreg s24  }
0xaf: {  	[dreg:$0x3] =	wrdreg $0xA8800  }
0xb0: {  	[dreg:$0x4] =	wrdreg $0x9  }
0xb1: {  	_ =	task.clear_ibuf [dreg:s6], $0x5FFFF;
	_ =	strace $0x9000004F  }
0xb2: {  	s29 =	simm.s32 $0x9;
	_ =	strace $0x80000051  }
0xb3: {  	_ =	swait.ge [sflag:s29], $0x1  }
0xb4: {  	[sflag:s29] =	ssyncadd.s32 $0xFFFFFFFF  }
0xb5: {  	_ =	strace $0x90000051  }
0xb6: {  	_ =	sfence  }
0xb7: {  	s30 =	sld [smem:$0x0];
	_ =	sdelay $0x2  }
0xb8: {  	s31 =	sshll.u32 s1, $0xD;
	s1 =	sshrl.u32 s1, $0x2  }
0xb9: {  	s3 =	sand.u32 $0x4000, s31;
	s1 =	sadd.s32 s1, s30  }
0xba: {  	s0 =	sor.u32 s3, s0;
	s1 =	sshll.u32 s1, $0x11  }
0xbb: {  	s0 =	sor.u32 s1, s0  }
0xbc: {  	s0 =	sadd.s32 $0x8F2B, s0  }
0xbd: {  	[sflag:s0] =	ssyncadd.remote.s32 $0x1  }
0xbe: {  	_ =	sfence.sel $0xFFFF  }
0xbf: {  	[dreg:$0x0] =	wrdreg $0xFFFFFFFF;
	(pc) =	sbr.abs _section_cstart, $3  }
0xc0: {  	[dreg:$0x1] =	wrdreg $0xFFFFFFFF  }
0xc1: {  	_ =	task.clear_ibuf [dreg:s6], $0x2FFFF;
	_ =	strace $0x9FFFFFFF  }
0xc2: {  	(tm) =	ssettm $0x7FFFFFFF  }
0xc3: {  	_ =	shalt  }
tec
execute0_lowered:
.L_overlay_start_1:
0x0: {  	(tag) =	ssettag $0x1  }
0x1: {  	s0 =	rddreg [dreg:$0x0]  }
0x2: {  	s1 =	rddreg [dreg:$0x1];
	s2 =	simm.s32 $0x0  }
0x3: {  	s3 =	srdreg.scid;
	s24 =	stileid.u32;
	s28 =	simm.s32 $0x2  }
0x4: {  	s29 =	simm.s32 $0x2680;
	s31 =	simm.s32 $0x2800;
	[smem:$0x7FF] =	sst s2  }
0x5: {  	s5 =	sadd.s32 $0x2D3000, s0;
	s3 =	sand.u32 $0x1, s3;
	s8 =	smul.u32 $0x2710, s24  }
0x6: {  	s4 =	sadd.s32 $0x2C9200, s0;
	s7 =	sadd.s32 $0x9E00, s0;
	s9 =	smul.u32 $0x50000, s24  }
0x7: {  	s0 =	sadd.s32 $0xC600, s0;
	s10 =	smul.u32 $0x2800, s24;
	s18 =	sshll.u32 s24, $0x6  }
0x8: {  	s19 =	smul.u32 $0x27100, s24;
	p0 =	seq.s32 s24, $0xF;
	s24 =	simm.s32 $0x1  }
0x9: {  	_ =	strace $0x80000050;
	s6 =	ssub.s32 $0x2, s3;
	s11 =	smul.u32 $0x27100, s3  }
0xa: {  	[dreg:$0x3] =	wrdreg s7;
	s7 =	sor.u32 $0x1C03, s18;
	s3 =	smul.u32 $0x138800, s3  }
0xb: {  	s16 =	sshrl.u32 s6, $0x1;
	s17 =	sshrl.u32 s9, $0x2;
	s12 =	sadd.s32 $0x2700, s8  }
0xc: {  	s9 =	sadd.s32 s5, s19;
	s6 =	ssub.s32 s6, s16;
	s20 =	sadd.s32 s17, s1  }
0xd: {  	s18 =	sadd.s32 s8, s11;
	s21 =	sadd.s32 s11, s12;
	s12 =	sshll.u32 s12, $0x4  }
0xe: {  	s10 =	sadd.s32 s10, s11;
	s3 =	sshrl.u32 s3, $0x3;
	s16 =	sadd.s32 $0x26800, s9  }
0xf: {  	s17 =	sadd.s32 $0x1000, s9;
	s13 =	sshrl.u32 s18, $0x3;
	s14 =	sshrl.u32 s21, $0x3  }
0x10: {  	s5 =	sadd.s32 s5, s12;
	s25 =	sadd.s32 s0, s10;
	s0 =	sadd.s32 s0, s3  }
0x11: {  	s3 =	sadd.s32 $0x12C000, s1;
	s26 =	smax.u32 s6, $0x1;
	s30 =	sadd.s32 $0x80, s18  }
0x12: {  	s18 =	sadd.s32 $0x100, s18;
	s21 =	simm.s32 $0x3;
	[dreg:$0x5] =	wrdreg s5  }
0x13: {  	s22 =	sadd.s32 s4, s13;
	s23 =	sadd.s32 s4, s14;
	[dreg:$0x6] =	wrdreg s25  }
0x14: {  	s0 =	sadd.s32 $0x25800, s0;
	[dreg:$0x8] =	wrdreg s26;
	s13 =	smov.u32 s20  }
0x15: {  	s20 =	sshrl.u32 s20, $0x3;
	s25 =	sshrl.u32 @p0 s3, $0x3;
	[dreg:$0x4] =	wrdreg s23  }
0x16: {  	s26 =	simm.s32 $0x80;
	s3 =	simm.s32 $0x0;
	[dreg:$0x7] =	wrdreg s0  }
0x17: {  	s14 =	smov.u32 s22;
	s15 =	sadd.s32 $0x4D0, s22;
	s0 =	sshrl.u32 s30, $0x3  }
0x18: {  	s22 =	simm.s32 $0x2880;
	s23 =	simm.s32 $0x6880;
	s19 =	sadd.s32 s0, s4  }
.LBB2_1:
0x19: {  	s0 =	rddreg [dreg:$0x3]  }
0x1a: {  	[spmem:s20], [sflag:s7] =	dma.local [hbm:s0], $0x2800  }
0x1b: {  	_ =	swait.ge [sflag:s21], $0x2800  }
0x1c: {  	[sflag:s21] =	ssyncset.done $0x0  }
0x1d: {  	[sflag:s21] =	ssyncadd.s32 $0xFFFFD800  }
0x1e: {  	[bflag:$0x0] =	sbarrier.arrive $0xFFFF  }
0x1f: {  	[tilespmem:s2], [sflag:$0x1] =	stream.linear.gather [hbm4b:s14+s2], $0x80, $0x38;
	[tilespmem:$0x1E880] =	vst v63  }
0x20: {  	_ = 	snop  }
0x21: {  	[tilespmem:s22], [sflag:$0x1] =	stream.linear.gather [hbm4b:s9+s2], $0x4000, $0x38;
	[tilespmem:$0x1E880] =	vst v63  }
0x22: {  	s8 =	simm.s32 $0x80  }
0x23: {  	[tilespmem:s8], [sflag:$0x2] =	stream.linear.gather [hbm4b:s19+s2], $0x80, $0x38;
	[tilespmem:$0x1E880] =	vst v63  }
0x24: {  	s5 =	sadd.s32 $0xFFFFF800, s17  }
0x25: {  	[tilespmem:s23], [sflag:$0x2] =	stream.linear.gather [hbm4b:s5+s2], $0x4000, $0x38;
	[tilespmem:$0x1E880] =	vst v63  }
0x26: {  	_ =	swait.ge [sflag:s24], $0x80  }
0x27: {  	[sflag:s24] =	ssyncset.done $0x0  }
0x28: {  	[sflag:s24] =	ssyncadd.s32 $0xFFFFFF80  }
0x29: {  	_ =	swait.ge [sflag:s24], $0x4000  }
0x2a: {  	[sflag:s24] =	ssyncset.done $0x0  }
0x2b: {  	s11 =	simm.s32 $0x0;
	[sflag:s24] =	ssyncadd.s32 $0xFFFFC000  }
0x2c: {  	[spmem:s1] =	stream.indirect.scatter.add.f32 [tilespmem:s22], [sflag:$0x3], $0x80, s11, s26, $0xb8;
	[tilespmem:$0x1E880] =	vst v63  }
0x2d: {  	_ =	swait.ge [sflag:s21], $0x4000  }
0x2e: {  	s12 =	sshrl.u32 s18, $0x3;
	[sflag:s21] =	ssyncset.done $0x0  }
0x2f: {  	s6 =	simm.s32 $0x100;
	s5 =	sadd.s32 s4, s12;
	[sflag:s21] =	ssyncadd.s32 $0xFFFFC000  }
0x30: {  	[tilespmem:s6], [sflag:$0x1] =	stream.linear.gather [hbm4b:s5+s2], $0x80, $0x38;
	[tilespmem:$0x1E880] =	vst v63  }
0x31: {  	_ = 	snop  }
0x32: {  	[tilespmem:s22], [sflag:$0x1] =	stream.linear.gather [hbm4b:s17+s2], $0x4000, $0x38;
	[tilespmem:$0x1E880] =	vst v63  }
0x33: {  	_ =	swait.ge [sflag:s28], $0x80  }
0x34: {  	[sflag:s28] =	ssyncset.done $0x0  }
0x35: {  	[sflag:s28] =	ssyncadd.s32 $0xFFFFFF80  }
0x36: {  	_ =	swait.ge [sflag:s28], $0x4000  }
0x37: {  	[sflag:s28] =	ssyncset.done $0x0  }
0x38: {  	s10 =	simm.s32 $0x800;
	[sflag:s28] =	ssyncadd.s32 $0xFFFFC000  }
0x39: {  	[spmem:s1] =	stream.indirect.scatter.add.f32 [tilespmem:s23], [sflag:$0x3], $0x80, s8, s26, $0xb8;
	[tilespmem:$0x1E880] =	vst v63  }
0x3a: {  	s30 =	sadd.s32 $0x1000, s17;
	s0 =	sadd.s32 $0x100, s18;
	_ =	swait.ge [sflag:s21], $0x4000  }
0x3b: {  	s5 =	sadd.s32 $0x20, s19;
	s6 =	simm.s32 $0x100;
	[sflag:s21] =	ssyncset.done $0x0  }
.LBB2_2:
0x3c: {  	s11 =	sadd.s32 $0x80, s6  }
0x3d: {  	[sflag:s21] =	ssyncadd.s32 $0xFFFFC000;
	s12 =	smov.u32 s10;
	s8 =	sadd.s32 $0x400, s10  }
0x3e: {  	[tilespmem:s11], [sflag:$0x2] =	stream.linear.gather [hbm4b:s5+s2], $0x80, $0x38;
	[tilespmem:$0x1E880] =	vst v63  }
0x3f: {  	p1 =	sne.s32 s10, $0x9400;
	s10 =	sadd.s32 $0xFFFFF800, s30  }
0x40: {  	[tilespmem:s23], [sflag:$0x2] =	stream.linear.gather [hbm4b:s10+s2], $0x4000, $0x38;
	[tilespmem:$0x1E880] =	vst v63  }
0x41: {  	_ =	swait.ge [sflag:s24], $0x80  }
0x42: {  	[sflag:s24] =	ssyncset.done $0x0  }
0x43: {  	[sflag:s24] =	ssyncadd.s32 $0xFFFFFF80  }
0x44: {  	_ =	swait.ge [sflag:s24], $0x4000  }
0x45: {  	[sflag:s24] =	ssyncset.done $0x0  }
0x46: {  	[sflag:s24] =	ssyncadd.s32 $0xFFFFC000  }
0x47: {  	[spmem:s1] =	stream.indirect.scatter.add.f32 [tilespmem:s22], [sflag:$0x3], $0x80, s6, s26, $0xb8;
	[tilespmem:$0x1E880] =	vst v63  }
0x48: {  	_ =	swait.ge [sflag:s21], $0x4000  }
0x49: {  	s10 =	sshrl.u32 s0, $0x3;
	[sflag:s21] =	ssyncset.done $0x0  }
0x4a: {  	s10 =	sadd.s32 s4, s10;
	s6 =	sadd.s32 $0x100, s6;
	[sflag:s21] =	ssyncadd.s32 $0xFFFFC000  }
0x4b: {  	[tilespmem:s6], [sflag:$0x1] =	stream.linear.gather [hbm4b:s10+s2], $0x80, $0x38;
	[tilespmem:$0x1E880] =	vst v63  }
0x4c: {  	_ = 	snop  }
0x4d: {  	[tilespmem:s22], [sflag:$0x1] =	stream.linear.gather [hbm4b:s30+s2], $0x4000, $0x38;
	[tilespmem:$0x1E880] =	vst v63  }
0x4e: {  	_ =	swait.ge [sflag:s28], $0x80  }
0x4f: {  	[sflag:s28] =	ssyncset.done $0x0  }
0x50: {  	[sflag:s28] =	ssyncadd.s32 $0xFFFFFF80  }
0x51: {  	_ =	swait.ge [sflag:s28], $0x4000  }
.Ltmp0:
0x52: {  	[sflag:s28] =	ssyncset.done $0x0;
	(pc) =	sbr.rel @p1 .LBB2_2-.Ltmp0, $4  }
0x53: {  	s5 =	sadd.s32 $0x20, s5;
	[sflag:s28] =	ssyncadd.s32 $0xFFFFC000  }
0x54: {  	[spmem:s1] =	stream.indirect.scatter.add.f32 [tilespmem:s23], [sflag:$0x3], $0x80, s11, s26, $0xb8;
	[tilespmem:$0x1E880] =	vst v63  }
0x55: {  	s0 =	sadd.s32 $0x100, s0;
	s6 =	sshra.s32 s12, $0x2;
	_ =	swait.ge [sflag:s21], $0x4000  }
0x56: {  	s10 =	smov.u32 s8;
	s30 =	sadd.s32 $0x1000, s30;
	[sflag:s21] =	ssyncset.done $0x0  }
0x57: {  	s8 =	sadd.s32 $0x80, s6;
	[sflag:s21] =	ssyncadd.s32 $0xFFFFC000  }
0x58: {  	[tilespmem:s8], [sflag:$0x2] =	stream.linear.gather [hbm4b:s5+s2], $0x80, $0x38;
	[tilespmem:$0x1E880] =	vst v63  }
0x59: {  	s12 =	sadd.s32 $0xFFFFF800, s30  }
0x5a: {  	[tilespmem:s23], [sflag:$0x2] =	stream.linear.gather [hbm4b:s12+s2], $0x4000, $0x38;
	[tilespmem:$0x1E880] =	vst v63  }
0x5b: {  	_ =	swait.ge [sflag:s24], $0x80  }
0x5c: {  	[sflag:s24] =	ssyncset.done $0x0  }
0x5d: {  	[sflag:s24] =	ssyncadd.s32 $0xFFFFFF80  }
0x5e: {  	_ =	swait.ge [sflag:s24], $0x4000  }
0x5f: {  	[sflag:s24] =	ssyncset.done $0x0  }
0x60: {  	[sflag:s24] =	ssyncadd.s32 $0xFFFFC000  }
0x61: {  	[spmem:s1] =	stream.indirect.scatter.add.f32 [tilespmem:s22], [sflag:$0x3], $0x80, s6, s26, $0xb8;
	[tilespmem:$0x1E880] =	vst v63  }
0x62: {  	_ =	swait.ge [sflag:s21], $0x4000  }
0x63: {  	s0 =	sshrl.u32 s0, $0x3;
	[sflag:s21] =	ssyncset.done $0x0  }
0x64: {  	s0 =	sadd.s32 s4, s0;
	s6 =	sadd.s32 $0x100, s6;
	[sflag:s21] =	ssyncadd.s32 $0xFFFFC000  }
0x65: {  	[tilespmem:s6], [sflag:$0x1] =	stream.linear.gather [hbm4b:s0+s2], $0x80, $0x38;
	[tilespmem:$0x1E880] =	vst v63  }
0x66: {  	_ = 	snop  }
0x67: {  	[tilespmem:s22], [sflag:$0x1] =	stream.linear.gather [hbm4b:s30+s2], $0x4000, $0x38;
	[tilespmem:$0x1E880] =	vst v63  }
0x68: {  	_ =	swait.ge [sflag:s28], $0x80  }
0x69: {  	[sflag:s28] =	ssyncset.done $0x0  }
0x6a: {  	[sflag:s28] =	ssyncadd.s32 $0xFFFFFF80  }
0x6b: {  	_ =	swait.ge [sflag:s28], $0x4000  }
0x6c: {  	[sflag:s28] =	ssyncset.done $0x0  }
0x6d: {  	[sflag:s28] =	ssyncadd.s32 $0xFFFFC000  }
0x6e: {  	[spmem:s1] =	stream.indirect.scatter.add.f32 [tilespmem:s23], [sflag:$0x3], $0x80, s8, s26, $0xb8;
	[tilespmem:$0x1E880] =	vst v63  }
0x6f: {  	_ =	swait.ge [sflag:s21], $0x4000  }
0x70: {  	[sflag:s21] =	ssyncset.done $0x0  }
0x71: {  	[sflag:s21] =	ssyncadd.s32 $0xFFFFC000  }
0x72: {  	[tilespmem:s29], [sflag:$0x2] =	stream.linear.gather [hbm4b:s15+s2], $0x80, $0x38;
	[tilespmem:$0x1E880] =	vst v63  }
0x73: {  	_ = 	snop  }
0x74: {  	[tilespmem:s23], [sflag:$0x2] =	stream.linear.gather [hbm4b:s16+s2], $0x4000, $0x38;
	[tilespmem:$0x1E880] =	vst v63  }
0x75: {  	_ =	swait.ge [sflag:s24], $0x80  }
0x76: {  	[sflag:s24] =	ssyncset.done $0x0  }
0x77: {  	[sflag:s24] =	ssyncadd.s32 $0xFFFFFF80  }
0x78: {  	_ =	swait.ge [sflag:s24], $0x4000  }
0x79: {  	[sflag:s24] =	ssyncset.done $0x0  }
0x7a: {  	s8 =	simm.s32 $0x2600;
	[sflag:s24] =	ssyncadd.s32 $0xFFFFC000  }
0x7b: {  	[spmem:s1] =	stream.indirect.scatter.add.f32 [tilespmem:s22], [sflag:$0x3], $0x80, s8, s26, $0xb8;
	[tilespmem:$0x1E880] =	vst v63  }
0x7c: {  	_ =	swait.ge [sflag:s21], $0x4000  }
0x7d: {  	[sflag:s21] =	ssyncset.done $0x0  }
0x7e: {  	[sflag:s21] =	ssyncadd.s32 $0xFFFFC000  }
0x7f: {  	[tilespmem:s29], [sflag:$0x1] =	stream.linear.gather [hbm4b:s15+s2], $0x80, $0x38;
	[tilespmem:$0x1E880] =	vst v63  }
0x80: {  	_ = 	snop  }
0x81: {  	[tilespmem:s22], [sflag:$0x1] =	stream.linear.gather [hbm4b:s16+s2], $0x4000, $0x38;
	[tilespmem:$0x1E880] =	vst v63  }
0x82: {  	_ =	swait.ge [sflag:s28], $0x80  }
0x83: {  	[sflag:s28] =	ssyncset.done $0x0  }
0x84: {  	[sflag:s28] =	ssyncadd.s32 $0xFFFFFF80  }
0x85: {  	_ =	swait.ge [sflag:s28], $0x4000  }
0x86: {  	[sflag:s28] =	ssyncset.done $0x0  }
0x87: {  	[sflag:s28] =	ssyncadd.s32 $0xFFFFC000  }
0x88: {  	[spmem:s1] =	stream.indirect.scatter.add.f32 [tilespmem:s23], [sflag:$0x3], $0x80, s29, s26, $0xb8;
	[tilespmem:$0x1E880] =	vst v63  }
0x89: {  	_ =	swait.ge [sflag:s21], $0x4000  }
0x8a: {  	[sflag:s21] =	ssyncset.done $0x0  }
0x8b: {  	[sflag:s21] =	ssyncadd.s32 $0xFFFFC000  }
0x8c: {  	_ =	swait.ge [sflag:s24], $0x80  }
0x8d: {  	[sflag:s24] =	ssyncset.done $0x0  }
0x8e: {  	[sflag:s24] =	ssyncadd.s32 $0xFFFFFF80  }
0x8f: {  	_ =	swait.ge [sflag:s24], $0x4000  }
0x90: {  	[sflag:s24] =	ssyncset.done $0x0  }
0x91: {  	s10 =	rddreg [dreg:$0x4];
	[sflag:s24] =	ssyncadd.s32 $0xFFFFC000  }
0x92: {  	[tilespmem:s31], [sflag:$0x3] =	stream.linear.gather [hbm4b:s10+s2], $0x10, $0x38;
	[tilespmem:$0x1E880] =	vst v63  }
0x93: {  	_ =	swait.ge [sflag:s21], $0x10  }
0x94: {  	[sflag:s21] =	ssyncset.done $0x0  }
0x95: {  	s11 =	rddreg [dreg:$0x5];
	[sflag:s21] =	ssyncadd.s32 $0xFFFFFFF0  }
0x96: {  	[tilespmem:s22], [sflag:$0x3] =	stream.linear.gather [hbm4b:s11+s2], $0x800, $0x38;
	[tilespmem:$0x1E880] =	vst v63  }
0x97: {  	_ =	swait.ge [sflag:s21], $0x800  }
0x98: {  	[sflag:s21] =	ssyncset.done $0x0  }
0x99: {  	s12 =	simm.s32 $0x10;
	[sflag:s21] =	ssyncadd.s32 $0xFFFFF800  }
0x9a: {  	[spmem:s1] =	stream.indirect.scatter.add.f32 [tilespmem:s22], [sflag:$0x3], $0x80, s31, s12, $0xb8;
	[tilespmem:$0x1E880] =	vst v63  }
0x9b: {  	_ =	swait.ge [sflag:s21], $0x800  }
0x9c: {  	[sflag:s21] =	ssyncset.done $0x0  }
0x9d: {  	[sflag:s21] =	ssyncadd.s32 $0xFFFFF800  }
0x9e: {  	[bflag:$0x0] =	sbarrier.arrive $0xFFFF  }
0x9f: {  	s0 =	rddreg [dreg:$0x7]  }
0xa0: {  	[hbm:s0], [sflag:s7] =	dma.local @p0 [spmem:s25], $0x1900  }
0xa1: {  	s0 =	simm.s32 @p0 $0x3  }
0xa2: {  	_ =	swait.ge @p0 [sflag:s0], $0x1900  }
0xa3: {  	[sflag:s0] =	ssyncset.done @p0 $0x0  }
0xa4: {  	s5 =	rddreg [dreg:$0x6];
	[sflag:s0] =	ssyncadd.s32 @p0 $0xFFFFE700;
	s0 =	sshrl.u32 @!p0 s13, $0x3  }
0xa5: {  	[hbm:s5], [sflag:s7] =	dma.local @!p0 [spmem:s0], $0x2800  }
0xa6: {  	s0 =	simm.s32 @!p0 $0x3  }
0xa7: {  	_ =	swait.ge @!p0 [sflag:s0], $0x2800  }
0xa8: {  	s3 =	sadd.s32 $0x1, s3;
	s30 =	rddreg [dreg:$0x8]  }
0xa9: {  	p1 =	sne.s32 s3, s30  }
.Ltmp1:
0xaa: {  	_ = 	snop;
	(pc) =	sbr.rel @p1 .LBB2_1-.Ltmp1, $3  }
0xab: {  	_ =	sdelay $0x1  }
0xac: {  	[sflag:s0] =	ssyncset.done @!p0 $0x0  }
0xad: {  	[sflag:s0] =	ssyncadd.s32 @!p0 $0xFFFFD800  }
0xae: {  	_ =	sfence.sel $0x180000  }
0xaf: {  	[bflag:$0x0] =	sbarrier.arrive $0xFFFF  }
0xb0: {  	_ =	strace $0x90000050  }
0xb1: {  	s0 =	stileid.u32;
	[bflag:$0x2] =	sbarrier.arrive $0xFFFF  }
0xb2: {  	p0 =	sne.s32 s0, $0x0;
	s0 =	rddreg [dreg:$0x2]  }
0xb3: {  	s0 =	sadd.s32 @!p0 $0x100000, s0  }
0xb4: {  	[sflag:s0] =	ssyncadd.tile.s32 @!p0 $0x1;
	_ =	shalt  }
.Lfunc_end2:
_tile_overlayer_lowered:
.L_overlay_start_2:
0xb5: {  	(tag) =	ssettag $0x2  }
0xb6: {  	s0 =	rddreg [dreg:$0x0];
	s2 =	stileid.u32  }
0xb7: {  	s1 =	rddreg [dreg:$0x1];
	p0 =	sne.s32 s2, $0x0  }
0xb8: {  	s3 =	rddreg [dreg:$0x2];
	[bflag:$0x3] =	sbarrier.arrive $0xFFFF;
	s2 =	simm.s32 @!p0 $0x1C03  }
0xb9: {  	[timem:s3], [sflag:s2] =	dma.local @!p0 [hbm:s0], s1  }
0xba: {  	s0 =	simm.s32 @!p0 $0x3  }
0xbb: {  	_ =	swait.ge @!p0 [sflag:s0], s1  }
0xbc: {  	s1 =	ssub.s32 @!p0 $0x0, s1;
	[sflag:s0] =	ssyncset.done @!p0 $0x0  }
0xbd: {  	[sflag:s0] =	ssyncadd.s32 @!p0 s1  }
0xbe: {  	[bflag:$0x3] =	sbarrier.arrive $0xFFFF  }
0xbf: {  	_ =	shalt  }

</sc_bundles>
